<compile_context>
chip_gen: v7x
topology: tpu7x:2x2x1
jax: 0.10.2.dev20260603
libtpu: 0.0.44.dev20260713+nightly
codegen_flags: <defaults>
</compile_context>

<pallas_src>
import jax
import jax.numpy as jnp
from jax import lax
from jax.experimental import pallas as pl
from jax.experimental.pallas import tpu as pltpu
from jax.experimental.pallas import tpu_sc as plsc

B = 16384
F = 26
D = 16
L = 16
NC, NS = 2, 16
NW = NC * NS
E_W = B // NW
EC = 4
IC = F * EC
NCHUNK = E_W // EC
FIELD_SIZE = 100000
TOTAL = F * FIELD_SIZE

NBUF = 4

_SC_MESH = plsc.VectorSubcoreMesh(core_axis_name="c", subcore_axis_name="s",
                                  num_cores=NC, num_subcores=NS)
_SC_PARAMS = pltpu.CompilerParams(needs_layout_passes=False,
                                  use_tc_tiling_on_sc=False)


def _worker_id():
    return lax.axis_index("s") * NC + lax.axis_index("c")


def _sc_emb_body(midx_hbm, emb_hbm, bi_hbm, midx_v, rows_v, sq_v, bi_v,
                 sem_i, sem_e):
    wid = _worker_id()
    pltpu.async_copy(midx_hbm.at[wid], midx_v, sem_i).wait()

    def issue(c, b):
        pltpu.make_async_copy(emb_hbm.at[midx_v.at[c]], rows_v.at[b],
                              sem_e.at[b]).start()

    for b in range(NBUF):
        issue(b, b)

    def outer_body(i, carry):
        for b in range(NBUF):
            c = i * NBUF + b
            pltpu.make_async_copy(emb_hbm.at[midx_v.at[c]], rows_v.at[b],
                                  sem_e.at[b]).wait()
            for k in range(EC):
                r = rows_v[b, k * F]
                s = r
                q = r * r
                for j in range(1, F):
                    r = rows_v[b, k * F + j]
                    s = s + r
                    q = q + r * r
                sq_v[pl.ds((c * EC + k) * D, D)] = s * s - q
            nxt = c + NBUF

            @pl.when(nxt < NCHUNK)
            def _():
                issue(nxt, b)
        return carry

    lax.fori_loop(0, NCHUNK // NBUF, outer_body, 0)

    iota = lax.iota(jnp.int32, L)

    def group_body(g, carry):
        rbase = (g * L + iota) * D
        acc = jnp.zeros((L,), jnp.float32)
        for d in range(D):
            acc = acc + plsc.load_gather(sq_v, [rbase + d])
        bi_v[pl.ds(g * L, L)] = 0.5 * acc
        return carry

    lax.fori_loop(0, E_W // L, group_body, 0)

    pltpu.sync_copy(bi_v, bi_hbm.at[pl.ds(wid * E_W, E_W)])


_sc_emb_call = pl.kernel(
    _sc_emb_body,
    out_type=jax.ShapeDtypeStruct((B,), jnp.float32),
    mesh=_SC_MESH,
    compiler_params=_SC_PARAMS,
    scratch_types=[
        pltpu.VMEM((NCHUNK, IC), jnp.int32),
        pltpu.VMEM((NBUF, IC, D), jnp.float32),
        pltpu.VMEM((E_W * D,), jnp.float32),
        pltpu.VMEM((E_W,), jnp.float32),
        pltpu.SemaphoreType.DMA,
        pltpu.SemaphoreType.DMA((NBUF,)),
    ],
)


def _sc_lin_body(idx_hbm, lin_hbm, lo_hbm, idx_v, lin_v, lo_v, sem_i, sem_l):
    wid = _worker_id()
    pltpu.async_copy(idx_hbm.at[wid], idx_v, sem_i).wait()

    def issue(c, b):
        pltpu.make_async_copy(lin_hbm.at[idx_v.at[c]],
                              lin_v.at[pl.ds(c * IC, IC)],
                              sem_l.at[b]).start()

    for b in range(NBUF):
        issue(b, b)

    def outer_body(i, carry):
        for b in range(NBUF):
            c = i * NBUF + b
            pltpu.make_async_copy(lin_hbm.at[idx_v.at[c]],
                                  lin_v.at[pl.ds(c * IC, IC)],
                                  sem_l.at[b]).wait()
            nxt = c + NBUF

            @pl.when(nxt < NCHUNK)
            def _():
                issue(nxt, b)
        return carry

    lax.fori_loop(0, NCHUNK // NBUF, outer_body, 0)

    iota = lax.iota(jnp.int32, L)

    def group_body(g, carry):
        base = (g * L + iota) * F
        lacc = jnp.zeros((L,), jnp.float32)
        for j in range(F):
            lacc = lacc + plsc.load_gather(lin_v, [base + j])
        lo_v[pl.ds(g * L, L)] = lacc
        return carry

    lax.fori_loop(0, E_W // L, group_body, 0)

    pltpu.sync_copy(lo_v, lo_hbm.at[pl.ds(wid * E_W, E_W)])


_sc_lin_call = pl.kernel(
    _sc_lin_body,
    out_type=jax.ShapeDtypeStruct((B,), jnp.float32),
    mesh=_SC_MESH,
    compiler_params=_SC_PARAMS,
    scratch_types=[
        pltpu.VMEM((NCHUNK, IC), jnp.int32),
        pltpu.VMEM((E_W * F,), jnp.float32),
        pltpu.VMEM((E_W,), jnp.float32),
        pltpu.SemaphoreType.DMA,
        pltpu.SemaphoreType.DMA((NBUF,)),
    ],
)


TRW = 16384
TRK = 8 * TRW
TR_GRID = -(-TOTAL // TRK)
TOTAL2 = TR_GRID * TRK


def _tr_body(in_ref, out_ref):
    x = in_ref[...]
    stacked = jnp.concatenate(
        [x[:, j * TRW:(j + 1) * TRW] for j in range(8)], axis=0)
    out_ref[...] = stacked.T


_tr_call = pl.pallas_call(
    _tr_body,
    grid=(TR_GRID,),
    in_specs=[pl.BlockSpec((D, TRK), lambda i: (0, i))],
    out_specs=pl.BlockSpec((TRW, 8 * D), lambda i: (i, 0)),
    out_shape=jax.ShapeDtypeStruct((TOTAL2 // 8, 8 * D), jnp.float32),
)


BLK = 2048


def _mlp_body(bi_ref, lo_ref, w1_ref, b1_ref, w2_ref, b2_ref, w3_ref,
              bb_ref, out_ref):
    c1 = jnp.sum(w1_ref[...], axis=0, keepdims=True)
    x1 = jnp.maximum(bi_ref[...] * c1 + b1_ref[...], 0.0)
    h2 = jnp.maximum(
        jnp.dot(x1, w2_ref[...], preferred_element_type=jnp.float32)
        + b2_ref[...], 0.0)
    out = jnp.dot(h2, w3_ref[...], preferred_element_type=jnp.float32)
    out_ref[...] = out + lo_ref[...] + bb_ref[...]


_mlp_call = pl.pallas_call(
    _mlp_body,
    grid=(B // BLK,),
    in_specs=[
        pl.BlockSpec((BLK, 1), lambda i: (i, 0)),
        pl.BlockSpec((BLK, 1), lambda i: (i, 0)),
        pl.BlockSpec((D, 64), lambda i: (0, 0)),
        pl.BlockSpec((1, 64), lambda i: (0, 0)),
        pl.BlockSpec((64, 32), lambda i: (0, 0)),
        pl.BlockSpec((1, 32), lambda i: (0, 0)),
        pl.BlockSpec((32, 1), lambda i: (0, 0)),
        pl.BlockSpec((1, 1), lambda i: (0, 0)),
    ],
    out_specs=pl.BlockSpec((BLK, 1), lambda i: (i, 0)),
    out_shape=jax.ShapeDtypeStruct((B, 1), jnp.float32),
)


def kernel(x, W_lin, b_lin, W_emb, W1, b1, W2, b2, W3, b3):
    offs = jnp.arange(F, dtype=jnp.int32) * jnp.int32(FIELD_SIZE)
    idx = x.astype(jnp.int32) + offs[None, :]
    midx = ((idx & ~jnp.int32(TRK - 1))
            | ((idx & jnp.int32(TRW - 1)) << 3)
            | ((idx >> jnp.int32(TRW.bit_length() - 1)) & jnp.int32(7)))
    midx_r = midx.reshape(NW, NCHUNK, IC)
    idx_r = idx.reshape(NW, NCHUNK, IC)
    lo = _sc_lin_call(idx_r, W_lin.reshape(-1))
    emb_rm = _tr_call(jnp.transpose(W_emb)).reshape(TOTAL2, D)
    bi = _sc_emb_call(midx_r, emb_rm)
    bb = (b_lin + b3).reshape(1, 1)
    out = _mlp_call(bi.reshape(B, 1), lo.reshape(B, 1), W1,
                    b1.reshape(1, 64), W2, b2.reshape(1, 32), W3, bb)
    return out.reshape(B)

# --- scband reference (transcript-rebuilt; emitter-appended) ---
"""Pipeline reference for scband-neural-factorization-machine-7370163880579 (READ-ONLY COPY).

The authoritative reference and input builder live on the scoring server;
editing this copy changes nothing except your own understanding.
"""

import jax, jax.numpy as jnp
import numpy as np

FIELD_DIMS = [100000] * 26
EMBED_DIM = 16
BATCH = 16384
OFFSETS = jnp.asarray(np.concatenate(([0], np.cumsum(FIELD_DIMS)[:-1])), dtype=jnp.int64)
TOTAL = int(np.sum(FIELD_DIMS))


def setup_inputs(seed: int = 0) -> dict:
    key = jax.random.key(seed)
    ks = jax.random.split(key, 10)
    x = jax.random.randint(ks[0], (BATCH, 26), 0, 100000, dtype=jnp.int64)
    W_lin = jax.random.normal(ks[1], (TOTAL, 1), dtype=jnp.float32) * 0.01
    b_lin = jnp.zeros((1,), dtype=jnp.float32)
    W_emb = jax.random.normal(ks[2], (TOTAL, EMBED_DIM), dtype=jnp.float32) * 0.01
    W1 = jax.random.normal(ks[3], (EMBED_DIM, 64), dtype=jnp.float32) * (1.0 / np.sqrt(EMBED_DIM))
    b1 = jnp.zeros((64,), dtype=jnp.float32)
    W2 = jax.random.normal(ks[4], (64, 32), dtype=jnp.float32) * (1.0 / np.sqrt(64))
    b2 = jnp.zeros((32,), dtype=jnp.float32)
    W3 = jax.random.normal(ks[5], (32, 1), dtype=jnp.float32) * (1.0 / np.sqrt(32))
    b3 = jnp.zeros((1,), dtype=jnp.float32)
    return {"x": x, "W_lin": W_lin, "b_lin": b_lin, "W_emb": W_emb, "W1": W1, "b1": b1, "W2": W2, "b2": b2, "W3": W3, "b3": b3}


def reference(x, W_lin, b_lin, W_emb, W1, b1, W2, b2, W3, b3):
    idx = x + OFFSETS[None, :]
    # FeaturesLinear: sum of per-field 1-dim embeddings + bias -> [B, 1] -> squeeze -> [B]
    first_order = (jnp.take(W_lin, idx, axis=0).sum(axis=1) + b_lin).squeeze(-1)
    # FeaturesEmbedding: [B, F, D]
    embed_x = jnp.take(W_emb, idx, axis=0)
    # FMLayer_Dense: 0.5 * sum_d((sum_f e)^2 - sum_f e^2) -> [B]
    sum_f = embed_x.sum(axis=1)
    square_of_sum = sum_f * sum_f
    sum_of_square = (embed_x * embed_x).sum(axis=1)
    bi_pooling = 0.5 * (square_of_sum - sum_of_square).sum(axis=-1)
    second_order = jnp.broadcast_to(bi_pooling[:, None], (bi_pooling.shape[0], EMBED_DIM))
    # MLP_Base (eval mode, dropout is identity): 16 -> 64 -> 32 -> 1
    h = jax.nn.relu(second_order @ W1 + b1)
    h = jax.nn.relu(h @ W2 + b2)
    dnn_out = (h @ W3 + b3).squeeze(-1)
    return first_order + dnn_out

if __name__ == "__main__":
    import jax
    _d = setup_inputs()
    print(jax.jit(kernel)(*tuple(_d.values())))

</pallas_src>

<mosaic_0001>
#map = affine_map<(d0, d1) -> (0, 0, 0)>
#map1 = affine_map<(d0, d1) -> (0)>
module attributes {stable_mosaic.version = 14 : i64} {
  func.func @_sc_lin_body(%arg0: i32, %arg1: i32, %arg2: memref<32x128x104xi32, #tpu.memory_space<hbm>>, %arg3: memref<2600000xf32, #tpu.memory_space<hbm>>, %arg4: memref<16384xf32, #tpu.memory_space<hbm>>, %arg5: memref<128x104xi32, #tpu.memory_space<vmem>>, %arg6: memref<13312xf32, #tpu.memory_space<vmem>>, %arg7: memref<512xf32, #tpu.memory_space<vmem>>, %arg8: memref<!tpu.dma_semaphore, #tpu.memory_space<semaphore_mem>>, %arg9: memref<4x!tpu.dma_semaphore, #tpu.memory_space<semaphore_mem>>) attributes {dimension_semantics = [#tpu.dimension_semantics<core_parallel>, #tpu.dimension_semantics<subcore_parallel>], iteration_bounds = array<i64: 2, 16>, scalar_prefetch = 0 : i64, scratch_operands = 5 : i64, tpu.core_type = #tpu.core_type<sc_vector_subcore>, window_params = [{transform_indices = #map}, {transform_indices = #map1}, {transform_indices = #map1}]} {
    %mul3A = arith.constant 2 : i32
    %mul3A_0 = arith.muli %arg1, %mul3A : i32
    %add3A = arith.addi %mul3A_0, %arg0 : i32
    %dma_start3A = arith.constant 0 : i32
    %dma_start3A_1 = arith.constant 0 : i32
    %dma_start3A_2 = tpu.memref_slice %arg2[%add3A, %dma_start3A, %dma_start3A_1] : memref<32x128x104xi32, #tpu.memory_space<hbm>> -> memref<1x128x104xi32, #tpu.memory_space<hbm>>
    %dma_start3A_3 = tpu.memref_squeeze %dma_start3A_2 : memref<1x128x104xi32, #tpu.memory_space<hbm>> -> memref<128x104xi32, #tpu.memory_space<hbm>>
    %dma_start3A_4 = arith.constant 0 : i32
    %dma_start3A_5 = arith.constant 0 : i32
    %dma_start3A_6 = tpu.memref_slice %arg2[%add3A, %dma_start3A_4, %dma_start3A_5] : memref<32x128x104xi32, #tpu.memory_space<hbm>> -> memref<1x128x104xi32, #tpu.memory_space<hbm>>
    %dma_start3A_7 = tpu.memref_squeeze %dma_start3A_6 : memref<1x128x104xi32, #tpu.memory_space<hbm>> -> memref<128x104xi32, #tpu.memory_space<hbm>>
    tpu.enqueue_dma source(%dma_start3A_7 : memref<128x104xi32, #tpu.memory_space<hbm>>) target(%arg5 : memref<128x104xi32, #tpu.memory_space<vmem>>) target_semaphore(%arg8 : memref<!tpu.dma_semaphore, #tpu.memory_space<semaphore_mem>>)
    %dma_wait3A = arith.constant 0 : i32
    %dma_wait3A_8 = arith.constant 0 : i32
    %dma_wait3A_9 = tpu.memref_slice %arg2[%add3A, %dma_wait3A, %dma_wait3A_8] : memref<32x128x104xi32, #tpu.memory_space<hbm>> -> memref<1x128x104xi32, #tpu.memory_space<hbm>>
    %dma_wait3A_10 = tpu.memref_squeeze %dma_wait3A_9 : memref<1x128x104xi32, #tpu.memory_space<hbm>> -> memref<128x104xi32, #tpu.memory_space<hbm>>
    %dma_wait3A_11 = arith.constant 0 : i32
    %dma_wait3A_12 = arith.constant 0 : i32
    %dma_wait3A_13 = tpu.memref_slice %arg2[%add3A, %dma_wait3A_11, %dma_wait3A_12] : memref<32x128x104xi32, #tpu.memory_space<hbm>> -> memref<1x128x104xi32, #tpu.memory_space<hbm>>
    %dma_wait3A_14 = tpu.memref_squeeze %dma_wait3A_13 : memref<1x128x104xi32, #tpu.memory_space<hbm>> -> memref<128x104xi32, #tpu.memory_space<hbm>>
    tpu.wait_dma2 semaphore(%arg8 : memref<!tpu.dma_semaphore, #tpu.memory_space<semaphore_mem>>) src(%dma_wait3A_14 : memref<128x104xi32, #tpu.memory_space<hbm>>) dst(%arg5 : memref<128x104xi32, #tpu.memory_space<vmem>>)
    %dma_start3A_15 = arith.constant 0 : i32
    %dma_start3A_16 = arith.constant 0 : i32
    %dma_start3A_17 = arith.constant 0 : i32
    %dma_start3A_18 = tpu.memref_slice %arg6[%dma_start3A_17] : memref<13312xf32, #tpu.memory_space<vmem>> -> memref<104xf32, #tpu.memory_space<vmem>>
    %dma_start3A_19 = arith.constant 0 : i32
    %dma_start3A_20 = tpu.memref_slice %arg5[%dma_start3A_15, %dma_start3A_19] : memref<128x104xi32, #tpu.memory_space<vmem>> -> memref<1x104xi32, #tpu.memory_space<vmem>>
    %dma_start3A_21 = tpu.memref_squeeze %dma_start3A_20 : memref<1x104xi32, #tpu.memory_space<vmem>> -> memref<104xi32, #tpu.memory_space<vmem>>
    %dma_start3A_22 = arith.constant 0 : i32
    %dma_start3A_23 = tpu.memref_slice %arg3[%dma_start3A_22] : memref<2600000xf32, #tpu.memory_space<hbm>> -> memref<2600000xf32, #tpu.memory_space<hbm>>
    %dma_start3A_24 = tpu.memref_slice %arg9[%dma_start3A_16] : memref<4x!tpu.dma_semaphore, #tpu.memory_space<semaphore_mem>> -> memref<1x!tpu.dma_semaphore, #tpu.memory_space<semaphore_mem>>
    %dma_start3A_25 = tpu.memref_squeeze %dma_start3A_24 : memref<1x!tpu.dma_semaphore, #tpu.memory_space<semaphore_mem>> -> memref<!tpu.dma_semaphore, #tpu.memory_space<semaphore_mem>>
    tpu.enqueue_indirect_dma source(%dma_start3A_23 : memref<2600000xf32, #tpu.memory_space<hbm>>) target(%dma_start3A_18 : memref<104xf32, #tpu.memory_space<vmem>>) offsets(%dma_start3A_21 : memref<104xi32, #tpu.memory_space<vmem>>) semaphore(%dma_start3A_25 : memref<!tpu.dma_semaphore, #tpu.memory_space<semaphore_mem>>)
    %dma_start3A_26 = arith.constant 1 : i32
    %dma_start3A_27 = arith.constant 1 : i32
    %dma_start3A_28 = arith.constant 104 : i32
    %dma_start3A_29 = tpu.memref_slice %arg6[%dma_start3A_28] : memref<13312xf32, #tpu.memory_space<vmem>> -> memref<104xf32, #tpu.memory_space<vmem>>
    %dma_start3A_30 = arith.constant 0 : i32
    %dma_start3A_31 = tpu.memref_slice %arg5[%dma_start3A_26, %dma_start3A_30] : memref<128x104xi32, #tpu.memory_space<vmem>> -> memref<1x104xi32, #tpu.memory_space<vmem>>
    %dma_start3A_32 = tpu.memref_squeeze %dma_start3A_31 : memref<1x104xi32, #tpu.memory_space<vmem>> -> memref<104xi32, #tpu.memory_space<vmem>>
    %dma_start3A_33 = arith.constant 0 : i32
    %dma_start3A_34 = tpu.memref_slice %arg3[%dma_start3A_33] : memref<2600000xf32, #tpu.memory_space<hbm>> -> memref<2600000xf32, #tpu.memory_space<hbm>>
    %dma_start3A_35 = tpu.memref_slice %arg9[%dma_start3A_27] : memref<4x!tpu.dma_semaphore, #tpu.memory_space<semaphore_mem>> -> memref<1x!tpu.dma_semaphore, #tpu.memory_space<semaphore_mem>>
    %dma_start3A_36 = tpu.memref_squeeze %dma_start3A_35 : memref<1x!tpu.dma_semaphore, #tpu.memory_space<semaphore_mem>> -> memref<!tpu.dma_semaphore, #tpu.memory_space<semaphore_mem>>
    tpu.enqueue_indirect_dma source(%dma_start3A_34 : memref<2600000xf32, #tpu.memory_space<hbm>>) target(%dma_start3A_29 : memref<104xf32, #tpu.memory_space<vmem>>) offsets(%dma_start3A_32 : memref<104xi32, #tpu.memory_space<vmem>>) semaphore(%dma_start3A_36 : memref<!tpu.dma_semaphore, #tpu.memory_space<semaphore_mem>>)
    %dma_start3A_37 = arith.constant 2 : i32
    %dma_start3A_38 = arith.constant 2 : i32
    %dma_start3A_39 = arith.constant 208 : i32
    %dma_start3A_40 = tpu.memref_slice %arg6[%dma_start3A_39] : memref<13312xf32, #tpu.memory_space<vmem>> -> memref<104xf32, #tpu.memory_space<vmem>>
    %dma_start3A_41 = arith.constant 0 : i32
    %dma_start3A_42 = tpu.memref_slice %arg5[%dma_start3A_37, %dma_start3A_41] : memref<128x104xi32, #tpu.memory_space<vmem>> -> memref<1x104xi32, #tpu.memory_space<vmem>>
    %dma_start3A_43 = tpu.memref_squeeze %dma_start3A_42 : memref<1x104xi32, #tpu.memory_space<vmem>> -> memref<104xi32, #tpu.memory_space<vmem>>
    %dma_start3A_44 = arith.constant 0 : i32
    %dma_start3A_45 = tpu.memref_slice %arg3[%dma_start3A_44] : memref<2600000xf32, #tpu.memory_space<hbm>> -> memref<2600000xf32, #tpu.memory_space<hbm>>
    %dma_start3A_46 = tpu.memref_slice %arg9[%dma_start3A_38] : memref<4x!tpu.dma_semaphore, #tpu.memory_space<semaphore_mem>> -> memref<1x!tpu.dma_semaphore, #tpu.memory_space<semaphore_mem>>
    %dma_start3A_47 = tpu.memref_squeeze %dma_start3A_46 : memref<1x!tpu.dma_semaphore, #tpu.memory_space<semaphore_mem>> -> memref<!tpu.dma_semaphore, #tpu.memory_space<semaphore_mem>>
    tpu.enqueue_indirect_dma source(%dma_start3A_45 : memref<2600000xf32, #tpu.memory_space<hbm>>) target(%dma_start3A_40 : memref<104xf32, #tpu.memory_space<vmem>>) offsets(%dma_start3A_43 : memref<104xi32, #tpu.memory_space<vmem>>) semaphore(%dma_start3A_47 : memref<!tpu.dma_semaphore, #tpu.memory_space<semaphore_mem>>)
    %dma_start3A_48 = arith.constant 3 : i32
    %dma_start3A_49 = arith.constant 3 : i32
    %dma_start3A_50 = arith.constant 312 : i32
    %dma_start3A_51 = tpu.memref_slice %arg6[%dma_start3A_50] : memref<13312xf32, #tpu.memory_space<vmem>> -> memref<104xf32, #tpu.memory_space<vmem>>
    %dma_start3A_52 = arith.constant 0 : i32
    %dma_start3A_53 = tpu.memref_slice %arg5[%dma_start3A_48, %dma_start3A_52] : memref<128x104xi32, #tpu.memory_space<vmem>> -> memref<1x104xi32, #tpu.memory_space<vmem>>
    %dma_start3A_54 = tpu.memref_squeeze %dma_start3A_53 : memref<1x104xi32, #tpu.memory_space<vmem>> -> memref<104xi32, #tpu.memory_space<vmem>>
    %dma_start3A_55 = arith.constant 0 : i32
    %dma_start3A_56 = tpu.memref_slice %arg3[%dma_start3A_55] : memref<2600000xf32, #tpu.memory_space<hbm>> -> memref<2600000xf32, #tpu.memory_space<hbm>>
    %dma_start3A_57 = tpu.memref_slice %arg9[%dma_start3A_49] : memref<4x!tpu.dma_semaphore, #tpu.memory_space<semaphore_mem>> -> memref<1x!tpu.dma_semaphore, #tpu.memory_space<semaphore_mem>>
    %dma_start3A_58 = tpu.memref_squeeze %dma_start3A_57 : memref<1x!tpu.dma_semaphore, #tpu.memory_space<semaphore_mem>> -> memref<!tpu.dma_semaphore, #tpu.memory_space<semaphore_mem>>
    tpu.enqueue_indirect_dma source(%dma_start3A_56 : memref<2600000xf32, #tpu.memory_space<hbm>>) target(%dma_start3A_51 : memref<104xf32, #tpu.memory_space<vmem>>) offsets(%dma_start3A_54 : memref<104xi32, #tpu.memory_space<vmem>>) semaphore(%dma_start3A_58 : memref<!tpu.dma_semaphore, #tpu.memory_space<semaphore_mem>>)
    %scan3A = arith.constant 0 : i32
    %scan3A_59 = arith.constant 0 : i32
    %scan3A_60 = arith.constant 32 : i32
    %scan3A_61 = arith.addi %scan3A_59, %scan3A_60 : i32
    %scan3A_62 = arith.constant 1 : i32
    scf.for %scan3A_72 = %scan3A_59 to %scan3A_61 step %scan3A_62  : i32 {
      %mul3A_73 = arith.constant 4 : i32
      %mul3A_74 = arith.muli %scan3A_72, %mul3A_73 : i32
      %add3A_75 = arith.constant 0 : i32
      %add3A_76 = arith.addi %mul3A_74, %add3A_75 : i32
      %mul3A_77 = arith.constant 104 : i32
      %mul3A_78 = arith.muli %add3A_76, %mul3A_77 : i32
      %dma_wait3A_79 = arith.constant 0 : i32
      %dma_wait3A_80 = tpu.memref_slice %arg6[%mul3A_78] : memref<13312xf32, #tpu.memory_space<vmem>> -> memref<104xf32, #tpu.memory_space<vmem>>
      %dma_wait3A_81 = arith.constant 0 : i32
      %dma_wait3A_82 = tpu.memref_slice %arg5[%add3A_76, %dma_wait3A_81] : memref<128x104xi32, #tpu.memory_space<vmem>> -> memref<1x104xi32, #tpu.memory_space<vmem>>
      %dma_wait3A_83 = tpu.memref_squeeze %dma_wait3A_82 : memref<1x104xi32, #tpu.memory_space<vmem>> -> memref<104xi32, #tpu.memory_space<vmem>>
      %dma_wait3A_84 = arith.constant 0 : i32
      %dma_wait3A_85 = tpu.memref_slice %arg3[%dma_wait3A_84] : memref<2600000xf32, #tpu.memory_space<hbm>> -> memref<2600000xf32, #tpu.memory_space<hbm>>
      %dma_wait3A_86 = tpu.memref_slice %arg9[%dma_wait3A_79] : memref<4x!tpu.dma_semaphore, #tpu.memory_space<semaphore_mem>> -> memref<1x!tpu.dma_semaphore, #tpu.memory_space<semaphore_mem>>
      %dma_wait3A_87 = tpu.memref_squeeze %dma_wait3A_86 : memref<1x!tpu.dma_semaphore, #tpu.memory_space<semaphore_mem>> -> memref<!tpu.dma_semaphore, #tpu.memory_space<semaphore_mem>>
      tpu.wait_indirect_dma semaphore(%dma_wait3A_87 : memref<!tpu.dma_semaphore, #tpu.memory_space<semaphore_mem>>) src(%dma_wait3A_85 : memref<2600000xf32, #tpu.memory_space<hbm>>) dst(%dma_wait3A_80 : memref<104xf32, #tpu.memory_space<vmem>>)
      %add3A_88 = arith.constant 4 : i32
      %add3A_89 = arith.addi %add3A_76, %add3A_88 : i32
      %lt3A = arith.constant 128 : i32
      %lt3A_90 = arith.cmpi slt, %add3A_89, %lt3A : i32
      %convert_element_type3A = arith.extui %lt3A_90 : i1 to i32
      %cond3A = arith.constant 0 : i32
      %cond3A_91 = arith.cmpi ne, %convert_element_type3A, %cond3A : i32
      scf.if %cond3A_91 {
        %mul3A_158 = arith.constant 104 : i32
        %mul3A_159 = arith.muli %add3A_89, %mul3A_158 : i32
        %dma_start3A_160 = arith.constant 0 : i32
        %dma_start3A_161 = tpu.memref_slice %arg6[%mul3A_159] : memref<13312xf32, #tpu.memory_space<vmem>> -> memref<104xf32, #tpu.memory_space<vmem>>
        %dma_start3A_162 = arith.constant 0 : i32
        %dma_start3A_163 = tpu.memref_slice %arg5[%add3A_89, %dma_start3A_162] : memref<128x104xi32, #tpu.memory_space<vmem>> -> memref<1x104xi32, #tpu.memory_space<vmem>>
        %dma_start3A_164 = tpu.memref_squeeze %dma_start3A_163 : memref<1x104xi32, #tpu.memory_space<vmem>> -> memref<104xi32, #tpu.memory_space<vmem>>
        %dma_start3A_165 = arith.constant 0 : i32
        %dma_start3A_166 = tpu.memref_slice %arg3[%dma_start3A_165] : memref<2600000xf32, #tpu.memory_space<hbm>> -> memref<2600000xf32, #tpu.memory_space<hbm>>
        %dma_start3A_167 = tpu.memref_slice %arg9[%dma_start3A_160] : memref<4x!tpu.dma_semaphore, #tpu.memory_space<semaphore_mem>> -> memref<1x!tpu.dma_semaphore, #tpu.memory_space<semaphore_mem>>
        %dma_start3A_168 = tpu.memref_squeeze %dma_start3A_167 : memref<1x!tpu.dma_semaphore, #tpu.memory_space<semaphore_mem>> -> memref<!tpu.dma_semaphore, #tpu.memory_space<semaphore_mem>>
        tpu.enqueue_indirect_dma source(%dma_start3A_166 : memref<2600000xf32, #tpu.memory_space<hbm>>) target(%dma_start3A_161 : memref<104xf32, #tpu.memory_space<vmem>>) offsets(%dma_start3A_164 : memref<104xi32, #tpu.memory_space<vmem>>) semaphore(%dma_start3A_168 : memref<!tpu.dma_semaphore, #tpu.memory_space<semaphore_mem>>)
      } else {
      }
      %mul3A_92 = arith.constant 4 : i32
      %mul3A_93 = arith.muli %scan3A_72, %mul3A_92 : i32
      %add3A_94 = arith.constant 1 : i32
      %add3A_95 = arith.addi %mul3A_93, %add3A_94 : i32
      %mul3A_96 = arith.constant 104 : i32
      %mul3A_97 = arith.muli %add3A_95, %mul3A_96 : i32
      %dma_wait3A_98 = arith.constant 1 : i32
      %dma_wait3A_99 = tpu.memref_slice %arg6[%mul3A_97] : memref<13312xf32, #tpu.memory_space<vmem>> -> memref<104xf32, #tpu.memory_space<vmem>>
      %dma_wait3A_100 = arith.constant 0 : i32
      %dma_wait3A_101 = tpu.memref_slice %arg5[%add3A_95, %dma_wait3A_100] : memref<128x104xi32, #tpu.memory_space<vmem>> -> memref<1x104xi32, #tpu.memory_space<vmem>>
      %dma_wait3A_102 = tpu.memref_squeeze %dma_wait3A_101 : memref<1x104xi32, #tpu.memory_space<vmem>> -> memref<104xi32, #tpu.memory_space<vmem>>
      %dma_wait3A_103 = arith.constant 0 : i32
      %dma_wait3A_104 = tpu.memref_slice %arg3[%dma_wait3A_103] : memref<2600000xf32, #tpu.memory_space<hbm>> -> memref<2600000xf32, #tpu.memory_space<hbm>>
      %dma_wait3A_105 = tpu.memref_slice %arg9[%dma_wait3A_98] : memref<4x!tpu.dma_semaphore, #tpu.memory_space<semaphore_mem>> -> memref<1x!tpu.dma_semaphore, #tpu.memory_space<semaphore_mem>>
      %dma_wait3A_106 = tpu.memref_squeeze %dma_wait3A_105 : memref<1x!tpu.dma_semaphore, #tpu.memory_space<semaphore_mem>> -> memref<!tpu.dma_semaphore, #tpu.memory_space<semaphore_mem>>
      tpu.wait_indirect_dma semaphore(%dma_wait3A_106 : memref<!tpu.dma_semaphore, #tpu.memory_space<semaphore_mem>>) src(%dma_wait3A_104 : memref<2600000xf32, #tpu.memory_space<hbm>>) dst(%dma_wait3A_99 : memref<104xf32, #tpu.memory_space<vmem>>)
      %add3A_107 = arith.constant 4 : i32
      %add3A_108 = arith.addi %add3A_95, %add3A_107 : i32
      %lt3A_109 = arith.constant 128 : i32
      %lt3A_110 = arith.cmpi slt, %add3A_108, %lt3A_109 : i32
      %convert_element_type3A_111 = arith.extui %lt3A_110 : i1 to i32
      %cond3A_112 = arith.constant 0 : i32
      %cond3A_113 = arith.cmpi ne, %convert_element_type3A_111, %cond3A_112 : i32
      scf.if %cond3A_113 {
        %mul3A_158 = arith.constant 104 : i32
        %mul3A_159 = arith.muli %add3A_108, %mul3A_158 : i32
        %dma_start3A_160 = arith.constant 1 : i32
        %dma_start3A_161 = tpu.memref_slice %arg6[%mul3A_159] : memref<13312xf32, #tpu.memory_space<vmem>> -> memref<104xf32, #tpu.memory_space<vmem>>
        %dma_start3A_162 = arith.constant 0 : i32
        %dma_start3A_163 = tpu.memref_slice %arg5[%add3A_108, %dma_start3A_162] : memref<128x104xi32, #tpu.memory_space<vmem>> -> memref<1x104xi32, #tpu.memory_space<vmem>>
        %dma_start3A_164 = tpu.memref_squeeze %dma_start3A_163 : memref<1x104xi32, #tpu.memory_space<vmem>> -> memref<104xi32, #tpu.memory_space<vmem>>
        %dma_start3A_165 = arith.constant 0 : i32
        %dma_start3A_166 = tpu.memref_slice %arg3[%dma_start3A_165] : memref<2600000xf32, #tpu.memory_space<hbm>> -> memref<2600000xf32, #tpu.memory_space<hbm>>
        %dma_start3A_167 = tpu.memref_slice %arg9[%dma_start3A_160] : memref<4x!tpu.dma_semaphore, #tpu.memory_space<semaphore_mem>> -> memref<1x!tpu.dma_semaphore, #tpu.memory_space<semaphore_mem>>
        %dma_start3A_168 = tpu.memref_squeeze %dma_start3A_167 : memref<1x!tpu.dma_semaphore, #tpu.memory_space<semaphore_mem>> -> memref<!tpu.dma_semaphore, #tpu.memory_space<semaphore_mem>>
        tpu.enqueue_indirect_dma source(%dma_start3A_166 : memref<2600000xf32, #tpu.memory_space<hbm>>) target(%dma_start3A_161 : memref<104xf32, #tpu.memory_space<vmem>>) offsets(%dma_start3A_164 : memref<104xi32, #tpu.memory_space<vmem>>) semaphore(%dma_start3A_168 : memref<!tpu.dma_semaphore, #tpu.memory_space<semaphore_mem>>)
      } else {
      }
      %mul3A_114 = arith.constant 4 : i32
      %mul3A_115 = arith.muli %scan3A_72, %mul3A_114 : i32
      %add3A_116 = arith.constant 2 : i32
      %add3A_117 = arith.addi %mul3A_115, %add3A_116 : i32
      %mul3A_118 = arith.constant 104 : i32
      %mul3A_119 = arith.muli %add3A_117, %mul3A_118 : i32
      %dma_wait3A_120 = arith.constant 2 : i32
      %dma_wait3A_121 = tpu.memref_slice %arg6[%mul3A_119] : memref<13312xf32, #tpu.memory_space<vmem>> -> memref<104xf32, #tpu.memory_space<vmem>>
      %dma_wait3A_122 = arith.constant 0 : i32
      %dma_wait3A_123 = tpu.memref_slice %arg5[%add3A_117, %dma_wait3A_122] : memref<128x104xi32, #tpu.memory_space<vmem>> -> memref<1x104xi32, #tpu.memory_space<vmem>>
      %dma_wait3A_124 = tpu.memref_squeeze %dma_wait3A_123 : memref<1x104xi32, #tpu.memory_space<vmem>> -> memref<104xi32, #tpu.memory_space<vmem>>
      %dma_wait3A_125 = arith.constant 0 : i32
      %dma_wait3A_126 = tpu.memref_slice %arg3[%dma_wait3A_125] : memref<2600000xf32, #tpu.memory_space<hbm>> -> memref<2600000xf32, #tpu.memory_space<hbm>>
      %dma_wait3A_127 = tpu.memref_slice %arg9[%dma_wait3A_120] : memref<4x!tpu.dma_semaphore, #tpu.memory_space<semaphore_mem>> -> memref<1x!tpu.dma_semaphore, #tpu.memory_space<semaphore_mem>>
      %dma_wait3A_128 = tpu.memref_squeeze %dma_wait3A_127 : memref<1x!tpu.dma_semaphore, #tpu.memory_space<semaphore_mem>> -> memref<!tpu.dma_semaphore, #tpu.memory_space<semaphore_mem>>
      tpu.wait_indirect_dma semaphore(%dma_wait3A_128 : memref<!tpu.dma_semaphore, #tpu.memory_space<semaphore_mem>>) src(%dma_wait3A_126 : memref<2600000xf32, #tpu.memory_space<hbm>>) dst(%dma_wait3A_121 : memref<104xf32, #tpu.memory_space<vmem>>)
      %add3A_129 = arith.constant 4 : i32
      %add3A_130 = arith.addi %add3A_117, %add3A_129 : i32
      %lt3A_131 = arith.constant 128 : i32
      %lt3A_132 = arith.cmpi slt, %add3A_130, %lt3A_131 : i32
      %convert_element_type3A_133 = arith.extui %lt3A_132 : i1 to i32
      %cond3A_134 = arith.constant 0 : i32
      %cond3A_135 = arith.cmpi ne, %convert_element_type3A_133, %cond3A_134 : i32
      scf.if %cond3A_135 {
        %mul3A_158 = arith.constant 104 : i32
        %mul3A_159 = arith.muli %add3A_130, %mul3A_158 : i32
        %dma_start3A_160 = arith.constant 2 : i32
        %dma_start3A_161 = tpu.memref_slice %arg6[%mul3A_159] : memref<13312xf32, #tpu.memory_space<vmem>> -> memref<104xf32, #tpu.memory_space<vmem>>
        %dma_start3A_162 = arith.constant 0 : i32
        %dma_start3A_163 = tpu.memref_slice %arg5[%add3A_130, %dma_start3A_162] : memref<128x104xi32, #tpu.memory_space<vmem>> -> memref<1x104xi32, #tpu.memory_space<vmem>>
        %dma_start3A_164 = tpu.memref_squeeze %dma_start3A_163 : memref<1x104xi32, #tpu.memory_space<vmem>> -> memref<104xi32, #tpu.memory_space<vmem>>
        %dma_start3A_165 = arith.constant 0 : i32
        %dma_start3A_166 = tpu.memref_slice %arg3[%dma_start3A_165] : memref<2600000xf32, #tpu.memory_space<hbm>> -> memref<2600000xf32, #tpu.memory_space<hbm>>
        %dma_start3A_167 = tpu.memref_slice %arg9[%dma_start3A_160] : memref<4x!tpu.dma_semaphore, #tpu.memory_space<semaphore_mem>> -> memref<1x!tpu.dma_semaphore, #tpu.memory_space<semaphore_mem>>
        %dma_start3A_168 = tpu.memref_squeeze %dma_start3A_167 : memref<1x!tpu.dma_semaphore, #tpu.memory_space<semaphore_mem>> -> memref<!tpu.dma_semaphore, #tpu.memory_space<semaphore_mem>>
        tpu.enqueue_indirect_dma source(%dma_start3A_166 : memref<2600000xf32, #tpu.memory_space<hbm>>) target(%dma_start3A_161 : memref<104xf32, #tpu.memory_space<vmem>>) offsets(%dma_start3A_164 : memref<104xi32, #tpu.memory_space<vmem>>) semaphore(%dma_start3A_168 : memref<!tpu.dma_semaphore, #tpu.memory_space<semaphore_mem>>)
      } else {
      }
      %mul3A_136 = arith.constant 4 : i32
      %mul3A_137 = arith.muli %scan3A_72, %mul3A_136 : i32
      %add3A_138 = arith.constant 3 : i32
      %add3A_139 = arith.addi %mul3A_137, %add3A_138 : i32
      %mul3A_140 = arith.constant 104 : i32
      %mul3A_141 = arith.muli %add3A_139, %mul3A_140 : i32
      %dma_wait3A_142 = arith.constant 3 : i32
      %dma_wait3A_143 = tpu.memref_slice %arg6[%mul3A_141] : memref<13312xf32, #tpu.memory_space<vmem>> -> memref<104xf32, #tpu.memory_space<vmem>>
      %dma_wait3A_144 = arith.constant 0 : i32
      %dma_wait3A_145 = tpu.memref_slice %arg5[%add3A_139, %dma_wait3A_144] : memref<128x104xi32, #tpu.memory_space<vmem>> -> memref<1x104xi32, #tpu.memory_space<vmem>>
      %dma_wait3A_146 = tpu.memref_squeeze %dma_wait3A_145 : memref<1x104xi32, #tpu.memory_space<vmem>> -> memref<104xi32, #tpu.memory_space<vmem>>
      %dma_wait3A_147 = arith.constant 0 : i32
      %dma_wait3A_148 = tpu.memref_slice %arg3[%dma_wait3A_147] : memref<2600000xf32, #tpu.memory_space<hbm>> -> memref<2600000xf32, #tpu.memory_space<hbm>>
      %dma_wait3A_149 = tpu.memref_slice %arg9[%dma_wait3A_142] : memref<4x!tpu.dma_semaphore, #tpu.memory_space<semaphore_mem>> -> memref<1x!tpu.dma_semaphore, #tpu.memory_space<semaphore_mem>>
      %dma_wait3A_150 = tpu.memref_squeeze %dma_wait3A_149 : memref<1x!tpu.dma_semaphore, #tpu.memory_space<semaphore_mem>> -> memref<!tpu.dma_semaphore, #tpu.memory_space<semaphore_mem>>
      tpu.wait_indirect_dma semaphore(%dma_wait3A_150 : memref<!tpu.dma_semaphore, #tpu.memory_space<semaphore_mem>>) src(%dma_wait3A_148 : memref<2600000xf32, #tpu.memory_space<hbm>>) dst(%dma_wait3A_143 : memref<104xf32, #tpu.memory_space<vmem>>)
      %add3A_151 = arith.constant 4 : i32
      %add3A_152 = arith.addi %add3A_139, %add3A_151 : i32
      %lt3A_153 = arith.constant 128 : i32
      %lt3A_154 = arith.cmpi slt, %add3A_152, %lt3A_153 : i32
      %convert_element_type3A_155 = arith.extui %lt3A_154 : i1 to i32
      %cond3A_156 = arith.constant 0 : i32
      %cond3A_157 = arith.cmpi ne, %convert_element_type3A_155, %cond3A_156 : i32
      scf.if %cond3A_157 {
        %mul3A_158 = arith.constant 104 : i32
        %mul3A_159 = arith.muli %add3A_152, %mul3A_158 : i32
        %dma_start3A_160 = arith.constant 3 : i32
        %dma_start3A_161 = tpu.memref_slice %arg6[%mul3A_159] : memref<13312xf32, #tpu.memory_space<vmem>> -> memref<104xf32, #tpu.memory_space<vmem>>
        %dma_start3A_162 = arith.constant 0 : i32
        %dma_start3A_163 = tpu.memref_slice %arg5[%add3A_152, %dma_start3A_162] : memref<128x104xi32, #tpu.memory_space<vmem>> -> memref<1x104xi32, #tpu.memory_space<vmem>>
        %dma_start3A_164 = tpu.memref_squeeze %dma_start3A_163 : memref<1x104xi32, #tpu.memory_space<vmem>> -> memref<104xi32, #tpu.memory_space<vmem>>
        %dma_start3A_165 = arith.constant 0 : i32
        %dma_start3A_166 = tpu.memref_slice %arg3[%dma_start3A_165] : memref<2600000xf32, #tpu.memory_space<hbm>> -> memref<2600000xf32, #tpu.memory_space<hbm>>
        %dma_start3A_167 = tpu.memref_slice %arg9[%dma_start3A_160] : memref<4x!tpu.dma_semaphore, #tpu.memory_space<semaphore_mem>> -> memref<1x!tpu.dma_semaphore, #tpu.memory_space<semaphore_mem>>
        %dma_start3A_168 = tpu.memref_squeeze %dma_start3A_167 : memref<1x!tpu.dma_semaphore, #tpu.memory_space<semaphore_mem>> -> memref<!tpu.dma_semaphore, #tpu.memory_space<semaphore_mem>>
        tpu.enqueue_indirect_dma source(%dma_start3A_166 : memref<2600000xf32, #tpu.memory_space<hbm>>) target(%dma_start3A_161 : memref<104xf32, #tpu.memory_space<vmem>>) offsets(%dma_start3A_164 : memref<104xi32, #tpu.memory_space<vmem>>) semaphore(%dma_start3A_168 : memref<!tpu.dma_semaphore, #tpu.memory_space<semaphore_mem>>)
      } else {
      }
    }
    %scan3A_63 = arith.constant 32 : i32
    %iota3A = tpu.iota {dimensions = array<i32: 0>} : vector<16xi32>
    %scan3A_64 = arith.constant 0 : i32
    %scan3A_65 = arith.constant 0 : i32
    %scan3A_66 = arith.constant 32 : i32
    %scan3A_67 = arith.addi %scan3A_65, %scan3A_66 : i32
    %scan3A_68 = arith.constant 1 : i32
    scf.for %scan3A_72 = %scan3A_65 to %scan3A_67 step %scan3A_68  : i32 {
      %mul3A_73 = arith.constant 16 : i32
      %mul3A_74 = arith.muli %scan3A_72, %mul3A_73 : i32
      %add3A_75 = vector.broadcast %mul3A_74 : i32 to vector<16xi32>
      %add3A_76 = arith.addi %add3A_75, %iota3A : vector<16xi32>
      %mul3A_77 = arith.constant 26 : i32
      %mul3A_78 = vector.broadcast %mul3A_77 : i32 to vector<16xi32>
      %mul3A_79 = arith.muli %add3A_76, %mul3A_78 : vector<16xi32>
      %broadcast_in_dim3A = arith.constant 0.000000e+00 : f32
      %broadcast_in_dim3A_80 = vector.broadcast %broadcast_in_dim3A : f32 to vector<16xf32>
      %add3A_81 = arith.constant 0 : i32
      %add3A_82 = vector.broadcast %add3A_81 : i32 to vector<16xi32>
      %add3A_83 = arith.addi %mul3A_79, %add3A_82 : vector<16xi32>
      %gather3A = tpu.vector_load_idx %arg6[%add3A_83] : memref<13312xf32, #tpu.memory_space<vmem>>[vector<16xi32>], vector<16xf32>,
      %add3A_84 = arith.addf %broadcast_in_dim3A_80, %gather3A : vector<16xf32>
      %add3A_85 = arith.constant 1 : i32
      %add3A_86 = vector.broadcast %add3A_85 : i32 to vector<16xi32>
      %add3A_87 = arith.addi %mul3A_79, %add3A_86 : vector<16xi32>
      %gather3A_88 = tpu.vector_load_idx %arg6[%add3A_87] : memref<13312xf32, #tpu.memory_space<vmem>>[vector<16xi32>], vector<16xf32>,
      %add3A_89 = arith.addf %add3A_84, %gather3A_88 : vector<16xf32>
      %add3A_90 = arith.constant 2 : i32
      %add3A_91 = vector.broadcast %add3A_90 : i32 to vector<16xi32>
      %add3A_92 = arith.addi %mul3A_79, %add3A_91 : vector<16xi32>
      %gather3A_93 = tpu.vector_load_idx %arg6[%add3A_92] : memref<13312xf32, #tpu.memory_space<vmem>>[vector<16xi32>], vector<16xf32>,
      %add3A_94 = arith.addf %add3A_89, %gather3A_93 : vector<16xf32>
      %add3A_95 = arith.constant 3 : i32
      %add3A_96 = vector.broadcast %add3A_95 : i32 to vector<16xi32>
      %add3A_97 = arith.addi %mul3A_79, %add3A_96 : vector<16xi32>
      %gather3A_98 = tpu.vector_load_idx %arg6[%add3A_97] : memref<13312xf32, #tpu.memory_space<vmem>>[vector<16xi32>], vector<16xf32>,
      %add3A_99 = arith.addf %add3A_94, %gather3A_98 : vector<16xf32>
      %add3A_100 = arith.constant 4 : i32
      %add3A_101 = vector.broadcast %add3A_100 : i32 to vector<16xi32>
      %add3A_102 = arith.addi %mul3A_79, %add3A_101 : vector<16xi32>
      %gather3A_103 = tpu.vector_load_idx %arg6[%add3A_102] : memref<13312xf32, #tpu.memory_space<vmem>>[vector<16xi32>], vector<16xf32>,
      %add3A_104 = arith.addf %add3A_99, %gather3A_103 : vector<16xf32>
      %add3A_105 = arith.constant 5 : i32
      %add3A_106 = vector.broadcast %add3A_105 : i32 to vector<16xi32>
      %add3A_107 = arith.addi %mul3A_79, %add3A_106 : vector<16xi32>
      %gather3A_108 = tpu.vector_load_idx %arg6[%add3A_107] : memref<13312xf32, #tpu.memory_space<vmem>>[vector<16xi32>], vector<16xf32>,
      %add3A_109 = arith.addf %add3A_104, %gather3A_108 : vector<16xf32>
      %add3A_110 = arith.constant 6 : i32
      %add3A_111 = vector.broadcast %add3A_110 : i32 to vector<16xi32>
      %add3A_112 = arith.addi %mul3A_79, %add3A_111 : vector<16xi32>
      %gather3A_113 = tpu.vector_load_idx %arg6[%add3A_112] : memref<13312xf32, #tpu.memory_space<vmem>>[vector<16xi32>], vector<16xf32>,
      %add3A_114 = arith.addf %add3A_109, %gather3A_113 : vector<16xf32>
      %add3A_115 = arith.constant 7 : i32
      %add3A_116 = vector.broadcast %add3A_115 : i32 to vector<16xi32>
      %add3A_117 = arith.addi %mul3A_79, %add3A_116 : vector<16xi32>
      %gather3A_118 = tpu.vector_load_idx %arg6[%add3A_117] : memref<13312xf32, #tpu.memory_space<vmem>>[vector<16xi32>], vector<16xf32>,
      %add3A_119 = arith.addf %add3A_114, %gather3A_118 : vector<16xf32>
      %add3A_120 = arith.constant 8 : i32
      %add3A_121 = vector.broadcast %add3A_120 : i32 to vector<16xi32>
      %add3A_122 = arith.addi %mul3A_79, %add3A_121 : vector<16xi32>
      %gather3A_123 = tpu.vector_load_idx %arg6[%add3A_122] : memref<13312xf32, #tpu.memory_space<vmem>>[vector<16xi32>], vector<16xf32>,
      %add3A_124 = arith.addf %add3A_119, %gather3A_123 : vector<16xf32>
      %add3A_125 = arith.constant 9 : i32
      %add3A_126 = vector.broadcast %add3A_125 : i32 to vector<16xi32>
      %add3A_127 = arith.addi %mul3A_79, %add3A_126 : vector<16xi32>
      %gather3A_128 = tpu.vector_load_idx %arg6[%add3A_127] : memref<13312xf32, #tpu.memory_space<vmem>>[vector<16xi32>], vector<16xf32>,
      %add3A_129 = arith.addf %add3A_124, %gather3A_128 : vector<16xf32>
      %add3A_130 = arith.constant 10 : i32
      %add3A_131 = vector.broadcast %add3A_130 : i32 to vector<16xi32>
      %add3A_132 = arith.addi %mul3A_79, %add3A_131 : vector<16xi32>
      %gather3A_133 = tpu.vector_load_idx %arg6[%add3A_132] : memref<13312xf32, #tpu.memory_space<vmem>>[vector<16xi32>], vector<16xf32>,
      %add3A_134 = arith.addf %add3A_129, %gather3A_133 : vector<16xf32>
      %add3A_135 = arith.constant 11 : i32
      %add3A_136 = vector.broadcast %add3A_135 : i32 to vector<16xi32>
      %add3A_137 = arith.addi %mul3A_79, %add3A_136 : vector<16xi32>
      %gather3A_138 = tpu.vector_load_idx %arg6[%add3A_137] : memref<13312xf32, #tpu.memory_space<vmem>>[vector<16xi32>], vector<16xf32>,
      %add3A_139 = arith.addf %add3A_134, %gather3A_138 : vector<16xf32>
      %add3A_140 = arith.constant 12 : i32
      %add3A_141 = vector.broadcast %add3A_140 : i32 to vector<16xi32>
      %add3A_142 = arith.addi %mul3A_79, %add3A_141 : vector<16xi32>
      %gather3A_143 = tpu.vector_load_idx %arg6[%add3A_142] : memref<13312xf32, #tpu.memory_space<vmem>>[vector<16xi32>], vector<16xf32>,
      %add3A_144 = arith.addf %add3A_139, %gather3A_143 : vector<16xf32>
      %add3A_145 = arith.constant 13 : i32
      %add3A_146 = vector.broadcast %add3A_145 : i32 to vector<16xi32>
      %add3A_147 = arith.addi %mul3A_79, %add3A_146 : vector<16xi32>
      %gather3A_148 = tpu.vector_load_idx %arg6[%add3A_147] : memref<13312xf32, #tpu.memory_space<vmem>>[vector<16xi32>], vector<16xf32>,
      %add3A_149 = arith.addf %add3A_144, %gather3A_148 : vector<16xf32>
      %add3A_150 = arith.constant 14 : i32
      %add3A_151 = vector.broadcast %add3A_150 : i32 to vector<16xi32>
      %add3A_152 = arith.addi %mul3A_79, %add3A_151 : vector<16xi32>
      %gather3A_153 = tpu.vector_load_idx %arg6[%add3A_152] : memref<13312xf32, #tpu.memory_space<vmem>>[vector<16xi32>], vector<16xf32>,
      %add3A_154 = arith.addf %add3A_149, %gather3A_153 : vector<16xf32>
      %add3A_155 = arith.constant 15 : i32
      %add3A_156 = vector.broadcast %add3A_155 : i32 to vector<16xi32>
      %add3A_157 = arith.addi %mul3A_79, %add3A_156 : vector<16xi32>
      %gather3A_158 = tpu.vector_load_idx %arg6[%add3A_157] : memref<13312xf32, #tpu.memory_space<vmem>>[vector<16xi32>], vector<16xf32>,
      %add3A_159 = arith.addf %add3A_154, %gather3A_158 : vector<16xf32>
      %add3A_160 = arith.constant 16 : i32
      %add3A_161 = vector.broadcast %add3A_160 : i32 to vector<16xi32>
      %add3A_162 = arith.addi %mul3A_79, %add3A_161 : vector<16xi32>
      %gather3A_163 = tpu.vector_load_idx %arg6[%add3A_162] : memref<13312xf32, #tpu.memory_space<vmem>>[vector<16xi32>], vector<16xf32>,
      %add3A_164 = arith.addf %add3A_159, %gather3A_163 : vector<16xf32>
      %add3A_165 = arith.constant 17 : i32
      %add3A_166 = vector.broadcast %add3A_165 : i32 to vector<16xi32>
      %add3A_167 = arith.addi %mul3A_79, %add3A_166 : vector<16xi32>
      %gather3A_168 = tpu.vector_load_idx %arg6[%add3A_167] : memref<13312xf32, #tpu.memory_space<vmem>>[vector<16xi32>], vector<16xf32>,
      %add3A_169 = arith.addf %add3A_164, %gather3A_168 : vector<16xf32>
      %add3A_170 = arith.constant 18 : i32
      %add3A_171 = vector.broadcast %add3A_170 : i32 to vector<16xi32>
      %add3A_172 = arith.addi %mul3A_79, %add3A_171 : vector<16xi32>
      %gather3A_173 = tpu.vector_load_idx %arg6[%add3A_172] : memref<13312xf32, #tpu.memory_space<vmem>>[vector<16xi32>], vector<16xf32>,
      %add3A_174 = arith.addf %add3A_169, %gather3A_173 : vector<16xf32>
      %add3A_175 = arith.constant 19 : i32
      %add3A_176 = vector.broadcast %add3A_175 : i32 to vector<16xi32>
      %add3A_177 = arith.addi %mul3A_79, %add3A_176 : vector<16xi32>
      %gather3A_178 = tpu.vector_load_idx %arg6[%add3A_177] : memref<13312xf32, #tpu.memory_space<vmem>>[vector<16xi32>], vector<16xf32>,
      %add3A_179 = arith.addf %add3A_174, %gather3A_178 : vector<16xf32>
      %add3A_180 = arith.constant 20 : i32
      %add3A_181 = vector.broadcast %add3A_180 : i32 to vector<16xi32>
      %add3A_182 = arith.addi %mul3A_79, %add3A_181 : vector<16xi32>
      %gather3A_183 = tpu.vector_load_idx %arg6[%add3A_182] : memref<13312xf32, #tpu.memory_space<vmem>>[vector<16xi32>], vector<16xf32>,
      %add3A_184 = arith.addf %add3A_179, %gather3A_183 : vector<16xf32>
      %add3A_185 = arith.constant 21 : i32
      %add3A_186 = vector.broadcast %add3A_185 : i32 to vector<16xi32>
      %add3A_187 = arith.addi %mul3A_79, %add3A_186 : vector<16xi32>
      %gather3A_188 = tpu.vector_load_idx %arg6[%add3A_187] : memref<13312xf32, #tpu.memory_space<vmem>>[vector<16xi32>], vector<16xf32>,
      %add3A_189 = arith.addf %add3A_184, %gather3A_188 : vector<16xf32>
      %add3A_190 = arith.constant 22 : i32
      %add3A_191 = vector.broadcast %add3A_190 : i32 to vector<16xi32>
      %add3A_192 = arith.addi %mul3A_79, %add3A_191 : vector<16xi32>
      %gather3A_193 = tpu.vector_load_idx %arg6[%add3A_192] : memref<13312xf32, #tpu.memory_space<vmem>>[vector<16xi32>], vector<16xf32>,
      %add3A_194 = arith.addf %add3A_189, %gather3A_193 : vector<16xf32>
      %add3A_195 = arith.constant 23 : i32
      %add3A_196 = vector.broadcast %add3A_195 : i32 to vector<16xi32>
      %add3A_197 = arith.addi %mul3A_79, %add3A_196 : vector<16xi32>
      %gather3A_198 = tpu.vector_load_idx %arg6[%add3A_197] : memref<13312xf32, #tpu.memory_space<vmem>>[vector<16xi32>], vector<16xf32>,
      %add3A_199 = arith.addf %add3A_194, %gather3A_198 : vector<16xf32>
      %add3A_200 = arith.constant 24 : i32
      %add3A_201 = vector.broadcast %add3A_200 : i32 to vector<16xi32>
      %add3A_202 = arith.addi %mul3A_79, %add3A_201 : vector<16xi32>
      %gather3A_203 = tpu.vector_load_idx %arg6[%add3A_202] : memref<13312xf32, #tpu.memory_space<vmem>>[vector<16xi32>], vector<16xf32>,
      %add3A_204 = arith.addf %add3A_199, %gather3A_203 : vector<16xf32>
      %add3A_205 = arith.constant 25 : i32
      %add3A_206 = vector.broadcast %add3A_205 : i32 to vector<16xi32>
      %add3A_207 = arith.addi %mul3A_79, %add3A_206 : vector<16xi32>
      %gather3A_208 = tpu.vector_load_idx %arg6[%add3A_207] : memref<13312xf32, #tpu.memory_space<vmem>>[vector<16xi32>], vector<16xf32>,
      %add3A_209 = arith.addf %add3A_204, %gather3A_208 : vector<16xf32>
      %mul3A_210 = arith.constant 16 : i32
      %mul3A_211 = arith.muli %scan3A_72, %mul3A_210 : i32
      %swap3A = arith.index_cast %mul3A_211 : i32 to index
      %swap3A_212 = tpu.vector_load %arg7[%swap3A] {strides = array<i32>} : memref<512xf32, #tpu.memory_space<vmem>>, vector<16xf32>,
      tpu.vector_store %arg7[%swap3A], %add3A_209 {strides = array<i32>} : memref<512xf32, #tpu.memory_space<vmem>>, vector<16xf32>,
    }
    %scan3A_69 = arith.constant 32 : i32
    %mul3A_70 = arith.constant 512 : i32
    %mul3A_71 = arith.muli %add3A, %mul3A_70 : i32
    "tpu.region"() ({
      %run_scoped3A = tpu.sem_alloc : memref<!tpu.dma_semaphore, #tpu.memory_space<semaphore_mem>>
      %dma_start3A_72 = tpu.memref_slice %arg4[%mul3A_71] : memref<16384xf32, #tpu.memory_space<hbm>> -> memref<512xf32, #tpu.memory_space<hbm>>
      %dma_start3A_73 = tpu.memref_slice %arg4[%mul3A_71] : memref<16384xf32, #tpu.memory_space<hbm>> -> memref<512xf32, #tpu.memory_space<hbm>>
      tpu.enqueue_dma source(%arg7 : memref<512xf32, #tpu.memory_space<vmem>>) target(%dma_start3A_73 : memref<512xf32, #tpu.memory_space<hbm>>) target_semaphore(%run_scoped3A : memref<!tpu.dma_semaphore, #tpu.memory_space<semaphore_mem>>)
      %dma_wait3A_74 = tpu.memref_slice %arg4[%mul3A_71] : memref<16384xf32, #tpu.memory_space<hbm>> -> memref<512xf32, #tpu.memory_space<hbm>>
      %dma_wait3A_75 = tpu.memref_slice %arg4[%mul3A_71] : memref<16384xf32, #tpu.memory_space<hbm>> -> memref<512xf32, #tpu.memory_space<hbm>>
      tpu.wait_dma2 semaphore(%run_scoped3A : memref<!tpu.dma_semaphore, #tpu.memory_space<semaphore_mem>>) src(%arg7 : memref<512xf32, #tpu.memory_space<vmem>>) dst(%dma_wait3A_75 : memref<512xf32, #tpu.memory_space<hbm>>)
      tpu.yield
    }) : () -> ()
    return
  }
}

#map = affine_map<(d0, d1) -> (0, 0, 0)>
#map1 = affine_map<(d0, d1) -> (0, 0)>
#map2 = affine_map<(d0, d1) -> (0)>
module attributes {stable_mosaic.version = 14 : i64} {
  func.func @_sc_emb_body(%arg0: i32, %arg1: i32, %arg2: memref<32x128x104xi32, #tpu.memory_space<hbm>>, %arg3: memref<2621440x16xf32, #tpu.memory_space<hbm>>, %arg4: memref<16384xf32, #tpu.memory_space<hbm>>, %arg5: memref<128x104xi32, #tpu.memory_space<vmem>>, %arg6: memref<4x104x16xf32, #tpu.memory_space<vmem>>, %arg7: memref<8192xf32, #tpu.memory_space<vmem>>, %arg8: memref<512xf32, #tpu.memory_space<vmem>>, %arg9: memref<!tpu.dma_semaphore, #tpu.memory_space<semaphore_mem>>, %arg10: memref<4x!tpu.dma_semaphore, #tpu.memory_space<semaphore_mem>>) attributes {dimension_semantics = [#tpu.dimension_semantics<core_parallel>, #tpu.dimension_semantics<subcore_parallel>], iteration_bounds = array<i64: 2, 16>, scalar_prefetch = 0 : i64, scratch_operands = 6 : i64, tpu.core_type = #tpu.core_type<sc_vector_subcore>, window_params = [{transform_indices = #map}, {transform_indices = #map1}, {transform_indices = #map2}]} {
    %mul3A = arith.constant 2 : i32
    %mul3A_0 = arith.muli %arg1, %mul3A : i32
    %add3A = arith.addi %mul3A_0, %arg0 : i32
    %dma_start3A = arith.constant 0 : i32
    %dma_start3A_1 = arith.constant 0 : i32
    %dma_start3A_2 = tpu.memref_slice %arg2[%add3A, %dma_start3A, %dma_start3A_1] : memref<32x128x104xi32, #tpu.memory_space<hbm>> -> memref<1x128x104xi32, #tpu.memory_space<hbm>>
    %dma_start3A_3 = tpu.memref_squeeze %dma_start3A_2 : memref<1x128x104xi32, #tpu.memory_space<hbm>> -> memref<128x104xi32, #tpu.memory_space<hbm>>
    %dma_start3A_4 = arith.constant 0 : i32
    %dma_start3A_5 = arith.constant 0 : i32
    %dma_start3A_6 = tpu.memref_slice %arg2[%add3A, %dma_start3A_4, %dma_start3A_5] : memref<32x128x104xi32, #tpu.memory_space<hbm>> -> memref<1x128x104xi32, #tpu.memory_space<hbm>>
    %dma_start3A_7 = tpu.memref_squeeze %dma_start3A_6 : memref<1x128x104xi32, #tpu.memory_space<hbm>> -> memref<128x104xi32, #tpu.memory_space<hbm>>
    tpu.enqueue_dma source(%dma_start3A_7 : memref<128x104xi32, #tpu.memory_space<hbm>>) target(%arg5 : memref<128x104xi32, #tpu.memory_space<vmem>>) target_semaphore(%arg9 : memref<!tpu.dma_semaphore, #tpu.memory_space<semaphore_mem>>)
    %dma_wait3A = arith.constant 0 : i32
    %dma_wait3A_8 = arith.constant 0 : i32
    %dma_wait3A_9 = tpu.memref_slice %arg2[%add3A, %dma_wait3A, %dma_wait3A_8] : memref<32x128x104xi32, #tpu.memory_space<hbm>> -> memref<1x128x104xi32, #tpu.memory_space<hbm>>
    %dma_wait3A_10 = tpu.memref_squeeze %dma_wait3A_9 : memref<1x128x104xi32, #tpu.memory_space<hbm>> -> memref<128x104xi32, #tpu.memory_space<hbm>>
    %dma_wait3A_11 = arith.constant 0 : i32
    %dma_wait3A_12 = arith.constant 0 : i32
    %dma_wait3A_13 = tpu.memref_slice %arg2[%add3A, %dma_wait3A_11, %dma_wait3A_12] : memref<32x128x104xi32, #tpu.memory_space<hbm>> -> memref<1x128x104xi32, #tpu.memory_space<hbm>>
    %dma_wait3A_14 = tpu.memref_squeeze %dma_wait3A_13 : memref<1x128x104xi32, #tpu.memory_space<hbm>> -> memref<128x104xi32, #tpu.memory_space<hbm>>
    tpu.wait_dma2 semaphore(%arg9 : memref<!tpu.dma_semaphore, #tpu.memory_space<semaphore_mem>>) src(%dma_wait3A_14 : memref<128x104xi32, #tpu.memory_space<hbm>>) dst(%arg5 : memref<128x104xi32, #tpu.memory_space<vmem>>)
    %dma_start3A_15 = arith.constant 0 : i32
    %dma_start3A_16 = arith.constant 0 : i32
    %dma_start3A_17 = arith.constant 0 : i32
    %dma_start3A_18 = arith.constant 0 : i32
    %dma_start3A_19 = arith.constant 0 : i32
    %dma_start3A_20 = tpu.memref_slice %arg6[%dma_start3A_16, %dma_start3A_18, %dma_start3A_19] : memref<4x104x16xf32, #tpu.memory_space<vmem>> -> memref<1x104x16xf32, #tpu.memory_space<vmem>>
    %dma_start3A_21 = tpu.memref_squeeze %dma_start3A_20 : memref<1x104x16xf32, #tpu.memory_space<vmem>> -> memref<104x16xf32, #tpu.memory_space<vmem>>
    %dma_start3A_22 = arith.constant 0 : i32
    %dma_start3A_23 = tpu.memref_slice %arg5[%dma_start3A_15, %dma_start3A_22] : memref<128x104xi32, #tpu.memory_space<vmem>> -> memref<1x104xi32, #tpu.memory_space<vmem>>
    %dma_start3A_24 = tpu.memref_squeeze %dma_start3A_23 : memref<1x104xi32, #tpu.memory_space<vmem>> -> memref<104xi32, #tpu.memory_space<vmem>>
    %dma_start3A_25 = arith.constant 0 : i32
    %dma_start3A_26 = arith.constant 0 : i32
    %dma_start3A_27 = tpu.memref_slice %arg3[%dma_start3A_25, %dma_start3A_26] : memref<2621440x16xf32, #tpu.memory_space<hbm>> -> memref<2621440x16xf32, #tpu.memory_space<hbm>>
    %dma_start3A_28 = tpu.memref_slice %arg10[%dma_start3A_17] : memref<4x!tpu.dma_semaphore, #tpu.memory_space<semaphore_mem>> -> memref<1x!tpu.dma_semaphore, #tpu.memory_space<semaphore_mem>>
    %dma_start3A_29 = tpu.memref_squeeze %dma_start3A_28 : memref<1x!tpu.dma_semaphore, #tpu.memory_space<semaphore_mem>> -> memref<!tpu.dma_semaphore, #tpu.memory_space<semaphore_mem>>
    tpu.enqueue_indirect_dma source(%dma_start3A_27 : memref<2621440x16xf32, #tpu.memory_space<hbm>>) target(%dma_start3A_21 : memref<104x16xf32, #tpu.memory_space<vmem>>) offsets(%dma_start3A_24 : memref<104xi32, #tpu.memory_space<vmem>>) semaphore(%dma_start3A_29 : memref<!tpu.dma_semaphore, #tpu.memory_space<semaphore_mem>>)
    %dma_start3A_30 = arith.constant 1 : i32
    %dma_start3A_31 = arith.constant 1 : i32
    %dma_start3A_32 = arith.constant 1 : i32
    %dma_start3A_33 = arith.constant 0 : i32
    %dma_start3A_34 = arith.constant 0 : i32
    %dma_start3A_35 = tpu.memref_slice %arg6[%dma_start3A_31, %dma_start3A_33, %dma_start3A_34] : memref<4x104x16xf32, #tpu.memory_space<vmem>> -> memref<1x104x16xf32, #tpu.memory_space<vmem>>
    %dma_start3A_36 = tpu.memref_squeeze %dma_start3A_35 : memref<1x104x16xf32, #tpu.memory_space<vmem>> -> memref<104x16xf32, #tpu.memory_space<vmem>>
    %dma_start3A_37 = arith.constant 0 : i32
    %dma_start3A_38 = tpu.memref_slice %arg5[%dma_start3A_30, %dma_start3A_37] : memref<128x104xi32, #tpu.memory_space<vmem>> -> memref<1x104xi32, #tpu.memory_space<vmem>>
    %dma_start3A_39 = tpu.memref_squeeze %dma_start3A_38 : memref<1x104xi32, #tpu.memory_space<vmem>> -> memref<104xi32, #tpu.memory_space<vmem>>
    %dma_start3A_40 = arith.constant 0 : i32
    %dma_start3A_41 = arith.constant 0 : i32
    %dma_start3A_42 = tpu.memref_slice %arg3[%dma_start3A_40, %dma_start3A_41] : memref<2621440x16xf32, #tpu.memory_space<hbm>> -> memref<2621440x16xf32, #tpu.memory_space<hbm>>
    %dma_start3A_43 = tpu.memref_slice %arg10[%dma_start3A_32] : memref<4x!tpu.dma_semaphore, #tpu.memory_space<semaphore_mem>> -> memref<1x!tpu.dma_semaphore, #tpu.memory_space<semaphore_mem>>
    %dma_start3A_44 = tpu.memref_squeeze %dma_start3A_43 : memref<1x!tpu.dma_semaphore, #tpu.memory_space<semaphore_mem>> -> memref<!tpu.dma_semaphore, #tpu.memory_space<semaphore_mem>>
    tpu.enqueue_indirect_dma source(%dma_start3A_42 : memref<2621440x16xf32, #tpu.memory_space<hbm>>) target(%dma_start3A_36 : memref<104x16xf32, #tpu.memory_space<vmem>>) offsets(%dma_start3A_39 : memref<104xi32, #tpu.memory_space<vmem>>) semaphore(%dma_start3A_44 : memref<!tpu.dma_semaphore, #tpu.memory_space<semaphore_mem>>)
    %dma_start3A_45 = arith.constant 2 : i32
    %dma_start3A_46 = arith.constant 2 : i32
    %dma_start3A_47 = arith.constant 2 : i32
    %dma_start3A_48 = arith.constant 0 : i32
    %dma_start3A_49 = arith.constant 0 : i32
    %dma_start3A_50 = tpu.memref_slice %arg6[%dma_start3A_46, %dma_start3A_48, %dma_start3A_49] : memref<4x104x16xf32, #tpu.memory_space<vmem>> -> memref<1x104x16xf32, #tpu.memory_space<vmem>>
    %dma_start3A_51 = tpu.memref_squeeze %dma_start3A_50 : memref<1x104x16xf32, #tpu.memory_space<vmem>> -> memref<104x16xf32, #tpu.memory_space<vmem>>
    %dma_start3A_52 = arith.constant 0 : i32
    %dma_start3A_53 = tpu.memref_slice %arg5[%dma_start3A_45, %dma_start3A_52] : memref<128x104xi32, #tpu.memory_space<vmem>> -> memref<1x104xi32, #tpu.memory_space<vmem>>
    %dma_start3A_54 = tpu.memref_squeeze %dma_start3A_53 : memref<1x104xi32, #tpu.memory_space<vmem>> -> memref<104xi32, #tpu.memory_space<vmem>>
    %dma_start3A_55 = arith.constant 0 : i32
    %dma_start3A_56 = arith.constant 0 : i32
    %dma_start3A_57 = tpu.memref_slice %arg3[%dma_start3A_55, %dma_start3A_56] : memref<2621440x16xf32, #tpu.memory_space<hbm>> -> memref<2621440x16xf32, #tpu.memory_space<hbm>>
    %dma_start3A_58 = tpu.memref_slice %arg10[%dma_start3A_47] : memref<4x!tpu.dma_semaphore, #tpu.memory_space<semaphore_mem>> -> memref<1x!tpu.dma_semaphore, #tpu.memory_space<semaphore_mem>>
    %dma_start3A_59 = tpu.memref_squeeze %dma_start3A_58 : memref<1x!tpu.dma_semaphore, #tpu.memory_space<semaphore_mem>> -> memref<!tpu.dma_semaphore, #tpu.memory_space<semaphore_mem>>
    tpu.enqueue_indirect_dma source(%dma_start3A_57 : memref<2621440x16xf32, #tpu.memory_space<hbm>>) target(%dma_start3A_51 : memref<104x16xf32, #tpu.memory_space<vmem>>) offsets(%dma_start3A_54 : memref<104xi32, #tpu.memory_space<vmem>>) semaphore(%dma_start3A_59 : memref<!tpu.dma_semaphore, #tpu.memory_space<semaphore_mem>>)
    %dma_start3A_60 = arith.constant 3 : i32
    %dma_start3A_61 = arith.constant 3 : i32
    %dma_start3A_62 = arith.constant 3 : i32
    %dma_start3A_63 = arith.constant 0 : i32
    %dma_start3A_64 = arith.constant 0 : i32
    %dma_start3A_65 = tpu.memref_slice %arg6[%dma_start3A_61, %dma_start3A_63, %dma_start3A_64] : memref<4x104x16xf32, #tpu.memory_space<vmem>> -> memref<1x104x16xf32, #tpu.memory_space<vmem>>
    %dma_start3A_66 = tpu.memref_squeeze %dma_start3A_65 : memref<1x104x16xf32, #tpu.memory_space<vmem>> -> memref<104x16xf32, #tpu.memory_space<vmem>>
    %dma_start3A_67 = arith.constant 0 : i32
    %dma_start3A_68 = tpu.memref_slice %arg5[%dma_start3A_60, %dma_start3A_67] : memref<128x104xi32, #tpu.memory_space<vmem>> -> memref<1x104xi32, #tpu.memory_space<vmem>>
    %dma_start3A_69 = tpu.memref_squeeze %dma_start3A_68 : memref<1x104xi32, #tpu.memory_space<vmem>> -> memref<104xi32, #tpu.memory_space<vmem>>
    %dma_start3A_70 = arith.constant 0 : i32
    %dma_start3A_71 = arith.constant 0 : i32
    %dma_start3A_72 = tpu.memref_slice %arg3[%dma_start3A_70, %dma_start3A_71] : memref<2621440x16xf32, #tpu.memory_space<hbm>> -> memref<2621440x16xf32, #tpu.memory_space<hbm>>
    %dma_start3A_73 = tpu.memref_slice %arg10[%dma_start3A_62] : memref<4x!tpu.dma_semaphore, #tpu.memory_space<semaphore_mem>> -> memref<1x!tpu.dma_semaphore, #tpu.memory_space<semaphore_mem>>
    %dma_start3A_74 = tpu.memref_squeeze %dma_start3A_73 : memref<1x!tpu.dma_semaphore, #tpu.memory_space<semaphore_mem>> -> memref<!tpu.dma_semaphore, #tpu.memory_space<semaphore_mem>>
    tpu.enqueue_indirect_dma source(%dma_start3A_72 : memref<2621440x16xf32, #tpu.memory_space<hbm>>) target(%dma_start3A_66 : memref<104x16xf32, #tpu.memory_space<vmem>>) offsets(%dma_start3A_69 : memref<104xi32, #tpu.memory_space<vmem>>) semaphore(%dma_start3A_74 : memref<!tpu.dma_semaphore, #tpu.memory_space<semaphore_mem>>)
    %scan3A = arith.constant 0 : i32
    %scan3A_75 = arith.constant 0 : i32
    %scan3A_76 = arith.constant 32 : i32
    %scan3A_77 = arith.addi %scan3A_75, %scan3A_76 : i32
    %scan3A_78 = arith.constant 1 : i32
    scf.for %scan3A_88 = %scan3A_75 to %scan3A_77 step %scan3A_78  : i32 {
      %mul3A_89 = arith.constant 4 : i32
      %mul3A_90 = arith.muli %scan3A_88, %mul3A_89 : i32
      %add3A_91 = arith.constant 0 : i32
      %add3A_92 = arith.addi %mul3A_90, %add3A_91 : i32
      %dma_wait3A_93 = arith.constant 0 : i32
      %dma_wait3A_94 = arith.constant 0 : i32
      %dma_wait3A_95 = arith.constant 0 : i32
      %dma_wait3A_96 = arith.constant 0 : i32
      %dma_wait3A_97 = tpu.memref_slice %arg6[%dma_wait3A_93, %dma_wait3A_95, %dma_wait3A_96] : memref<4x104x16xf32, #tpu.memory_space<vmem>> -> memref<1x104x16xf32, #tpu.memory_space<vmem>>
      %dma_wait3A_98 = tpu.memref_squeeze %dma_wait3A_97 : memref<1x104x16xf32, #tpu.memory_space<vmem>> -> memref<104x16xf32, #tpu.memory_space<vmem>>
      %dma_wait3A_99 = arith.constant 0 : i32
      %dma_wait3A_100 = tpu.memref_slice %arg5[%add3A_92, %dma_wait3A_99] : memref<128x104xi32, #tpu.memory_space<vmem>> -> memref<1x104xi32, #tpu.memory_space<vmem>>
      %dma_wait3A_101 = tpu.memref_squeeze %dma_wait3A_100 : memref<1x104xi32, #tpu.memory_space<vmem>> -> memref<104xi32, #tpu.memory_space<vmem>>
      %dma_wait3A_102 = arith.constant 0 : i32
      %dma_wait3A_103 = arith.constant 0 : i32
      %dma_wait3A_104 = tpu.memref_slice %arg3[%dma_wait3A_102, %dma_wait3A_103] : memref<2621440x16xf32, #tpu.memory_space<hbm>> -> memref<2621440x16xf32, #tpu.memory_space<hbm>>
      %dma_wait3A_105 = tpu.memref_slice %arg10[%dma_wait3A_94] : memref<4x!tpu.dma_semaphore, #tpu.memory_space<semaphore_mem>> -> memref<1x!tpu.dma_semaphore, #tpu.memory_space<semaphore_mem>>
      %dma_wait3A_106 = tpu.memref_squeeze %dma_wait3A_105 : memref<1x!tpu.dma_semaphore, #tpu.memory_space<semaphore_mem>> -> memref<!tpu.dma_semaphore, #tpu.memory_space<semaphore_mem>>
      tpu.wait_indirect_dma semaphore(%dma_wait3A_106 : memref<!tpu.dma_semaphore, #tpu.memory_space<semaphore_mem>>) src(%dma_wait3A_104 : memref<2621440x16xf32, #tpu.memory_space<hbm>>) dst(%dma_wait3A_98 : memref<104x16xf32, #tpu.memory_space<vmem>>)
      %get3A = arith.constant 0 : i32
      %get3A_107 = arith.constant 0 : i32
      %get3A_108 = arith.index_cast %get3A : i32 to index
      %get3A_109 = arith.index_cast %get3A_107 : i32 to index
      %get3A_110 = arith.constant 0 : index
      %get3A_111 = tpu.vector_load %arg6[%get3A_108, %get3A_109, %get3A_110] {strides = array<i32>} : memref<4x104x16xf32, #tpu.memory_space<vmem>>, vector<16xf32>,
      %mul3A_112 = arith.mulf %get3A_111, %get3A_111 : vector<16xf32>
      %get3A_113 = arith.constant 0 : i32
      %get3A_114 = arith.constant 1 : i32
      %get3A_115 = arith.index_cast %get3A_113 : i32 to index
      %get3A_116 = arith.index_cast %get3A_114 : i32 to index
      %get3A_117 = arith.constant 0 : index
      %get3A_118 = tpu.vector_load %arg6[%get3A_115, %get3A_116, %get3A_117] {strides = array<i32>} : memref<4x104x16xf32, #tpu.memory_space<vmem>>, vector<16xf32>,
      %add3A_119 = arith.addf %get3A_111, %get3A_118 : vector<16xf32>
      %mul3A_120 = arith.mulf %get3A_118, %get3A_118 : vector<16xf32>
      %add3A_121 = arith.addf %mul3A_112, %mul3A_120 : vector<16xf32>
      %get3A_122 = arith.constant 0 : i32
      %get3A_123 = arith.constant 2 : i32
      %get3A_124 = arith.index_cast %get3A_122 : i32 to index
      %get3A_125 = arith.index_cast %get3A_123 : i32 to index
      %get3A_126 = arith.constant 0 : index
      %get3A_127 = tpu.vector_load %arg6[%get3A_124, %get3A_125, %get3A_126] {strides = array<i32>} : memref<4x104x16xf32, #tpu.memory_space<vmem>>, vector<16xf32>,
      %add3A_128 = arith.addf %add3A_119, %get3A_127 : vector<16xf32>
      %mul3A_129 = arith.mulf %get3A_127, %get3A_127 : vector<16xf32>
      %add3A_130 = arith.addf %add3A_121, %mul3A_129 : vector<16xf32>
      %get3A_131 = arith.constant 0 : i32
      %get3A_132 = arith.constant 3 : i32
      %get3A_133 = arith.index_cast %get3A_131 : i32 to index
      %get3A_134 = arith.index_cast %get3A_132 : i32 to index
      %get3A_135 = arith.constant 0 : index
      %get3A_136 = tpu.vector_load %arg6[%get3A_133, %get3A_134, %get3A_135] {strides = array<i32>} : memref<4x104x16xf32, #tpu.memory_space<vmem>>, vector<16xf32>,
      %add3A_137 = arith.addf %add3A_128, %get3A_136 : vector<16xf32>
      %mul3A_138 = arith.mulf %get3A_136, %get3A_136 : vector<16xf32>
      %add3A_139 = arith.addf %add3A_130, %mul3A_138 : vector<16xf32>
      %get3A_140 = arith.constant 0 : i32
      %get3A_141 = arith.constant 4 : i32
      %get3A_142 = arith.index_cast %get3A_140 : i32 to index
      %get3A_143 = arith.index_cast %get3A_141 : i32 to index
      %get3A_144 = arith.constant 0 : index
      %get3A_145 = tpu.vector_load %arg6[%get3A_142, %get3A_143, %get3A_144] {strides = array<i32>} : memref<4x104x16xf32, #tpu.memory_space<vmem>>, vector<16xf32>,
      %add3A_146 = arith.addf %add3A_137, %get3A_145 : vector<16xf32>
      %mul3A_147 = arith.mulf %get3A_145, %get3A_145 : vector<16xf32>
      %add3A_148 = arith.addf %add3A_139, %mul3A_147 : vector<16xf32>
      %get3A_149 = arith.constant 0 : i32
      %get3A_150 = arith.constant 5 : i32
      %get3A_151 = arith.index_cast %get3A_149 : i32 to index
      %get3A_152 = arith.index_cast %get3A_150 : i32 to index
      %get3A_153 = arith.constant 0 : index
      %get3A_154 = tpu.vector_load %arg6[%get3A_151, %get3A_152, %get3A_153] {strides = array<i32>} : memref<4x104x16xf32, #tpu.memory_space<vmem>>, vector<16xf32>,
      %add3A_155 = arith.addf %add3A_146, %get3A_154 : vector<16xf32>
      %mul3A_156 = arith.mulf %get3A_154, %get3A_154 : vector<16xf32>
      %add3A_157 = arith.addf %add3A_148, %mul3A_156 : vector<16xf32>
      %get3A_158 = arith.constant 0 : i32
      %get3A_159 = arith.constant 6 : i32
      %get3A_160 = arith.index_cast %get3A_158 : i32 to index
      %get3A_161 = arith.index_cast %get3A_159 : i32 to index
      %get3A_162 = arith.constant 0 : index
      %get3A_163 = tpu.vector_load %arg6[%get3A_160, %get3A_161, %get3A_162] {strides = array<i32>} : memref<4x104x16xf32, #tpu.memory_space<vmem>>, vector<16xf32>,
      %add3A_164 = arith.addf %add3A_155, %get3A_163 : vector<16xf32>
      %mul3A_165 = arith.mulf %get3A_163, %get3A_163 : vector<16xf32>
      %add3A_166 = arith.addf %add3A_157, %mul3A_165 : vector<16xf32>
      %get3A_167 = arith.constant 0 : i32
      %get3A_168 = arith.constant 7 : i32
      %get3A_169 = arith.index_cast %get3A_167 : i32 to index
      %get3A_170 = arith.index_cast %get3A_168 : i32 to index
      %get3A_171 = arith.constant 0 : index
      %get3A_172 = tpu.vector_load %arg6[%get3A_169, %get3A_170, %get3A_171] {strides = array<i32>} : memref<4x104x16xf32, #tpu.memory_space<vmem>>, vector<16xf32>,
      %add3A_173 = arith.addf %add3A_164, %get3A_172 : vector<16xf32>
      %mul3A_174 = arith.mulf %get3A_172, %get3A_172 : vector<16xf32>
      %add3A_175 = arith.addf %add3A_166, %mul3A_174 : vector<16xf32>
      %get3A_176 = arith.constant 0 : i32
      %get3A_177 = arith.constant 8 : i32
      %get3A_178 = arith.index_cast %get3A_176 : i32 to index
      %get3A_179 = arith.index_cast %get3A_177 : i32 to index
      %get3A_180 = arith.constant 0 : index
      %get3A_181 = tpu.vector_load %arg6[%get3A_178, %get3A_179, %get3A_180] {strides = array<i32>} : memref<4x104x16xf32, #tpu.memory_space<vmem>>, vector<16xf32>,
      %add3A_182 = arith.addf %add3A_173, %get3A_181 : vector<16xf32>
      %mul3A_183 = arith.mulf %get3A_181, %get3A_181 : vector<16xf32>
      %add3A_184 = arith.addf %add3A_175, %mul3A_183 : vector<16xf32>
      %get3A_185 = arith.constant 0 : i32
      %get3A_186 = arith.constant 9 : i32
      %get3A_187 = arith.index_cast %get3A_185 : i32 to index
      %get3A_188 = arith.index_cast %get3A_186 : i32 to index
      %get3A_189 = arith.constant 0 : index
      %get3A_190 = tpu.vector_load %arg6[%get3A_187, %get3A_188, %get3A_189] {strides = array<i32>} : memref<4x104x16xf32, #tpu.memory_space<vmem>>, vector<16xf32>,
      %add3A_191 = arith.addf %add3A_182, %get3A_190 : vector<16xf32>
      %mul3A_192 = arith.mulf %get3A_190, %get3A_190 : vector<16xf32>
      %add3A_193 = arith.addf %add3A_184, %mul3A_192 : vector<16xf32>
      %get3A_194 = arith.constant 0 : i32
      %get3A_195 = arith.constant 10 : i32
      %get3A_196 = arith.index_cast %get3A_194 : i32 to index
      %get3A_197 = arith.index_cast %get3A_195 : i32 to index
      %get3A_198 = arith.constant 0 : index
      %get3A_199 = tpu.vector_load %arg6[%get3A_196, %get3A_197, %get3A_198] {strides = array<i32>} : memref<4x104x16xf32, #tpu.memory_space<vmem>>, vector<16xf32>,
      %add3A_200 = arith.addf %add3A_191, %get3A_199 : vector<16xf32>
      %mul3A_201 = arith.mulf %get3A_199, %get3A_199 : vector<16xf32>
      %add3A_202 = arith.addf %add3A_193, %mul3A_201 : vector<16xf32>
      %get3A_203 = arith.constant 0 : i32
      %get3A_204 = arith.constant 11 : i32
      %get3A_205 = arith.index_cast %get3A_203 : i32 to index
      %get3A_206 = arith.index_cast %get3A_204 : i32 to index
      %get3A_207 = arith.constant 0 : index
      %get3A_208 = tpu.vector_load %arg6[%get3A_205, %get3A_206, %get3A_207] {strides = array<i32>} : memref<4x104x16xf32, #tpu.memory_space<vmem>>, vector<16xf32>,
      %add3A_209 = arith.addf %add3A_200, %get3A_208 : vector<16xf32>
      %mul3A_210 = arith.mulf %get3A_208, %get3A_208 : vector<16xf32>
      %add3A_211 = arith.addf %add3A_202, %mul3A_210 : vector<16xf32>
      %get3A_212 = arith.constant 0 : i32
      %get3A_213 = arith.constant 12 : i32
      %get3A_214 = arith.index_cast %get3A_212 : i32 to index
      %get3A_215 = arith.index_cast %get3A_213 : i32 to index
      %get3A_216 = arith.constant 0 : index
      %get3A_217 = tpu.vector_load %arg6[%get3A_214, %get3A_215, %get3A_216] {strides = array<i32>} : memref<4x104x16xf32, #tpu.memory_space<vmem>>, vector<16xf32>,
      %add3A_218 = arith.addf %add3A_209, %get3A_217 : vector<16xf32>
      %mul3A_219 = arith.mulf %get3A_217, %get3A_217 : vector<16xf32>
      %add3A_220 = arith.addf %add3A_211, %mul3A_219 : vector<16xf32>
      %get3A_221 = arith.constant 0 : i32
      %get3A_222 = arith.constant 13 : i32
      %get3A_223 = arith.index_cast %get3A_221 : i32 to index
      %get3A_224 = arith.index_cast %get3A_222 : i32 to index
      %get3A_225 = arith.constant 0 : index
      %get3A_226 = tpu.vector_load %arg6[%get3A_223, %get3A_224, %get3A_225] {strides = array<i32>} : memref<4x104x16xf32, #tpu.memory_space<vmem>>, vector<16xf32>,
      %add3A_227 = arith.addf %add3A_218, %get3A_226 : vector<16xf32>
      %mul3A_228 = arith.mulf %get3A_226, %get3A_226 : vector<16xf32>
      %add3A_229 = arith.addf %add3A_220, %mul3A_228 : vector<16xf32>
      %get3A_230 = arith.constant 0 : i32
      %get3A_231 = arith.constant 14 : i32
      %get3A_232 = arith.index_cast %get3A_230 : i32 to index
      %get3A_233 = arith.index_cast %get3A_231 : i32 to index
      %get3A_234 = arith.constant 0 : index
      %get3A_235 = tpu.vector_load %arg6[%get3A_232, %get3A_233, %get3A_234] {strides = array<i32>} : memref<4x104x16xf32, #tpu.memory_space<vmem>>, vector<16xf32>,
      %add3A_236 = arith.addf %add3A_227, %get3A_235 : vector<16xf32>
      %mul3A_237 = arith.mulf %get3A_235, %get3A_235 : vector<16xf32>
      %add3A_238 = arith.addf %add3A_229, %mul3A_237 : vector<16xf32>
      %get3A_239 = arith.constant 0 : i32
      %get3A_240 = arith.constant 15 : i32
      %get3A_241 = arith.index_cast %get3A_239 : i32 to index
      %get3A_242 = arith.index_cast %get3A_240 : i32 to index
      %get3A_243 = arith.constant 0 : index
      %get3A_244 = tpu.vector_load %arg6[%get3A_241, %get3A_242, %get3A_243] {strides = array<i32>} : memref<4x104x16xf32, #tpu.memory_space<vmem>>, vector<16xf32>,
      %add3A_245 = arith.addf %add3A_236, %get3A_244 : vector<16xf32>
      %mul3A_246 = arith.mulf %get3A_244, %get3A_244 : vector<16xf32>
      %add3A_247 = arith.addf %add3A_238, %mul3A_246 : vector<16xf32>
      %get3A_248 = arith.constant 0 : i32
      %get3A_249 = arith.constant 16 : i32
      %get3A_250 = arith.index_cast %get3A_248 : i32 to index
      %get3A_251 = arith.index_cast %get3A_249 : i32 to index
      %get3A_252 = arith.constant 0 : index
      %get3A_253 = tpu.vector_load %arg6[%get3A_250, %get3A_251, %get3A_252] {strides = array<i32>} : memref<4x104x16xf32, #tpu.memory_space<vmem>>, vector<16xf32>,
      %add3A_254 = arith.addf %add3A_245, %get3A_253 : vector<16xf32>
      %mul3A_255 = arith.mulf %get3A_253, %get3A_253 : vector<16xf32>
      %add3A_256 = arith.addf %add3A_247, %mul3A_255 : vector<16xf32>
      %get3A_257 = arith.constant 0 : i32
      %get3A_258 = arith.constant 17 : i32
      %get3A_259 = arith.index_cast %get3A_257 : i32 to index
      %get3A_260 = arith.index_cast %get3A_258 : i32 to index
      %get3A_261 = arith.constant 0 : index
      %get3A_262 = tpu.vector_load %arg6[%get3A_259, %get3A_260, %get3A_261] {strides = array<i32>} : memref<4x104x16xf32, #tpu.memory_space<vmem>>, vector<16xf32>,
      %add3A_263 = arith.addf %add3A_254, %get3A_262 : vector<16xf32>
      %mul3A_264 = arith.mulf %get3A_262, %get3A_262 : vector<16xf32>
      %add3A_265 = arith.addf %add3A_256, %mul3A_264 : vector<16xf32>
      %get3A_266 = arith.constant 0 : i32
      %get3A_267 = arith.constant 18 : i32
      %get3A_268 = arith.index_cast %get3A_266 : i32 to index
      %get3A_269 = arith.index_cast %get3A_267 : i32 to index
      %get3A_270 = arith.constant 0 : index
      %get3A_271 = tpu.vector_load %arg6[%get3A_268, %get3A_269, %get3A_270] {strides = array<i32>} : memref<4x104x16xf32, #tpu.memory_space<vmem>>, vector<16xf32>,
      %add3A_272 = arith.addf %add3A_263, %get3A_271 : vector<16xf32>
      %mul3A_273 = arith.mulf %get3A_271, %get3A_271 : vector<16xf32>
      %add3A_274 = arith.addf %add3A_265, %mul3A_273 : vector<16xf32>
      %get3A_275 = arith.constant 0 : i32
      %get3A_276 = arith.constant 19 : i32
      %get3A_277 = arith.index_cast %get3A_275 : i32 to index
      %get3A_278 = arith.index_cast %get3A_276 : i32 to index
      %get3A_279 = arith.constant 0 : index
      %get3A_280 = tpu.vector_load %arg6[%get3A_277, %get3A_278, %get3A_279] {strides = array<i32>} : memref<4x104x16xf32, #tpu.memory_space<vmem>>, vector<16xf32>,
      %add3A_281 = arith.addf %add3A_272, %get3A_280 : vector<16xf32>
      %mul3A_282 = arith.mulf %get3A_280, %get3A_280 : vector<16xf32>
      %add3A_283 = arith.addf %add3A_274, %mul3A_282 : vector<16xf32>
      %get3A_284 = arith.constant 0 : i32
      %get3A_285 = arith.constant 20 : i32
      %get3A_286 = arith.index_cast %get3A_284 : i32 to index
      %get3A_287 = arith.index_cast %get3A_285 : i32 to index
      %get3A_288 = arith.constant 0 : index
      %get3A_289 = tpu.vector_load %arg6[%get3A_286, %get3A_287, %get3A_288] {strides = array<i32>} : memref<4x104x16xf32, #tpu.memory_space<vmem>>, vector<16xf32>,
      %add3A_290 = arith.addf %add3A_281, %get3A_289 : vector<16xf32>
      %mul3A_291 = arith.mulf %get3A_289, %get3A_289 : vector<16xf32>
      %add3A_292 = arith.addf %add3A_283, %mul3A_291 : vector<16xf32>
      %get3A_293 = arith.constant 0 : i32
      %get3A_294 = arith.constant 21 : i32
      %get3A_295 = arith.index_cast %get3A_293 : i32 to index
      %get3A_296 = arith.index_cast %get3A_294 : i32 to index
      %get3A_297 = arith.constant 0 : index
      %get3A_298 = tpu.vector_load %arg6[%get3A_295, %get3A_296, %get3A_297] {strides = array<i32>} : memref<4x104x16xf32, #tpu.memory_space<vmem>>, vector<16xf32>,
      %add3A_299 = arith.addf %add3A_290, %get3A_298 : vector<16xf32>
      %mul3A_300 = arith.mulf %get3A_298, %get3A_298 : vector<16xf32>
      %add3A_301 = arith.addf %add3A_292, %mul3A_300 : vector<16xf32>
      %get3A_302 = arith.constant 0 : i32
      %get3A_303 = arith.constant 22 : i32
      %get3A_304 = arith.index_cast %get3A_302 : i32 to index
      %get3A_305 = arith.index_cast %get3A_303 : i32 to index
      %get3A_306 = arith.constant 0 : index
      %get3A_307 = tpu.vector_load %arg6[%get3A_304, %get3A_305, %get3A_306] {strides = array<i32>} : memref<4x104x16xf32, #tpu.memory_space<vmem>>, vector<16xf32>,
      %add3A_308 = arith.addf %add3A_299, %get3A_307 : vector<16xf32>
      %mul3A_309 = arith.mulf %get3A_307, %get3A_307 : vector<16xf32>
      %add3A_310 = arith.addf %add3A_301, %mul3A_309 : vector<16xf32>
      %get3A_311 = arith.constant 0 : i32
      %get3A_312 = arith.constant 23 : i32
      %get3A_313 = arith.index_cast %get3A_311 : i32 to index
      %get3A_314 = arith.index_cast %get3A_312 : i32 to index
      %get3A_315 = arith.constant 0 : index
      %get3A_316 = tpu.vector_load %arg6[%get3A_313, %get3A_314, %get3A_315] {strides = array<i32>} : memref<4x104x16xf32, #tpu.memory_space<vmem>>, vector<16xf32>,
      %add3A_317 = arith.addf %add3A_308, %get3A_316 : vector<16xf32>
      %mul3A_318 = arith.mulf %get3A_316, %get3A_316 : vector<16xf32>
      %add3A_319 = arith.addf %add3A_310, %mul3A_318 : vector<16xf32>
      %get3A_320 = arith.constant 0 : i32
      %get3A_321 = arith.constant 24 : i32
      %get3A_322 = arith.index_cast %get3A_320 : i32 to index
      %get3A_323 = arith.index_cast %get3A_321 : i32 to index
      %get3A_324 = arith.constant 0 : index
      %get3A_325 = tpu.vector_load %arg6[%get3A_322, %get3A_323, %get3A_324] {strides = array<i32>} : memref<4x104x16xf32, #tpu.memory_space<vmem>>, vector<16xf32>,
      %add3A_326 = arith.addf %add3A_317, %get3A_325 : vector<16xf32>
      %mul3A_327 = arith.mulf %get3A_325, %get3A_325 : vector<16xf32>
      %add3A_328 = arith.addf %add3A_319, %mul3A_327 : vector<16xf32>
      %get3A_329 = arith.constant 0 : i32
      %get3A_330 = arith.constant 25 : i32
      %get3A_331 = arith.index_cast %get3A_329 : i32 to index
      %get3A_332 = arith.index_cast %get3A_330 : i32 to index
      %get3A_333 = arith.constant 0 : index
      %get3A_334 = tpu.vector_load %arg6[%get3A_331, %get3A_332, %get3A_333] {strides = array<i32>} : memref<4x104x16xf32, #tpu.memory_space<vmem>>, vector<16xf32>,
      %add3A_335 = arith.addf %add3A_326, %get3A_334 : vector<16xf32>
      %mul3A_336 = arith.mulf %get3A_334, %get3A_334 : vector<16xf32>
      %add3A_337 = arith.addf %add3A_328, %mul3A_336 : vector<16xf32>
      %mul3A_338 = arith.mulf %add3A_335, %add3A_335 : vector<16xf32>
      %sub3A = arith.subf %mul3A_338, %add3A_337 : vector<16xf32>
      %mul3A_339 = arith.constant 4 : i32
      %mul3A_340 = arith.muli %add3A_92, %mul3A_339 : i32
      %add3A_341 = arith.constant 0 : i32
      %add3A_342 = arith.addi %mul3A_340, %add3A_341 : i32
      %mul3A_343 = arith.constant 16 : i32
      %mul3A_344 = arith.muli %add3A_342, %mul3A_343 : i32
      %swap3A = arith.index_cast %mul3A_344 : i32 to index
      %swap3A_345 = tpu.vector_load %arg7[%swap3A] {strides = array<i32>} : memref<8192xf32, #tpu.memory_space<vmem>>, vector<16xf32>,
      tpu.vector_store %arg7[%swap3A], %sub3A {strides = array<i32>} : memref<8192xf32, #tpu.memory_space<vmem>>, vector<16xf32>,
      %get3A_346 = arith.constant 0 : i32
      %get3A_347 = arith.constant 26 : i32
      %get3A_348 = arith.index_cast %get3A_346 : i32 to index
      %get3A_349 = arith.index_cast %get3A_347 : i32 to index
      %get3A_350 = arith.constant 0 : index
      %get3A_351 = tpu.vector_load %arg6[%get3A_348, %get3A_349, %get3A_350] {strides = array<i32>} : memref<4x104x16xf32, #tpu.memory_space<vmem>>, vector<16xf32>,
      %mul3A_352 = arith.mulf %get3A_351, %get3A_351 : vector<16xf32>
      %get3A_353 = arith.constant 0 : i32
      %get3A_354 = arith.constant 27 : i32
      %get3A_355 = arith.index_cast %get3A_353 : i32 to index
      %get3A_356 = arith.index_cast %get3A_354 : i32 to index
      %get3A_357 = arith.constant 0 : index
      %get3A_358 = tpu.vector_load %arg6[%get3A_355, %get3A_356, %get3A_357] {strides = array<i32>} : memref<4x104x16xf32, #tpu.memory_space<vmem>>, vector<16xf32>,
      %add3A_359 = arith.addf %get3A_351, %get3A_358 : vector<16xf32>
      %mul3A_360 = arith.mulf %get3A_358, %get3A_358 : vector<16xf32>
      %add3A_361 = arith.addf %mul3A_352, %mul3A_360 : vector<16xf32>
      %get3A_362 = arith.constant 0 : i32
      %get3A_363 = arith.constant 28 : i32
      %get3A_364 = arith.index_cast %get3A_362 : i32 to index
      %get3A_365 = arith.index_cast %get3A_363 : i32 to index
      %get3A_366 = arith.constant 0 : index
      %get3A_367 = tpu.vector_load %arg6[%get3A_364, %get3A_365, %get3A_366] {strides = array<i32>} : memref<4x104x16xf32, #tpu.memory_space<vmem>>, vector<16xf32>,
      %add3A_368 = arith.addf %add3A_359, %get3A_367 : vector<16xf32>
      %mul3A_369 = arith.mulf %get3A_367, %get3A_367 : vector<16xf32>
      %add3A_370 = arith.addf %add3A_361, %mul3A_369 : vector<16xf32>
      %get3A_371 = arith.constant 0 : i32
      %get3A_372 = arith.constant 29 : i32
      %get3A_373 = arith.index_cast %get3A_371 : i32 to index
      %get3A_374 = arith.index_cast %get3A_372 : i32 to index
      %get3A_375 = arith.constant 0 : index
      %get3A_376 = tpu.vector_load %arg6[%get3A_373, %get3A_374, %get3A_375] {strides = array<i32>} : memref<4x104x16xf32, #tpu.memory_space<vmem>>, vector<16xf32>,
      %add3A_377 = arith.addf %add3A_368, %get3A_376 : vector<16xf32>
      %mul3A_378 = arith.mulf %get3A_376, %get3A_376 : vector<16xf32>
      %add3A_379 = arith.addf %add3A_370, %mul3A_378 : vector<16xf32>
      %get3A_380 = arith.constant 0 : i32
      %get3A_381 = arith.constant 30 : i32
      %get3A_382 = arith.index_cast %get3A_380 : i32 to index
      %get3A_383 = arith.index_cast %get3A_381 : i32 to index
      %get3A_384 = arith.constant 0 : index
      %get3A_385 = tpu.vector_load %arg6[%get3A_382, %get3A_383, %get3A_384] {strides = array<i32>} : memref<4x104x16xf32, #tpu.memory_space<vmem>>, vector<16xf32>,
      %add3A_386 = arith.addf %add3A_377, %get3A_385 : vector<16xf32>
      %mul3A_387 = arith.mulf %get3A_385, %get3A_385 : vector<16xf32>
      %add3A_388 = arith.addf %add3A_379, %mul3A_387 : vector<16xf32>
      %get3A_389 = arith.constant 0 : i32
      %get3A_390 = arith.constant 31 : i32
      %get3A_391 = arith.index_cast %get3A_389 : i32 to index
      %get3A_392 = arith.index_cast %get3A_390 : i32 to index
      %get3A_393 = arith.constant 0 : index
      %get3A_394 = tpu.vector_load %arg6[%get3A_391, %get3A_392, %get3A_393] {strides = array<i32>} : memref<4x104x16xf32, #tpu.memory_space<vmem>>, vector<16xf32>,
      %add3A_395 = arith.addf %add3A_386, %get3A_394 : vector<16xf32>
      %mul3A_396 = arith.mulf %get3A_394, %get3A_394 : vector<16xf32>
      %add3A_397 = arith.addf %add3A_388, %mul3A_396 : vector<16xf32>
      %get3A_398 = arith.constant 0 : i32
      %get3A_399 = arith.constant 32 : i32
      %get3A_400 = arith.index_cast %get3A_398 : i32 to index
      %get3A_401 = arith.index_cast %get3A_399 : i32 to index
      %get3A_402 = arith.constant 0 : index
      %get3A_403 = tpu.vector_load %arg6[%get3A_400, %get3A_401, %get3A_402] {strides = array<i32>} : memref<4x104x16xf32, #tpu.memory_space<vmem>>, vector<16xf32>,
      %add3A_404 = arith.addf %add3A_395, %get3A_403 : vector<16xf32>
      %mul3A_405 = arith.mulf %get3A_403, %get3A_403 : vector<16xf32>
      %add3A_406 = arith.addf %add3A_397, %mul3A_405 : vector<16xf32>
      %get3A_407 = arith.constant 0 : i32
      %get3A_408 = arith.constant 33 : i32
      %get3A_409 = arith.index_cast %get3A_407 : i32 to index
      %get3A_410 = arith.index_cast %get3A_408 : i32 to index
      %get3A_411 = arith.constant 0 : index
      %get3A_412 = tpu.vector_load %arg6[%get3A_409, %get3A_410, %get3A_411] {strides = array<i32>} : memref<4x104x16xf32, #tpu.memory_space<vmem>>, vector<16xf32>,
      %add3A_413 = arith.addf %add3A_404, %get3A_412 : vector<16xf32>
      %mul3A_414 = arith.mulf %get3A_412, %get3A_412 : vector<16xf32>
      %add3A_415 = arith.addf %add3A_406, %mul3A_414 : vector<16xf32>
      %get3A_416 = arith.constant 0 : i32
      %get3A_417 = arith.constant 34 : i32
      %get3A_418 = arith.index_cast %get3A_416 : i32 to index
      %get3A_419 = arith.index_cast %get3A_417 : i32 to index
      %get3A_420 = arith.constant 0 : index
      %get3A_421 = tpu.vector_load %arg6[%get3A_418, %get3A_419, %get3A_420] {strides = array<i32>} : memref<4x104x16xf32, #tpu.memory_space<vmem>>, vector<16xf32>,
      %add3A_422 = arith.addf %add3A_413, %get3A_421 : vector<16xf32>
      %mul3A_423 = arith.mulf %get3A_421, %get3A_421 : vector<16xf32>
      %add3A_424 = arith.addf %add3A_415, %mul3A_423 : vector<16xf32>
      %get3A_425 = arith.constant 0 : i32
      %get3A_426 = arith.constant 35 : i32
      %get3A_427 = arith.index_cast %get3A_425 : i32 to index
      %get3A_428 = arith.index_cast %get3A_426 : i32 to index
      %get3A_429 = arith.constant 0 : index
      %get3A_430 = tpu.vector_load %arg6[%get3A_427, %get3A_428, %get3A_429] {strides = array<i32>} : memref<4x104x16xf32, #tpu.memory_space<vmem>>, vector<16xf32>,
      %add3A_431 = arith.addf %add3A_422, %get3A_430 : vector<16xf32>
      %mul3A_432 = arith.mulf %get3A_430, %get3A_430 : vector<16xf32>
      %add3A_433 = arith.addf %add3A_424, %mul3A_432 : vector<16xf32>
      %get3A_434 = arith.constant 0 : i32
      %get3A_435 = arith.constant 36 : i32
      %get3A_436 = arith.index_cast %get3A_434 : i32 to index
      %get3A_437 = arith.index_cast %get3A_435 : i32 to index
      %get3A_438 = arith.constant 0 : index
      %get3A_439 = tpu.vector_load %arg6[%get3A_436, %get3A_437, %get3A_438] {strides = array<i32>} : memref<4x104x16xf32, #tpu.memory_space<vmem>>, vector<16xf32>,
      %add3A_440 = arith.addf %add3A_431, %get3A_439 : vector<16xf32>
      %mul3A_441 = arith.mulf %get3A_439, %get3A_439 : vector<16xf32>
      %add3A_442 = arith.addf %add3A_433, %mul3A_441 : vector<16xf32>
      %get3A_443 = arith.constant 0 : i32
      %get3A_444 = arith.constant 37 : i32
      %get3A_445 = arith.index_cast %get3A_443 : i32 to index
      %get3A_446 = arith.index_cast %get3A_444 : i32 to index
      %get3A_447 = arith.constant 0 : index
      %get3A_448 = tpu.vector_load %arg6[%get3A_445, %get3A_446, %get3A_447] {strides = array<i32>} : memref<4x104x16xf32, #tpu.memory_space<vmem>>, vector<16xf32>,
      %add3A_449 = arith.addf %add3A_440, %get3A_448 : vector<16xf32>
      %mul3A_450 = arith.mulf %get3A_448, %get3A_448 : vector<16xf32>
      %add3A_451 = arith.addf %add3A_442, %mul3A_450 : vector<16xf32>
      %get3A_452 = arith.constant 0 : i32
      %get3A_453 = arith.constant 38 : i32
      %get3A_454 = arith.index_cast %get3A_452 : i32 to index
      %get3A_455 = arith.index_cast %get3A_453 : i32 to index
      %get3A_456 = arith.constant 0 : index
      %get3A_457 = tpu.vector_load %arg6[%get3A_454, %get3A_455, %get3A_456] {strides = array<i32>} : memref<4x104x16xf32, #tpu.memory_space<vmem>>, vector<16xf32>,
      %add3A_458 = arith.addf %add3A_449, %get3A_457 : vector<16xf32>
      %mul3A_459 = arith.mulf %get3A_457, %get3A_457 : vector<16xf32>
      %add3A_460 = arith.addf %add3A_451, %mul3A_459 : vector<16xf32>
      %get3A_461 = arith.constant 0 : i32
      %get3A_462 = arith.constant 39 : i32
      %get3A_463 = arith.index_cast %get3A_461 : i32 to index
      %get3A_464 = arith.index_cast %get3A_462 : i32 to index
      %get3A_465 = arith.constant 0 : index
      %get3A_466 = tpu.vector_load %arg6[%get3A_463, %get3A_464, %get3A_465] {strides = array<i32>} : memref<4x104x16xf32, #tpu.memory_space<vmem>>, vector<16xf32>,
      %add3A_467 = arith.addf %add3A_458, %get3A_466 : vector<16xf32>
      %mul3A_468 = arith.mulf %get3A_466, %get3A_466 : vector<16xf32>
      %add3A_469 = arith.addf %add3A_460, %mul3A_468 : vector<16xf32>
      %get3A_470 = arith.constant 0 : i32
      %get3A_471 = arith.constant 40 : i32
      %get3A_472 = arith.index_cast %get3A_470 : i32 to index
      %get3A_473 = arith.index_cast %get3A_471 : i32 to index
      %get3A_474 = arith.constant 0 : index
      %get3A_475 = tpu.vector_load %arg6[%get3A_472, %get3A_473, %get3A_474] {strides = array<i32>} : memref<4x104x16xf32, #tpu.memory_space<vmem>>, vector<16xf32>,
      %add3A_476 = arith.addf %add3A_467, %get3A_475 : vector<16xf32>
      %mul3A_477 = arith.mulf %get3A_475, %get3A_475 : vector<16xf32>
      %add3A_478 = arith.addf %add3A_469, %mul3A_477 : vector<16xf32>
      %get3A_479 = arith.constant 0 : i32
      %get3A_480 = arith.constant 41 : i32
      %get3A_481 = arith.index_cast %get3A_479 : i32 to index
      %get3A_482 = arith.index_cast %get3A_480 : i32 to index
      %get3A_483 = arith.constant 0 : index
      %get3A_484 = tpu.vector_load %arg6[%get3A_481, %get3A_482, %get3A_483] {strides = array<i32>} : memref<4x104x16xf32, #tpu.memory_space<vmem>>, vector<16xf32>,
      %add3A_485 = arith.addf %add3A_476, %get3A_484 : vector<16xf32>
      %mul3A_486 = arith.mulf %get3A_484, %get3A_484 : vector<16xf32>
      %add3A_487 = arith.addf %add3A_478, %mul3A_486 : vector<16xf32>
      %get3A_488 = arith.constant 0 : i32
      %get3A_489 = arith.constant 42 : i32
      %get3A_490 = arith.index_cast %get3A_488 : i32 to index
      %get3A_491 = arith.index_cast %get3A_489 : i32 to index
      %get3A_492 = arith.constant 0 : index
      %get3A_493 = tpu.vector_load %arg6[%get3A_490, %get3A_491, %get3A_492] {strides = array<i32>} : memref<4x104x16xf32, #tpu.memory_space<vmem>>, vector<16xf32>,
      %add3A_494 = arith.addf %add3A_485, %get3A_493 : vector<16xf32>
      %mul3A_495 = arith.mulf %get3A_493, %get3A_493 : vector<16xf32>
      %add3A_496 = arith.addf %add3A_487, %mul3A_495 : vector<16xf32>
      %get3A_497 = arith.constant 0 : i32
      %get3A_498 = arith.constant 43 : i32
      %get3A_499 = arith.index_cast %get3A_497 : i32 to index
      %get3A_500 = arith.index_cast %get3A_498 : i32 to index
      %get3A_501 = arith.constant 0 : index
      %get3A_502 = tpu.vector_load %arg6[%get3A_499, %get3A_500, %get3A_501] {strides = array<i32>} : memref<4x104x16xf32, #tpu.memory_space<vmem>>, vector<16xf32>,
      %add3A_503 = arith.addf %add3A_494, %get3A_502 : vector<16xf32>
      %mul3A_504 = arith.mulf %get3A_502, %get3A_502 : vector<16xf32>
      %add3A_505 = arith.addf %add3A_496, %mul3A_504 : vector<16xf32>
      %get3A_506 = arith.constant 0 : i32
      %get3A_507 = arith.constant 44 : i32
      %get3A_508 = arith.index_cast %get3A_506 : i32 to index
      %get3A_509 = arith.index_cast %get3A_507 : i32 to index
      %get3A_510 = arith.constant 0 : index
      %get3A_511 = tpu.vector_load %arg6[%get3A_508, %get3A_509, %get3A_510] {strides = array<i32>} : memref<4x104x16xf32, #tpu.memory_space<vmem>>, vector<16xf32>,
      %add3A_512 = arith.addf %add3A_503, %get3A_511 : vector<16xf32>
      %mul3A_513 = arith.mulf %get3A_511, %get3A_511 : vector<16xf32>
      %add3A_514 = arith.addf %add3A_505, %mul3A_513 : vector<16xf32>
      %get3A_515 = arith.constant 0 : i32
      %get3A_516 = arith.constant 45 : i32
      %get3A_517 = arith.index_cast %get3A_515 : i32 to index
      %get3A_518 = arith.index_cast %get3A_516 : i32 to index
      %get3A_519 = arith.constant 0 : index
      %get3A_520 = tpu.vector_load %arg6[%get3A_517, %get3A_518, %get3A_519] {strides = array<i32>} : memref<4x104x16xf32, #tpu.memory_space<vmem>>, vector<16xf32>,
      %add3A_521 = arith.addf %add3A_512, %get3A_520 : vector<16xf32>
      %mul3A_522 = arith.mulf %get3A_520, %get3A_520 : vector<16xf32>
      %add3A_523 = arith.addf %add3A_514, %mul3A_522 : vector<16xf32>
      %get3A_524 = arith.constant 0 : i32
      %get3A_525 = arith.constant 46 : i32
      %get3A_526 = arith.index_cast %get3A_524 : i32 to index
      %get3A_527 = arith.index_cast %get3A_525 : i32 to index
      %get3A_528 = arith.constant 0 : index
      %get3A_529 = tpu.vector_load %arg6[%get3A_526, %get3A_527, %get3A_528] {strides = array<i32>} : memref<4x104x16xf32, #tpu.memory_space<vmem>>, vector<16xf32>,
      %add3A_530 = arith.addf %add3A_521, %get3A_529 : vector<16xf32>
      %mul3A_531 = arith.mulf %get3A_529, %get3A_529 : vector<16xf32>
      %add3A_532 = arith.addf %add3A_523, %mul3A_531 : vector<16xf32>
      %get3A_533 = arith.constant 0 : i32
      %get3A_534 = arith.constant 47 : i32
      %get3A_535 = arith.index_cast %get3A_533 : i32 to index
      %get3A_536 = arith.index_cast %get3A_534 : i32 to index
      %get3A_537 = arith.constant 0 : index
      %get3A_538 = tpu.vector_load %arg6[%get3A_535, %get3A_536, %get3A_537] {strides = array<i32>} : memref<4x104x16xf32, #tpu.memory_space<vmem>>, vector<16xf32>,
      %add3A_539 = arith.addf %add3A_530, %get3A_538 : vector<16xf32>
      %mul3A_540 = arith.mulf %get3A_538, %get3A_538 : vector<16xf32>
      %add3A_541 = arith.addf %add3A_532, %mul3A_540 : vector<16xf32>
      %get3A_542 = arith.constant 0 : i32
      %get3A_543 = arith.constant 48 : i32
      %get3A_544 = arith.index_cast %get3A_542 : i32 to index
      %get3A_545 = arith.index_cast %get3A_543 : i32 to index
      %get3A_546 = arith.constant 0 : index
      %get3A_547 = tpu.vector_load %arg6[%get3A_544, %get3A_545, %get3A_546] {strides = array<i32>} : memref<4x104x16xf32, #tpu.memory_space<vmem>>, vector<16xf32>,
      %add3A_548 = arith.addf %add3A_539, %get3A_547 : vector<16xf32>
      %mul3A_549 = arith.mulf %get3A_547, %get3A_547 : vector<16xf32>
      %add3A_550 = arith.addf %add3A_541, %mul3A_549 : vector<16xf32>
      %get3A_551 = arith.constant 0 : i32
      %get3A_552 = arith.constant 49 : i32
      %get3A_553 = arith.index_cast %get3A_551 : i32 to index
      %get3A_554 = arith.index_cast %get3A_552 : i32 to index
      %get3A_555 = arith.constant 0 : index
      %get3A_556 = tpu.vector_load %arg6[%get3A_553, %get3A_554, %get3A_555] {strides = array<i32>} : memref<4x104x16xf32, #tpu.memory_space<vmem>>, vector<16xf32>,
      %add3A_557 = arith.addf %add3A_548, %get3A_556 : vector<16xf32>
      %mul3A_558 = arith.mulf %get3A_556, %get3A_556 : vector<16xf32>
      %add3A_559 = arith.addf %add3A_550, %mul3A_558 : vector<16xf32>
      %get3A_560 = arith.constant 0 : i32
      %get3A_561 = arith.constant 50 : i32
      %get3A_562 = arith.index_cast %get3A_560 : i32 to index
      %get3A_563 = arith.index_cast %get3A_561 : i32 to index
      %get3A_564 = arith.constant 0 : index
      %get3A_565 = tpu.vector_load %arg6[%get3A_562, %get3A_563, %get3A_564] {strides = array<i32>} : memref<4x104x16xf32, #tpu.memory_space<vmem>>, vector<16xf32>,
      %add3A_566 = arith.addf %add3A_557, %get3A_565 : vector<16xf32>
      %mul3A_567 = arith.mulf %get3A_565, %get3A_565 : vector<16xf32>
      %add3A_568 = arith.addf %add3A_559, %mul3A_567 : vector<16xf32>
      %get3A_569 = arith.constant 0 : i32
      %get3A_570 = arith.constant 51 : i32
      %get3A_571 = arith.index_cast %get3A_569 : i32 to index
      %get3A_572 = arith.index_cast %get3A_570 : i32 to index
      %get3A_573 = arith.constant 0 : index
      %get3A_574 = tpu.vector_load %arg6[%get3A_571, %get3A_572, %get3A_573] {strides = array<i32>} : memref<4x104x16xf32, #tpu.memory_space<vmem>>, vector<16xf32>,
      %add3A_575 = arith.addf %add3A_566, %get3A_574 : vector<16xf32>
      %mul3A_576 = arith.mulf %get3A_574, %get3A_574 : vector<16xf32>
      %add3A_577 = arith.addf %add3A_568, %mul3A_576 : vector<16xf32>
      %mul3A_578 = arith.mulf %add3A_575, %add3A_575 : vector<16xf32>
      %sub3A_579 = arith.subf %mul3A_578, %add3A_577 : vector<16xf32>
      %mul3A_580 = arith.constant 4 : i32
      %mul3A_581 = arith.muli %add3A_92, %mul3A_580 : i32
      %add3A_582 = arith.constant 1 : i32
      %add3A_583 = arith.addi %mul3A_581, %add3A_582 : i32
      %mul3A_584 = arith.constant 16 : i32
      %mul3A_585 = arith.muli %add3A_583, %mul3A_584 : i32
      %swap3A_586 = arith.index_cast %mul3A_585 : i32 to index
      %swap3A_587 = tpu.vector_load %arg7[%swap3A_586] {strides = array<i32>} : memref<8192xf32, #tpu.memory_space<vmem>>, vector<16xf32>,
      tpu.vector_store %arg7[%swap3A_586], %sub3A_579 {strides = array<i32>} : memref<8192xf32, #tpu.memory_space<vmem>>, vector<16xf32>,
      %get3A_588 = arith.constant 0 : i32
      %get3A_589 = arith.constant 52 : i32
      %get3A_590 = arith.index_cast %get3A_588 : i32 to index
      %get3A_591 = arith.index_cast %get3A_589 : i32 to index
      %get3A_592 = arith.constant 0 : index
      %get3A_593 = tpu.vector_load %arg6[%get3A_590, %get3A_591, %get3A_592] {strides = array<i32>} : memref<4x104x16xf32, #tpu.memory_space<vmem>>, vector<16xf32>,
      %mul3A_594 = arith.mulf %get3A_593, %get3A_593 : vector<16xf32>
      %get3A_595 = arith.constant 0 : i32
      %get3A_596 = arith.constant 53 : i32
      %get3A_597 = arith.index_cast %get3A_595 : i32 to index
      %get3A_598 = arith.index_cast %get3A_596 : i32 to index
      %get3A_599 = arith.constant 0 : index
      %get3A_600 = tpu.vector_load %arg6[%get3A_597, %get3A_598, %get3A_599] {strides = array<i32>} : memref<4x104x16xf32, #tpu.memory_space<vmem>>, vector<16xf32>,
      %add3A_601 = arith.addf %get3A_593, %get3A_600 : vector<16xf32>
      %mul3A_602 = arith.mulf %get3A_600, %get3A_600 : vector<16xf32>
      %add3A_603 = arith.addf %mul3A_594, %mul3A_602 : vector<16xf32>
      %get3A_604 = arith.constant 0 : i32
      %get3A_605 = arith.constant 54 : i32
      %get3A_606 = arith.index_cast %get3A_604 : i32 to index
      %get3A_607 = arith.index_cast %get3A_605 : i32 to index
      %get3A_608 = arith.constant 0 : index
      %get3A_609 = tpu.vector_load %arg6[%get3A_606, %get3A_607, %get3A_608] {strides = array<i32>} : memref<4x104x16xf32, #tpu.memory_space<vmem>>, vector<16xf32>,
      %add3A_610 = arith.addf %add3A_601, %get3A_609 : vector<16xf32>
      %mul3A_611 = arith.mulf %get3A_609, %get3A_609 : vector<16xf32>
      %add3A_612 = arith.addf %add3A_603, %mul3A_611 : vector<16xf32>
      %get3A_613 = arith.constant 0 : i32
      %get3A_614 = arith.constant 55 : i32
      %get3A_615 = arith.index_cast %get3A_613 : i32 to index
      %get3A_616 = arith.index_cast %get3A_614 : i32 to index
      %get3A_617 = arith.constant 0 : index
      %get3A_618 = tpu.vector_load %arg6[%get3A_615, %get3A_616, %get3A_617] {strides = array<i32>} : memref<4x104x16xf32, #tpu.memory_space<vmem>>, vector<16xf32>,
      %add3A_619 = arith.addf %add3A_610, %get3A_618 : vector<16xf32>
      %mul3A_620 = arith.mulf %get3A_618, %get3A_618 : vector<16xf32>
      %add3A_621 = arith.addf %add3A_612, %mul3A_620 : vector<16xf32>
      %get3A_622 = arith.constant 0 : i32
      %get3A_623 = arith.constant 56 : i32
      %get3A_624 = arith.index_cast %get3A_622 : i32 to index
      %get3A_625 = arith.index_cast %get3A_623 : i32 to index
      %get3A_626 = arith.constant 0 : index
      %get3A_627 = tpu.vector_load %arg6[%get3A_624, %get3A_625, %get3A_626] {strides = array<i32>} : memref<4x104x16xf32, #tpu.memory_space<vmem>>, vector<16xf32>,
      %add3A_628 = arith.addf %add3A_619, %get3A_627 : vector<16xf32>
      %mul3A_629 = arith.mulf %get3A_627, %get3A_627 : vector<16xf32>
      %add3A_630 = arith.addf %add3A_621, %mul3A_629 : vector<16xf32>
      %get3A_631 = arith.constant 0 : i32
      %get3A_632 = arith.constant 57 : i32
      %get3A_633 = arith.index_cast %get3A_631 : i32 to index
      %get3A_634 = arith.index_cast %get3A_632 : i32 to index
      %get3A_635 = arith.constant 0 : index
      %get3A_636 = tpu.vector_load %arg6[%get3A_633, %get3A_634, %get3A_635] {strides = array<i32>} : memref<4x104x16xf32, #tpu.memory_space<vmem>>, vector<16xf32>,
      %add3A_637 = arith.addf %add3A_628, %get3A_636 : vector<16xf32>
      %mul3A_638 = arith.mulf %get3A_636, %get3A_636 : vector<16xf32>
      %add3A_639 = arith.addf %add3A_630, %mul3A_638 : vector<16xf32>
      %get3A_640 = arith.constant 0 : i32
      %get3A_641 = arith.constant 58 : i32
      %get3A_642 = arith.index_cast %get3A_640 : i32 to index
      %get3A_643 = arith.index_cast %get3A_641 : i32 to index
      %get3A_644 = arith.constant 0 : index
      %get3A_645 = tpu.vector_load %arg6[%get3A_642, %get3A_643, %get3A_644] {strides = array<i32>} : memref<4x104x16xf32, #tpu.memory_space<vmem>>, vector<16xf32>,
      %add3A_646 = arith.addf %add3A_637, %get3A_645 : vector<16xf32>
      %mul3A_647 = arith.mulf %get3A_645, %get3A_645 : vector<16xf32>
      %add3A_648 = arith.addf %add3A_639, %mul3A_647 : vector<16xf32>
      %get3A_649 = arith.constant 0 : i32
      %get3A_650 = arith.constant 59 : i32
      %get3A_651 = arith.index_cast %get3A_649 : i32 to index
      %get3A_652 = arith.index_cast %get3A_650 : i32 to index
      %get3A_653 = arith.constant 0 : index
      %get3A_654 = tpu.vector_load %arg6[%get3A_651, %get3A_652, %get3A_653] {strides = array<i32>} : memref<4x104x16xf32, #tpu.memory_space<vmem>>, vector<16xf32>,
      %add3A_655 = arith.addf %add3A_646, %get3A_654 : vector<16xf32>
      %mul3A_656 = arith.mulf %get3A_654, %get3A_654 : vector<16xf32>
      %add3A_657 = arith.addf %add3A_648, %mul3A_656 : vector<16xf32>
      %get3A_658 = arith.constant 0 : i32
      %get3A_659 = arith.constant 60 : i32
      %get3A_660 = arith.index_cast %get3A_658 : i32 to index
      %get3A_661 = arith.index_cast %get3A_659 : i32 to index
      %get3A_662 = arith.constant 0 : index
      %get3A_663 = tpu.vector_load %arg6[%get3A_660, %get3A_661, %get3A_662] {strides = array<i32>} : memref<4x104x16xf32, #tpu.memory_space<vmem>>, vector<16xf32>,
      %add3A_664 = arith.addf %add3A_655, %get3A_663 : vector<16xf32>
      %mul3A_665 = arith.mulf %get3A_663, %get3A_663 : vector<16xf32>
      %add3A_666 = arith.addf %add3A_657, %mul3A_665 : vector<16xf32>
      %get3A_667 = arith.constant 0 : i32
      %get3A_668 = arith.constant 61 : i32
      %get3A_669 = arith.index_cast %get3A_667 : i32 to index
      %get3A_670 = arith.index_cast %get3A_668 : i32 to index
      %get3A_671 = arith.constant 0 : index
      %get3A_672 = tpu.vector_load %arg6[%get3A_669, %get3A_670, %get3A_671] {strides = array<i32>} : memref<4x104x16xf32, #tpu.memory_space<vmem>>, vector<16xf32>,
      %add3A_673 = arith.addf %add3A_664, %get3A_672 : vector<16xf32>
      %mul3A_674 = arith.mulf %get3A_672, %get3A_672 : vector<16xf32>
      %add3A_675 = arith.addf %add3A_666, %mul3A_674 : vector<16xf32>
      %get3A_676 = arith.constant 0 : i32
      %get3A_677 = arith.constant 62 : i32
      %get3A_678 = arith.index_cast %get3A_676 : i32 to index
      %get3A_679 = arith.index_cast %get3A_677 : i32 to index
      %get3A_680 = arith.constant 0 : index
      %get3A_681 = tpu.vector_load %arg6[%get3A_678, %get3A_679, %get3A_680] {strides = array<i32>} : memref<4x104x16xf32, #tpu.memory_space<vmem>>, vector<16xf32>,
      %add3A_682 = arith.addf %add3A_673, %get3A_681 : vector<16xf32>
      %mul3A_683 = arith.mulf %get3A_681, %get3A_681 : vector<16xf32>
      %add3A_684 = arith.addf %add3A_675, %mul3A_683 : vector<16xf32>
      %get3A_685 = arith.constant 0 : i32
      %get3A_686 = arith.constant 63 : i32
      %get3A_687 = arith.index_cast %get3A_685 : i32 to index
      %get3A_688 = arith.index_cast %get3A_686 : i32 to index
      %get3A_689 = arith.constant 0 : index
      %get3A_690 = tpu.vector_load %arg6[%get3A_687, %get3A_688, %get3A_689] {strides = array<i32>} : memref<4x104x16xf32, #tpu.memory_space<vmem>>, vector<16xf32>,
      %add3A_691 = arith.addf %add3A_682, %get3A_690 : vector<16xf32>
      %mul3A_692 = arith.mulf %get3A_690, %get3A_690 : vector<16xf32>
      %add3A_693 = arith.addf %add3A_684, %mul3A_692 : vector<16xf32>
      %get3A_694 = arith.constant 0 : i32
      %get3A_695 = arith.constant 64 : i32
      %get3A_696 = arith.index_cast %get3A_694 : i32 to index
      %get3A_697 = arith.index_cast %get3A_695 : i32 to index
      %get3A_698 = arith.constant 0 : index
      %get3A_699 = tpu.vector_load %arg6[%get3A_696, %get3A_697, %get3A_698] {strides = array<i32>} : memref<4x104x16xf32, #tpu.memory_space<vmem>>, vector<16xf32>,
      %add3A_700 = arith.addf %add3A_691, %get3A_699 : vector<16xf32>
      %mul3A_701 = arith.mulf %get3A_699, %get3A_699 : vector<16xf32>
      %add3A_702 = arith.addf %add3A_693, %mul3A_701 : vector<16xf32>
      %get3A_703 = arith.constant 0 : i32
      %get3A_704 = arith.constant 65 : i32
      %get3A_705 = arith.index_cast %get3A_703 : i32 to index
      %get3A_706 = arith.index_cast %get3A_704 : i32 to index
      %get3A_707 = arith.constant 0 : index
      %get3A_708 = tpu.vector_load %arg6[%get3A_705, %get3A_706, %get3A_707] {strides = array<i32>} : memref<4x104x16xf32, #tpu.memory_space<vmem>>, vector<16xf32>,
      %add3A_709 = arith.addf %add3A_700, %get3A_708 : vector<16xf32>
      %mul3A_710 = arith.mulf %get3A_708, %get3A_708 : vector<16xf32>
      %add3A_711 = arith.addf %add3A_702, %mul3A_710 : vector<16xf32>
      %get3A_712 = arith.constant 0 : i32
      %get3A_713 = arith.constant 66 : i32
      %get3A_714 = arith.index_cast %get3A_712 : i32 to index
      %get3A_715 = arith.index_cast %get3A_713 : i32 to index
      %get3A_716 = arith.constant 0 : index
      %get3A_717 = tpu.vector_load %arg6[%get3A_714, %get3A_715, %get3A_716] {strides = array<i32>} : memref<4x104x16xf32, #tpu.memory_space<vmem>>, vector<16xf32>,
      %add3A_718 = arith.addf %add3A_709, %get3A_717 : vector<16xf32>
      %mul3A_719 = arith.mulf %get3A_717, %get3A_717 : vector<16xf32>
      %add3A_720 = arith.addf %add3A_711, %mul3A_719 : vector<16xf32>
      %get3A_721 = arith.constant 0 : i32
      %get3A_722 = arith.constant 67 : i32
      %get3A_723 = arith.index_cast %get3A_721 : i32 to index
      %get3A_724 = arith.index_cast %get3A_722 : i32 to index
      %get3A_725 = arith.constant 0 : index
      %get3A_726 = tpu.vector_load %arg6[%get3A_723, %get3A_724, %get3A_725] {strides = array<i32>} : memref<4x104x16xf32, #tpu.memory_space<vmem>>, vector<16xf32>,
      %add3A_727 = arith.addf %add3A_718, %get3A_726 : vector<16xf32>
      %mul3A_728 = arith.mulf %get3A_726, %get3A_726 : vector<16xf32>
      %add3A_729 = arith.addf %add3A_720, %mul3A_728 : vector<16xf32>
      %get3A_730 = arith.constant 0 : i32
      %get3A_731 = arith.constant 68 : i32
      %get3A_732 = arith.index_cast %get3A_730 : i32 to index
      %get3A_733 = arith.index_cast %get3A_731 : i32 to index
      %get3A_734 = arith.constant 0 : index
      %get3A_735 = tpu.vector_load %arg6[%get3A_732, %get3A_733, %get3A_734] {strides = array<i32>} : memref<4x104x16xf32, #tpu.memory_space<vmem>>, vector<16xf32>,
      %add3A_736 = arith.addf %add3A_727, %get3A_735 : vector<16xf32>
      %mul3A_737 = arith.mulf %get3A_735, %get3A_735 : vector<16xf32>
      %add3A_738 = arith.addf %add3A_729, %mul3A_737 : vector<16xf32>
      %get3A_739 = arith.constant 0 : i32
      %get3A_740 = arith.constant 69 : i32
      %get3A_741 = arith.index_cast %get3A_739 : i32 to index
      %get3A_742 = arith.index_cast %get3A_740 : i32 to index
      %get3A_743 = arith.constant 0 : index
      %get3A_744 = tpu.vector_load %arg6[%get3A_741, %get3A_742, %get3A_743] {strides = array<i32>} : memref<4x104x16xf32, #tpu.memory_space<vmem>>, vector<16xf32>,
      %add3A_745 = arith.addf %add3A_736, %get3A_744 : vector<16xf32>
      %mul3A_746 = arith.mulf %get3A_744, %get3A_744 : vector<16xf32>
      %add3A_747 = arith.addf %add3A_738, %mul3A_746 : vector<16xf32>
      %get3A_748 = arith.constant 0 : i32
      %get3A_749 = arith.constant 70 : i32
      %get3A_750 = arith.index_cast %get3A_748 : i32 to index
      %get3A_751 = arith.index_cast %get3A_749 : i32 to index
      %get3A_752 = arith.constant 0 : index
      %get3A_753 = tpu.vector_load %arg6[%get3A_750, %get3A_751, %get3A_752] {strides = array<i32>} : memref<4x104x16xf32, #tpu.memory_space<vmem>>, vector<16xf32>,
      %add3A_754 = arith.addf %add3A_745, %get3A_753 : vector<16xf32>
      %mul3A_755 = arith.mulf %get3A_753, %get3A_753 : vector<16xf32>
      %add3A_756 = arith.addf %add3A_747, %mul3A_755 : vector<16xf32>
      %get3A_757 = arith.constant 0 : i32
      %get3A_758 = arith.constant 71 : i32
      %get3A_759 = arith.index_cast %get3A_757 : i32 to index
      %get3A_760 = arith.index_cast %get3A_758 : i32 to index
      %get3A_761 = arith.constant 0 : index
      %get3A_762 = tpu.vector_load %arg6[%get3A_759, %get3A_760, %get3A_761] {strides = array<i32>} : memref<4x104x16xf32, #tpu.memory_space<vmem>>, vector<16xf32>,
      %add3A_763 = arith.addf %add3A_754, %get3A_762 : vector<16xf32>
      %mul3A_764 = arith.mulf %get3A_762, %get3A_762 : vector<16xf32>
      %add3A_765 = arith.addf %add3A_756, %mul3A_764 : vector<16xf32>
      %get3A_766 = arith.constant 0 : i32
      %get3A_767 = arith.constant 72 : i32
      %get3A_768 = arith.index_cast %get3A_766 : i32 to index
      %get3A_769 = arith.index_cast %get3A_767 : i32 to index
      %get3A_770 = arith.constant 0 : index
      %get3A_771 = tpu.vector_load %arg6[%get3A_768, %get3A_769, %get3A_770] {strides = array<i32>} : memref<4x104x16xf32, #tpu.memory_space<vmem>>, vector<16xf32>,
      %add3A_772 = arith.addf %add3A_763, %get3A_771 : vector<16xf32>
      %mul3A_773 = arith.mulf %get3A_771, %get3A_771 : vector<16xf32>
      %add3A_774 = arith.addf %add3A_765, %mul3A_773 : vector<16xf32>
      %get3A_775 = arith.constant 0 : i32
      %get3A_776 = arith.constant 73 : i32
      %get3A_777 = arith.index_cast %get3A_775 : i32 to index
      %get3A_778 = arith.index_cast %get3A_776 : i32 to index
      %get3A_779 = arith.constant 0 : index
      %get3A_780 = tpu.vector_load %arg6[%get3A_777, %get3A_778, %get3A_779] {strides = array<i32>} : memref<4x104x16xf32, #tpu.memory_space<vmem>>, vector<16xf32>,
      %add3A_781 = arith.addf %add3A_772, %get3A_780 : vector<16xf32>
      %mul3A_782 = arith.mulf %get3A_780, %get3A_780 : vector<16xf32>
      %add3A_783 = arith.addf %add3A_774, %mul3A_782 : vector<16xf32>
      %get3A_784 = arith.constant 0 : i32
      %get3A_785 = arith.constant 74 : i32
      %get3A_786 = arith.index_cast %get3A_784 : i32 to index
      %get3A_787 = arith.index_cast %get3A_785 : i32 to index
      %get3A_788 = arith.constant 0 : index
      %get3A_789 = tpu.vector_load %arg6[%get3A_786, %get3A_787, %get3A_788] {strides = array<i32>} : memref<4x104x16xf32, #tpu.memory_space<vmem>>, vector<16xf32>,
      %add3A_790 = arith.addf %add3A_781, %get3A_789 : vector<16xf32>
      %mul3A_791 = arith.mulf %get3A_789, %get3A_789 : vector<16xf32>
      %add3A_792 = arith.addf %add3A_783, %mul3A_791 : vector<16xf32>
      %get3A_793 = arith.constant 0 : i32
      %get3A_794 = arith.constant 75 : i32
      %get3A_795 = arith.index_cast %get3A_793 : i32 to index
      %get3A_796 = arith.index_cast %get3A_794 : i32 to index
      %get3A_797 = arith.constant 0 : index
      %get3A_798 = tpu.vector_load %arg6[%get3A_795, %get3A_796, %get3A_797] {strides = array<i32>} : memref<4x104x16xf32, #tpu.memory_space<vmem>>, vector<16xf32>,
      %add3A_799 = arith.addf %add3A_790, %get3A_798 : vector<16xf32>
      %mul3A_800 = arith.mulf %get3A_798, %get3A_798 : vector<16xf32>
      %add3A_801 = arith.addf %add3A_792, %mul3A_800 : vector<16xf32>
      %get3A_802 = arith.constant 0 : i32
      %get3A_803 = arith.constant 76 : i32
      %get3A_804 = arith.index_cast %get3A_802 : i32 to index
      %get3A_805 = arith.index_cast %get3A_803 : i32 to index
      %get3A_806 = arith.constant 0 : index
      %get3A_807 = tpu.vector_load %arg6[%get3A_804, %get3A_805, %get3A_806] {strides = array<i32>} : memref<4x104x16xf32, #tpu.memory_space<vmem>>, vector<16xf32>,
      %add3A_808 = arith.addf %add3A_799, %get3A_807 : vector<16xf32>
      %mul3A_809 = arith.mulf %get3A_807, %get3A_807 : vector<16xf32>
      %add3A_810 = arith.addf %add3A_801, %mul3A_809 : vector<16xf32>
      %get3A_811 = arith.constant 0 : i32
      %get3A_812 = arith.constant 77 : i32
      %get3A_813 = arith.index_cast %get3A_811 : i32 to index
      %get3A_814 = arith.index_cast %get3A_812 : i32 to index
      %get3A_815 = arith.constant 0 : index
      %get3A_816 = tpu.vector_load %arg6[%get3A_813, %get3A_814, %get3A_815] {strides = array<i32>} : memref<4x104x16xf32, #tpu.memory_space<vmem>>, vector<16xf32>,
      %add3A_817 = arith.addf %add3A_808, %get3A_816 : vector<16xf32>
      %mul3A_818 = arith.mulf %get3A_816, %get3A_816 : vector<16xf32>
      %add3A_819 = arith.addf %add3A_810, %mul3A_818 : vector<16xf32>
      %mul3A_820 = arith.mulf %add3A_817, %add3A_817 : vector<16xf32>
      %sub3A_821 = arith.subf %mul3A_820, %add3A_819 : vector<16xf32>
      %mul3A_822 = arith.constant 4 : i32
      %mul3A_823 = arith.muli %add3A_92, %mul3A_822 : i32
      %add3A_824 = arith.constant 2 : i32
      %add3A_825 = arith.addi %mul3A_823, %add3A_824 : i32
      %mul3A_826 = arith.constant 16 : i32
      %mul3A_827 = arith.muli %add3A_825, %mul3A_826 : i32
      %swap3A_828 = arith.index_cast %mul3A_827 : i32 to index
      %swap3A_829 = tpu.vector_load %arg7[%swap3A_828] {strides = array<i32>} : memref<8192xf32, #tpu.memory_space<vmem>>, vector<16xf32>,
      tpu.vector_store %arg7[%swap3A_828], %sub3A_821 {strides = array<i32>} : memref<8192xf32, #tpu.memory_space<vmem>>, vector<16xf32>,
      %get3A_830 = arith.constant 0 : i32
      %get3A_831 = arith.constant 78 : i32
      %get3A_832 = arith.index_cast %get3A_830 : i32 to index
      %get3A_833 = arith.index_cast %get3A_831 : i32 to index
      %get3A_834 = arith.constant 0 : index
      %get3A_835 = tpu.vector_load %arg6[%get3A_832, %get3A_833, %get3A_834] {strides = array<i32>} : memref<4x104x16xf32, #tpu.memory_space<vmem>>, vector<16xf32>,
      %mul3A_836 = arith.mulf %get3A_835, %get3A_835 : vector<16xf32>
      %get3A_837 = arith.constant 0 : i32
      %get3A_838 = arith.constant 79 : i32
      %get3A_839 = arith.index_cast %get3A_837 : i32 to index
      %get3A_840 = arith.index_cast %get3A_838 : i32 to index
      %get3A_841 = arith.constant 0 : index
      %get3A_842 = tpu.vector_load %arg6[%get3A_839, %get3A_840, %get3A_841] {strides = array<i32>} : memref<4x104x16xf32, #tpu.memory_space<vmem>>, vector<16xf32>,
      %add3A_843 = arith.addf %get3A_835, %get3A_842 : vector<16xf32>
      %mul3A_844 = arith.mulf %get3A_842, %get3A_842 : vector<16xf32>
      %add3A_845 = arith.addf %mul3A_836, %mul3A_844 : vector<16xf32>
      %get3A_846 = arith.constant 0 : i32
      %get3A_847 = arith.constant 80 : i32
      %get3A_848 = arith.index_cast %get3A_846 : i32 to index
      %get3A_849 = arith.index_cast %get3A_847 : i32 to index
      %get3A_850 = arith.constant 0 : index
      %get3A_851 = tpu.vector_load %arg6[%get3A_848, %get3A_849, %get3A_850] {strides = array<i32>} : memref<4x104x16xf32, #tpu.memory_space<vmem>>, vector<16xf32>,
      %add3A_852 = arith.addf %add3A_843, %get3A_851 : vector<16xf32>
      %mul3A_853 = arith.mulf %get3A_851, %get3A_851 : vector<16xf32>
      %add3A_854 = arith.addf %add3A_845, %mul3A_853 : vector<16xf32>
      %get3A_855 = arith.constant 0 : i32
      %get3A_856 = arith.constant 81 : i32
      %get3A_857 = arith.index_cast %get3A_855 : i32 to index
      %get3A_858 = arith.index_cast %get3A_856 : i32 to index
      %get3A_859 = arith.constant 0 : index
      %get3A_860 = tpu.vector_load %arg6[%get3A_857, %get3A_858, %get3A_859] {strides = array<i32>} : memref<4x104x16xf32, #tpu.memory_space<vmem>>, vector<16xf32>,
      %add3A_861 = arith.addf %add3A_852, %get3A_860 : vector<16xf32>
      %mul3A_862 = arith.mulf %get3A_860, %get3A_860 : vector<16xf32>
      %add3A_863 = arith.addf %add3A_854, %mul3A_862 : vector<16xf32>
      %get3A_864 = arith.constant 0 : i32
      %get3A_865 = arith.constant 82 : i32
      %get3A_866 = arith.index_cast %get3A_864 : i32 to index
      %get3A_867 = arith.index_cast %get3A_865 : i32 to index
      %get3A_868 = arith.constant 0 : index
      %get3A_869 = tpu.vector_load %arg6[%get3A_866, %get3A_867, %get3A_868] {strides = array<i32>} : memref<4x104x16xf32, #tpu.memory_space<vmem>>, vector<16xf32>,
      %add3A_870 = arith.addf %add3A_861, %get3A_869 : vector<16xf32>
      %mul3A_871 = arith.mulf %get3A_869, %get3A_869 : vector<16xf32>
      %add3A_872 = arith.addf %add3A_863, %mul3A_871 : vector<16xf32>
      %get3A_873 = arith.constant 0 : i32
      %get3A_874 = arith.constant 83 : i32
      %get3A_875 = arith.index_cast %get3A_873 : i32 to index
      %get3A_876 = arith.index_cast %get3A_874 : i32 to index
      %get3A_877 = arith.constant 0 : index
      %get3A_878 = tpu.vector_load %arg6[%get3A_875, %get3A_876, %get3A_877] {strides = array<i32>} : memref<4x104x16xf32, #tpu.memory_space<vmem>>, vector<16xf32>,
      %add3A_879 = arith.addf %add3A_870, %get3A_878 : vector<16xf32>
      %mul3A_880 = arith.mulf %get3A_878, %get3A_878 : vector<16xf32>
      %add3A_881 = arith.addf %add3A_872, %mul3A_880 : vector<16xf32>
      %get3A_882 = arith.constant 0 : i32
      %get3A_883 = arith.constant 84 : i32
      %get3A_884 = arith.index_cast %get3A_882 : i32 to index
      %get3A_885 = arith.index_cast %get3A_883 : i32 to index
      %get3A_886 = arith.constant 0 : index
      %get3A_887 = tpu.vector_load %arg6[%get3A_884, %get3A_885, %get3A_886] {strides = array<i32>} : memref<4x104x16xf32, #tpu.memory_space<vmem>>, vector<16xf32>,
      %add3A_888 = arith.addf %add3A_879, %get3A_887 : vector<16xf32>
      %mul3A_889 = arith.mulf %get3A_887, %get3A_887 : vector<16xf32>
      %add3A_890 = arith.addf %add3A_881, %mul3A_889 : vector<16xf32>
      %get3A_891 = arith.constant 0 : i32
      %get3A_892 = arith.constant 85 : i32
      %get3A_893 = arith.index_cast %get3A_891 : i32 to index
      %get3A_894 = arith.index_cast %get3A_892 : i32 to index
      %get3A_895 = arith.constant 0 : index
      %get3A_896 = tpu.vector_load %arg6[%get3A_893, %get3A_894, %get3A_895] {strides = array<i32>} : memref<4x104x16xf32, #tpu.memory_space<vmem>>, vector<16xf32>,
      %add3A_897 = arith.addf %add3A_888, %get3A_896 : vector<16xf32>
      %mul3A_898 = arith.mulf %get3A_896, %get3A_896 : vector<16xf32>
      %add3A_899 = arith.addf %add3A_890, %mul3A_898 : vector<16xf32>
      %get3A_900 = arith.constant 0 : i32
      %get3A_901 = arith.constant 86 : i32
      %get3A_902 = arith.index_cast %get3A_900 : i32 to index
      %get3A_903 = arith.index_cast %get3A_901 : i32 to index
      %get3A_904 = arith.constant 0 : index
      %get3A_905 = tpu.vector_load %arg6[%get3A_902, %get3A_903, %get3A_904] {strides = array<i32>} : memref<4x104x16xf32, #tpu.memory_space<vmem>>, vector<16xf32>,
      %add3A_906 = arith.addf %add3A_897, %get3A_905 : vector<16xf32>
      %mul3A_907 = arith.mulf %get3A_905, %get3A_905 : vector<16xf32>
      %add3A_908 = arith.addf %add3A_899, %mul3A_907 : vector<16xf32>
      %get3A_909 = arith.constant 0 : i32
      %get3A_910 = arith.constant 87 : i32
      %get3A_911 = arith.index_cast %get3A_909 : i32 to index
      %get3A_912 = arith.index_cast %get3A_910 : i32 to index
      %get3A_913 = arith.constant 0 : index
      %get3A_914 = tpu.vector_load %arg6[%get3A_911, %get3A_912, %get3A_913] {strides = array<i32>} : memref<4x104x16xf32, #tpu.memory_space<vmem>>, vector<16xf32>,
      %add3A_915 = arith.addf %add3A_906, %get3A_914 : vector<16xf32>
      %mul3A_916 = arith.mulf %get3A_914, %get3A_914 : vector<16xf32>
      %add3A_917 = arith.addf %add3A_908, %mul3A_916 : vector<16xf32>
      %get3A_918 = arith.constant 0 : i32
      %get3A_919 = arith.constant 88 : i32
      %get3A_920 = arith.index_cast %get3A_918 : i32 to index
      %get3A_921 = arith.index_cast %get3A_919 : i32 to index
      %get3A_922 = arith.constant 0 : index
      %get3A_923 = tpu.vector_load %arg6[%get3A_920, %get3A_921, %get3A_922] {strides = array<i32>} : memref<4x104x16xf32, #tpu.memory_space<vmem>>, vector<16xf32>,
      %add3A_924 = arith.addf %add3A_915, %get3A_923 : vector<16xf32>
      %mul3A_925 = arith.mulf %get3A_923, %get3A_923 : vector<16xf32>
      %add3A_926 = arith.addf %add3A_917, %mul3A_925 : vector<16xf32>
      %get3A_927 = arith.constant 0 : i32
      %get3A_928 = arith.constant 89 : i32
      %get3A_929 = arith.index_cast %get3A_927 : i32 to index
      %get3A_930 = arith.index_cast %get3A_928 : i32 to index
      %get3A_931 = arith.constant 0 : index
      %get3A_932 = tpu.vector_load %arg6[%get3A_929, %get3A_930, %get3A_931] {strides = array<i32>} : memref<4x104x16xf32, #tpu.memory_space<vmem>>, vector<16xf32>,
      %add3A_933 = arith.addf %add3A_924, %get3A_932 : vector<16xf32>
      %mul3A_934 = arith.mulf %get3A_932, %get3A_932 : vector<16xf32>
      %add3A_935 = arith.addf %add3A_926, %mul3A_934 : vector<16xf32>
      %get3A_936 = arith.constant 0 : i32
      %get3A_937 = arith.constant 90 : i32
      %get3A_938 = arith.index_cast %get3A_936 : i32 to index
      %get3A_939 = arith.index_cast %get3A_937 : i32 to index
      %get3A_940 = arith.constant 0 : index
      %get3A_941 = tpu.vector_load %arg6[%get3A_938, %get3A_939, %get3A_940] {strides = array<i32>} : memref<4x104x16xf32, #tpu.memory_space<vmem>>, vector<16xf32>,
      %add3A_942 = arith.addf %add3A_933, %get3A_941 : vector<16xf32>
      %mul3A_943 = arith.mulf %get3A_941, %get3A_941 : vector<16xf32>
      %add3A_944 = arith.addf %add3A_935, %mul3A_943 : vector<16xf32>
      %get3A_945 = arith.constant 0 : i32
      %get3A_946 = arith.constant 91 : i32
      %get3A_947 = arith.index_cast %get3A_945 : i32 to index
      %get3A_948 = arith.index_cast %get3A_946 : i32 to index
      %get3A_949 = arith.constant 0 : index
      %get3A_950 = tpu.vector_load %arg6[%get3A_947, %get3A_948, %get3A_949] {strides = array<i32>} : memref<4x104x16xf32, #tpu.memory_space<vmem>>, vector<16xf32>,
      %add3A_951 = arith.addf %add3A_942, %get3A_950 : vector<16xf32>
      %mul3A_952 = arith.mulf %get3A_950, %get3A_950 : vector<16xf32>
      %add3A_953 = arith.addf %add3A_944, %mul3A_952 : vector<16xf32>
      %get3A_954 = arith.constant 0 : i32
      %get3A_955 = arith.constant 92 : i32
      %get3A_956 = arith.index_cast %get3A_954 : i32 to index
      %get3A_957 = arith.index_cast %get3A_955 : i32 to index
      %get3A_958 = arith.constant 0 : index
      %get3A_959 = tpu.vector_load %arg6[%get3A_956, %get3A_957, %get3A_958] {strides = array<i32>} : memref<4x104x16xf32, #tpu.memory_space<vmem>>, vector<16xf32>,
      %add3A_960 = arith.addf %add3A_951, %get3A_959 : vector<16xf32>
      %mul3A_961 = arith.mulf %get3A_959, %get3A_959 : vector<16xf32>
      %add3A_962 = arith.addf %add3A_953, %mul3A_961 : vector<16xf32>
      %get3A_963 = arith.constant 0 : i32
      %get3A_964 = arith.constant 93 : i32
      %get3A_965 = arith.index_cast %get3A_963 : i32 to index
      %get3A_966 = arith.index_cast %get3A_964 : i32 to index
      %get3A_967 = arith.constant 0 : index
      %get3A_968 = tpu.vector_load %arg6[%get3A_965, %get3A_966, %get3A_967] {strides = array<i32>} : memref<4x104x16xf32, #tpu.memory_space<vmem>>, vector<16xf32>,
      %add3A_969 = arith.addf %add3A_960, %get3A_968 : vector<16xf32>
      %mul3A_970 = arith.mulf %get3A_968, %get3A_968 : vector<16xf32>
      %add3A_971 = arith.addf %add3A_962, %mul3A_970 : vector<16xf32>
      %get3A_972 = arith.constant 0 : i32
      %get3A_973 = arith.constant 94 : i32
      %get3A_974 = arith.index_cast %get3A_972 : i32 to index
      %get3A_975 = arith.index_cast %get3A_973 : i32 to index
      %get3A_976 = arith.constant 0 : index
      %get3A_977 = tpu.vector_load %arg6[%get3A_974, %get3A_975, %get3A_976] {strides = array<i32>} : memref<4x104x16xf32, #tpu.memory_space<vmem>>, vector<16xf32>,
      %add3A_978 = arith.addf %add3A_969, %get3A_977 : vector<16xf32>
      %mul3A_979 = arith.mulf %get3A_977, %get3A_977 : vector<16xf32>
      %add3A_980 = arith.addf %add3A_971, %mul3A_979 : vector<16xf32>
      %get3A_981 = arith.constant 0 : i32
      %get3A_982 = arith.constant 95 : i32
      %get3A_983 = arith.index_cast %get3A_981 : i32 to index
      %get3A_984 = arith.index_cast %get3A_982 : i32 to index
      %get3A_985 = arith.constant 0 : index
      %get3A_986 = tpu.vector_load %arg6[%get3A_983, %get3A_984, %get3A_985] {strides = array<i32>} : memref<4x104x16xf32, #tpu.memory_space<vmem>>, vector<16xf32>,
      %add3A_987 = arith.addf %add3A_978, %get3A_986 : vector<16xf32>
      %mul3A_988 = arith.mulf %get3A_986, %get3A_986 : vector<16xf32>
      %add3A_989 = arith.addf %add3A_980, %mul3A_988 : vector<16xf32>
      %get3A_990 = arith.constant 0 : i32
      %get3A_991 = arith.constant 96 : i32
      %get3A_992 = arith.index_cast %get3A_990 : i32 to index
      %get3A_993 = arith.index_cast %get3A_991 : i32 to index
      %get3A_994 = arith.constant 0 : index
      %get3A_995 = tpu.vector_load %arg6[%get3A_992, %get3A_993, %get3A_994] {strides = array<i32>} : memref<4x104x16xf32, #tpu.memory_space<vmem>>, vector<16xf32>,
      %add3A_996 = arith.addf %add3A_987, %get3A_995 : vector<16xf32>
      %mul3A_997 = arith.mulf %get3A_995, %get3A_995 : vector<16xf32>
      %add3A_998 = arith.addf %add3A_989, %mul3A_997 : vector<16xf32>
      %get3A_999 = arith.constant 0 : i32
      %get3A_1000 = arith.constant 97 : i32
      %get3A_1001 = arith.index_cast %get3A_999 : i32 to index
      %get3A_1002 = arith.index_cast %get3A_1000 : i32 to index
      %get3A_1003 = arith.constant 0 : index
      %get3A_1004 = tpu.vector_load %arg6[%get3A_1001, %get3A_1002, %get3A_1003] {strides = array<i32>} : memref<4x104x16xf32, #tpu.memory_space<vmem>>, vector<16xf32>,
      %add3A_1005 = arith.addf %add3A_996, %get3A_1004 : vector<16xf32>
      %mul3A_1006 = arith.mulf %get3A_1004, %get3A_1004 : vector<16xf32>
      %add3A_1007 = arith.addf %add3A_998, %mul3A_1006 : vector<16xf32>
      %get3A_1008 = arith.constant 0 : i32
      %get3A_1009 = arith.constant 98 : i32
      %get3A_1010 = arith.index_cast %get3A_1008 : i32 to index
      %get3A_1011 = arith.index_cast %get3A_1009 : i32 to index
      %get3A_1012 = arith.constant 0 : index
      %get3A_1013 = tpu.vector_load %arg6[%get3A_1010, %get3A_1011, %get3A_1012] {strides = array<i32>} : memref<4x104x16xf32, #tpu.memory_space<vmem>>, vector<16xf32>,
      %add3A_1014 = arith.addf %add3A_1005, %get3A_1013 : vector<16xf32>
      %mul3A_1015 = arith.mulf %get3A_1013, %get3A_1013 : vector<16xf32>
      %add3A_1016 = arith.addf %add3A_1007, %mul3A_1015 : vector<16xf32>
      %get3A_1017 = arith.constant 0 : i32
      %get3A_1018 = arith.constant 99 : i32
      %get3A_1019 = arith.index_cast %get3A_1017 : i32 to index
      %get3A_1020 = arith.index_cast %get3A_1018 : i32 to index
      %get3A_1021 = arith.constant 0 : index
      %get3A_1022 = tpu.vector_load %arg6[%get3A_1019, %get3A_1020, %get3A_1021] {strides = array<i32>} : memref<4x104x16xf32, #tpu.memory_space<vmem>>, vector<16xf32>,
      %add3A_1023 = arith.addf %add3A_1014, %get3A_1022 : vector<16xf32>
      %mul3A_1024 = arith.mulf %get3A_1022, %get3A_1022 : vector<16xf32>
      %add3A_1025 = arith.addf %add3A_1016, %mul3A_1024 : vector<16xf32>
      %get3A_1026 = arith.constant 0 : i32
      %get3A_1027 = arith.constant 100 : i32
      %get3A_1028 = arith.index_cast %get3A_1026 : i32 to index
      %get3A_1029 = arith.index_cast %get3A_1027 : i32 to index
      %get3A_1030 = arith.constant 0 : index
      %get3A_1031 = tpu.vector_load %arg6[%get3A_1028, %get3A_1029, %get3A_1030] {strides = array<i32>} : memref<4x104x16xf32, #tpu.memory_space<vmem>>, vector<16xf32>,
      %add3A_1032 = arith.addf %add3A_1023, %get3A_1031 : vector<16xf32>
      %mul3A_1033 = arith.mulf %get3A_1031, %get3A_1031 : vector<16xf32>
      %add3A_1034 = arith.addf %add3A_1025, %mul3A_1033 : vector<16xf32>
      %get3A_1035 = arith.constant 0 : i32
      %get3A_1036 = arith.constant 101 : i32
      %get3A_1037 = arith.index_cast %get3A_1035 : i32 to index
      %get3A_1038 = arith.index_cast %get3A_1036 : i32 to index
      %get3A_1039 = arith.constant 0 : index
      %get3A_1040 = tpu.vector_load %arg6[%get3A_1037, %get3A_1038, %get3A_1039] {strides = array<i32>} : memref<4x104x16xf32, #tpu.memory_space<vmem>>, vector<16xf32>,
      %add3A_1041 = arith.addf %add3A_1032, %get3A_1040 : vector<16xf32>
      %mul3A_1042 = arith.mulf %get3A_1040, %get3A_1040 : vector<16xf32>
      %add3A_1043 = arith.addf %add3A_1034, %mul3A_1042 : vector<16xf32>
      %get3A_1044 = arith.constant 0 : i32
      %get3A_1045 = arith.constant 102 : i32
      %get3A_1046 = arith.index_cast %get3A_1044 : i32 to index
      %get3A_1047 = arith.index_cast %get3A_1045 : i32 to index
      %get3A_1048 = arith.constant 0 : index
      %get3A_1049 = tpu.vector_load %arg6[%get3A_1046, %get3A_1047, %get3A_1048] {strides = array<i32>} : memref<4x104x16xf32, #tpu.memory_space<vmem>>, vector<16xf32>,
      %add3A_1050 = arith.addf %add3A_1041, %get3A_1049 : vector<16xf32>
      %mul3A_1051 = arith.mulf %get3A_1049, %get3A_1049 : vector<16xf32>
      %add3A_1052 = arith.addf %add3A_1043, %mul3A_1051 : vector<16xf32>
      %get3A_1053 = arith.constant 0 : i32
      %get3A_1054 = arith.constant 103 : i32
      %get3A_1055 = arith.index_cast %get3A_1053 : i32 to index
      %get3A_1056 = arith.index_cast %get3A_1054 : i32 to index
      %get3A_1057 = arith.constant 0 : index
      %get3A_1058 = tpu.vector_load %arg6[%get3A_1055, %get3A_1056, %get3A_1057] {strides = array<i32>} : memref<4x104x16xf32, #tpu.memory_space<vmem>>, vector<16xf32>,
      %add3A_1059 = arith.addf %add3A_1050, %get3A_1058 : vector<16xf32>
      %mul3A_1060 = arith.mulf %get3A_1058, %get3A_1058 : vector<16xf32>
      %add3A_1061 = arith.addf %add3A_1052, %mul3A_1060 : vector<16xf32>
      %mul3A_1062 = arith.mulf %add3A_1059, %add3A_1059 : vector<16xf32>
      %sub3A_1063 = arith.subf %mul3A_1062, %add3A_1061 : vector<16xf32>
      %mul3A_1064 = arith.constant 4 : i32
      %mul3A_1065 = arith.muli %add3A_92, %mul3A_1064 : i32
      %add3A_1066 = arith.constant 3 : i32
      %add3A_1067 = arith.addi %mul3A_1065, %add3A_1066 : i32
      %mul3A_1068 = arith.constant 16 : i32
      %mul3A_1069 = arith.muli %add3A_1067, %mul3A_1068 : i32
      %swap3A_1070 = arith.index_cast %mul3A_1069 : i32 to index
      %swap3A_1071 = tpu.vector_load %arg7[%swap3A_1070] {strides = array<i32>} : memref<8192xf32, #tpu.memory_space<vmem>>, vector<16xf32>,
      tpu.vector_store %arg7[%swap3A_1070], %sub3A_1063 {strides = array<i32>} : memref<8192xf32, #tpu.memory_space<vmem>>, vector<16xf32>,
      %add3A_1072 = arith.constant 4 : i32
      %add3A_1073 = arith.addi %add3A_92, %add3A_1072 : i32
      %lt3A = arith.constant 128 : i32
      %lt3A_1074 = arith.cmpi slt, %add3A_1073, %lt3A : i32
      %convert_element_type3A = arith.extui %lt3A_1074 : i1 to i32
      %cond3A = arith.constant 0 : i32
      %cond3A_1075 = arith.cmpi ne, %convert_element_type3A, %cond3A : i32
      scf.if %cond3A_1075 {
        %dma_start3A_4055 = arith.constant 0 : i32
        %dma_start3A_4056 = arith.constant 0 : i32
        %dma_start3A_4057 = arith.constant 0 : i32
        %dma_start3A_4058 = arith.constant 0 : i32
        %dma_start3A_4059 = tpu.memref_slice %arg6[%dma_start3A_4055, %dma_start3A_4057, %dma_start3A_4058] : memref<4x104x16xf32, #tpu.memory_space<vmem>> -> memref<1x104x16xf32, #tpu.memory_space<vmem>>
        %dma_start3A_4060 = tpu.memref_squeeze %dma_start3A_4059 : memref<1x104x16xf32, #tpu.memory_space<vmem>> -> memref<104x16xf32, #tpu.memory_space<vmem>>
        %dma_start3A_4061 = arith.constant 0 : i32
        %dma_start3A_4062 = tpu.memref_slice %arg5[%add3A_1073, %dma_start3A_4061] : memref<128x104xi32, #tpu.memory_space<vmem>> -> memref<1x104xi32, #tpu.memory_space<vmem>>
        %dma_start3A_4063 = tpu.memref_squeeze %dma_start3A_4062 : memref<1x104xi32, #tpu.memory_space<vmem>> -> memref<104xi32, #tpu.memory_space<vmem>>
        %dma_start3A_4064 = arith.constant 0 : i32
        %dma_start3A_4065 = arith.constant 0 : i32
        %dma_start3A_4066 = tpu.memref_slice %arg3[%dma_start3A_4064, %dma_start3A_4065] : memref<2621440x16xf32, #tpu.memory_space<hbm>> -> memref<2621440x16xf32, #tpu.memory_space<hbm>>
        %dma_start3A_4067 = tpu.memref_slice %arg10[%dma_start3A_4056] : memref<4x!tpu.dma_semaphore, #tpu.memory_space<semaphore_mem>> -> memref<1x!tpu.dma_semaphore, #tpu.memory_space<semaphore_mem>>
        %dma_start3A_4068 = tpu.memref_squeeze %dma_start3A_4067 : memref<1x!tpu.dma_semaphore, #tpu.memory_space<semaphore_mem>> -> memref<!tpu.dma_semaphore, #tpu.memory_space<semaphore_mem>>
        tpu.enqueue_indirect_dma source(%dma_start3A_4066 : memref<2621440x16xf32, #tpu.memory_space<hbm>>) target(%dma_start3A_4060 : memref<104x16xf32, #tpu.memory_space<vmem>>) offsets(%dma_start3A_4063 : memref<104xi32, #tpu.memory_space<vmem>>) semaphore(%dma_start3A_4068 : memref<!tpu.dma_semaphore, #tpu.memory_space<semaphore_mem>>)
      } else {
      }
      %mul3A_1076 = arith.constant 4 : i32
      %mul3A_1077 = arith.muli %scan3A_88, %mul3A_1076 : i32
      %add3A_1078 = arith.constant 1 : i32
      %add3A_1079 = arith.addi %mul3A_1077, %add3A_1078 : i32
      %dma_wait3A_1080 = arith.constant 1 : i32
      %dma_wait3A_1081 = arith.constant 1 : i32
      %dma_wait3A_1082 = arith.constant 0 : i32
      %dma_wait3A_1083 = arith.constant 0 : i32
      %dma_wait3A_1084 = tpu.memref_slice %arg6[%dma_wait3A_1080, %dma_wait3A_1082, %dma_wait3A_1083] : memref<4x104x16xf32, #tpu.memory_space<vmem>> -> memref<1x104x16xf32, #tpu.memory_space<vmem>>
      %dma_wait3A_1085 = tpu.memref_squeeze %dma_wait3A_1084 : memref<1x104x16xf32, #tpu.memory_space<vmem>> -> memref<104x16xf32, #tpu.memory_space<vmem>>
      %dma_wait3A_1086 = arith.constant 0 : i32
      %dma_wait3A_1087 = tpu.memref_slice %arg5[%add3A_1079, %dma_wait3A_1086] : memref<128x104xi32, #tpu.memory_space<vmem>> -> memref<1x104xi32, #tpu.memory_space<vmem>>
      %dma_wait3A_1088 = tpu.memref_squeeze %dma_wait3A_1087 : memref<1x104xi32, #tpu.memory_space<vmem>> -> memref<104xi32, #tpu.memory_space<vmem>>
      %dma_wait3A_1089 = arith.constant 0 : i32
      %dma_wait3A_1090 = arith.constant 0 : i32
      %dma_wait3A_1091 = tpu.memref_slice %arg3[%dma_wait3A_1089, %dma_wait3A_1090] : memref<2621440x16xf32, #tpu.memory_space<hbm>> -> memref<2621440x16xf32, #tpu.memory_space<hbm>>
      %dma_wait3A_1092 = tpu.memref_slice %arg10[%dma_wait3A_1081] : memref<4x!tpu.dma_semaphore, #tpu.memory_space<semaphore_mem>> -> memref<1x!tpu.dma_semaphore, #tpu.memory_space<semaphore_mem>>
      %dma_wait3A_1093 = tpu.memref_squeeze %dma_wait3A_1092 : memref<1x!tpu.dma_semaphore, #tpu.memory_space<semaphore_mem>> -> memref<!tpu.dma_semaphore, #tpu.memory_space<semaphore_mem>>
      tpu.wait_indirect_dma semaphore(%dma_wait3A_1093 : memref<!tpu.dma_semaphore, #tpu.memory_space<semaphore_mem>>) src(%dma_wait3A_1091 : memref<2621440x16xf32, #tpu.memory_space<hbm>>) dst(%dma_wait3A_1085 : memref<104x16xf32, #tpu.memory_space<vmem>>)
      %get3A_1094 = arith.constant 1 : i32
      %get3A_1095 = arith.constant 0 : i32
      %get3A_1096 = arith.index_cast %get3A_1094 : i32 to index
      %get3A_1097 = arith.index_cast %get3A_1095 : i32 to index
      %get3A_1098 = arith.constant 0 : index
      %get3A_1099 = tpu.vector_load %arg6[%get3A_1096, %get3A_1097, %get3A_1098] {strides = array<i32>} : memref<4x104x16xf32, #tpu.memory_space<vmem>>, vector<16xf32>,
      %mul3A_1100 = arith.mulf %get3A_1099, %get3A_1099 : vector<16xf32>
      %get3A_1101 = arith.constant 1 : i32
      %get3A_1102 = arith.constant 1 : i32
      %get3A_1103 = arith.index_cast %get3A_1101 : i32 to index
      %get3A_1104 = arith.index_cast %get3A_1102 : i32 to index
      %get3A_1105 = arith.constant 0 : index
      %get3A_1106 = tpu.vector_load %arg6[%get3A_1103, %get3A_1104, %get3A_1105] {strides = array<i32>} : memref<4x104x16xf32, #tpu.memory_space<vmem>>, vector<16xf32>,
      %add3A_1107 = arith.addf %get3A_1099, %get3A_1106 : vector<16xf32>
      %mul3A_1108 = arith.mulf %get3A_1106, %get3A_1106 : vector<16xf32>
      %add3A_1109 = arith.addf %mul3A_1100, %mul3A_1108 : vector<16xf32>
      %get3A_1110 = arith.constant 1 : i32
      %get3A_1111 = arith.constant 2 : i32
      %get3A_1112 = arith.index_cast %get3A_1110 : i32 to index
      %get3A_1113 = arith.index_cast %get3A_1111 : i32 to index
      %get3A_1114 = arith.constant 0 : index
      %get3A_1115 = tpu.vector_load %arg6[%get3A_1112, %get3A_1113, %get3A_1114] {strides = array<i32>} : memref<4x104x16xf32, #tpu.memory_space<vmem>>, vector<16xf32>,
      %add3A_1116 = arith.addf %add3A_1107, %get3A_1115 : vector<16xf32>
      %mul3A_1117 = arith.mulf %get3A_1115, %get3A_1115 : vector<16xf32>
      %add3A_1118 = arith.addf %add3A_1109, %mul3A_1117 : vector<16xf32>
      %get3A_1119 = arith.constant 1 : i32
      %get3A_1120 = arith.constant 3 : i32
      %get3A_1121 = arith.index_cast %get3A_1119 : i32 to index
      %get3A_1122 = arith.index_cast %get3A_1120 : i32 to index
      %get3A_1123 = arith.constant 0 : index
      %get3A_1124 = tpu.vector_load %arg6[%get3A_1121, %get3A_1122, %get3A_1123] {strides = array<i32>} : memref<4x104x16xf32, #tpu.memory_space<vmem>>, vector<16xf32>,
      %add3A_1125 = arith.addf %add3A_1116, %get3A_1124 : vector<16xf32>
      %mul3A_1126 = arith.mulf %get3A_1124, %get3A_1124 : vector<16xf32>
      %add3A_1127 = arith.addf %add3A_1118, %mul3A_1126 : vector<16xf32>
      %get3A_1128 = arith.constant 1 : i32
      %get3A_1129 = arith.constant 4 : i32
      %get3A_1130 = arith.index_cast %get3A_1128 : i32 to index
      %get3A_1131 = arith.index_cast %get3A_1129 : i32 to index
      %get3A_1132 = arith.constant 0 : index
      %get3A_1133 = tpu.vector_load %arg6[%get3A_1130, %get3A_1131, %get3A_1132] {strides = array<i32>} : memref<4x104x16xf32, #tpu.memory_space<vmem>>, vector<16xf32>,
      %add3A_1134 = arith.addf %add3A_1125, %get3A_1133 : vector<16xf32>
      %mul3A_1135 = arith.mulf %get3A_1133, %get3A_1133 : vector<16xf32>
      %add3A_1136 = arith.addf %add3A_1127, %mul3A_1135 : vector<16xf32>
      %get3A_1137 = arith.constant 1 : i32
      %get3A_1138 = arith.constant 5 : i32
      %get3A_1139 = arith.index_cast %get3A_1137 : i32 to index
      %get3A_1140 = arith.index_cast %get3A_1138 : i32 to index
      %get3A_1141 = arith.constant 0 : index
      %get3A_1142 = tpu.vector_load %arg6[%get3A_1139, %get3A_1140, %get3A_1141] {strides = array<i32>} : memref<4x104x16xf32, #tpu.memory_space<vmem>>, vector<16xf32>,
      %add3A_1143 = arith.addf %add3A_1134, %get3A_1142 : vector<16xf32>
      %mul3A_1144 = arith.mulf %get3A_1142, %get3A_1142 : vector<16xf32>
      %add3A_1145 = arith.addf %add3A_1136, %mul3A_1144 : vector<16xf32>
      %get3A_1146 = arith.constant 1 : i32
      %get3A_1147 = arith.constant 6 : i32
      %get3A_1148 = arith.index_cast %get3A_1146 : i32 to index
      %get3A_1149 = arith.index_cast %get3A_1147 : i32 to index
      %get3A_1150 = arith.constant 0 : index
      %get3A_1151 = tpu.vector_load %arg6[%get3A_1148, %get3A_1149, %get3A_1150] {strides = array<i32>} : memref<4x104x16xf32, #tpu.memory_space<vmem>>, vector<16xf32>,
      %add3A_1152 = arith.addf %add3A_1143, %get3A_1151 : vector<16xf32>
      %mul3A_1153 = arith.mulf %get3A_1151, %get3A_1151 : vector<16xf32>
      %add3A_1154 = arith.addf %add3A_1145, %mul3A_1153 : vector<16xf32>
      %get3A_1155 = arith.constant 1 : i32
      %get3A_1156 = arith.constant 7 : i32
      %get3A_1157 = arith.index_cast %get3A_1155 : i32 to index
      %get3A_1158 = arith.index_cast %get3A_1156 : i32 to index
      %get3A_1159 = arith.constant 0 : index
      %get3A_1160 = tpu.vector_load %arg6[%get3A_1157, %get3A_1158, %get3A_1159] {strides = array<i32>} : memref<4x104x16xf32, #tpu.memory_space<vmem>>, vector<16xf32>,
      %add3A_1161 = arith.addf %add3A_1152, %get3A_1160 : vector<16xf32>
      %mul3A_1162 = arith.mulf %get3A_1160, %get3A_1160 : vector<16xf32>
      %add3A_1163 = arith.addf %add3A_1154, %mul3A_1162 : vector<16xf32>
      %get3A_1164 = arith.constant 1 : i32
      %get3A_1165 = arith.constant 8 : i32
      %get3A_1166 = arith.index_cast %get3A_1164 : i32 to index
      %get3A_1167 = arith.index_cast %get3A_1165 : i32 to index
      %get3A_1168 = arith.constant 0 : index
      %get3A_1169 = tpu.vector_load %arg6[%get3A_1166, %get3A_1167, %get3A_1168] {strides = array<i32>} : memref<4x104x16xf32, #tpu.memory_space<vmem>>, vector<16xf32>,
      %add3A_1170 = arith.addf %add3A_1161, %get3A_1169 : vector<16xf32>
      %mul3A_1171 = arith.mulf %get3A_1169, %get3A_1169 : vector<16xf32>
      %add3A_1172 = arith.addf %add3A_1163, %mul3A_1171 : vector<16xf32>
      %get3A_1173 = arith.constant 1 : i32
      %get3A_1174 = arith.constant 9 : i32
      %get3A_1175 = arith.index_cast %get3A_1173 : i32 to index
      %get3A_1176 = arith.index_cast %get3A_1174 : i32 to index
      %get3A_1177 = arith.constant 0 : index
      %get3A_1178 = tpu.vector_load %arg6[%get3A_1175, %get3A_1176, %get3A_1177] {strides = array<i32>} : memref<4x104x16xf32, #tpu.memory_space<vmem>>, vector<16xf32>,
      %add3A_1179 = arith.addf %add3A_1170, %get3A_1178 : vector<16xf32>
      %mul3A_1180 = arith.mulf %get3A_1178, %get3A_1178 : vector<16xf32>
      %add3A_1181 = arith.addf %add3A_1172, %mul3A_1180 : vector<16xf32>
      %get3A_1182 = arith.constant 1 : i32
      %get3A_1183 = arith.constant 10 : i32
      %get3A_1184 = arith.index_cast %get3A_1182 : i32 to index
      %get3A_1185 = arith.index_cast %get3A_1183 : i32 to index
      %get3A_1186 = arith.constant 0 : index
      %get3A_1187 = tpu.vector_load %arg6[%get3A_1184, %get3A_1185, %get3A_1186] {strides = array<i32>} : memref<4x104x16xf32, #tpu.memory_space<vmem>>, vector<16xf32>,
      %add3A_1188 = arith.addf %add3A_1179, %get3A_1187 : vector<16xf32>
      %mul3A_1189 = arith.mulf %get3A_1187, %get3A_1187 : vector<16xf32>
      %add3A_1190 = arith.addf %add3A_1181, %mul3A_1189 : vector<16xf32>
      %get3A_1191 = arith.constant 1 : i32
      %get3A_1192 = arith.constant 11 : i32
      %get3A_1193 = arith.index_cast %get3A_1191 : i32 to index
      %get3A_1194 = arith.index_cast %get3A_1192 : i32 to index
      %get3A_1195 = arith.constant 0 : index
      %get3A_1196 = tpu.vector_load %arg6[%get3A_1193, %get3A_1194, %get3A_1195] {strides = array<i32>} : memref<4x104x16xf32, #tpu.memory_space<vmem>>, vector<16xf32>,
      %add3A_1197 = arith.addf %add3A_1188, %get3A_1196 : vector<16xf32>
      %mul3A_1198 = arith.mulf %get3A_1196, %get3A_1196 : vector<16xf32>
      %add3A_1199 = arith.addf %add3A_1190, %mul3A_1198 : vector<16xf32>
      %get3A_1200 = arith.constant 1 : i32
      %get3A_1201 = arith.constant 12 : i32
      %get3A_1202 = arith.index_cast %get3A_1200 : i32 to index
      %get3A_1203 = arith.index_cast %get3A_1201 : i32 to index
      %get3A_1204 = arith.constant 0 : index
      %get3A_1205 = tpu.vector_load %arg6[%get3A_1202, %get3A_1203, %get3A_1204] {strides = array<i32>} : memref<4x104x16xf32, #tpu.memory_space<vmem>>, vector<16xf32>,
      %add3A_1206 = arith.addf %add3A_1197, %get3A_1205 : vector<16xf32>
      %mul3A_1207 = arith.mulf %get3A_1205, %get3A_1205 : vector<16xf32>
      %add3A_1208 = arith.addf %add3A_1199, %mul3A_1207 : vector<16xf32>
      %get3A_1209 = arith.constant 1 : i32
      %get3A_1210 = arith.constant 13 : i32
      %get3A_1211 = arith.index_cast %get3A_1209 : i32 to index
      %get3A_1212 = arith.index_cast %get3A_1210 : i32 to index
      %get3A_1213 = arith.constant 0 : index
      %get3A_1214 = tpu.vector_load %arg6[%get3A_1211, %get3A_1212, %get3A_1213] {strides = array<i32>} : memref<4x104x16xf32, #tpu.memory_space<vmem>>, vector<16xf32>,
      %add3A_1215 = arith.addf %add3A_1206, %get3A_1214 : vector<16xf32>
      %mul3A_1216 = arith.mulf %get3A_1214, %get3A_1214 : vector<16xf32>
      %add3A_1217 = arith.addf %add3A_1208, %mul3A_1216 : vector<16xf32>
      %get3A_1218 = arith.constant 1 : i32
      %get3A_1219 = arith.constant 14 : i32
      %get3A_1220 = arith.index_cast %get3A_1218 : i32 to index
      %get3A_1221 = arith.index_cast %get3A_1219 : i32 to index
      %get3A_1222 = arith.constant 0 : index
      %get3A_1223 = tpu.vector_load %arg6[%get3A_1220, %get3A_1221, %get3A_1222] {strides = array<i32>} : memref<4x104x16xf32, #tpu.memory_space<vmem>>, vector<16xf32>,
      %add3A_1224 = arith.addf %add3A_1215, %get3A_1223 : vector<16xf32>
      %mul3A_1225 = arith.mulf %get3A_1223, %get3A_1223 : vector<16xf32>
      %add3A_1226 = arith.addf %add3A_1217, %mul3A_1225 : vector<16xf32>
      %get3A_1227 = arith.constant 1 : i32
      %get3A_1228 = arith.constant 15 : i32
      %get3A_1229 = arith.index_cast %get3A_1227 : i32 to index
      %get3A_1230 = arith.index_cast %get3A_1228 : i32 to index
      %get3A_1231 = arith.constant 0 : index
      %get3A_1232 = tpu.vector_load %arg6[%get3A_1229, %get3A_1230, %get3A_1231] {strides = array<i32>} : memref<4x104x16xf32, #tpu.memory_space<vmem>>, vector<16xf32>,
      %add3A_1233 = arith.addf %add3A_1224, %get3A_1232 : vector<16xf32>
      %mul3A_1234 = arith.mulf %get3A_1232, %get3A_1232 : vector<16xf32>
      %add3A_1235 = arith.addf %add3A_1226, %mul3A_1234 : vector<16xf32>
      %get3A_1236 = arith.constant 1 : i32
      %get3A_1237 = arith.constant 16 : i32
      %get3A_1238 = arith.index_cast %get3A_1236 : i32 to index
      %get3A_1239 = arith.index_cast %get3A_1237 : i32 to index
      %get3A_1240 = arith.constant 0 : index
      %get3A_1241 = tpu.vector_load %arg6[%get3A_1238, %get3A_1239, %get3A_1240] {strides = array<i32>} : memref<4x104x16xf32, #tpu.memory_space<vmem>>, vector<16xf32>,
      %add3A_1242 = arith.addf %add3A_1233, %get3A_1241 : vector<16xf32>
      %mul3A_1243 = arith.mulf %get3A_1241, %get3A_1241 : vector<16xf32>
      %add3A_1244 = arith.addf %add3A_1235, %mul3A_1243 : vector<16xf32>
      %get3A_1245 = arith.constant 1 : i32
      %get3A_1246 = arith.constant 17 : i32
      %get3A_1247 = arith.index_cast %get3A_1245 : i32 to index
      %get3A_1248 = arith.index_cast %get3A_1246 : i32 to index
      %get3A_1249 = arith.constant 0 : index
      %get3A_1250 = tpu.vector_load %arg6[%get3A_1247, %get3A_1248, %get3A_1249] {strides = array<i32>} : memref<4x104x16xf32, #tpu.memory_space<vmem>>, vector<16xf32>,
      %add3A_1251 = arith.addf %add3A_1242, %get3A_1250 : vector<16xf32>
      %mul3A_1252 = arith.mulf %get3A_1250, %get3A_1250 : vector<16xf32>
      %add3A_1253 = arith.addf %add3A_1244, %mul3A_1252 : vector<16xf32>
      %get3A_1254 = arith.constant 1 : i32
      %get3A_1255 = arith.constant 18 : i32
      %get3A_1256 = arith.index_cast %get3A_1254 : i32 to index
      %get3A_1257 = arith.index_cast %get3A_1255 : i32 to index
      %get3A_1258 = arith.constant 0 : index
      %get3A_1259 = tpu.vector_load %arg6[%get3A_1256, %get3A_1257, %get3A_1258] {strides = array<i32>} : memref<4x104x16xf32, #tpu.memory_space<vmem>>, vector<16xf32>,
      %add3A_1260 = arith.addf %add3A_1251, %get3A_1259 : vector<16xf32>
      %mul3A_1261 = arith.mulf %get3A_1259, %get3A_1259 : vector<16xf32>
      %add3A_1262 = arith.addf %add3A_1253, %mul3A_1261 : vector<16xf32>
      %get3A_1263 = arith.constant 1 : i32
      %get3A_1264 = arith.constant 19 : i32
      %get3A_1265 = arith.index_cast %get3A_1263 : i32 to index
      %get3A_1266 = arith.index_cast %get3A_1264 : i32 to index
      %get3A_1267 = arith.constant 0 : index
      %get3A_1268 = tpu.vector_load %arg6[%get3A_1265, %get3A_1266, %get3A_1267] {strides = array<i32>} : memref<4x104x16xf32, #tpu.memory_space<vmem>>, vector<16xf32>,
      %add3A_1269 = arith.addf %add3A_1260, %get3A_1268 : vector<16xf32>
      %mul3A_1270 = arith.mulf %get3A_1268, %get3A_1268 : vector<16xf32>
      %add3A_1271 = arith.addf %add3A_1262, %mul3A_1270 : vector<16xf32>
      %get3A_1272 = arith.constant 1 : i32
      %get3A_1273 = arith.constant 20 : i32
      %get3A_1274 = arith.index_cast %get3A_1272 : i32 to index
      %get3A_1275 = arith.index_cast %get3A_1273 : i32 to index
      %get3A_1276 = arith.constant 0 : index
      %get3A_1277 = tpu.vector_load %arg6[%get3A_1274, %get3A_1275, %get3A_1276] {strides = array<i32>} : memref<4x104x16xf32, #tpu.memory_space<vmem>>, vector<16xf32>,
      %add3A_1278 = arith.addf %add3A_1269, %get3A_1277 : vector<16xf32>
      %mul3A_1279 = arith.mulf %get3A_1277, %get3A_1277 : vector<16xf32>
      %add3A_1280 = arith.addf %add3A_1271, %mul3A_1279 : vector<16xf32>
      %get3A_1281 = arith.constant 1 : i32
      %get3A_1282 = arith.constant 21 : i32
      %get3A_1283 = arith.index_cast %get3A_1281 : i32 to index
      %get3A_1284 = arith.index_cast %get3A_1282 : i32 to index
      %get3A_1285 = arith.constant 0 : index
      %get3A_1286 = tpu.vector_load %arg6[%get3A_1283, %get3A_1284, %get3A_1285] {strides = array<i32>} : memref<4x104x16xf32, #tpu.memory_space<vmem>>, vector<16xf32>,
      %add3A_1287 = arith.addf %add3A_1278, %get3A_1286 : vector<16xf32>
      %mul3A_1288 = arith.mulf %get3A_1286, %get3A_1286 : vector<16xf32>
      %add3A_1289 = arith.addf %add3A_1280, %mul3A_1288 : vector<16xf32>
      %get3A_1290 = arith.constant 1 : i32
      %get3A_1291 = arith.constant 22 : i32
      %get3A_1292 = arith.index_cast %get3A_1290 : i32 to index
      %get3A_1293 = arith.index_cast %get3A_1291 : i32 to index
      %get3A_1294 = arith.constant 0 : index
      %get3A_1295 = tpu.vector_load %arg6[%get3A_1292, %get3A_1293, %get3A_1294] {strides = array<i32>} : memref<4x104x16xf32, #tpu.memory_space<vmem>>, vector<16xf32>,
      %add3A_1296 = arith.addf %add3A_1287, %get3A_1295 : vector<16xf32>
      %mul3A_1297 = arith.mulf %get3A_1295, %get3A_1295 : vector<16xf32>
      %add3A_1298 = arith.addf %add3A_1289, %mul3A_1297 : vector<16xf32>
      %get3A_1299 = arith.constant 1 : i32
      %get3A_1300 = arith.constant 23 : i32
      %get3A_1301 = arith.index_cast %get3A_1299 : i32 to index
      %get3A_1302 = arith.index_cast %get3A_1300 : i32 to index
      %get3A_1303 = arith.constant 0 : index
      %get3A_1304 = tpu.vector_load %arg6[%get3A_1301, %get3A_1302, %get3A_1303] {strides = array<i32>} : memref<4x104x16xf32, #tpu.memory_space<vmem>>, vector<16xf32>,
      %add3A_1305 = arith.addf %add3A_1296, %get3A_1304 : vector<16xf32>
      %mul3A_1306 = arith.mulf %get3A_1304, %get3A_1304 : vector<16xf32>
      %add3A_1307 = arith.addf %add3A_1298, %mul3A_1306 : vector<16xf32>
      %get3A_1308 = arith.constant 1 : i32
      %get3A_1309 = arith.constant 24 : i32
      %get3A_1310 = arith.index_cast %get3A_1308 : i32 to index
      %get3A_1311 = arith.index_cast %get3A_1309 : i32 to index
      %get3A_1312 = arith.constant 0 : index
      %get3A_1313 = tpu.vector_load %arg6[%get3A_1310, %get3A_1311, %get3A_1312] {strides = array<i32>} : memref<4x104x16xf32, #tpu.memory_space<vmem>>, vector<16xf32>,
      %add3A_1314 = arith.addf %add3A_1305, %get3A_1313 : vector<16xf32>
      %mul3A_1315 = arith.mulf %get3A_1313, %get3A_1313 : vector<16xf32>
      %add3A_1316 = arith.addf %add3A_1307, %mul3A_1315 : vector<16xf32>
      %get3A_1317 = arith.constant 1 : i32
      %get3A_1318 = arith.constant 25 : i32
      %get3A_1319 = arith.index_cast %get3A_1317 : i32 to index
      %get3A_1320 = arith.index_cast %get3A_1318 : i32 to index
      %get3A_1321 = arith.constant 0 : index
      %get3A_1322 = tpu.vector_load %arg6[%get3A_1319, %get3A_1320, %get3A_1321] {strides = array<i32>} : memref<4x104x16xf32, #tpu.memory_space<vmem>>, vector<16xf32>,
      %add3A_1323 = arith.addf %add3A_1314, %get3A_1322 : vector<16xf32>
      %mul3A_1324 = arith.mulf %get3A_1322, %get3A_1322 : vector<16xf32>
      %add3A_1325 = arith.addf %add3A_1316, %mul3A_1324 : vector<16xf32>
      %mul3A_1326 = arith.mulf %add3A_1323, %add3A_1323 : vector<16xf32>
      %sub3A_1327 = arith.subf %mul3A_1326, %add3A_1325 : vector<16xf32>
      %mul3A_1328 = arith.constant 4 : i32
      %mul3A_1329 = arith.muli %add3A_1079, %mul3A_1328 : i32
      %add3A_1330 = arith.constant 0 : i32
      %add3A_1331 = arith.addi %mul3A_1329, %add3A_1330 : i32
      %mul3A_1332 = arith.constant 16 : i32
      %mul3A_1333 = arith.muli %add3A_1331, %mul3A_1332 : i32
      %swap3A_1334 = arith.index_cast %mul3A_1333 : i32 to index
      %swap3A_1335 = tpu.vector_load %arg7[%swap3A_1334] {strides = array<i32>} : memref<8192xf32, #tpu.memory_space<vmem>>, vector<16xf32>,
      tpu.vector_store %arg7[%swap3A_1334], %sub3A_1327 {strides = array<i32>} : memref<8192xf32, #tpu.memory_space<vmem>>, vector<16xf32>,
      %get3A_1336 = arith.constant 1 : i32
      %get3A_1337 = arith.constant 26 : i32
      %get3A_1338 = arith.index_cast %get3A_1336 : i32 to index
      %get3A_1339 = arith.index_cast %get3A_1337 : i32 to index
      %get3A_1340 = arith.constant 0 : index
      %get3A_1341 = tpu.vector_load %arg6[%get3A_1338, %get3A_1339, %get3A_1340] {strides = array<i32>} : memref<4x104x16xf32, #tpu.memory_space<vmem>>, vector<16xf32>,
      %mul3A_1342 = arith.mulf %get3A_1341, %get3A_1341 : vector<16xf32>
      %get3A_1343 = arith.constant 1 : i32
      %get3A_1344 = arith.constant 27 : i32
      %get3A_1345 = arith.index_cast %get3A_1343 : i32 to index
      %get3A_1346 = arith.index_cast %get3A_1344 : i32 to index
      %get3A_1347 = arith.constant 0 : index
      %get3A_1348 = tpu.vector_load %arg6[%get3A_1345, %get3A_1346, %get3A_1347] {strides = array<i32>} : memref<4x104x16xf32, #tpu.memory_space<vmem>>, vector<16xf32>,
      %add3A_1349 = arith.addf %get3A_1341, %get3A_1348 : vector<16xf32>
      %mul3A_1350 = arith.mulf %get3A_1348, %get3A_1348 : vector<16xf32>
      %add3A_1351 = arith.addf %mul3A_1342, %mul3A_1350 : vector<16xf32>
      %get3A_1352 = arith.constant 1 : i32
      %get3A_1353 = arith.constant 28 : i32
      %get3A_1354 = arith.index_cast %get3A_1352 : i32 to index
      %get3A_1355 = arith.index_cast %get3A_1353 : i32 to index
      %get3A_1356 = arith.constant 0 : index
      %get3A_1357 = tpu.vector_load %arg6[%get3A_1354, %get3A_1355, %get3A_1356] {strides = array<i32>} : memref<4x104x16xf32, #tpu.memory_space<vmem>>, vector<16xf32>,
      %add3A_1358 = arith.addf %add3A_1349, %get3A_1357 : vector<16xf32>
      %mul3A_1359 = arith.mulf %get3A_1357, %get3A_1357 : vector<16xf32>
      %add3A_1360 = arith.addf %add3A_1351, %mul3A_1359 : vector<16xf32>
      %get3A_1361 = arith.constant 1 : i32
      %get3A_1362 = arith.constant 29 : i32
      %get3A_1363 = arith.index_cast %get3A_1361 : i32 to index
      %get3A_1364 = arith.index_cast %get3A_1362 : i32 to index
      %get3A_1365 = arith.constant 0 : index
      %get3A_1366 = tpu.vector_load %arg6[%get3A_1363, %get3A_1364, %get3A_1365] {strides = array<i32>} : memref<4x104x16xf32, #tpu.memory_space<vmem>>, vector<16xf32>,
      %add3A_1367 = arith.addf %add3A_1358, %get3A_1366 : vector<16xf32>
      %mul3A_1368 = arith.mulf %get3A_1366, %get3A_1366 : vector<16xf32>
      %add3A_1369 = arith.addf %add3A_1360, %mul3A_1368 : vector<16xf32>
      %get3A_1370 = arith.constant 1 : i32
      %get3A_1371 = arith.constant 30 : i32
      %get3A_1372 = arith.index_cast %get3A_1370 : i32 to index
      %get3A_1373 = arith.index_cast %get3A_1371 : i32 to index
      %get3A_1374 = arith.constant 0 : index
      %get3A_1375 = tpu.vector_load %arg6[%get3A_1372, %get3A_1373, %get3A_1374] {strides = array<i32>} : memref<4x104x16xf32, #tpu.memory_space<vmem>>, vector<16xf32>,
      %add3A_1376 = arith.addf %add3A_1367, %get3A_1375 : vector<16xf32>
      %mul3A_1377 = arith.mulf %get3A_1375, %get3A_1375 : vector<16xf32>
      %add3A_1378 = arith.addf %add3A_1369, %mul3A_1377 : vector<16xf32>
      %get3A_1379 = arith.constant 1 : i32
      %get3A_1380 = arith.constant 31 : i32
      %get3A_1381 = arith.index_cast %get3A_1379 : i32 to index
      %get3A_1382 = arith.index_cast %get3A_1380 : i32 to index
      %get3A_1383 = arith.constant 0 : index
      %get3A_1384 = tpu.vector_load %arg6[%get3A_1381, %get3A_1382, %get3A_1383] {strides = array<i32>} : memref<4x104x16xf32, #tpu.memory_space<vmem>>, vector<16xf32>,
      %add3A_1385 = arith.addf %add3A_1376, %get3A_1384 : vector<16xf32>
      %mul3A_1386 = arith.mulf %get3A_1384, %get3A_1384 : vector<16xf32>
      %add3A_1387 = arith.addf %add3A_1378, %mul3A_1386 : vector<16xf32>
      %get3A_1388 = arith.constant 1 : i32
      %get3A_1389 = arith.constant 32 : i32
      %get3A_1390 = arith.index_cast %get3A_1388 : i32 to index
      %get3A_1391 = arith.index_cast %get3A_1389 : i32 to index
      %get3A_1392 = arith.constant 0 : index
      %get3A_1393 = tpu.vector_load %arg6[%get3A_1390, %get3A_1391, %get3A_1392] {strides = array<i32>} : memref<4x104x16xf32, #tpu.memory_space<vmem>>, vector<16xf32>,
      %add3A_1394 = arith.addf %add3A_1385, %get3A_1393 : vector<16xf32>
      %mul3A_1395 = arith.mulf %get3A_1393, %get3A_1393 : vector<16xf32>
      %add3A_1396 = arith.addf %add3A_1387, %mul3A_1395 : vector<16xf32>
      %get3A_1397 = arith.constant 1 : i32
      %get3A_1398 = arith.constant 33 : i32
      %get3A_1399 = arith.index_cast %get3A_1397 : i32 to index
      %get3A_1400 = arith.index_cast %get3A_1398 : i32 to index
      %get3A_1401 = arith.constant 0 : index
      %get3A_1402 = tpu.vector_load %arg6[%get3A_1399, %get3A_1400, %get3A_1401] {strides = array<i32>} : memref<4x104x16xf32, #tpu.memory_space<vmem>>, vector<16xf32>,
      %add3A_1403 = arith.addf %add3A_1394, %get3A_1402 : vector<16xf32>
      %mul3A_1404 = arith.mulf %get3A_1402, %get3A_1402 : vector<16xf32>
      %add3A_1405 = arith.addf %add3A_1396, %mul3A_1404 : vector<16xf32>
      %get3A_1406 = arith.constant 1 : i32
      %get3A_1407 = arith.constant 34 : i32
      %get3A_1408 = arith.index_cast %get3A_1406 : i32 to index
      %get3A_1409 = arith.index_cast %get3A_1407 : i32 to index
      %get3A_1410 = arith.constant 0 : index
      %get3A_1411 = tpu.vector_load %arg6[%get3A_1408, %get3A_1409, %get3A_1410] {strides = array<i32>} : memref<4x104x16xf32, #tpu.memory_space<vmem>>, vector<16xf32>,
      %add3A_1412 = arith.addf %add3A_1403, %get3A_1411 : vector<16xf32>
      %mul3A_1413 = arith.mulf %get3A_1411, %get3A_1411 : vector<16xf32>
      %add3A_1414 = arith.addf %add3A_1405, %mul3A_1413 : vector<16xf32>
      %get3A_1415 = arith.constant 1 : i32
      %get3A_1416 = arith.constant 35 : i32
      %get3A_1417 = arith.index_cast %get3A_1415 : i32 to index
      %get3A_1418 = arith.index_cast %get3A_1416 : i32 to index
      %get3A_1419 = arith.constant 0 : index
      %get3A_1420 = tpu.vector_load %arg6[%get3A_1417, %get3A_1418, %get3A_1419] {strides = array<i32>} : memref<4x104x16xf32, #tpu.memory_space<vmem>>, vector<16xf32>,
      %add3A_1421 = arith.addf %add3A_1412, %get3A_1420 : vector<16xf32>
      %mul3A_1422 = arith.mulf %get3A_1420, %get3A_1420 : vector<16xf32>
      %add3A_1423 = arith.addf %add3A_1414, %mul3A_1422 : vector<16xf32>
      %get3A_1424 = arith.constant 1 : i32
      %get3A_1425 = arith.constant 36 : i32
      %get3A_1426 = arith.index_cast %get3A_1424 : i32 to index
      %get3A_1427 = arith.index_cast %get3A_1425 : i32 to index
      %get3A_1428 = arith.constant 0 : index
      %get3A_1429 = tpu.vector_load %arg6[%get3A_1426, %get3A_1427, %get3A_1428] {strides = array<i32>} : memref<4x104x16xf32, #tpu.memory_space<vmem>>, vector<16xf32>,
      %add3A_1430 = arith.addf %add3A_1421, %get3A_1429 : vector<16xf32>
      %mul3A_1431 = arith.mulf %get3A_1429, %get3A_1429 : vector<16xf32>
      %add3A_1432 = arith.addf %add3A_1423, %mul3A_1431 : vector<16xf32>
      %get3A_1433 = arith.constant 1 : i32
      %get3A_1434 = arith.constant 37 : i32
      %get3A_1435 = arith.index_cast %get3A_1433 : i32 to index
      %get3A_1436 = arith.index_cast %get3A_1434 : i32 to index
      %get3A_1437 = arith.constant 0 : index
      %get3A_1438 = tpu.vector_load %arg6[%get3A_1435, %get3A_1436, %get3A_1437] {strides = array<i32>} : memref<4x104x16xf32, #tpu.memory_space<vmem>>, vector<16xf32>,
      %add3A_1439 = arith.addf %add3A_1430, %get3A_1438 : vector<16xf32>
      %mul3A_1440 = arith.mulf %get3A_1438, %get3A_1438 : vector<16xf32>
      %add3A_1441 = arith.addf %add3A_1432, %mul3A_1440 : vector<16xf32>
      %get3A_1442 = arith.constant 1 : i32
      %get3A_1443 = arith.constant 38 : i32
      %get3A_1444 = arith.index_cast %get3A_1442 : i32 to index
      %get3A_1445 = arith.index_cast %get3A_1443 : i32 to index
      %get3A_1446 = arith.constant 0 : index
      %get3A_1447 = tpu.vector_load %arg6[%get3A_1444, %get3A_1445, %get3A_1446] {strides = array<i32>} : memref<4x104x16xf32, #tpu.memory_space<vmem>>, vector<16xf32>,
      %add3A_1448 = arith.addf %add3A_1439, %get3A_1447 : vector<16xf32>
      %mul3A_1449 = arith.mulf %get3A_1447, %get3A_1447 : vector<16xf32>
      %add3A_1450 = arith.addf %add3A_1441, %mul3A_1449 : vector<16xf32>
      %get3A_1451 = arith.constant 1 : i32
      %get3A_1452 = arith.constant 39 : i32
      %get3A_1453 = arith.index_cast %get3A_1451 : i32 to index
      %get3A_1454 = arith.index_cast %get3A_1452 : i32 to index
      %get3A_1455 = arith.constant 0 : index
      %get3A_1456 = tpu.vector_load %arg6[%get3A_1453, %get3A_1454, %get3A_1455] {strides = array<i32>} : memref<4x104x16xf32, #tpu.memory_space<vmem>>, vector<16xf32>,
      %add3A_1457 = arith.addf %add3A_1448, %get3A_1456 : vector<16xf32>
      %mul3A_1458 = arith.mulf %get3A_1456, %get3A_1456 : vector<16xf32>
      %add3A_1459 = arith.addf %add3A_1450, %mul3A_1458 : vector<16xf32>
      %get3A_1460 = arith.constant 1 : i32
      %get3A_1461 = arith.constant 40 : i32
      %get3A_1462 = arith.index_cast %get3A_1460 : i32 to index
      %get3A_1463 = arith.index_cast %get3A_1461 : i32 to index
      %get3A_1464 = arith.constant 0 : index
      %get3A_1465 = tpu.vector_load %arg6[%get3A_1462, %get3A_1463, %get3A_1464] {strides = array<i32>} : memref<4x104x16xf32, #tpu.memory_space<vmem>>, vector<16xf32>,
      %add3A_1466 = arith.addf %add3A_1457, %get3A_1465 : vector<16xf32>
      %mul3A_1467 = arith.mulf %get3A_1465, %get3A_1465 : vector<16xf32>
      %add3A_1468 = arith.addf %add3A_1459, %mul3A_1467 : vector<16xf32>
      %get3A_1469 = arith.constant 1 : i32
      %get3A_1470 = arith.constant 41 : i32
      %get3A_1471 = arith.index_cast %get3A_1469 : i32 to index
      %get3A_1472 = arith.index_cast %get3A_1470 : i32 to index
      %get3A_1473 = arith.constant 0 : index
      %get3A_1474 = tpu.vector_load %arg6[%get3A_1471, %get3A_1472, %get3A_1473] {strides = array<i32>} : memref<4x104x16xf32, #tpu.memory_space<vmem>>, vector<16xf32>,
      %add3A_1475 = arith.addf %add3A_1466, %get3A_1474 : vector<16xf32>
      %mul3A_1476 = arith.mulf %get3A_1474, %get3A_1474 : vector<16xf32>
      %add3A_1477 = arith.addf %add3A_1468, %mul3A_1476 : vector<16xf32>
      %get3A_1478 = arith.constant 1 : i32
      %get3A_1479 = arith.constant 42 : i32
      %get3A_1480 = arith.index_cast %get3A_1478 : i32 to index
      %get3A_1481 = arith.index_cast %get3A_1479 : i32 to index
      %get3A_1482 = arith.constant 0 : index
      %get3A_1483 = tpu.vector_load %arg6[%get3A_1480, %get3A_1481, %get3A_1482] {strides = array<i32>} : memref<4x104x16xf32, #tpu.memory_space<vmem>>, vector<16xf32>,
      %add3A_1484 = arith.addf %add3A_1475, %get3A_1483 : vector<16xf32>
      %mul3A_1485 = arith.mulf %get3A_1483, %get3A_1483 : vector<16xf32>
      %add3A_1486 = arith.addf %add3A_1477, %mul3A_1485 : vector<16xf32>
      %get3A_1487 = arith.constant 1 : i32
      %get3A_1488 = arith.constant 43 : i32
      %get3A_1489 = arith.index_cast %get3A_1487 : i32 to index
      %get3A_1490 = arith.index_cast %get3A_1488 : i32 to index
      %get3A_1491 = arith.constant 0 : index
      %get3A_1492 = tpu.vector_load %arg6[%get3A_1489, %get3A_1490, %get3A_1491] {strides = array<i32>} : memref<4x104x16xf32, #tpu.memory_space<vmem>>, vector<16xf32>,
      %add3A_1493 = arith.addf %add3A_1484, %get3A_1492 : vector<16xf32>
      %mul3A_1494 = arith.mulf %get3A_1492, %get3A_1492 : vector<16xf32>
      %add3A_1495 = arith.addf %add3A_1486, %mul3A_1494 : vector<16xf32>
      %get3A_1496 = arith.constant 1 : i32
      %get3A_1497 = arith.constant 44 : i32
      %get3A_1498 = arith.index_cast %get3A_1496 : i32 to index
      %get3A_1499 = arith.index_cast %get3A_1497 : i32 to index
      %get3A_1500 = arith.constant 0 : index
      %get3A_1501 = tpu.vector_load %arg6[%get3A_1498, %get3A_1499, %get3A_1500] {strides = array<i32>} : memref<4x104x16xf32, #tpu.memory_space<vmem>>, vector<16xf32>,
      %add3A_1502 = arith.addf %add3A_1493, %get3A_1501 : vector<16xf32>
      %mul3A_1503 = arith.mulf %get3A_1501, %get3A_1501 : vector<16xf32>
      %add3A_1504 = arith.addf %add3A_1495, %mul3A_1503 : vector<16xf32>
      %get3A_1505 = arith.constant 1 : i32
      %get3A_1506 = arith.constant 45 : i32
      %get3A_1507 = arith.index_cast %get3A_1505 : i32 to index
      %get3A_1508 = arith.index_cast %get3A_1506 : i32 to index
      %get3A_1509 = arith.constant 0 : index
      %get3A_1510 = tpu.vector_load %arg6[%get3A_1507, %get3A_1508, %get3A_1509] {strides = array<i32>} : memref<4x104x16xf32, #tpu.memory_space<vmem>>, vector<16xf32>,
      %add3A_1511 = arith.addf %add3A_1502, %get3A_1510 : vector<16xf32>
      %mul3A_1512 = arith.mulf %get3A_1510, %get3A_1510 : vector<16xf32>
      %add3A_1513 = arith.addf %add3A_1504, %mul3A_1512 : vector<16xf32>
      %get3A_1514 = arith.constant 1 : i32
      %get3A_1515 = arith.constant 46 : i32
      %get3A_1516 = arith.index_cast %get3A_1514 : i32 to index
      %get3A_1517 = arith.index_cast %get3A_1515 : i32 to index
      %get3A_1518 = arith.constant 0 : index
      %get3A_1519 = tpu.vector_load %arg6[%get3A_1516, %get3A_1517, %get3A_1518] {strides = array<i32>} : memref<4x104x16xf32, #tpu.memory_space<vmem>>, vector<16xf32>,
      %add3A_1520 = arith.addf %add3A_1511, %get3A_1519 : vector<16xf32>
      %mul3A_1521 = arith.mulf %get3A_1519, %get3A_1519 : vector<16xf32>
      %add3A_1522 = arith.addf %add3A_1513, %mul3A_1521 : vector<16xf32>
      %get3A_1523 = arith.constant 1 : i32
      %get3A_1524 = arith.constant 47 : i32
      %get3A_1525 = arith.index_cast %get3A_1523 : i32 to index
      %get3A_1526 = arith.index_cast %get3A_1524 : i32 to index
      %get3A_1527 = arith.constant 0 : index
      %get3A_1528 = tpu.vector_load %arg6[%get3A_1525, %get3A_1526, %get3A_1527] {strides = array<i32>} : memref<4x104x16xf32, #tpu.memory_space<vmem>>, vector<16xf32>,
      %add3A_1529 = arith.addf %add3A_1520, %get3A_1528 : vector<16xf32>
      %mul3A_1530 = arith.mulf %get3A_1528, %get3A_1528 : vector<16xf32>
      %add3A_1531 = arith.addf %add3A_1522, %mul3A_1530 : vector<16xf32>
      %get3A_1532 = arith.constant 1 : i32
      %get3A_1533 = arith.constant 48 : i32
      %get3A_1534 = arith.index_cast %get3A_1532 : i32 to index
      %get3A_1535 = arith.index_cast %get3A_1533 : i32 to index
      %get3A_1536 = arith.constant 0 : index
      %get3A_1537 = tpu.vector_load %arg6[%get3A_1534, %get3A_1535, %get3A_1536] {strides = array<i32>} : memref<4x104x16xf32, #tpu.memory_space<vmem>>, vector<16xf32>,
      %add3A_1538 = arith.addf %add3A_1529, %get3A_1537 : vector<16xf32>
      %mul3A_1539 = arith.mulf %get3A_1537, %get3A_1537 : vector<16xf32>
      %add3A_1540 = arith.addf %add3A_1531, %mul3A_1539 : vector<16xf32>
      %get3A_1541 = arith.constant 1 : i32
      %get3A_1542 = arith.constant 49 : i32
      %get3A_1543 = arith.index_cast %get3A_1541 : i32 to index
      %get3A_1544 = arith.index_cast %get3A_1542 : i32 to index
      %get3A_1545 = arith.constant 0 : index
      %get3A_1546 = tpu.vector_load %arg6[%get3A_1543, %get3A_1544, %get3A_1545] {strides = array<i32>} : memref<4x104x16xf32, #tpu.memory_space<vmem>>, vector<16xf32>,
      %add3A_1547 = arith.addf %add3A_1538, %get3A_1546 : vector<16xf32>
      %mul3A_1548 = arith.mulf %get3A_1546, %get3A_1546 : vector<16xf32>
      %add3A_1549 = arith.addf %add3A_1540, %mul3A_1548 : vector<16xf32>
      %get3A_1550 = arith.constant 1 : i32
      %get3A_1551 = arith.constant 50 : i32
      %get3A_1552 = arith.index_cast %get3A_1550 : i32 to index
      %get3A_1553 = arith.index_cast %get3A_1551 : i32 to index
      %get3A_1554 = arith.constant 0 : index
      %get3A_1555 = tpu.vector_load %arg6[%get3A_1552, %get3A_1553, %get3A_1554] {strides = array<i32>} : memref<4x104x16xf32, #tpu.memory_space<vmem>>, vector<16xf32>,
      %add3A_1556 = arith.addf %add3A_1547, %get3A_1555 : vector<16xf32>
      %mul3A_1557 = arith.mulf %get3A_1555, %get3A_1555 : vector<16xf32>
      %add3A_1558 = arith.addf %add3A_1549, %mul3A_1557 : vector<16xf32>
      %get3A_1559 = arith.constant 1 : i32
      %get3A_1560 = arith.constant 51 : i32
      %get3A_1561 = arith.index_cast %get3A_1559 : i32 to index
      %get3A_1562 = arith.index_cast %get3A_1560 : i32 to index
      %get3A_1563 = arith.constant 0 : index
      %get3A_1564 = tpu.vector_load %arg6[%get3A_1561, %get3A_1562, %get3A_1563] {strides = array<i32>} : memref<4x104x16xf32, #tpu.memory_space<vmem>>, vector<16xf32>,
      %add3A_1565 = arith.addf %add3A_1556, %get3A_1564 : vector<16xf32>
      %mul3A_1566 = arith.mulf %get3A_1564, %get3A_1564 : vector<16xf32>
      %add3A_1567 = arith.addf %add3A_1558, %mul3A_1566 : vector<16xf32>
      %mul3A_1568 = arith.mulf %add3A_1565, %add3A_1565 : vector<16xf32>
      %sub3A_1569 = arith.subf %mul3A_1568, %add3A_1567 : vector<16xf32>
      %mul3A_1570 = arith.constant 4 : i32
      %mul3A_1571 = arith.muli %add3A_1079, %mul3A_1570 : i32
      %add3A_1572 = arith.constant 1 : i32
      %add3A_1573 = arith.addi %mul3A_1571, %add3A_1572 : i32
      %mul3A_1574 = arith.constant 16 : i32
      %mul3A_1575 = arith.muli %add3A_1573, %mul3A_1574 : i32
      %swap3A_1576 = arith.index_cast %mul3A_1575 : i32 to index
      %swap3A_1577 = tpu.vector_load %arg7[%swap3A_1576] {strides = array<i32>} : memref<8192xf32, #tpu.memory_space<vmem>>, vector<16xf32>,
      tpu.vector_store %arg7[%swap3A_1576], %sub3A_1569 {strides = array<i32>} : memref<8192xf32, #tpu.memory_space<vmem>>, vector<16xf32>,
      %get3A_1578 = arith.constant 1 : i32
      %get3A_1579 = arith.constant 52 : i32
      %get3A_1580 = arith.index_cast %get3A_1578 : i32 to index
      %get3A_1581 = arith.index_cast %get3A_1579 : i32 to index
      %get3A_1582 = arith.constant 0 : index
      %get3A_1583 = tpu.vector_load %arg6[%get3A_1580, %get3A_1581, %get3A_1582] {strides = array<i32>} : memref<4x104x16xf32, #tpu.memory_space<vmem>>, vector<16xf32>,
      %mul3A_1584 = arith.mulf %get3A_1583, %get3A_1583 : vector<16xf32>
      %get3A_1585 = arith.constant 1 : i32
      %get3A_1586 = arith.constant 53 : i32
      %get3A_1587 = arith.index_cast %get3A_1585 : i32 to index
      %get3A_1588 = arith.index_cast %get3A_1586 : i32 to index
      %get3A_1589 = arith.constant 0 : index
      %get3A_1590 = tpu.vector_load %arg6[%get3A_1587, %get3A_1588, %get3A_1589] {strides = array<i32>} : memref<4x104x16xf32, #tpu.memory_space<vmem>>, vector<16xf32>,
      %add3A_1591 = arith.addf %get3A_1583, %get3A_1590 : vector<16xf32>
      %mul3A_1592 = arith.mulf %get3A_1590, %get3A_1590 : vector<16xf32>
      %add3A_1593 = arith.addf %mul3A_1584, %mul3A_1592 : vector<16xf32>
      %get3A_1594 = arith.constant 1 : i32
      %get3A_1595 = arith.constant 54 : i32
      %get3A_1596 = arith.index_cast %get3A_1594 : i32 to index
      %get3A_1597 = arith.index_cast %get3A_1595 : i32 to index
      %get3A_1598 = arith.constant 0 : index
      %get3A_1599 = tpu.vector_load %arg6[%get3A_1596, %get3A_1597, %get3A_1598] {strides = array<i32>} : memref<4x104x16xf32, #tpu.memory_space<vmem>>, vector<16xf32>,
      %add3A_1600 = arith.addf %add3A_1591, %get3A_1599 : vector<16xf32>
      %mul3A_1601 = arith.mulf %get3A_1599, %get3A_1599 : vector<16xf32>
      %add3A_1602 = arith.addf %add3A_1593, %mul3A_1601 : vector<16xf32>
      %get3A_1603 = arith.constant 1 : i32
      %get3A_1604 = arith.constant 55 : i32
      %get3A_1605 = arith.index_cast %get3A_1603 : i32 to index
      %get3A_1606 = arith.index_cast %get3A_1604 : i32 to index
      %get3A_1607 = arith.constant 0 : index
      %get3A_1608 = tpu.vector_load %arg6[%get3A_1605, %get3A_1606, %get3A_1607] {strides = array<i32>} : memref<4x104x16xf32, #tpu.memory_space<vmem>>, vector<16xf32>,
      %add3A_1609 = arith.addf %add3A_1600, %get3A_1608 : vector<16xf32>
      %mul3A_1610 = arith.mulf %get3A_1608, %get3A_1608 : vector<16xf32>
      %add3A_1611 = arith.addf %add3A_1602, %mul3A_1610 : vector<16xf32>
      %get3A_1612 = arith.constant 1 : i32
      %get3A_1613 = arith.constant 56 : i32
      %get3A_1614 = arith.index_cast %get3A_1612 : i32 to index
      %get3A_1615 = arith.index_cast %get3A_1613 : i32 to index
      %get3A_1616 = arith.constant 0 : index
      %get3A_1617 = tpu.vector_load %arg6[%get3A_1614, %get3A_1615, %get3A_1616] {strides = array<i32>} : memref<4x104x16xf32, #tpu.memory_space<vmem>>, vector<16xf32>,
      %add3A_1618 = arith.addf %add3A_1609, %get3A_1617 : vector<16xf32>
      %mul3A_1619 = arith.mulf %get3A_1617, %get3A_1617 : vector<16xf32>
      %add3A_1620 = arith.addf %add3A_1611, %mul3A_1619 : vector<16xf32>
      %get3A_1621 = arith.constant 1 : i32
      %get3A_1622 = arith.constant 57 : i32
      %get3A_1623 = arith.index_cast %get3A_1621 : i32 to index
      %get3A_1624 = arith.index_cast %get3A_1622 : i32 to index
      %get3A_1625 = arith.constant 0 : index
      %get3A_1626 = tpu.vector_load %arg6[%get3A_1623, %get3A_1624, %get3A_1625] {strides = array<i32>} : memref<4x104x16xf32, #tpu.memory_space<vmem>>, vector<16xf32>,
      %add3A_1627 = arith.addf %add3A_1618, %get3A_1626 : vector<16xf32>
      %mul3A_1628 = arith.mulf %get3A_1626, %get3A_1626 : vector<16xf32>
      %add3A_1629 = arith.addf %add3A_1620, %mul3A_1628 : vector<16xf32>
      %get3A_1630 = arith.constant 1 : i32
      %get3A_1631 = arith.constant 58 : i32
      %get3A_1632 = arith.index_cast %get3A_1630 : i32 to index
      %get3A_1633 = arith.index_cast %get3A_1631 : i32 to index
      %get3A_1634 = arith.constant 0 : index
      %get3A_1635 = tpu.vector_load %arg6[%get3A_1632, %get3A_1633, %get3A_1634] {strides = array<i32>} : memref<4x104x16xf32, #tpu.memory_space<vmem>>, vector<16xf32>,
      %add3A_1636 = arith.addf %add3A_1627, %get3A_1635 : vector<16xf32>
      %mul3A_1637 = arith.mulf %get3A_1635, %get3A_1635 : vector<16xf32>
      %add3A_1638 = arith.addf %add3A_1629, %mul3A_1637 : vector<16xf32>
      %get3A_1639 = arith.constant 1 : i32
      %get3A_1640 = arith.constant 59 : i32
      %get3A_1641 = arith.index_cast %get3A_1639 : i32 to index
      %get3A_1642 = arith.index_cast %get3A_1640 : i32 to index
      %get3A_1643 = arith.constant 0 : index
      %get3A_1644 = tpu.vector_load %arg6[%get3A_1641, %get3A_1642, %get3A_1643] {strides = array<i32>} : memref<4x104x16xf32, #tpu.memory_space<vmem>>, vector<16xf32>,
      %add3A_1645 = arith.addf %add3A_1636, %get3A_1644 : vector<16xf32>
      %mul3A_1646 = arith.mulf %get3A_1644, %get3A_1644 : vector<16xf32>
      %add3A_1647 = arith.addf %add3A_1638, %mul3A_1646 : vector<16xf32>
      %get3A_1648 = arith.constant 1 : i32
      %get3A_1649 = arith.constant 60 : i32
      %get3A_1650 = arith.index_cast %get3A_1648 : i32 to index
      %get3A_1651 = arith.index_cast %get3A_1649 : i32 to index
      %get3A_1652 = arith.constant 0 : index
      %get3A_1653 = tpu.vector_load %arg6[%get3A_1650, %get3A_1651, %get3A_1652] {strides = array<i32>} : memref<4x104x16xf32, #tpu.memory_space<vmem>>, vector<16xf32>,
      %add3A_1654 = arith.addf %add3A_1645, %get3A_1653 : vector<16xf32>
      %mul3A_1655 = arith.mulf %get3A_1653, %get3A_1653 : vector<16xf32>
      %add3A_1656 = arith.addf %add3A_1647, %mul3A_1655 : vector<16xf32>
      %get3A_1657 = arith.constant 1 : i32
      %get3A_1658 = arith.constant 61 : i32
      %get3A_1659 = arith.index_cast %get3A_1657 : i32 to index
      %get3A_1660 = arith.index_cast %get3A_1658 : i32 to index
      %get3A_1661 = arith.constant 0 : index
      %get3A_1662 = tpu.vector_load %arg6[%get3A_1659, %get3A_1660, %get3A_1661] {strides = array<i32>} : memref<4x104x16xf32, #tpu.memory_space<vmem>>, vector<16xf32>,
      %add3A_1663 = arith.addf %add3A_1654, %get3A_1662 : vector<16xf32>
      %mul3A_1664 = arith.mulf %get3A_1662, %get3A_1662 : vector<16xf32>
      %add3A_1665 = arith.addf %add3A_1656, %mul3A_1664 : vector<16xf32>
      %get3A_1666 = arith.constant 1 : i32
      %get3A_1667 = arith.constant 62 : i32
      %get3A_1668 = arith.index_cast %get3A_1666 : i32 to index
      %get3A_1669 = arith.index_cast %get3A_1667 : i32 to index
      %get3A_1670 = arith.constant 0 : index
      %get3A_1671 = tpu.vector_load %arg6[%get3A_1668, %get3A_1669, %get3A_1670] {strides = array<i32>} : memref<4x104x16xf32, #tpu.memory_space<vmem>>, vector<16xf32>,
      %add3A_1672 = arith.addf %add3A_1663, %get3A_1671 : vector<16xf32>
      %mul3A_1673 = arith.mulf %get3A_1671, %get3A_1671 : vector<16xf32>
      %add3A_1674 = arith.addf %add3A_1665, %mul3A_1673 : vector<16xf32>
      %get3A_1675 = arith.constant 1 : i32
      %get3A_1676 = arith.constant 63 : i32
      %get3A_1677 = arith.index_cast %get3A_1675 : i32 to index
      %get3A_1678 = arith.index_cast %get3A_1676 : i32 to index
      %get3A_1679 = arith.constant 0 : index
      %get3A_1680 = tpu.vector_load %arg6[%get3A_1677, %get3A_1678, %get3A_1679] {strides = array<i32>} : memref<4x104x16xf32, #tpu.memory_space<vmem>>, vector<16xf32>,
      %add3A_1681 = arith.addf %add3A_1672, %get3A_1680 : vector<16xf32>
      %mul3A_1682 = arith.mulf %get3A_1680, %get3A_1680 : vector<16xf32>
      %add3A_1683 = arith.addf %add3A_1674, %mul3A_1682 : vector<16xf32>
      %get3A_1684 = arith.constant 1 : i32
      %get3A_1685 = arith.constant 64 : i32
      %get3A_1686 = arith.index_cast %get3A_1684 : i32 to index
      %get3A_1687 = arith.index_cast %get3A_1685 : i32 to index
      %get3A_1688 = arith.constant 0 : index
      %get3A_1689 = tpu.vector_load %arg6[%get3A_1686, %get3A_1687, %get3A_1688] {strides = array<i32>} : memref<4x104x16xf32, #tpu.memory_space<vmem>>, vector<16xf32>,
      %add3A_1690 = arith.addf %add3A_1681, %get3A_1689 : vector<16xf32>
      %mul3A_1691 = arith.mulf %get3A_1689, %get3A_1689 : vector<16xf32>
      %add3A_1692 = arith.addf %add3A_1683, %mul3A_1691 : vector<16xf32>
      %get3A_1693 = arith.constant 1 : i32
      %get3A_1694 = arith.constant 65 : i32
      %get3A_1695 = arith.index_cast %get3A_1693 : i32 to index
      %get3A_1696 = arith.index_cast %get3A_1694 : i32 to index
      %get3A_1697 = arith.constant 0 : index
      %get3A_1698 = tpu.vector_load %arg6[%get3A_1695, %get3A_1696, %get3A_1697] {strides = array<i32>} : memref<4x104x16xf32, #tpu.memory_space<vmem>>, vector<16xf32>,
      %add3A_1699 = arith.addf %add3A_1690, %get3A_1698 : vector<16xf32>
      %mul3A_1700 = arith.mulf %get3A_1698, %get3A_1698 : vector<16xf32>
      %add3A_1701 = arith.addf %add3A_1692, %mul3A_1700 : vector<16xf32>
      %get3A_1702 = arith.constant 1 : i32
      %get3A_1703 = arith.constant 66 : i32
      %get3A_1704 = arith.index_cast %get3A_1702 : i32 to index
      %get3A_1705 = arith.index_cast %get3A_1703 : i32 to index
      %get3A_1706 = arith.constant 0 : index
      %get3A_1707 = tpu.vector_load %arg6[%get3A_1704, %get3A_1705, %get3A_1706] {strides = array<i32>} : memref<4x104x16xf32, #tpu.memory_space<vmem>>, vector<16xf32>,
      %add3A_1708 = arith.addf %add3A_1699, %get3A_1707 : vector<16xf32>
      %mul3A_1709 = arith.mulf %get3A_1707, %get3A_1707 : vector<16xf32>
      %add3A_1710 = arith.addf %add3A_1701, %mul3A_1709 : vector<16xf32>
      %get3A_1711 = arith.constant 1 : i32
      %get3A_1712 = arith.constant 67 : i32
      %get3A_1713 = arith.index_cast %get3A_1711 : i32 to index
      %get3A_1714 = arith.index_cast %get3A_1712 : i32 to index
      %get3A_1715 = arith.constant 0 : index
      %get3A_1716 = tpu.vector_load %arg6[%get3A_1713, %get3A_1714, %get3A_1715] {strides = array<i32>} : memref<4x104x16xf32, #tpu.memory_space<vmem>>, vector<16xf32>,
      %add3A_1717 = arith.addf %add3A_1708, %get3A_1716 : vector<16xf32>
      %mul3A_1718 = arith.mulf %get3A_1716, %get3A_1716 : vector<16xf32>
      %add3A_1719 = arith.addf %add3A_1710, %mul3A_1718 : vector<16xf32>
      %get3A_1720 = arith.constant 1 : i32
      %get3A_1721 = arith.constant 68 : i32
      %get3A_1722 = arith.index_cast %get3A_1720 : i32 to index
      %get3A_1723 = arith.index_cast %get3A_1721 : i32 to index
      %get3A_1724 = arith.constant 0 : index
      %get3A_1725 = tpu.vector_load %arg6[%get3A_1722, %get3A_1723, %get3A_1724] {strides = array<i32>} : memref<4x104x16xf32, #tpu.memory_space<vmem>>, vector<16xf32>,
      %add3A_1726 = arith.addf %add3A_1717, %get3A_1725 : vector<16xf32>
      %mul3A_1727 = arith.mulf %get3A_1725, %get3A_1725 : vector<16xf32>
      %add3A_1728 = arith.addf %add3A_1719, %mul3A_1727 : vector<16xf32>
      %get3A_1729 = arith.constant 1 : i32
      %get3A_1730 = arith.constant 69 : i32
      %get3A_1731 = arith.index_cast %get3A_1729 : i32 to index
      %get3A_1732 = arith.index_cast %get3A_1730 : i32 to index
      %get3A_1733 = arith.constant 0 : index
      %get3A_1734 = tpu.vector_load %arg6[%get3A_1731, %get3A_1732, %get3A_1733] {strides = array<i32>} : memref<4x104x16xf32, #tpu.memory_space<vmem>>, vector<16xf32>,
      %add3A_1735 = arith.addf %add3A_1726, %get3A_1734 : vector<16xf32>
      %mul3A_1736 = arith.mulf %get3A_1734, %get3A_1734 : vector<16xf32>
      %add3A_1737 = arith.addf %add3A_1728, %mul3A_1736 : vector<16xf32>
      %get3A_1738 = arith.constant 1 : i32
      %get3A_1739 = arith.constant 70 : i32
      %get3A_1740 = arith.index_cast %get3A_1738 : i32 to index
      %get3A_1741 = arith.index_cast %get3A_1739 : i32 to index
      %get3A_1742 = arith.constant 0 : index
      %get3A_1743 = tpu.vector_load %arg6[%get3A_1740, %get3A_1741, %get3A_1742] {strides = array<i32>} : memref<4x104x16xf32, #tpu.memory_space<vmem>>, vector<16xf32>,
      %add3A_1744 = arith.addf %add3A_1735, %get3A_1743 : vector<16xf32>
      %mul3A_1745 = arith.mulf %get3A_1743, %get3A_1743 : vector<16xf32>
      %add3A_1746 = arith.addf %add3A_1737, %mul3A_1745 : vector<16xf32>
      %get3A_1747 = arith.constant 1 : i32
      %get3A_1748 = arith.constant 71 : i32
      %get3A_1749 = arith.index_cast %get3A_1747 : i32 to index
      %get3A_1750 = arith.index_cast %get3A_1748 : i32 to index
      %get3A_1751 = arith.constant 0 : index
      %get3A_1752 = tpu.vector_load %arg6[%get3A_1749, %get3A_1750, %get3A_1751] {strides = array<i32>} : memref<4x104x16xf32, #tpu.memory_space<vmem>>, vector<16xf32>,
      %add3A_1753 = arith.addf %add3A_1744, %get3A_1752 : vector<16xf32>
      %mul3A_1754 = arith.mulf %get3A_1752, %get3A_1752 : vector<16xf32>
      %add3A_1755 = arith.addf %add3A_1746, %mul3A_1754 : vector<16xf32>
      %get3A_1756 = arith.constant 1 : i32
      %get3A_1757 = arith.constant 72 : i32
      %get3A_1758 = arith.index_cast %get3A_1756 : i32 to index
      %get3A_1759 = arith.index_cast %get3A_1757 : i32 to index
      %get3A_1760 = arith.constant 0 : index
      %get3A_1761 = tpu.vector_load %arg6[%get3A_1758, %get3A_1759, %get3A_1760] {strides = array<i32>} : memref<4x104x16xf32, #tpu.memory_space<vmem>>, vector<16xf32>,
      %add3A_1762 = arith.addf %add3A_1753, %get3A_1761 : vector<16xf32>
      %mul3A_1763 = arith.mulf %get3A_1761, %get3A_1761 : vector<16xf32>
      %add3A_1764 = arith.addf %add3A_1755, %mul3A_1763 : vector<16xf32>
      %get3A_1765 = arith.constant 1 : i32
      %get3A_1766 = arith.constant 73 : i32
      %get3A_1767 = arith.index_cast %get3A_1765 : i32 to index
      %get3A_1768 = arith.index_cast %get3A_1766 : i32 to index
      %get3A_1769 = arith.constant 0 : index
      %get3A_1770 = tpu.vector_load %arg6[%get3A_1767, %get3A_1768, %get3A_1769] {strides = array<i32>} : memref<4x104x16xf32, #tpu.memory_space<vmem>>, vector<16xf32>,
      %add3A_1771 = arith.addf %add3A_1762, %get3A_1770 : vector<16xf32>
      %mul3A_1772 = arith.mulf %get3A_1770, %get3A_1770 : vector<16xf32>
      %add3A_1773 = arith.addf %add3A_1764, %mul3A_1772 : vector<16xf32>
      %get3A_1774 = arith.constant 1 : i32
      %get3A_1775 = arith.constant 74 : i32
      %get3A_1776 = arith.index_cast %get3A_1774 : i32 to index
      %get3A_1777 = arith.index_cast %get3A_1775 : i32 to index
      %get3A_1778 = arith.constant 0 : index
      %get3A_1779 = tpu.vector_load %arg6[%get3A_1776, %get3A_1777, %get3A_1778] {strides = array<i32>} : memref<4x104x16xf32, #tpu.memory_space<vmem>>, vector<16xf32>,
      %add3A_1780 = arith.addf %add3A_1771, %get3A_1779 : vector<16xf32>
      %mul3A_1781 = arith.mulf %get3A_1779, %get3A_1779 : vector<16xf32>
      %add3A_1782 = arith.addf %add3A_1773, %mul3A_1781 : vector<16xf32>
      %get3A_1783 = arith.constant 1 : i32
      %get3A_1784 = arith.constant 75 : i32
      %get3A_1785 = arith.index_cast %get3A_1783 : i32 to index
      %get3A_1786 = arith.index_cast %get3A_1784 : i32 to index
      %get3A_1787 = arith.constant 0 : index
      %get3A_1788 = tpu.vector_load %arg6[%get3A_1785, %get3A_1786, %get3A_1787] {strides = array<i32>} : memref<4x104x16xf32, #tpu.memory_space<vmem>>, vector<16xf32>,
      %add3A_1789 = arith.addf %add3A_1780, %get3A_1788 : vector<16xf32>
      %mul3A_1790 = arith.mulf %get3A_1788, %get3A_1788 : vector<16xf32>
      %add3A_1791 = arith.addf %add3A_1782, %mul3A_1790 : vector<16xf32>
      %get3A_1792 = arith.constant 1 : i32
      %get3A_1793 = arith.constant 76 : i32
      %get3A_1794 = arith.index_cast %get3A_1792 : i32 to index
      %get3A_1795 = arith.index_cast %get3A_1793 : i32 to index
      %get3A_1796 = arith.constant 0 : index
      %get3A_1797 = tpu.vector_load %arg6[%get3A_1794, %get3A_1795, %get3A_1796] {strides = array<i32>} : memref<4x104x16xf32, #tpu.memory_space<vmem>>, vector<16xf32>,
      %add3A_1798 = arith.addf %add3A_1789, %get3A_1797 : vector<16xf32>
      %mul3A_1799 = arith.mulf %get3A_1797, %get3A_1797 : vector<16xf32>
      %add3A_1800 = arith.addf %add3A_1791, %mul3A_1799 : vector<16xf32>
      %get3A_1801 = arith.constant 1 : i32
      %get3A_1802 = arith.constant 77 : i32
      %get3A_1803 = arith.index_cast %get3A_1801 : i32 to index
      %get3A_1804 = arith.index_cast %get3A_1802 : i32 to index
      %get3A_1805 = arith.constant 0 : index
      %get3A_1806 = tpu.vector_load %arg6[%get3A_1803, %get3A_1804, %get3A_1805] {strides = array<i32>} : memref<4x104x16xf32, #tpu.memory_space<vmem>>, vector<16xf32>,
      %add3A_1807 = arith.addf %add3A_1798, %get3A_1806 : vector<16xf32>
      %mul3A_1808 = arith.mulf %get3A_1806, %get3A_1806 : vector<16xf32>
      %add3A_1809 = arith.addf %add3A_1800, %mul3A_1808 : vector<16xf32>
      %mul3A_1810 = arith.mulf %add3A_1807, %add3A_1807 : vector<16xf32>
      %sub3A_1811 = arith.subf %mul3A_1810, %add3A_1809 : vector<16xf32>
      %mul3A_1812 = arith.constant 4 : i32
      %mul3A_1813 = arith.muli %add3A_1079, %mul3A_1812 : i32
      %add3A_1814 = arith.constant 2 : i32
      %add3A_1815 = arith.addi %mul3A_1813, %add3A_1814 : i32
      %mul3A_1816 = arith.constant 16 : i32
      %mul3A_1817 = arith.muli %add3A_1815, %mul3A_1816 : i32
      %swap3A_1818 = arith.index_cast %mul3A_1817 : i32 to index
      %swap3A_1819 = tpu.vector_load %arg7[%swap3A_1818] {strides = array<i32>} : memref<8192xf32, #tpu.memory_space<vmem>>, vector<16xf32>,
      tpu.vector_store %arg7[%swap3A_1818], %sub3A_1811 {strides = array<i32>} : memref<8192xf32, #tpu.memory_space<vmem>>, vector<16xf32>,
      %get3A_1820 = arith.constant 1 : i32
      %get3A_1821 = arith.constant 78 : i32
      %get3A_1822 = arith.index_cast %get3A_1820 : i32 to index
      %get3A_1823 = arith.index_cast %get3A_1821 : i32 to index
      %get3A_1824 = arith.constant 0 : index
      %get3A_1825 = tpu.vector_load %arg6[%get3A_1822, %get3A_1823, %get3A_1824] {strides = array<i32>} : memref<4x104x16xf32, #tpu.memory_space<vmem>>, vector<16xf32>,
      %mul3A_1826 = arith.mulf %get3A_1825, %get3A_1825 : vector<16xf32>
      %get3A_1827 = arith.constant 1 : i32
      %get3A_1828 = arith.constant 79 : i32
      %get3A_1829 = arith.index_cast %get3A_1827 : i32 to index
      %get3A_1830 = arith.index_cast %get3A_1828 : i32 to index
      %get3A_1831 = arith.constant 0 : index
      %get3A_1832 = tpu.vector_load %arg6[%get3A_1829, %get3A_1830, %get3A_1831] {strides = array<i32>} : memref<4x104x16xf32, #tpu.memory_space<vmem>>, vector<16xf32>,
      %add3A_1833 = arith.addf %get3A_1825, %get3A_1832 : vector<16xf32>
      %mul3A_1834 = arith.mulf %get3A_1832, %get3A_1832 : vector<16xf32>
      %add3A_1835 = arith.addf %mul3A_1826, %mul3A_1834 : vector<16xf32>
      %get3A_1836 = arith.constant 1 : i32
      %get3A_1837 = arith.constant 80 : i32
      %get3A_1838 = arith.index_cast %get3A_1836 : i32 to index
      %get3A_1839 = arith.index_cast %get3A_1837 : i32 to index
      %get3A_1840 = arith.constant 0 : index
      %get3A_1841 = tpu.vector_load %arg6[%get3A_1838, %get3A_1839, %get3A_1840] {strides = array<i32>} : memref<4x104x16xf32, #tpu.memory_space<vmem>>, vector<16xf32>,
      %add3A_1842 = arith.addf %add3A_1833, %get3A_1841 : vector<16xf32>
      %mul3A_1843 = arith.mulf %get3A_1841, %get3A_1841 : vector<16xf32>
      %add3A_1844 = arith.addf %add3A_1835, %mul3A_1843 : vector<16xf32>
      %get3A_1845 = arith.constant 1 : i32
      %get3A_1846 = arith.constant 81 : i32
      %get3A_1847 = arith.index_cast %get3A_1845 : i32 to index
      %get3A_1848 = arith.index_cast %get3A_1846 : i32 to index
      %get3A_1849 = arith.constant 0 : index
      %get3A_1850 = tpu.vector_load %arg6[%get3A_1847, %get3A_1848, %get3A_1849] {strides = array<i32>} : memref<4x104x16xf32, #tpu.memory_space<vmem>>, vector<16xf32>,
      %add3A_1851 = arith.addf %add3A_1842, %get3A_1850 : vector<16xf32>
      %mul3A_1852 = arith.mulf %get3A_1850, %get3A_1850 : vector<16xf32>
      %add3A_1853 = arith.addf %add3A_1844, %mul3A_1852 : vector<16xf32>
      %get3A_1854 = arith.constant 1 : i32
      %get3A_1855 = arith.constant 82 : i32
      %get3A_1856 = arith.index_cast %get3A_1854 : i32 to index
      %get3A_1857 = arith.index_cast %get3A_1855 : i32 to index
      %get3A_1858 = arith.constant 0 : index
      %get3A_1859 = tpu.vector_load %arg6[%get3A_1856, %get3A_1857, %get3A_1858] {strides = array<i32>} : memref<4x104x16xf32, #tpu.memory_space<vmem>>, vector<16xf32>,
      %add3A_1860 = arith.addf %add3A_1851, %get3A_1859 : vector<16xf32>
      %mul3A_1861 = arith.mulf %get3A_1859, %get3A_1859 : vector<16xf32>
      %add3A_1862 = arith.addf %add3A_1853, %mul3A_1861 : vector<16xf32>
      %get3A_1863 = arith.constant 1 : i32
      %get3A_1864 = arith.constant 83 : i32
      %get3A_1865 = arith.index_cast %get3A_1863 : i32 to index
      %get3A_1866 = arith.index_cast %get3A_1864 : i32 to index
      %get3A_1867 = arith.constant 0 : index
      %get3A_1868 = tpu.vector_load %arg6[%get3A_1865, %get3A_1866, %get3A_1867] {strides = array<i32>} : memref<4x104x16xf32, #tpu.memory_space<vmem>>, vector<16xf32>,
      %add3A_1869 = arith.addf %add3A_1860, %get3A_1868 : vector<16xf32>
      %mul3A_1870 = arith.mulf %get3A_1868, %get3A_1868 : vector<16xf32>
      %add3A_1871 = arith.addf %add3A_1862, %mul3A_1870 : vector<16xf32>
      %get3A_1872 = arith.constant 1 : i32
      %get3A_1873 = arith.constant 84 : i32
      %get3A_1874 = arith.index_cast %get3A_1872 : i32 to index
      %get3A_1875 = arith.index_cast %get3A_1873 : i32 to index
      %get3A_1876 = arith.constant 0 : index
      %get3A_1877 = tpu.vector_load %arg6[%get3A_1874, %get3A_1875, %get3A_1876] {strides = array<i32>} : memref<4x104x16xf32, #tpu.memory_space<vmem>>, vector<16xf32>,
      %add3A_1878 = arith.addf %add3A_1869, %get3A_1877 : vector<16xf32>
      %mul3A_1879 = arith.mulf %get3A_1877, %get3A_1877 : vector<16xf32>
      %add3A_1880 = arith.addf %add3A_1871, %mul3A_1879 : vector<16xf32>
      %get3A_1881 = arith.constant 1 : i32
      %get3A_1882 = arith.constant 85 : i32
      %get3A_1883 = arith.index_cast %get3A_1881 : i32 to index
      %get3A_1884 = arith.index_cast %get3A_1882 : i32 to index
      %get3A_1885 = arith.constant 0 : index
      %get3A_1886 = tpu.vector_load %arg6[%get3A_1883, %get3A_1884, %get3A_1885] {strides = array<i32>} : memref<4x104x16xf32, #tpu.memory_space<vmem>>, vector<16xf32>,
      %add3A_1887 = arith.addf %add3A_1878, %get3A_1886 : vector<16xf32>
      %mul3A_1888 = arith.mulf %get3A_1886, %get3A_1886 : vector<16xf32>
      %add3A_1889 = arith.addf %add3A_1880, %mul3A_1888 : vector<16xf32>
      %get3A_1890 = arith.constant 1 : i32
      %get3A_1891 = arith.constant 86 : i32
      %get3A_1892 = arith.index_cast %get3A_1890 : i32 to index
      %get3A_1893 = arith.index_cast %get3A_1891 : i32 to index
      %get3A_1894 = arith.constant 0 : index
      %get3A_1895 = tpu.vector_load %arg6[%get3A_1892, %get3A_1893, %get3A_1894] {strides = array<i32>} : memref<4x104x16xf32, #tpu.memory_space<vmem>>, vector<16xf32>,
      %add3A_1896 = arith.addf %add3A_1887, %get3A_1895 : vector<16xf32>
      %mul3A_1897 = arith.mulf %get3A_1895, %get3A_1895 : vector<16xf32>
      %add3A_1898 = arith.addf %add3A_1889, %mul3A_1897 : vector<16xf32>
      %get3A_1899 = arith.constant 1 : i32
      %get3A_1900 = arith.constant 87 : i32
      %get3A_1901 = arith.index_cast %get3A_1899 : i32 to index
      %get3A_1902 = arith.index_cast %get3A_1900 : i32 to index
      %get3A_1903 = arith.constant 0 : index
      %get3A_1904 = tpu.vector_load %arg6[%get3A_1901, %get3A_1902, %get3A_1903] {strides = array<i32>} : memref<4x104x16xf32, #tpu.memory_space<vmem>>, vector<16xf32>,
      %add3A_1905 = arith.addf %add3A_1896, %get3A_1904 : vector<16xf32>
      %mul3A_1906 = arith.mulf %get3A_1904, %get3A_1904 : vector<16xf32>
      %add3A_1907 = arith.addf %add3A_1898, %mul3A_1906 : vector<16xf32>
      %get3A_1908 = arith.constant 1 : i32
      %get3A_1909 = arith.constant 88 : i32
      %get3A_1910 = arith.index_cast %get3A_1908 : i32 to index
      %get3A_1911 = arith.index_cast %get3A_1909 : i32 to index
      %get3A_1912 = arith.constant 0 : index
      %get3A_1913 = tpu.vector_load %arg6[%get3A_1910, %get3A_1911, %get3A_1912] {strides = array<i32>} : memref<4x104x16xf32, #tpu.memory_space<vmem>>, vector<16xf32>,
      %add3A_1914 = arith.addf %add3A_1905, %get3A_1913 : vector<16xf32>
      %mul3A_1915 = arith.mulf %get3A_1913, %get3A_1913 : vector<16xf32>
      %add3A_1916 = arith.addf %add3A_1907, %mul3A_1915 : vector<16xf32>
      %get3A_1917 = arith.constant 1 : i32
      %get3A_1918 = arith.constant 89 : i32
      %get3A_1919 = arith.index_cast %get3A_1917 : i32 to index
      %get3A_1920 = arith.index_cast %get3A_1918 : i32 to index
      %get3A_1921 = arith.constant 0 : index
      %get3A_1922 = tpu.vector_load %arg6[%get3A_1919, %get3A_1920, %get3A_1921] {strides = array<i32>} : memref<4x104x16xf32, #tpu.memory_space<vmem>>, vector<16xf32>,
      %add3A_1923 = arith.addf %add3A_1914, %get3A_1922 : vector<16xf32>
      %mul3A_1924 = arith.mulf %get3A_1922, %get3A_1922 : vector<16xf32>
      %add3A_1925 = arith.addf %add3A_1916, %mul3A_1924 : vector<16xf32>
      %get3A_1926 = arith.constant 1 : i32
      %get3A_1927 = arith.constant 90 : i32
      %get3A_1928 = arith.index_cast %get3A_1926 : i32 to index
      %get3A_1929 = arith.index_cast %get3A_1927 : i32 to index
      %get3A_1930 = arith.constant 0 : index
      %get3A_1931 = tpu.vector_load %arg6[%get3A_1928, %get3A_1929, %get3A_1930] {strides = array<i32>} : memref<4x104x16xf32, #tpu.memory_space<vmem>>, vector<16xf32>,
      %add3A_1932 = arith.addf %add3A_1923, %get3A_1931 : vector<16xf32>
      %mul3A_1933 = arith.mulf %get3A_1931, %get3A_1931 : vector<16xf32>
      %add3A_1934 = arith.addf %add3A_1925, %mul3A_1933 : vector<16xf32>
      %get3A_1935 = arith.constant 1 : i32
      %get3A_1936 = arith.constant 91 : i32
      %get3A_1937 = arith.index_cast %get3A_1935 : i32 to index
      %get3A_1938 = arith.index_cast %get3A_1936 : i32 to index
      %get3A_1939 = arith.constant 0 : index
      %get3A_1940 = tpu.vector_load %arg6[%get3A_1937, %get3A_1938, %get3A_1939] {strides = array<i32>} : memref<4x104x16xf32, #tpu.memory_space<vmem>>, vector<16xf32>,
      %add3A_1941 = arith.addf %add3A_1932, %get3A_1940 : vector<16xf32>
      %mul3A_1942 = arith.mulf %get3A_1940, %get3A_1940 : vector<16xf32>
      %add3A_1943 = arith.addf %add3A_1934, %mul3A_1942 : vector<16xf32>
      %get3A_1944 = arith.constant 1 : i32
      %get3A_1945 = arith.constant 92 : i32
      %get3A_1946 = arith.index_cast %get3A_1944 : i32 to index
      %get3A_1947 = arith.index_cast %get3A_1945 : i32 to index
      %get3A_1948 = arith.constant 0 : index
      %get3A_1949 = tpu.vector_load %arg6[%get3A_1946, %get3A_1947, %get3A_1948] {strides = array<i32>} : memref<4x104x16xf32, #tpu.memory_space<vmem>>, vector<16xf32>,
      %add3A_1950 = arith.addf %add3A_1941, %get3A_1949 : vector<16xf32>
      %mul3A_1951 = arith.mulf %get3A_1949, %get3A_1949 : vector<16xf32>
      %add3A_1952 = arith.addf %add3A_1943, %mul3A_1951 : vector<16xf32>
      %get3A_1953 = arith.constant 1 : i32
      %get3A_1954 = arith.constant 93 : i32
      %get3A_1955 = arith.index_cast %get3A_1953 : i32 to index
      %get3A_1956 = arith.index_cast %get3A_1954 : i32 to index
      %get3A_1957 = arith.constant 0 : index
      %get3A_1958 = tpu.vector_load %arg6[%get3A_1955, %get3A_1956, %get3A_1957] {strides = array<i32>} : memref<4x104x16xf32, #tpu.memory_space<vmem>>, vector<16xf32>,
      %add3A_1959 = arith.addf %add3A_1950, %get3A_1958 : vector<16xf32>
      %mul3A_1960 = arith.mulf %get3A_1958, %get3A_1958 : vector<16xf32>
      %add3A_1961 = arith.addf %add3A_1952, %mul3A_1960 : vector<16xf32>
      %get3A_1962 = arith.constant 1 : i32
      %get3A_1963 = arith.constant 94 : i32
      %get3A_1964 = arith.index_cast %get3A_1962 : i32 to index
      %get3A_1965 = arith.index_cast %get3A_1963 : i32 to index
      %get3A_1966 = arith.constant 0 : index
      %get3A_1967 = tpu.vector_load %arg6[%get3A_1964, %get3A_1965, %get3A_1966] {strides = array<i32>} : memref<4x104x16xf32, #tpu.memory_space<vmem>>, vector<16xf32>,
      %add3A_1968 = arith.addf %add3A_1959, %get3A_1967 : vector<16xf32>
      %mul3A_1969 = arith.mulf %get3A_1967, %get3A_1967 : vector<16xf32>
      %add3A_1970 = arith.addf %add3A_1961, %mul3A_1969 : vector<16xf32>
      %get3A_1971 = arith.constant 1 : i32
      %get3A_1972 = arith.constant 95 : i32
      %get3A_1973 = arith.index_cast %get3A_1971 : i32 to index
      %get3A_1974 = arith.index_cast %get3A_1972 : i32 to index
      %get3A_1975 = arith.constant 0 : index
      %get3A_1976 = tpu.vector_load %arg6[%get3A_1973, %get3A_1974, %get3A_1975] {strides = array<i32>} : memref<4x104x16xf32, #tpu.memory_space<vmem>>, vector<16xf32>,
      %add3A_1977 = arith.addf %add3A_1968, %get3A_1976 : vector<16xf32>
      %mul3A_1978 = arith.mulf %get3A_1976, %get3A_1976 : vector<16xf32>
      %add3A_1979 = arith.addf %add3A_1970, %mul3A_1978 : vector<16xf32>
      %get3A_1980 = arith.constant 1 : i32
      %get3A_1981 = arith.constant 96 : i32
      %get3A_1982 = arith.index_cast %get3A_1980 : i32 to index
      %get3A_1983 = arith.index_cast %get3A_1981 : i32 to index
      %get3A_1984 = arith.constant 0 : index
      %get3A_1985 = tpu.vector_load %arg6[%get3A_1982, %get3A_1983, %get3A_1984] {strides = array<i32>} : memref<4x104x16xf32, #tpu.memory_space<vmem>>, vector<16xf32>,
      %add3A_1986 = arith.addf %add3A_1977, %get3A_1985 : vector<16xf32>
      %mul3A_1987 = arith.mulf %get3A_1985, %get3A_1985 : vector<16xf32>
      %add3A_1988 = arith.addf %add3A_1979, %mul3A_1987 : vector<16xf32>
      %get3A_1989 = arith.constant 1 : i32
      %get3A_1990 = arith.constant 97 : i32
      %get3A_1991 = arith.index_cast %get3A_1989 : i32 to index
      %get3A_1992 = arith.index_cast %get3A_1990 : i32 to index
      %get3A_1993 = arith.constant 0 : index
      %get3A_1994 = tpu.vector_load %arg6[%get3A_1991, %get3A_1992, %get3A_1993] {strides = array<i32>} : memref<4x104x16xf32, #tpu.memory_space<vmem>>, vector<16xf32>,
      %add3A_1995 = arith.addf %add3A_1986, %get3A_1994 : vector<16xf32>
      %mul3A_1996 = arith.mulf %get3A_1994, %get3A_1994 : vector<16xf32>
      %add3A_1997 = arith.addf %add3A_1988, %mul3A_1996 : vector<16xf32>
      %get3A_1998 = arith.constant 1 : i32
      %get3A_1999 = arith.constant 98 : i32
      %get3A_2000 = arith.index_cast %get3A_1998 : i32 to index
      %get3A_2001 = arith.index_cast %get3A_1999 : i32 to index
      %get3A_2002 = arith.constant 0 : index
      %get3A_2003 = tpu.vector_load %arg6[%get3A_2000, %get3A_2001, %get3A_2002] {strides = array<i32>} : memref<4x104x16xf32, #tpu.memory_space<vmem>>, vector<16xf32>,
      %add3A_2004 = arith.addf %add3A_1995, %get3A_2003 : vector<16xf32>
      %mul3A_2005 = arith.mulf %get3A_2003, %get3A_2003 : vector<16xf32>
      %add3A_2006 = arith.addf %add3A_1997, %mul3A_2005 : vector<16xf32>
      %get3A_2007 = arith.constant 1 : i32
      %get3A_2008 = arith.constant 99 : i32
      %get3A_2009 = arith.index_cast %get3A_2007 : i32 to index
      %get3A_2010 = arith.index_cast %get3A_2008 : i32 to index
      %get3A_2011 = arith.constant 0 : index
      %get3A_2012 = tpu.vector_load %arg6[%get3A_2009, %get3A_2010, %get3A_2011] {strides = array<i32>} : memref<4x104x16xf32, #tpu.memory_space<vmem>>, vector<16xf32>,
      %add3A_2013 = arith.addf %add3A_2004, %get3A_2012 : vector<16xf32>
      %mul3A_2014 = arith.mulf %get3A_2012, %get3A_2012 : vector<16xf32>
      %add3A_2015 = arith.addf %add3A_2006, %mul3A_2014 : vector<16xf32>
      %get3A_2016 = arith.constant 1 : i32
      %get3A_2017 = arith.constant 100 : i32
      %get3A_2018 = arith.index_cast %get3A_2016 : i32 to index
      %get3A_2019 = arith.index_cast %get3A_2017 : i32 to index
      %get3A_2020 = arith.constant 0 : index
      %get3A_2021 = tpu.vector_load %arg6[%get3A_2018, %get3A_2019, %get3A_2020] {strides = array<i32>} : memref<4x104x16xf32, #tpu.memory_space<vmem>>, vector<16xf32>,
      %add3A_2022 = arith.addf %add3A_2013, %get3A_2021 : vector<16xf32>
      %mul3A_2023 = arith.mulf %get3A_2021, %get3A_2021 : vector<16xf32>
      %add3A_2024 = arith.addf %add3A_2015, %mul3A_2023 : vector<16xf32>
      %get3A_2025 = arith.constant 1 : i32
      %get3A_2026 = arith.constant 101 : i32
      %get3A_2027 = arith.index_cast %get3A_2025 : i32 to index
      %get3A_2028 = arith.index_cast %get3A_2026 : i32 to index
      %get3A_2029 = arith.constant 0 : index
      %get3A_2030 = tpu.vector_load %arg6[%get3A_2027, %get3A_2028, %get3A_2029] {strides = array<i32>} : memref<4x104x16xf32, #tpu.memory_space<vmem>>, vector<16xf32>,
      %add3A_2031 = arith.addf %add3A_2022, %get3A_2030 : vector<16xf32>
      %mul3A_2032 = arith.mulf %get3A_2030, %get3A_2030 : vector<16xf32>
      %add3A_2033 = arith.addf %add3A_2024, %mul3A_2032 : vector<16xf32>
      %get3A_2034 = arith.constant 1 : i32
      %get3A_2035 = arith.constant 102 : i32
      %get3A_2036 = arith.index_cast %get3A_2034 : i32 to index
      %get3A_2037 = arith.index_cast %get3A_2035 : i32 to index
      %get3A_2038 = arith.constant 0 : index
      %get3A_2039 = tpu.vector_load %arg6[%get3A_2036, %get3A_2037, %get3A_2038] {strides = array<i32>} : memref<4x104x16xf32, #tpu.memory_space<vmem>>, vector<16xf32>,
      %add3A_2040 = arith.addf %add3A_2031, %get3A_2039 : vector<16xf32>
      %mul3A_2041 = arith.mulf %get3A_2039, %get3A_2039 : vector<16xf32>
      %add3A_2042 = arith.addf %add3A_2033, %mul3A_2041 : vector<16xf32>
      %get3A_2043 = arith.constant 1 : i32
      %get3A_2044 = arith.constant 103 : i32
      %get3A_2045 = arith.index_cast %get3A_2043 : i32 to index
      %get3A_2046 = arith.index_cast %get3A_2044 : i32 to index
      %get3A_2047 = arith.constant 0 : index
      %get3A_2048 = tpu.vector_load %arg6[%get3A_2045, %get3A_2046, %get3A_2047] {strides = array<i32>} : memref<4x104x16xf32, #tpu.memory_space<vmem>>, vector<16xf32>,
      %add3A_2049 = arith.addf %add3A_2040, %get3A_2048 : vector<16xf32>
      %mul3A_2050 = arith.mulf %get3A_2048, %get3A_2048 : vector<16xf32>
      %add3A_2051 = arith.addf %add3A_2042, %mul3A_2050 : vector<16xf32>
      %mul3A_2052 = arith.mulf %add3A_2049, %add3A_2049 : vector<16xf32>
      %sub3A_2053 = arith.subf %mul3A_2052, %add3A_2051 : vector<16xf32>
      %mul3A_2054 = arith.constant 4 : i32
      %mul3A_2055 = arith.muli %add3A_1079, %mul3A_2054 : i32
      %add3A_2056 = arith.constant 3 : i32
      %add3A_2057 = arith.addi %mul3A_2055, %add3A_2056 : i32
      %mul3A_2058 = arith.constant 16 : i32
      %mul3A_2059 = arith.muli %add3A_2057, %mul3A_2058 : i32
      %swap3A_2060 = arith.index_cast %mul3A_2059 : i32 to index
      %swap3A_2061 = tpu.vector_load %arg7[%swap3A_2060] {strides = array<i32>} : memref<8192xf32, #tpu.memory_space<vmem>>, vector<16xf32>,
      tpu.vector_store %arg7[%swap3A_2060], %sub3A_2053 {strides = array<i32>} : memref<8192xf32, #tpu.memory_space<vmem>>, vector<16xf32>,
      %add3A_2062 = arith.constant 4 : i32
      %add3A_2063 = arith.addi %add3A_1079, %add3A_2062 : i32
      %lt3A_2064 = arith.constant 128 : i32
      %lt3A_2065 = arith.cmpi slt, %add3A_2063, %lt3A_2064 : i32
      %convert_element_type3A_2066 = arith.extui %lt3A_2065 : i1 to i32
      %cond3A_2067 = arith.constant 0 : i32
      %cond3A_2068 = arith.cmpi ne, %convert_element_type3A_2066, %cond3A_2067 : i32
      scf.if %cond3A_2068 {
        %dma_start3A_4055 = arith.constant 1 : i32
        %dma_start3A_4056 = arith.constant 1 : i32
        %dma_start3A_4057 = arith.constant 0 : i32
        %dma_start3A_4058 = arith.constant 0 : i32
        %dma_start3A_4059 = tpu.memref_slice %arg6[%dma_start3A_4055, %dma_start3A_4057, %dma_start3A_4058] : memref<4x104x16xf32, #tpu.memory_space<vmem>> -> memref<1x104x16xf32, #tpu.memory_space<vmem>>
        %dma_start3A_4060 = tpu.memref_squeeze %dma_start3A_4059 : memref<1x104x16xf32, #tpu.memory_space<vmem>> -> memref<104x16xf32, #tpu.memory_space<vmem>>
        %dma_start3A_4061 = arith.constant 0 : i32
        %dma_start3A_4062 = tpu.memref_slice %arg5[%add3A_2063, %dma_start3A_4061] : memref<128x104xi32, #tpu.memory_space<vmem>> -> memref<1x104xi32, #tpu.memory_space<vmem>>
        %dma_start3A_4063 = tpu.memref_squeeze %dma_start3A_4062 : memref<1x104xi32, #tpu.memory_space<vmem>> -> memref<104xi32, #tpu.memory_space<vmem>>
        %dma_start3A_4064 = arith.constant 0 : i32
        %dma_start3A_4065 = arith.constant 0 : i32
        %dma_start3A_4066 = tpu.memref_slice %arg3[%dma_start3A_4064, %dma_start3A_4065] : memref<2621440x16xf32, #tpu.memory_space<hbm>> -> memref<2621440x16xf32, #tpu.memory_space<hbm>>
        %dma_start3A_4067 = tpu.memref_slice %arg10[%dma_start3A_4056] : memref<4x!tpu.dma_semaphore, #tpu.memory_space<semaphore_mem>> -> memref<1x!tpu.dma_semaphore, #tpu.memory_space<semaphore_mem>>
        %dma_start3A_4068 = tpu.memref_squeeze %dma_start3A_4067 : memref<1x!tpu.dma_semaphore, #tpu.memory_space<semaphore_mem>> -> memref<!tpu.dma_semaphore, #tpu.memory_space<semaphore_mem>>
        tpu.enqueue_indirect_dma source(%dma_start3A_4066 : memref<2621440x16xf32, #tpu.memory_space<hbm>>) target(%dma_start3A_4060 : memref<104x16xf32, #tpu.memory_space<vmem>>) offsets(%dma_start3A_4063 : memref<104xi32, #tpu.memory_space<vmem>>) semaphore(%dma_start3A_4068 : memref<!tpu.dma_semaphore, #tpu.memory_space<semaphore_mem>>)
      } else {
      }
      %mul3A_2069 = arith.constant 4 : i32
      %mul3A_2070 = arith.muli %scan3A_88, %mul3A_2069 : i32
      %add3A_2071 = arith.constant 2 : i32
      %add3A_2072 = arith.addi %mul3A_2070, %add3A_2071 : i32
      %dma_wait3A_2073 = arith.constant 2 : i32
      %dma_wait3A_2074 = arith.constant 2 : i32
      %dma_wait3A_2075 = arith.constant 0 : i32
      %dma_wait3A_2076 = arith.constant 0 : i32
      %dma_wait3A_2077 = tpu.memref_slice %arg6[%dma_wait3A_2073, %dma_wait3A_2075, %dma_wait3A_2076] : memref<4x104x16xf32, #tpu.memory_space<vmem>> -> memref<1x104x16xf32, #tpu.memory_space<vmem>>
      %dma_wait3A_2078 = tpu.memref_squeeze %dma_wait3A_2077 : memref<1x104x16xf32, #tpu.memory_space<vmem>> -> memref<104x16xf32, #tpu.memory_space<vmem>>
      %dma_wait3A_2079 = arith.constant 0 : i32
      %dma_wait3A_2080 = tpu.memref_slice %arg5[%add3A_2072, %dma_wait3A_2079] : memref<128x104xi32, #tpu.memory_space<vmem>> -> memref<1x104xi32, #tpu.memory_space<vmem>>
      %dma_wait3A_2081 = tpu.memref_squeeze %dma_wait3A_2080 : memref<1x104xi32, #tpu.memory_space<vmem>> -> memref<104xi32, #tpu.memory_space<vmem>>
      %dma_wait3A_2082 = arith.constant 0 : i32
      %dma_wait3A_2083 = arith.constant 0 : i32
      %dma_wait3A_2084 = tpu.memref_slice %arg3[%dma_wait3A_2082, %dma_wait3A_2083] : memref<2621440x16xf32, #tpu.memory_space<hbm>> -> memref<2621440x16xf32, #tpu.memory_space<hbm>>
      %dma_wait3A_2085 = tpu.memref_slice %arg10[%dma_wait3A_2074] : memref<4x!tpu.dma_semaphore, #tpu.memory_space<semaphore_mem>> -> memref<1x!tpu.dma_semaphore, #tpu.memory_space<semaphore_mem>>
      %dma_wait3A_2086 = tpu.memref_squeeze %dma_wait3A_2085 : memref<1x!tpu.dma_semaphore, #tpu.memory_space<semaphore_mem>> -> memref<!tpu.dma_semaphore, #tpu.memory_space<semaphore_mem>>
      tpu.wait_indirect_dma semaphore(%dma_wait3A_2086 : memref<!tpu.dma_semaphore, #tpu.memory_space<semaphore_mem>>) src(%dma_wait3A_2084 : memref<2621440x16xf32, #tpu.memory_space<hbm>>) dst(%dma_wait3A_2078 : memref<104x16xf32, #tpu.memory_space<vmem>>)
      %get3A_2087 = arith.constant 2 : i32
      %get3A_2088 = arith.constant 0 : i32
      %get3A_2089 = arith.index_cast %get3A_2087 : i32 to index
      %get3A_2090 = arith.index_cast %get3A_2088 : i32 to index
      %get3A_2091 = arith.constant 0 : index
      %get3A_2092 = tpu.vector_load %arg6[%get3A_2089, %get3A_2090, %get3A_2091] {strides = array<i32>} : memref<4x104x16xf32, #tpu.memory_space<vmem>>, vector<16xf32>,
      %mul3A_2093 = arith.mulf %get3A_2092, %get3A_2092 : vector<16xf32>
      %get3A_2094 = arith.constant 2 : i32
      %get3A_2095 = arith.constant 1 : i32
      %get3A_2096 = arith.index_cast %get3A_2094 : i32 to index
      %get3A_2097 = arith.index_cast %get3A_2095 : i32 to index
      %get3A_2098 = arith.constant 0 : index
      %get3A_2099 = tpu.vector_load %arg6[%get3A_2096, %get3A_2097, %get3A_2098] {strides = array<i32>} : memref<4x104x16xf32, #tpu.memory_space<vmem>>, vector<16xf32>,
      %add3A_2100 = arith.addf %get3A_2092, %get3A_2099 : vector<16xf32>
      %mul3A_2101 = arith.mulf %get3A_2099, %get3A_2099 : vector<16xf32>
      %add3A_2102 = arith.addf %mul3A_2093, %mul3A_2101 : vector<16xf32>
      %get3A_2103 = arith.constant 2 : i32
      %get3A_2104 = arith.constant 2 : i32
      %get3A_2105 = arith.index_cast %get3A_2103 : i32 to index
      %get3A_2106 = arith.index_cast %get3A_2104 : i32 to index
      %get3A_2107 = arith.constant 0 : index
      %get3A_2108 = tpu.vector_load %arg6[%get3A_2105, %get3A_2106, %get3A_2107] {strides = array<i32>} : memref<4x104x16xf32, #tpu.memory_space<vmem>>, vector<16xf32>,
      %add3A_2109 = arith.addf %add3A_2100, %get3A_2108 : vector<16xf32>
      %mul3A_2110 = arith.mulf %get3A_2108, %get3A_2108 : vector<16xf32>
      %add3A_2111 = arith.addf %add3A_2102, %mul3A_2110 : vector<16xf32>
      %get3A_2112 = arith.constant 2 : i32
      %get3A_2113 = arith.constant 3 : i32
      %get3A_2114 = arith.index_cast %get3A_2112 : i32 to index
      %get3A_2115 = arith.index_cast %get3A_2113 : i32 to index
      %get3A_2116 = arith.constant 0 : index
      %get3A_2117 = tpu.vector_load %arg6[%get3A_2114, %get3A_2115, %get3A_2116] {strides = array<i32>} : memref<4x104x16xf32, #tpu.memory_space<vmem>>, vector<16xf32>,
      %add3A_2118 = arith.addf %add3A_2109, %get3A_2117 : vector<16xf32>
      %mul3A_2119 = arith.mulf %get3A_2117, %get3A_2117 : vector<16xf32>
      %add3A_2120 = arith.addf %add3A_2111, %mul3A_2119 : vector<16xf32>
      %get3A_2121 = arith.constant 2 : i32
      %get3A_2122 = arith.constant 4 : i32
      %get3A_2123 = arith.index_cast %get3A_2121 : i32 to index
      %get3A_2124 = arith.index_cast %get3A_2122 : i32 to index
      %get3A_2125 = arith.constant 0 : index
      %get3A_2126 = tpu.vector_load %arg6[%get3A_2123, %get3A_2124, %get3A_2125] {strides = array<i32>} : memref<4x104x16xf32, #tpu.memory_space<vmem>>, vector<16xf32>,
      %add3A_2127 = arith.addf %add3A_2118, %get3A_2126 : vector<16xf32>
      %mul3A_2128 = arith.mulf %get3A_2126, %get3A_2126 : vector<16xf32>
      %add3A_2129 = arith.addf %add3A_2120, %mul3A_2128 : vector<16xf32>
      %get3A_2130 = arith.constant 2 : i32
      %get3A_2131 = arith.constant 5 : i32
      %get3A_2132 = arith.index_cast %get3A_2130 : i32 to index
      %get3A_2133 = arith.index_cast %get3A_2131 : i32 to index
      %get3A_2134 = arith.constant 0 : index
      %get3A_2135 = tpu.vector_load %arg6[%get3A_2132, %get3A_2133, %get3A_2134] {strides = array<i32>} : memref<4x104x16xf32, #tpu.memory_space<vmem>>, vector<16xf32>,
      %add3A_2136 = arith.addf %add3A_2127, %get3A_2135 : vector<16xf32>
      %mul3A_2137 = arith.mulf %get3A_2135, %get3A_2135 : vector<16xf32>
      %add3A_2138 = arith.addf %add3A_2129, %mul3A_2137 : vector<16xf32>
      %get3A_2139 = arith.constant 2 : i32
      %get3A_2140 = arith.constant 6 : i32
      %get3A_2141 = arith.index_cast %get3A_2139 : i32 to index
      %get3A_2142 = arith.index_cast %get3A_2140 : i32 to index
      %get3A_2143 = arith.constant 0 : index
      %get3A_2144 = tpu.vector_load %arg6[%get3A_2141, %get3A_2142, %get3A_2143] {strides = array<i32>} : memref<4x104x16xf32, #tpu.memory_space<vmem>>, vector<16xf32>,
      %add3A_2145 = arith.addf %add3A_2136, %get3A_2144 : vector<16xf32>
      %mul3A_2146 = arith.mulf %get3A_2144, %get3A_2144 : vector<16xf32>
      %add3A_2147 = arith.addf %add3A_2138, %mul3A_2146 : vector<16xf32>
      %get3A_2148 = arith.constant 2 : i32
      %get3A_2149 = arith.constant 7 : i32
      %get3A_2150 = arith.index_cast %get3A_2148 : i32 to index
      %get3A_2151 = arith.index_cast %get3A_2149 : i32 to index
      %get3A_2152 = arith.constant 0 : index
      %get3A_2153 = tpu.vector_load %arg6[%get3A_2150, %get3A_2151, %get3A_2152] {strides = array<i32>} : memref<4x104x16xf32, #tpu.memory_space<vmem>>, vector<16xf32>,
      %add3A_2154 = arith.addf %add3A_2145, %get3A_2153 : vector<16xf32>
      %mul3A_2155 = arith.mulf %get3A_2153, %get3A_2153 : vector<16xf32>
      %add3A_2156 = arith.addf %add3A_2147, %mul3A_2155 : vector<16xf32>
      %get3A_2157 = arith.constant 2 : i32
      %get3A_2158 = arith.constant 8 : i32
      %get3A_2159 = arith.index_cast %get3A_2157 : i32 to index
      %get3A_2160 = arith.index_cast %get3A_2158 : i32 to index
      %get3A_2161 = arith.constant 0 : index
      %get3A_2162 = tpu.vector_load %arg6[%get3A_2159, %get3A_2160, %get3A_2161] {strides = array<i32>} : memref<4x104x16xf32, #tpu.memory_space<vmem>>, vector<16xf32>,
      %add3A_2163 = arith.addf %add3A_2154, %get3A_2162 : vector<16xf32>
      %mul3A_2164 = arith.mulf %get3A_2162, %get3A_2162 : vector<16xf32>
      %add3A_2165 = arith.addf %add3A_2156, %mul3A_2164 : vector<16xf32>
      %get3A_2166 = arith.constant 2 : i32
      %get3A_2167 = arith.constant 9 : i32
      %get3A_2168 = arith.index_cast %get3A_2166 : i32 to index
      %get3A_2169 = arith.index_cast %get3A_2167 : i32 to index
      %get3A_2170 = arith.constant 0 : index
      %get3A_2171 = tpu.vector_load %arg6[%get3A_2168, %get3A_2169, %get3A_2170] {strides = array<i32>} : memref<4x104x16xf32, #tpu.memory_space<vmem>>, vector<16xf32>,
      %add3A_2172 = arith.addf %add3A_2163, %get3A_2171 : vector<16xf32>
      %mul3A_2173 = arith.mulf %get3A_2171, %get3A_2171 : vector<16xf32>
      %add3A_2174 = arith.addf %add3A_2165, %mul3A_2173 : vector<16xf32>
      %get3A_2175 = arith.constant 2 : i32
      %get3A_2176 = arith.constant 10 : i32
      %get3A_2177 = arith.index_cast %get3A_2175 : i32 to index
      %get3A_2178 = arith.index_cast %get3A_2176 : i32 to index
      %get3A_2179 = arith.constant 0 : index
      %get3A_2180 = tpu.vector_load %arg6[%get3A_2177, %get3A_2178, %get3A_2179] {strides = array<i32>} : memref<4x104x16xf32, #tpu.memory_space<vmem>>, vector<16xf32>,
      %add3A_2181 = arith.addf %add3A_2172, %get3A_2180 : vector<16xf32>
      %mul3A_2182 = arith.mulf %get3A_2180, %get3A_2180 : vector<16xf32>
      %add3A_2183 = arith.addf %add3A_2174, %mul3A_2182 : vector<16xf32>
      %get3A_2184 = arith.constant 2 : i32
      %get3A_2185 = arith.constant 11 : i32
      %get3A_2186 = arith.index_cast %get3A_2184 : i32 to index
      %get3A_2187 = arith.index_cast %get3A_2185 : i32 to index
      %get3A_2188 = arith.constant 0 : index
      %get3A_2189 = tpu.vector_load %arg6[%get3A_2186, %get3A_2187, %get3A_2188] {strides = array<i32>} : memref<4x104x16xf32, #tpu.memory_space<vmem>>, vector<16xf32>,
      %add3A_2190 = arith.addf %add3A_2181, %get3A_2189 : vector<16xf32>
      %mul3A_2191 = arith.mulf %get3A_2189, %get3A_2189 : vector<16xf32>
      %add3A_2192 = arith.addf %add3A_2183, %mul3A_2191 : vector<16xf32>
      %get3A_2193 = arith.constant 2 : i32
      %get3A_2194 = arith.constant 12 : i32
      %get3A_2195 = arith.index_cast %get3A_2193 : i32 to index
      %get3A_2196 = arith.index_cast %get3A_2194 : i32 to index
      %get3A_2197 = arith.constant 0 : index
      %get3A_2198 = tpu.vector_load %arg6[%get3A_2195, %get3A_2196, %get3A_2197] {strides = array<i32>} : memref<4x104x16xf32, #tpu.memory_space<vmem>>, vector<16xf32>,
      %add3A_2199 = arith.addf %add3A_2190, %get3A_2198 : vector<16xf32>
      %mul3A_2200 = arith.mulf %get3A_2198, %get3A_2198 : vector<16xf32>
      %add3A_2201 = arith.addf %add3A_2192, %mul3A_2200 : vector<16xf32>
      %get3A_2202 = arith.constant 2 : i32
      %get3A_2203 = arith.constant 13 : i32
      %get3A_2204 = arith.index_cast %get3A_2202 : i32 to index
      %get3A_2205 = arith.index_cast %get3A_2203 : i32 to index
      %get3A_2206 = arith.constant 0 : index
      %get3A_2207 = tpu.vector_load %arg6[%get3A_2204, %get3A_2205, %get3A_2206] {strides = array<i32>} : memref<4x104x16xf32, #tpu.memory_space<vmem>>, vector<16xf32>,
      %add3A_2208 = arith.addf %add3A_2199, %get3A_2207 : vector<16xf32>
      %mul3A_2209 = arith.mulf %get3A_2207, %get3A_2207 : vector<16xf32>
      %add3A_2210 = arith.addf %add3A_2201, %mul3A_2209 : vector<16xf32>
      %get3A_2211 = arith.constant 2 : i32
      %get3A_2212 = arith.constant 14 : i32
      %get3A_2213 = arith.index_cast %get3A_2211 : i32 to index
      %get3A_2214 = arith.index_cast %get3A_2212 : i32 to index
      %get3A_2215 = arith.constant 0 : index
      %get3A_2216 = tpu.vector_load %arg6[%get3A_2213, %get3A_2214, %get3A_2215] {strides = array<i32>} : memref<4x104x16xf32, #tpu.memory_space<vmem>>, vector<16xf32>,
      %add3A_2217 = arith.addf %add3A_2208, %get3A_2216 : vector<16xf32>
      %mul3A_2218 = arith.mulf %get3A_2216, %get3A_2216 : vector<16xf32>
      %add3A_2219 = arith.addf %add3A_2210, %mul3A_2218 : vector<16xf32>
      %get3A_2220 = arith.constant 2 : i32
      %get3A_2221 = arith.constant 15 : i32
      %get3A_2222 = arith.index_cast %get3A_2220 : i32 to index
      %get3A_2223 = arith.index_cast %get3A_2221 : i32 to index
      %get3A_2224 = arith.constant 0 : index
      %get3A_2225 = tpu.vector_load %arg6[%get3A_2222, %get3A_2223, %get3A_2224] {strides = array<i32>} : memref<4x104x16xf32, #tpu.memory_space<vmem>>, vector<16xf32>,
      %add3A_2226 = arith.addf %add3A_2217, %get3A_2225 : vector<16xf32>
      %mul3A_2227 = arith.mulf %get3A_2225, %get3A_2225 : vector<16xf32>
      %add3A_2228 = arith.addf %add3A_2219, %mul3A_2227 : vector<16xf32>
      %get3A_2229 = arith.constant 2 : i32
      %get3A_2230 = arith.constant 16 : i32
      %get3A_2231 = arith.index_cast %get3A_2229 : i32 to index
      %get3A_2232 = arith.index_cast %get3A_2230 : i32 to index
      %get3A_2233 = arith.constant 0 : index
      %get3A_2234 = tpu.vector_load %arg6[%get3A_2231, %get3A_2232, %get3A_2233] {strides = array<i32>} : memref<4x104x16xf32, #tpu.memory_space<vmem>>, vector<16xf32>,
      %add3A_2235 = arith.addf %add3A_2226, %get3A_2234 : vector<16xf32>
      %mul3A_2236 = arith.mulf %get3A_2234, %get3A_2234 : vector<16xf32>
      %add3A_2237 = arith.addf %add3A_2228, %mul3A_2236 : vector<16xf32>
      %get3A_2238 = arith.constant 2 : i32
      %get3A_2239 = arith.constant 17 : i32
      %get3A_2240 = arith.index_cast %get3A_2238 : i32 to index
      %get3A_2241 = arith.index_cast %get3A_2239 : i32 to index
      %get3A_2242 = arith.constant 0 : index
      %get3A_2243 = tpu.vector_load %arg6[%get3A_2240, %get3A_2241, %get3A_2242] {strides = array<i32>} : memref<4x104x16xf32, #tpu.memory_space<vmem>>, vector<16xf32>,
      %add3A_2244 = arith.addf %add3A_2235, %get3A_2243 : vector<16xf32>
      %mul3A_2245 = arith.mulf %get3A_2243, %get3A_2243 : vector<16xf32>
      %add3A_2246 = arith.addf %add3A_2237, %mul3A_2245 : vector<16xf32>
      %get3A_2247 = arith.constant 2 : i32
      %get3A_2248 = arith.constant 18 : i32
      %get3A_2249 = arith.index_cast %get3A_2247 : i32 to index
      %get3A_2250 = arith.index_cast %get3A_2248 : i32 to index
      %get3A_2251 = arith.constant 0 : index
      %get3A_2252 = tpu.vector_load %arg6[%get3A_2249, %get3A_2250, %get3A_2251] {strides = array<i32>} : memref<4x104x16xf32, #tpu.memory_space<vmem>>, vector<16xf32>,
      %add3A_2253 = arith.addf %add3A_2244, %get3A_2252 : vector<16xf32>
      %mul3A_2254 = arith.mulf %get3A_2252, %get3A_2252 : vector<16xf32>
      %add3A_2255 = arith.addf %add3A_2246, %mul3A_2254 : vector<16xf32>
      %get3A_2256 = arith.constant 2 : i32
      %get3A_2257 = arith.constant 19 : i32
      %get3A_2258 = arith.index_cast %get3A_2256 : i32 to index
      %get3A_2259 = arith.index_cast %get3A_2257 : i32 to index
      %get3A_2260 = arith.constant 0 : index
      %get3A_2261 = tpu.vector_load %arg6[%get3A_2258, %get3A_2259, %get3A_2260] {strides = array<i32>} : memref<4x104x16xf32, #tpu.memory_space<vmem>>, vector<16xf32>,
      %add3A_2262 = arith.addf %add3A_2253, %get3A_2261 : vector<16xf32>
      %mul3A_2263 = arith.mulf %get3A_2261, %get3A_2261 : vector<16xf32>
      %add3A_2264 = arith.addf %add3A_2255, %mul3A_2263 : vector<16xf32>
      %get3A_2265 = arith.constant 2 : i32
      %get3A_2266 = arith.constant 20 : i32
      %get3A_2267 = arith.index_cast %get3A_2265 : i32 to index
      %get3A_2268 = arith.index_cast %get3A_2266 : i32 to index
      %get3A_2269 = arith.constant 0 : index
      %get3A_2270 = tpu.vector_load %arg6[%get3A_2267, %get3A_2268, %get3A_2269] {strides = array<i32>} : memref<4x104x16xf32, #tpu.memory_space<vmem>>, vector<16xf32>,
      %add3A_2271 = arith.addf %add3A_2262, %get3A_2270 : vector<16xf32>
      %mul3A_2272 = arith.mulf %get3A_2270, %get3A_2270 : vector<16xf32>
      %add3A_2273 = arith.addf %add3A_2264, %mul3A_2272 : vector<16xf32>
      %get3A_2274 = arith.constant 2 : i32
      %get3A_2275 = arith.constant 21 : i32
      %get3A_2276 = arith.index_cast %get3A_2274 : i32 to index
      %get3A_2277 = arith.index_cast %get3A_2275 : i32 to index
      %get3A_2278 = arith.constant 0 : index
      %get3A_2279 = tpu.vector_load %arg6[%get3A_2276, %get3A_2277, %get3A_2278] {strides = array<i32>} : memref<4x104x16xf32, #tpu.memory_space<vmem>>, vector<16xf32>,
      %add3A_2280 = arith.addf %add3A_2271, %get3A_2279 : vector<16xf32>
      %mul3A_2281 = arith.mulf %get3A_2279, %get3A_2279 : vector<16xf32>
      %add3A_2282 = arith.addf %add3A_2273, %mul3A_2281 : vector<16xf32>
      %get3A_2283 = arith.constant 2 : i32
      %get3A_2284 = arith.constant 22 : i32
      %get3A_2285 = arith.index_cast %get3A_2283 : i32 to index
      %get3A_2286 = arith.index_cast %get3A_2284 : i32 to index
      %get3A_2287 = arith.constant 0 : index
      %get3A_2288 = tpu.vector_load %arg6[%get3A_2285, %get3A_2286, %get3A_2287] {strides = array<i32>} : memref<4x104x16xf32, #tpu.memory_space<vmem>>, vector<16xf32>,
      %add3A_2289 = arith.addf %add3A_2280, %get3A_2288 : vector<16xf32>
      %mul3A_2290 = arith.mulf %get3A_2288, %get3A_2288 : vector<16xf32>
      %add3A_2291 = arith.addf %add3A_2282, %mul3A_2290 : vector<16xf32>
      %get3A_2292 = arith.constant 2 : i32
      %get3A_2293 = arith.constant 23 : i32
      %get3A_2294 = arith.index_cast %get3A_2292 : i32 to index
      %get3A_2295 = arith.index_cast %get3A_2293 : i32 to index
      %get3A_2296 = arith.constant 0 : index
      %get3A_2297 = tpu.vector_load %arg6[%get3A_2294, %get3A_2295, %get3A_2296] {strides = array<i32>} : memref<4x104x16xf32, #tpu.memory_space<vmem>>, vector<16xf32>,
      %add3A_2298 = arith.addf %add3A_2289, %get3A_2297 : vector<16xf32>
      %mul3A_2299 = arith.mulf %get3A_2297, %get3A_2297 : vector<16xf32>
      %add3A_2300 = arith.addf %add3A_2291, %mul3A_2299 : vector<16xf32>
      %get3A_2301 = arith.constant 2 : i32
      %get3A_2302 = arith.constant 24 : i32
      %get3A_2303 = arith.index_cast %get3A_2301 : i32 to index
      %get3A_2304 = arith.index_cast %get3A_2302 : i32 to index
      %get3A_2305 = arith.constant 0 : index
      %get3A_2306 = tpu.vector_load %arg6[%get3A_2303, %get3A_2304, %get3A_2305] {strides = array<i32>} : memref<4x104x16xf32, #tpu.memory_space<vmem>>, vector<16xf32>,
      %add3A_2307 = arith.addf %add3A_2298, %get3A_2306 : vector<16xf32>
      %mul3A_2308 = arith.mulf %get3A_2306, %get3A_2306 : vector<16xf32>
      %add3A_2309 = arith.addf %add3A_2300, %mul3A_2308 : vector<16xf32>
      %get3A_2310 = arith.constant 2 : i32
      %get3A_2311 = arith.constant 25 : i32
      %get3A_2312 = arith.index_cast %get3A_2310 : i32 to index
      %get3A_2313 = arith.index_cast %get3A_2311 : i32 to index
      %get3A_2314 = arith.constant 0 : index
      %get3A_2315 = tpu.vector_load %arg6[%get3A_2312, %get3A_2313, %get3A_2314] {strides = array<i32>} : memref<4x104x16xf32, #tpu.memory_space<vmem>>, vector<16xf32>,
      %add3A_2316 = arith.addf %add3A_2307, %get3A_2315 : vector<16xf32>
      %mul3A_2317 = arith.mulf %get3A_2315, %get3A_2315 : vector<16xf32>
      %add3A_2318 = arith.addf %add3A_2309, %mul3A_2317 : vector<16xf32>
      %mul3A_2319 = arith.mulf %add3A_2316, %add3A_2316 : vector<16xf32>
      %sub3A_2320 = arith.subf %mul3A_2319, %add3A_2318 : vector<16xf32>
      %mul3A_2321 = arith.constant 4 : i32
      %mul3A_2322 = arith.muli %add3A_2072, %mul3A_2321 : i32
      %add3A_2323 = arith.constant 0 : i32
      %add3A_2324 = arith.addi %mul3A_2322, %add3A_2323 : i32
      %mul3A_2325 = arith.constant 16 : i32
      %mul3A_2326 = arith.muli %add3A_2324, %mul3A_2325 : i32
      %swap3A_2327 = arith.index_cast %mul3A_2326 : i32 to index
      %swap3A_2328 = tpu.vector_load %arg7[%swap3A_2327] {strides = array<i32>} : memref<8192xf32, #tpu.memory_space<vmem>>, vector<16xf32>,
      tpu.vector_store %arg7[%swap3A_2327], %sub3A_2320 {strides = array<i32>} : memref<8192xf32, #tpu.memory_space<vmem>>, vector<16xf32>,
      %get3A_2329 = arith.constant 2 : i32
      %get3A_2330 = arith.constant 26 : i32
      %get3A_2331 = arith.index_cast %get3A_2329 : i32 to index
      %get3A_2332 = arith.index_cast %get3A_2330 : i32 to index
      %get3A_2333 = arith.constant 0 : index
      %get3A_2334 = tpu.vector_load %arg6[%get3A_2331, %get3A_2332, %get3A_2333] {strides = array<i32>} : memref<4x104x16xf32, #tpu.memory_space<vmem>>, vector<16xf32>,
      %mul3A_2335 = arith.mulf %get3A_2334, %get3A_2334 : vector<16xf32>
      %get3A_2336 = arith.constant 2 : i32
      %get3A_2337 = arith.constant 27 : i32
      %get3A_2338 = arith.index_cast %get3A_2336 : i32 to index
      %get3A_2339 = arith.index_cast %get3A_2337 : i32 to index
      %get3A_2340 = arith.constant 0 : index
      %get3A_2341 = tpu.vector_load %arg6[%get3A_2338, %get3A_2339, %get3A_2340] {strides = array<i32>} : memref<4x104x16xf32, #tpu.memory_space<vmem>>, vector<16xf32>,
      %add3A_2342 = arith.addf %get3A_2334, %get3A_2341 : vector<16xf32>
      %mul3A_2343 = arith.mulf %get3A_2341, %get3A_2341 : vector<16xf32>
      %add3A_2344 = arith.addf %mul3A_2335, %mul3A_2343 : vector<16xf32>
      %get3A_2345 = arith.constant 2 : i32
      %get3A_2346 = arith.constant 28 : i32
      %get3A_2347 = arith.index_cast %get3A_2345 : i32 to index
      %get3A_2348 = arith.index_cast %get3A_2346 : i32 to index
      %get3A_2349 = arith.constant 0 : index
      %get3A_2350 = tpu.vector_load %arg6[%get3A_2347, %get3A_2348, %get3A_2349] {strides = array<i32>} : memref<4x104x16xf32, #tpu.memory_space<vmem>>, vector<16xf32>,
      %add3A_2351 = arith.addf %add3A_2342, %get3A_2350 : vector<16xf32>
      %mul3A_2352 = arith.mulf %get3A_2350, %get3A_2350 : vector<16xf32>
      %add3A_2353 = arith.addf %add3A_2344, %mul3A_2352 : vector<16xf32>
      %get3A_2354 = arith.constant 2 : i32
      %get3A_2355 = arith.constant 29 : i32
      %get3A_2356 = arith.index_cast %get3A_2354 : i32 to index
      %get3A_2357 = arith.index_cast %get3A_2355 : i32 to index
      %get3A_2358 = arith.constant 0 : index
      %get3A_2359 = tpu.vector_load %arg6[%get3A_2356, %get3A_2357, %get3A_2358] {strides = array<i32>} : memref<4x104x16xf32, #tpu.memory_space<vmem>>, vector<16xf32>,
      %add3A_2360 = arith.addf %add3A_2351, %get3A_2359 : vector<16xf32>
      %mul3A_2361 = arith.mulf %get3A_2359, %get3A_2359 : vector<16xf32>
      %add3A_2362 = arith.addf %add3A_2353, %mul3A_2361 : vector<16xf32>
      %get3A_2363 = arith.constant 2 : i32
      %get3A_2364 = arith.constant 30 : i32
      %get3A_2365 = arith.index_cast %get3A_2363 : i32 to index
      %get3A_2366 = arith.index_cast %get3A_2364 : i32 to index
      %get3A_2367 = arith.constant 0 : index
      %get3A_2368 = tpu.vector_load %arg6[%get3A_2365, %get3A_2366, %get3A_2367] {strides = array<i32>} : memref<4x104x16xf32, #tpu.memory_space<vmem>>, vector<16xf32>,
      %add3A_2369 = arith.addf %add3A_2360, %get3A_2368 : vector<16xf32>
      %mul3A_2370 = arith.mulf %get3A_2368, %get3A_2368 : vector<16xf32>
      %add3A_2371 = arith.addf %add3A_2362, %mul3A_2370 : vector<16xf32>
      %get3A_2372 = arith.constant 2 : i32
      %get3A_2373 = arith.constant 31 : i32
      %get3A_2374 = arith.index_cast %get3A_2372 : i32 to index
      %get3A_2375 = arith.index_cast %get3A_2373 : i32 to index
      %get3A_2376 = arith.constant 0 : index
      %get3A_2377 = tpu.vector_load %arg6[%get3A_2374, %get3A_2375, %get3A_2376] {strides = array<i32>} : memref<4x104x16xf32, #tpu.memory_space<vmem>>, vector<16xf32>,
      %add3A_2378 = arith.addf %add3A_2369, %get3A_2377 : vector<16xf32>
      %mul3A_2379 = arith.mulf %get3A_2377, %get3A_2377 : vector<16xf32>
      %add3A_2380 = arith.addf %add3A_2371, %mul3A_2379 : vector<16xf32>
      %get3A_2381 = arith.constant 2 : i32
      %get3A_2382 = arith.constant 32 : i32
      %get3A_2383 = arith.index_cast %get3A_2381 : i32 to index
      %get3A_2384 = arith.index_cast %get3A_2382 : i32 to index
      %get3A_2385 = arith.constant 0 : index
      %get3A_2386 = tpu.vector_load %arg6[%get3A_2383, %get3A_2384, %get3A_2385] {strides = array<i32>} : memref<4x104x16xf32, #tpu.memory_space<vmem>>, vector<16xf32>,
      %add3A_2387 = arith.addf %add3A_2378, %get3A_2386 : vector<16xf32>
      %mul3A_2388 = arith.mulf %get3A_2386, %get3A_2386 : vector<16xf32>
      %add3A_2389 = arith.addf %add3A_2380, %mul3A_2388 : vector<16xf32>
      %get3A_2390 = arith.constant 2 : i32
      %get3A_2391 = arith.constant 33 : i32
      %get3A_2392 = arith.index_cast %get3A_2390 : i32 to index
      %get3A_2393 = arith.index_cast %get3A_2391 : i32 to index
      %get3A_2394 = arith.constant 0 : index
      %get3A_2395 = tpu.vector_load %arg6[%get3A_2392, %get3A_2393, %get3A_2394] {strides = array<i32>} : memref<4x104x16xf32, #tpu.memory_space<vmem>>, vector<16xf32>,
      %add3A_2396 = arith.addf %add3A_2387, %get3A_2395 : vector<16xf32>
      %mul3A_2397 = arith.mulf %get3A_2395, %get3A_2395 : vector<16xf32>
      %add3A_2398 = arith.addf %add3A_2389, %mul3A_2397 : vector<16xf32>
      %get3A_2399 = arith.constant 2 : i32
      %get3A_2400 = arith.constant 34 : i32
      %get3A_2401 = arith.index_cast %get3A_2399 : i32 to index
      %get3A_2402 = arith.index_cast %get3A_2400 : i32 to index
      %get3A_2403 = arith.constant 0 : index
      %get3A_2404 = tpu.vector_load %arg6[%get3A_2401, %get3A_2402, %get3A_2403] {strides = array<i32>} : memref<4x104x16xf32, #tpu.memory_space<vmem>>, vector<16xf32>,
      %add3A_2405 = arith.addf %add3A_2396, %get3A_2404 : vector<16xf32>
      %mul3A_2406 = arith.mulf %get3A_2404, %get3A_2404 : vector<16xf32>
      %add3A_2407 = arith.addf %add3A_2398, %mul3A_2406 : vector<16xf32>
      %get3A_2408 = arith.constant 2 : i32
      %get3A_2409 = arith.constant 35 : i32
      %get3A_2410 = arith.index_cast %get3A_2408 : i32 to index
      %get3A_2411 = arith.index_cast %get3A_2409 : i32 to index
      %get3A_2412 = arith.constant 0 : index
      %get3A_2413 = tpu.vector_load %arg6[%get3A_2410, %get3A_2411, %get3A_2412] {strides = array<i32>} : memref<4x104x16xf32, #tpu.memory_space<vmem>>, vector<16xf32>,
      %add3A_2414 = arith.addf %add3A_2405, %get3A_2413 : vector<16xf32>
      %mul3A_2415 = arith.mulf %get3A_2413, %get3A_2413 : vector<16xf32>
      %add3A_2416 = arith.addf %add3A_2407, %mul3A_2415 : vector<16xf32>
      %get3A_2417 = arith.constant 2 : i32
      %get3A_2418 = arith.constant 36 : i32
      %get3A_2419 = arith.index_cast %get3A_2417 : i32 to index
      %get3A_2420 = arith.index_cast %get3A_2418 : i32 to index
      %get3A_2421 = arith.constant 0 : index
      %get3A_2422 = tpu.vector_load %arg6[%get3A_2419, %get3A_2420, %get3A_2421] {strides = array<i32>} : memref<4x104x16xf32, #tpu.memory_space<vmem>>, vector<16xf32>,
      %add3A_2423 = arith.addf %add3A_2414, %get3A_2422 : vector<16xf32>
      %mul3A_2424 = arith.mulf %get3A_2422, %get3A_2422 : vector<16xf32>
      %add3A_2425 = arith.addf %add3A_2416, %mul3A_2424 : vector<16xf32>
      %get3A_2426 = arith.constant 2 : i32
      %get3A_2427 = arith.constant 37 : i32
      %get3A_2428 = arith.index_cast %get3A_2426 : i32 to index
      %get3A_2429 = arith.index_cast %get3A_2427 : i32 to index
      %get3A_2430 = arith.constant 0 : index
      %get3A_2431 = tpu.vector_load %arg6[%get3A_2428, %get3A_2429, %get3A_2430] {strides = array<i32>} : memref<4x104x16xf32, #tpu.memory_space<vmem>>, vector<16xf32>,
      %add3A_2432 = arith.addf %add3A_2423, %get3A_2431 : vector<16xf32>
      %mul3A_2433 = arith.mulf %get3A_2431, %get3A_2431 : vector<16xf32>
      %add3A_2434 = arith.addf %add3A_2425, %mul3A_2433 : vector<16xf32>
      %get3A_2435 = arith.constant 2 : i32
      %get3A_2436 = arith.constant 38 : i32
      %get3A_2437 = arith.index_cast %get3A_2435 : i32 to index
      %get3A_2438 = arith.index_cast %get3A_2436 : i32 to index
      %get3A_2439 = arith.constant 0 : index
      %get3A_2440 = tpu.vector_load %arg6[%get3A_2437, %get3A_2438, %get3A_2439] {strides = array<i32>} : memref<4x104x16xf32, #tpu.memory_space<vmem>>, vector<16xf32>,
      %add3A_2441 = arith.addf %add3A_2432, %get3A_2440 : vector<16xf32>
      %mul3A_2442 = arith.mulf %get3A_2440, %get3A_2440 : vector<16xf32>
      %add3A_2443 = arith.addf %add3A_2434, %mul3A_2442 : vector<16xf32>
      %get3A_2444 = arith.constant 2 : i32
      %get3A_2445 = arith.constant 39 : i32
      %get3A_2446 = arith.index_cast %get3A_2444 : i32 to index
      %get3A_2447 = arith.index_cast %get3A_2445 : i32 to index
      %get3A_2448 = arith.constant 0 : index
      %get3A_2449 = tpu.vector_load %arg6[%get3A_2446, %get3A_2447, %get3A_2448] {strides = array<i32>} : memref<4x104x16xf32, #tpu.memory_space<vmem>>, vector<16xf32>,
      %add3A_2450 = arith.addf %add3A_2441, %get3A_2449 : vector<16xf32>
      %mul3A_2451 = arith.mulf %get3A_2449, %get3A_2449 : vector<16xf32>
      %add3A_2452 = arith.addf %add3A_2443, %mul3A_2451 : vector<16xf32>
      %get3A_2453 = arith.constant 2 : i32
      %get3A_2454 = arith.constant 40 : i32
      %get3A_2455 = arith.index_cast %get3A_2453 : i32 to index
      %get3A_2456 = arith.index_cast %get3A_2454 : i32 to index
      %get3A_2457 = arith.constant 0 : index
      %get3A_2458 = tpu.vector_load %arg6[%get3A_2455, %get3A_2456, %get3A_2457] {strides = array<i32>} : memref<4x104x16xf32, #tpu.memory_space<vmem>>, vector<16xf32>,
      %add3A_2459 = arith.addf %add3A_2450, %get3A_2458 : vector<16xf32>
      %mul3A_2460 = arith.mulf %get3A_2458, %get3A_2458 : vector<16xf32>
      %add3A_2461 = arith.addf %add3A_2452, %mul3A_2460 : vector<16xf32>
      %get3A_2462 = arith.constant 2 : i32
      %get3A_2463 = arith.constant 41 : i32
      %get3A_2464 = arith.index_cast %get3A_2462 : i32 to index
      %get3A_2465 = arith.index_cast %get3A_2463 : i32 to index
      %get3A_2466 = arith.constant 0 : index
      %get3A_2467 = tpu.vector_load %arg6[%get3A_2464, %get3A_2465, %get3A_2466] {strides = array<i32>} : memref<4x104x16xf32, #tpu.memory_space<vmem>>, vector<16xf32>,
      %add3A_2468 = arith.addf %add3A_2459, %get3A_2467 : vector<16xf32>
      %mul3A_2469 = arith.mulf %get3A_2467, %get3A_2467 : vector<16xf32>
      %add3A_2470 = arith.addf %add3A_2461, %mul3A_2469 : vector<16xf32>
      %get3A_2471 = arith.constant 2 : i32
      %get3A_2472 = arith.constant 42 : i32
      %get3A_2473 = arith.index_cast %get3A_2471 : i32 to index
      %get3A_2474 = arith.index_cast %get3A_2472 : i32 to index
      %get3A_2475 = arith.constant 0 : index
      %get3A_2476 = tpu.vector_load %arg6[%get3A_2473, %get3A_2474, %get3A_2475] {strides = array<i32>} : memref<4x104x16xf32, #tpu.memory_space<vmem>>, vector<16xf32>,
      %add3A_2477 = arith.addf %add3A_2468, %get3A_2476 : vector<16xf32>
      %mul3A_2478 = arith.mulf %get3A_2476, %get3A_2476 : vector<16xf32>
      %add3A_2479 = arith.addf %add3A_2470, %mul3A_2478 : vector<16xf32>
      %get3A_2480 = arith.constant 2 : i32
      %get3A_2481 = arith.constant 43 : i32
      %get3A_2482 = arith.index_cast %get3A_2480 : i32 to index
      %get3A_2483 = arith.index_cast %get3A_2481 : i32 to index
      %get3A_2484 = arith.constant 0 : index
      %get3A_2485 = tpu.vector_load %arg6[%get3A_2482, %get3A_2483, %get3A_2484] {strides = array<i32>} : memref<4x104x16xf32, #tpu.memory_space<vmem>>, vector<16xf32>,
      %add3A_2486 = arith.addf %add3A_2477, %get3A_2485 : vector<16xf32>
      %mul3A_2487 = arith.mulf %get3A_2485, %get3A_2485 : vector<16xf32>
      %add3A_2488 = arith.addf %add3A_2479, %mul3A_2487 : vector<16xf32>
      %get3A_2489 = arith.constant 2 : i32
      %get3A_2490 = arith.constant 44 : i32
      %get3A_2491 = arith.index_cast %get3A_2489 : i32 to index
      %get3A_2492 = arith.index_cast %get3A_2490 : i32 to index
      %get3A_2493 = arith.constant 0 : index
      %get3A_2494 = tpu.vector_load %arg6[%get3A_2491, %get3A_2492, %get3A_2493] {strides = array<i32>} : memref<4x104x16xf32, #tpu.memory_space<vmem>>, vector<16xf32>,
      %add3A_2495 = arith.addf %add3A_2486, %get3A_2494 : vector<16xf32>
      %mul3A_2496 = arith.mulf %get3A_2494, %get3A_2494 : vector<16xf32>
      %add3A_2497 = arith.addf %add3A_2488, %mul3A_2496 : vector<16xf32>
      %get3A_2498 = arith.constant 2 : i32
      %get3A_2499 = arith.constant 45 : i32
      %get3A_2500 = arith.index_cast %get3A_2498 : i32 to index
      %get3A_2501 = arith.index_cast %get3A_2499 : i32 to index
      %get3A_2502 = arith.constant 0 : index
      %get3A_2503 = tpu.vector_load %arg6[%get3A_2500, %get3A_2501, %get3A_2502] {strides = array<i32>} : memref<4x104x16xf32, #tpu.memory_space<vmem>>, vector<16xf32>,
      %add3A_2504 = arith.addf %add3A_2495, %get3A_2503 : vector<16xf32>
      %mul3A_2505 = arith.mulf %get3A_2503, %get3A_2503 : vector<16xf32>
      %add3A_2506 = arith.addf %add3A_2497, %mul3A_2505 : vector<16xf32>
      %get3A_2507 = arith.constant 2 : i32
      %get3A_2508 = arith.constant 46 : i32
      %get3A_2509 = arith.index_cast %get3A_2507 : i32 to index
      %get3A_2510 = arith.index_cast %get3A_2508 : i32 to index
      %get3A_2511 = arith.constant 0 : index
      %get3A_2512 = tpu.vector_load %arg6[%get3A_2509, %get3A_2510, %get3A_2511] {strides = array<i32>} : memref<4x104x16xf32, #tpu.memory_space<vmem>>, vector<16xf32>,
      %add3A_2513 = arith.addf %add3A_2504, %get3A_2512 : vector<16xf32>
      %mul3A_2514 = arith.mulf %get3A_2512, %get3A_2512 : vector<16xf32>
      %add3A_2515 = arith.addf %add3A_2506, %mul3A_2514 : vector<16xf32>
      %get3A_2516 = arith.constant 2 : i32
      %get3A_2517 = arith.constant 47 : i32
      %get3A_2518 = arith.index_cast %get3A_2516 : i32 to index
      %get3A_2519 = arith.index_cast %get3A_2517 : i32 to index
      %get3A_2520 = arith.constant 0 : index
      %get3A_2521 = tpu.vector_load %arg6[%get3A_2518, %get3A_2519, %get3A_2520] {strides = array<i32>} : memref<4x104x16xf32, #tpu.memory_space<vmem>>, vector<16xf32>,
      %add3A_2522 = arith.addf %add3A_2513, %get3A_2521 : vector<16xf32>
      %mul3A_2523 = arith.mulf %get3A_2521, %get3A_2521 : vector<16xf32>
      %add3A_2524 = arith.addf %add3A_2515, %mul3A_2523 : vector<16xf32>
      %get3A_2525 = arith.constant 2 : i32
      %get3A_2526 = arith.constant 48 : i32
      %get3A_2527 = arith.index_cast %get3A_2525 : i32 to index
      %get3A_2528 = arith.index_cast %get3A_2526 : i32 to index
      %get3A_2529 = arith.constant 0 : index
      %get3A_2530 = tpu.vector_load %arg6[%get3A_2527, %get3A_2528, %get3A_2529] {strides = array<i32>} : memref<4x104x16xf32, #tpu.memory_space<vmem>>, vector<16xf32>,
      %add3A_2531 = arith.addf %add3A_2522, %get3A_2530 : vector<16xf32>
      %mul3A_2532 = arith.mulf %get3A_2530, %get3A_2530 : vector<16xf32>
      %add3A_2533 = arith.addf %add3A_2524, %mul3A_2532 : vector<16xf32>
      %get3A_2534 = arith.constant 2 : i32
      %get3A_2535 = arith.constant 49 : i32
      %get3A_2536 = arith.index_cast %get3A_2534 : i32 to index
      %get3A_2537 = arith.index_cast %get3A_2535 : i32 to index
      %get3A_2538 = arith.constant 0 : index
      %get3A_2539 = tpu.vector_load %arg6[%get3A_2536, %get3A_2537, %get3A_2538] {strides = array<i32>} : memref<4x104x16xf32, #tpu.memory_space<vmem>>, vector<16xf32>,
      %add3A_2540 = arith.addf %add3A_2531, %get3A_2539 : vector<16xf32>
      %mul3A_2541 = arith.mulf %get3A_2539, %get3A_2539 : vector<16xf32>
      %add3A_2542 = arith.addf %add3A_2533, %mul3A_2541 : vector<16xf32>
      %get3A_2543 = arith.constant 2 : i32
      %get3A_2544 = arith.constant 50 : i32
      %get3A_2545 = arith.index_cast %get3A_2543 : i32 to index
      %get3A_2546 = arith.index_cast %get3A_2544 : i32 to index
      %get3A_2547 = arith.constant 0 : index
      %get3A_2548 = tpu.vector_load %arg6[%get3A_2545, %get3A_2546, %get3A_2547] {strides = array<i32>} : memref<4x104x16xf32, #tpu.memory_space<vmem>>, vector<16xf32>,
      %add3A_2549 = arith.addf %add3A_2540, %get3A_2548 : vector<16xf32>
      %mul3A_2550 = arith.mulf %get3A_2548, %get3A_2548 : vector<16xf32>
      %add3A_2551 = arith.addf %add3A_2542, %mul3A_2550 : vector<16xf32>
      %get3A_2552 = arith.constant 2 : i32
      %get3A_2553 = arith.constant 51 : i32
      %get3A_2554 = arith.index_cast %get3A_2552 : i32 to index
      %get3A_2555 = arith.index_cast %get3A_2553 : i32 to index
      %get3A_2556 = arith.constant 0 : index
      %get3A_2557 = tpu.vector_load %arg6[%get3A_2554, %get3A_2555, %get3A_2556] {strides = array<i32>} : memref<4x104x16xf32, #tpu.memory_space<vmem>>, vector<16xf32>,
      %add3A_2558 = arith.addf %add3A_2549, %get3A_2557 : vector<16xf32>
      %mul3A_2559 = arith.mulf %get3A_2557, %get3A_2557 : vector<16xf32>
      %add3A_2560 = arith.addf %add3A_2551, %mul3A_2559 : vector<16xf32>
      %mul3A_2561 = arith.mulf %add3A_2558, %add3A_2558 : vector<16xf32>
      %sub3A_2562 = arith.subf %mul3A_2561, %add3A_2560 : vector<16xf32>
      %mul3A_2563 = arith.constant 4 : i32
      %mul3A_2564 = arith.muli %add3A_2072, %mul3A_2563 : i32
      %add3A_2565 = arith.constant 1 : i32
      %add3A_2566 = arith.addi %mul3A_2564, %add3A_2565 : i32
      %mul3A_2567 = arith.constant 16 : i32
      %mul3A_2568 = arith.muli %add3A_2566, %mul3A_2567 : i32
      %swap3A_2569 = arith.index_cast %mul3A_2568 : i32 to index
      %swap3A_2570 = tpu.vector_load %arg7[%swap3A_2569] {strides = array<i32>} : memref<8192xf32, #tpu.memory_space<vmem>>, vector<16xf32>,
      tpu.vector_store %arg7[%swap3A_2569], %sub3A_2562 {strides = array<i32>} : memref<8192xf32, #tpu.memory_space<vmem>>, vector<16xf32>,
      %get3A_2571 = arith.constant 2 : i32
      %get3A_2572 = arith.constant 52 : i32
      %get3A_2573 = arith.index_cast %get3A_2571 : i32 to index
      %get3A_2574 = arith.index_cast %get3A_2572 : i32 to index
      %get3A_2575 = arith.constant 0 : index
      %get3A_2576 = tpu.vector_load %arg6[%get3A_2573, %get3A_2574, %get3A_2575] {strides = array<i32>} : memref<4x104x16xf32, #tpu.memory_space<vmem>>, vector<16xf32>,
      %mul3A_2577 = arith.mulf %get3A_2576, %get3A_2576 : vector<16xf32>
      %get3A_2578 = arith.constant 2 : i32
      %get3A_2579 = arith.constant 53 : i32
      %get3A_2580 = arith.index_cast %get3A_2578 : i32 to index
      %get3A_2581 = arith.index_cast %get3A_2579 : i32 to index
      %get3A_2582 = arith.constant 0 : index
      %get3A_2583 = tpu.vector_load %arg6[%get3A_2580, %get3A_2581, %get3A_2582] {strides = array<i32>} : memref<4x104x16xf32, #tpu.memory_space<vmem>>, vector<16xf32>,
      %add3A_2584 = arith.addf %get3A_2576, %get3A_2583 : vector<16xf32>
      %mul3A_2585 = arith.mulf %get3A_2583, %get3A_2583 : vector<16xf32>
      %add3A_2586 = arith.addf %mul3A_2577, %mul3A_2585 : vector<16xf32>
      %get3A_2587 = arith.constant 2 : i32
      %get3A_2588 = arith.constant 54 : i32
      %get3A_2589 = arith.index_cast %get3A_2587 : i32 to index
      %get3A_2590 = arith.index_cast %get3A_2588 : i32 to index
      %get3A_2591 = arith.constant 0 : index
      %get3A_2592 = tpu.vector_load %arg6[%get3A_2589, %get3A_2590, %get3A_2591] {strides = array<i32>} : memref<4x104x16xf32, #tpu.memory_space<vmem>>, vector<16xf32>,
      %add3A_2593 = arith.addf %add3A_2584, %get3A_2592 : vector<16xf32>
      %mul3A_2594 = arith.mulf %get3A_2592, %get3A_2592 : vector<16xf32>
      %add3A_2595 = arith.addf %add3A_2586, %mul3A_2594 : vector<16xf32>
      %get3A_2596 = arith.constant 2 : i32
      %get3A_2597 = arith.constant 55 : i32
      %get3A_2598 = arith.index_cast %get3A_2596 : i32 to index
      %get3A_2599 = arith.index_cast %get3A_2597 : i32 to index
      %get3A_2600 = arith.constant 0 : index
      %get3A_2601 = tpu.vector_load %arg6[%get3A_2598, %get3A_2599, %get3A_2600] {strides = array<i32>} : memref<4x104x16xf32, #tpu.memory_space<vmem>>, vector<16xf32>,
      %add3A_2602 = arith.addf %add3A_2593, %get3A_2601 : vector<16xf32>
      %mul3A_2603 = arith.mulf %get3A_2601, %get3A_2601 : vector<16xf32>
      %add3A_2604 = arith.addf %add3A_2595, %mul3A_2603 : vector<16xf32>
      %get3A_2605 = arith.constant 2 : i32
      %get3A_2606 = arith.constant 56 : i32
      %get3A_2607 = arith.index_cast %get3A_2605 : i32 to index
      %get3A_2608 = arith.index_cast %get3A_2606 : i32 to index
      %get3A_2609 = arith.constant 0 : index
      %get3A_2610 = tpu.vector_load %arg6[%get3A_2607, %get3A_2608, %get3A_2609] {strides = array<i32>} : memref<4x104x16xf32, #tpu.memory_space<vmem>>, vector<16xf32>,
      %add3A_2611 = arith.addf %add3A_2602, %get3A_2610 : vector<16xf32>
      %mul3A_2612 = arith.mulf %get3A_2610, %get3A_2610 : vector<16xf32>
      %add3A_2613 = arith.addf %add3A_2604, %mul3A_2612 : vector<16xf32>
      %get3A_2614 = arith.constant 2 : i32
      %get3A_2615 = arith.constant 57 : i32
      %get3A_2616 = arith.index_cast %get3A_2614 : i32 to index
      %get3A_2617 = arith.index_cast %get3A_2615 : i32 to index
      %get3A_2618 = arith.constant 0 : index
      %get3A_2619 = tpu.vector_load %arg6[%get3A_2616, %get3A_2617, %get3A_2618] {strides = array<i32>} : memref<4x104x16xf32, #tpu.memory_space<vmem>>, vector<16xf32>,
      %add3A_2620 = arith.addf %add3A_2611, %get3A_2619 : vector<16xf32>
      %mul3A_2621 = arith.mulf %get3A_2619, %get3A_2619 : vector<16xf32>
      %add3A_2622 = arith.addf %add3A_2613, %mul3A_2621 : vector<16xf32>
      %get3A_2623 = arith.constant 2 : i32
      %get3A_2624 = arith.constant 58 : i32
      %get3A_2625 = arith.index_cast %get3A_2623 : i32 to index
      %get3A_2626 = arith.index_cast %get3A_2624 : i32 to index
      %get3A_2627 = arith.constant 0 : index
      %get3A_2628 = tpu.vector_load %arg6[%get3A_2625, %get3A_2626, %get3A_2627] {strides = array<i32>} : memref<4x104x16xf32, #tpu.memory_space<vmem>>, vector<16xf32>,
      %add3A_2629 = arith.addf %add3A_2620, %get3A_2628 : vector<16xf32>
      %mul3A_2630 = arith.mulf %get3A_2628, %get3A_2628 : vector<16xf32>
      %add3A_2631 = arith.addf %add3A_2622, %mul3A_2630 : vector<16xf32>
      %get3A_2632 = arith.constant 2 : i32
      %get3A_2633 = arith.constant 59 : i32
      %get3A_2634 = arith.index_cast %get3A_2632 : i32 to index
      %get3A_2635 = arith.index_cast %get3A_2633 : i32 to index
      %get3A_2636 = arith.constant 0 : index
      %get3A_2637 = tpu.vector_load %arg6[%get3A_2634, %get3A_2635, %get3A_2636] {strides = array<i32>} : memref<4x104x16xf32, #tpu.memory_space<vmem>>, vector<16xf32>,
      %add3A_2638 = arith.addf %add3A_2629, %get3A_2637 : vector<16xf32>
      %mul3A_2639 = arith.mulf %get3A_2637, %get3A_2637 : vector<16xf32>
      %add3A_2640 = arith.addf %add3A_2631, %mul3A_2639 : vector<16xf32>
      %get3A_2641 = arith.constant 2 : i32
      %get3A_2642 = arith.constant 60 : i32
      %get3A_2643 = arith.index_cast %get3A_2641 : i32 to index
      %get3A_2644 = arith.index_cast %get3A_2642 : i32 to index
      %get3A_2645 = arith.constant 0 : index
      %get3A_2646 = tpu.vector_load %arg6[%get3A_2643, %get3A_2644, %get3A_2645] {strides = array<i32>} : memref<4x104x16xf32, #tpu.memory_space<vmem>>, vector<16xf32>,
      %add3A_2647 = arith.addf %add3A_2638, %get3A_2646 : vector<16xf32>
      %mul3A_2648 = arith.mulf %get3A_2646, %get3A_2646 : vector<16xf32>
      %add3A_2649 = arith.addf %add3A_2640, %mul3A_2648 : vector<16xf32>
      %get3A_2650 = arith.constant 2 : i32
      %get3A_2651 = arith.constant 61 : i32
      %get3A_2652 = arith.index_cast %get3A_2650 : i32 to index
      %get3A_2653 = arith.index_cast %get3A_2651 : i32 to index
      %get3A_2654 = arith.constant 0 : index
      %get3A_2655 = tpu.vector_load %arg6[%get3A_2652, %get3A_2653, %get3A_2654] {strides = array<i32>} : memref<4x104x16xf32, #tpu.memory_space<vmem>>, vector<16xf32>,
      %add3A_2656 = arith.addf %add3A_2647, %get3A_2655 : vector<16xf32>
      %mul3A_2657 = arith.mulf %get3A_2655, %get3A_2655 : vector<16xf32>
      %add3A_2658 = arith.addf %add3A_2649, %mul3A_2657 : vector<16xf32>
      %get3A_2659 = arith.constant 2 : i32
      %get3A_2660 = arith.constant 62 : i32
      %get3A_2661 = arith.index_cast %get3A_2659 : i32 to index
      %get3A_2662 = arith.index_cast %get3A_2660 : i32 to index
      %get3A_2663 = arith.constant 0 : index
      %get3A_2664 = tpu.vector_load %arg6[%get3A_2661, %get3A_2662, %get3A_2663] {strides = array<i32>} : memref<4x104x16xf32, #tpu.memory_space<vmem>>, vector<16xf32>,
      %add3A_2665 = arith.addf %add3A_2656, %get3A_2664 : vector<16xf32>
      %mul3A_2666 = arith.mulf %get3A_2664, %get3A_2664 : vector<16xf32>
      %add3A_2667 = arith.addf %add3A_2658, %mul3A_2666 : vector<16xf32>
      %get3A_2668 = arith.constant 2 : i32
      %get3A_2669 = arith.constant 63 : i32
      %get3A_2670 = arith.index_cast %get3A_2668 : i32 to index
      %get3A_2671 = arith.index_cast %get3A_2669 : i32 to index
      %get3A_2672 = arith.constant 0 : index
      %get3A_2673 = tpu.vector_load %arg6[%get3A_2670, %get3A_2671, %get3A_2672] {strides = array<i32>} : memref<4x104x16xf32, #tpu.memory_space<vmem>>, vector<16xf32>,
      %add3A_2674 = arith.addf %add3A_2665, %get3A_2673 : vector<16xf32>
      %mul3A_2675 = arith.mulf %get3A_2673, %get3A_2673 : vector<16xf32>
      %add3A_2676 = arith.addf %add3A_2667, %mul3A_2675 : vector<16xf32>
      %get3A_2677 = arith.constant 2 : i32
      %get3A_2678 = arith.constant 64 : i32
      %get3A_2679 = arith.index_cast %get3A_2677 : i32 to index
      %get3A_2680 = arith.index_cast %get3A_2678 : i32 to index
      %get3A_2681 = arith.constant 0 : index
      %get3A_2682 = tpu.vector_load %arg6[%get3A_2679, %get3A_2680, %get3A_2681] {strides = array<i32>} : memref<4x104x16xf32, #tpu.memory_space<vmem>>, vector<16xf32>,
      %add3A_2683 = arith.addf %add3A_2674, %get3A_2682 : vector<16xf32>
      %mul3A_2684 = arith.mulf %get3A_2682, %get3A_2682 : vector<16xf32>
      %add3A_2685 = arith.addf %add3A_2676, %mul3A_2684 : vector<16xf32>
      %get3A_2686 = arith.constant 2 : i32
      %get3A_2687 = arith.constant 65 : i32
      %get3A_2688 = arith.index_cast %get3A_2686 : i32 to index
      %get3A_2689 = arith.index_cast %get3A_2687 : i32 to index
      %get3A_2690 = arith.constant 0 : index
      %get3A_2691 = tpu.vector_load %arg6[%get3A_2688, %get3A_2689, %get3A_2690] {strides = array<i32>} : memref<4x104x16xf32, #tpu.memory_space<vmem>>, vector<16xf32>,
      %add3A_2692 = arith.addf %add3A_2683, %get3A_2691 : vector<16xf32>
      %mul3A_2693 = arith.mulf %get3A_2691, %get3A_2691 : vector<16xf32>
      %add3A_2694 = arith.addf %add3A_2685, %mul3A_2693 : vector<16xf32>
      %get3A_2695 = arith.constant 2 : i32
      %get3A_2696 = arith.constant 66 : i32
      %get3A_2697 = arith.index_cast %get3A_2695 : i32 to index
      %get3A_2698 = arith.index_cast %get3A_2696 : i32 to index
      %get3A_2699 = arith.constant 0 : index
      %get3A_2700 = tpu.vector_load %arg6[%get3A_2697, %get3A_2698, %get3A_2699] {strides = array<i32>} : memref<4x104x16xf32, #tpu.memory_space<vmem>>, vector<16xf32>,
      %add3A_2701 = arith.addf %add3A_2692, %get3A_2700 : vector<16xf32>
      %mul3A_2702 = arith.mulf %get3A_2700, %get3A_2700 : vector<16xf32>
      %add3A_2703 = arith.addf %add3A_2694, %mul3A_2702 : vector<16xf32>
      %get3A_2704 = arith.constant 2 : i32
      %get3A_2705 = arith.constant 67 : i32
      %get3A_2706 = arith.index_cast %get3A_2704 : i32 to index
      %get3A_2707 = arith.index_cast %get3A_2705 : i32 to index
      %get3A_2708 = arith.constant 0 : index
      %get3A_2709 = tpu.vector_load %arg6[%get3A_2706, %get3A_2707, %get3A_2708] {strides = array<i32>} : memref<4x104x16xf32, #tpu.memory_space<vmem>>, vector<16xf32>,
      %add3A_2710 = arith.addf %add3A_2701, %get3A_2709 : vector<16xf32>
      %mul3A_2711 = arith.mulf %get3A_2709, %get3A_2709 : vector<16xf32>
      %add3A_2712 = arith.addf %add3A_2703, %mul3A_2711 : vector<16xf32>
      %get3A_2713 = arith.constant 2 : i32
      %get3A_2714 = arith.constant 68 : i32
      %get3A_2715 = arith.index_cast %get3A_2713 : i32 to index
      %get3A_2716 = arith.index_cast %get3A_2714 : i32 to index
      %get3A_2717 = arith.constant 0 : index
      %get3A_2718 = tpu.vector_load %arg6[%get3A_2715, %get3A_2716, %get3A_2717] {strides = array<i32>} : memref<4x104x16xf32, #tpu.memory_space<vmem>>, vector<16xf32>,
      %add3A_2719 = arith.addf %add3A_2710, %get3A_2718 : vector<16xf32>
      %mul3A_2720 = arith.mulf %get3A_2718, %get3A_2718 : vector<16xf32>
      %add3A_2721 = arith.addf %add3A_2712, %mul3A_2720 : vector<16xf32>
      %get3A_2722 = arith.constant 2 : i32
      %get3A_2723 = arith.constant 69 : i32
      %get3A_2724 = arith.index_cast %get3A_2722 : i32 to index
      %get3A_2725 = arith.index_cast %get3A_2723 : i32 to index
      %get3A_2726 = arith.constant 0 : index
      %get3A_2727 = tpu.vector_load %arg6[%get3A_2724, %get3A_2725, %get3A_2726] {strides = array<i32>} : memref<4x104x16xf32, #tpu.memory_space<vmem>>, vector<16xf32>,
      %add3A_2728 = arith.addf %add3A_2719, %get3A_2727 : vector<16xf32>
      %mul3A_2729 = arith.mulf %get3A_2727, %get3A_2727 : vector<16xf32>
      %add3A_2730 = arith.addf %add3A_2721, %mul3A_2729 : vector<16xf32>
      %get3A_2731 = arith.constant 2 : i32
      %get3A_2732 = arith.constant 70 : i32
      %get3A_2733 = arith.index_cast %get3A_2731 : i32 to index
      %get3A_2734 = arith.index_cast %get3A_2732 : i32 to index
      %get3A_2735 = arith.constant 0 : index
      %get3A_2736 = tpu.vector_load %arg6[%get3A_2733, %get3A_2734, %get3A_2735] {strides = array<i32>} : memref<4x104x16xf32, #tpu.memory_space<vmem>>, vector<16xf32>,
      %add3A_2737 = arith.addf %add3A_2728, %get3A_2736 : vector<16xf32>
      %mul3A_2738 = arith.mulf %get3A_2736, %get3A_2736 : vector<16xf32>
      %add3A_2739 = arith.addf %add3A_2730, %mul3A_2738 : vector<16xf32>
      %get3A_2740 = arith.constant 2 : i32
      %get3A_2741 = arith.constant 71 : i32
      %get3A_2742 = arith.index_cast %get3A_2740 : i32 to index
      %get3A_2743 = arith.index_cast %get3A_2741 : i32 to index
      %get3A_2744 = arith.constant 0 : index
      %get3A_2745 = tpu.vector_load %arg6[%get3A_2742, %get3A_2743, %get3A_2744] {strides = array<i32>} : memref<4x104x16xf32, #tpu.memory_space<vmem>>, vector<16xf32>,
      %add3A_2746 = arith.addf %add3A_2737, %get3A_2745 : vector<16xf32>
      %mul3A_2747 = arith.mulf %get3A_2745, %get3A_2745 : vector<16xf32>
      %add3A_2748 = arith.addf %add3A_2739, %mul3A_2747 : vector<16xf32>
      %get3A_2749 = arith.constant 2 : i32
      %get3A_2750 = arith.constant 72 : i32
      %get3A_2751 = arith.index_cast %get3A_2749 : i32 to index
      %get3A_2752 = arith.index_cast %get3A_2750 : i32 to index
      %get3A_2753 = arith.constant 0 : index
      %get3A_2754 = tpu.vector_load %arg6[%get3A_2751, %get3A_2752, %get3A_2753] {strides = array<i32>} : memref<4x104x16xf32, #tpu.memory_space<vmem>>, vector<16xf32>,
      %add3A_2755 = arith.addf %add3A_2746, %get3A_2754 : vector<16xf32>
      %mul3A_2756 = arith.mulf %get3A_2754, %get3A_2754 : vector<16xf32>
      %add3A_2757 = arith.addf %add3A_2748, %mul3A_2756 : vector<16xf32>
      %get3A_2758 = arith.constant 2 : i32
      %get3A_2759 = arith.constant 73 : i32
      %get3A_2760 = arith.index_cast %get3A_2758 : i32 to index
      %get3A_2761 = arith.index_cast %get3A_2759 : i32 to index
      %get3A_2762 = arith.constant 0 : index
      %get3A_2763 = tpu.vector_load %arg6[%get3A_2760, %get3A_2761, %get3A_2762] {strides = array<i32>} : memref<4x104x16xf32, #tpu.memory_space<vmem>>, vector<16xf32>,
      %add3A_2764 = arith.addf %add3A_2755, %get3A_2763 : vector<16xf32>
      %mul3A_2765 = arith.mulf %get3A_2763, %get3A_2763 : vector<16xf32>
      %add3A_2766 = arith.addf %add3A_2757, %mul3A_2765 : vector<16xf32>
      %get3A_2767 = arith.constant 2 : i32
      %get3A_2768 = arith.constant 74 : i32
      %get3A_2769 = arith.index_cast %get3A_2767 : i32 to index
      %get3A_2770 = arith.index_cast %get3A_2768 : i32 to index
      %get3A_2771 = arith.constant 0 : index
      %get3A_2772 = tpu.vector_load %arg6[%get3A_2769, %get3A_2770, %get3A_2771] {strides = array<i32>} : memref<4x104x16xf32, #tpu.memory_space<vmem>>, vector<16xf32>,
      %add3A_2773 = arith.addf %add3A_2764, %get3A_2772 : vector<16xf32>
      %mul3A_2774 = arith.mulf %get3A_2772, %get3A_2772 : vector<16xf32>
      %add3A_2775 = arith.addf %add3A_2766, %mul3A_2774 : vector<16xf32>
      %get3A_2776 = arith.constant 2 : i32
      %get3A_2777 = arith.constant 75 : i32
      %get3A_2778 = arith.index_cast %get3A_2776 : i32 to index
      %get3A_2779 = arith.index_cast %get3A_2777 : i32 to index
      %get3A_2780 = arith.constant 0 : index
      %get3A_2781 = tpu.vector_load %arg6[%get3A_2778, %get3A_2779, %get3A_2780] {strides = array<i32>} : memref<4x104x16xf32, #tpu.memory_space<vmem>>, vector<16xf32>,
      %add3A_2782 = arith.addf %add3A_2773, %get3A_2781 : vector<16xf32>
      %mul3A_2783 = arith.mulf %get3A_2781, %get3A_2781 : vector<16xf32>
      %add3A_2784 = arith.addf %add3A_2775, %mul3A_2783 : vector<16xf32>
      %get3A_2785 = arith.constant 2 : i32
      %get3A_2786 = arith.constant 76 : i32
      %get3A_2787 = arith.index_cast %get3A_2785 : i32 to index
      %get3A_2788 = arith.index_cast %get3A_2786 : i32 to index
      %get3A_2789 = arith.constant 0 : index
      %get3A_2790 = tpu.vector_load %arg6[%get3A_2787, %get3A_2788, %get3A_2789] {strides = array<i32>} : memref<4x104x16xf32, #tpu.memory_space<vmem>>, vector<16xf32>,
      %add3A_2791 = arith.addf %add3A_2782, %get3A_2790 : vector<16xf32>
      %mul3A_2792 = arith.mulf %get3A_2790, %get3A_2790 : vector<16xf32>
      %add3A_2793 = arith.addf %add3A_2784, %mul3A_2792 : vector<16xf32>
      %get3A_2794 = arith.constant 2 : i32
      %get3A_2795 = arith.constant 77 : i32
      %get3A_2796 = arith.index_cast %get3A_2794 : i32 to index
      %get3A_2797 = arith.index_cast %get3A_2795 : i32 to index
      %get3A_2798 = arith.constant 0 : index
      %get3A_2799 = tpu.vector_load %arg6[%get3A_2796, %get3A_2797, %get3A_2798] {strides = array<i32>} : memref<4x104x16xf32, #tpu.memory_space<vmem>>, vector<16xf32>,
      %add3A_2800 = arith.addf %add3A_2791, %get3A_2799 : vector<16xf32>
      %mul3A_2801 = arith.mulf %get3A_2799, %get3A_2799 : vector<16xf32>
      %add3A_2802 = arith.addf %add3A_2793, %mul3A_2801 : vector<16xf32>
      %mul3A_2803 = arith.mulf %add3A_2800, %add3A_2800 : vector<16xf32>
      %sub3A_2804 = arith.subf %mul3A_2803, %add3A_2802 : vector<16xf32>
      %mul3A_2805 = arith.constant 4 : i32
      %mul3A_2806 = arith.muli %add3A_2072, %mul3A_2805 : i32
      %add3A_2807 = arith.constant 2 : i32
      %add3A_2808 = arith.addi %mul3A_2806, %add3A_2807 : i32
      %mul3A_2809 = arith.constant 16 : i32
      %mul3A_2810 = arith.muli %add3A_2808, %mul3A_2809 : i32
      %swap3A_2811 = arith.index_cast %mul3A_2810 : i32 to index
      %swap3A_2812 = tpu.vector_load %arg7[%swap3A_2811] {strides = array<i32>} : memref<8192xf32, #tpu.memory_space<vmem>>, vector<16xf32>,
      tpu.vector_store %arg7[%swap3A_2811], %sub3A_2804 {strides = array<i32>} : memref<8192xf32, #tpu.memory_space<vmem>>, vector<16xf32>,
      %get3A_2813 = arith.constant 2 : i32
      %get3A_2814 = arith.constant 78 : i32
      %get3A_2815 = arith.index_cast %get3A_2813 : i32 to index
      %get3A_2816 = arith.index_cast %get3A_2814 : i32 to index
      %get3A_2817 = arith.constant 0 : index
      %get3A_2818 = tpu.vector_load %arg6[%get3A_2815, %get3A_2816, %get3A_2817] {strides = array<i32>} : memref<4x104x16xf32, #tpu.memory_space<vmem>>, vector<16xf32>,
      %mul3A_2819 = arith.mulf %get3A_2818, %get3A_2818 : vector<16xf32>
      %get3A_2820 = arith.constant 2 : i32
      %get3A_2821 = arith.constant 79 : i32
      %get3A_2822 = arith.index_cast %get3A_2820 : i32 to index
      %get3A_2823 = arith.index_cast %get3A_2821 : i32 to index
      %get3A_2824 = arith.constant 0 : index
      %get3A_2825 = tpu.vector_load %arg6[%get3A_2822, %get3A_2823, %get3A_2824] {strides = array<i32>} : memref<4x104x16xf32, #tpu.memory_space<vmem>>, vector<16xf32>,
      %add3A_2826 = arith.addf %get3A_2818, %get3A_2825 : vector<16xf32>
      %mul3A_2827 = arith.mulf %get3A_2825, %get3A_2825 : vector<16xf32>
      %add3A_2828 = arith.addf %mul3A_2819, %mul3A_2827 : vector<16xf32>
      %get3A_2829 = arith.constant 2 : i32
      %get3A_2830 = arith.constant 80 : i32
      %get3A_2831 = arith.index_cast %get3A_2829 : i32 to index
      %get3A_2832 = arith.index_cast %get3A_2830 : i32 to index
      %get3A_2833 = arith.constant 0 : index
      %get3A_2834 = tpu.vector_load %arg6[%get3A_2831, %get3A_2832, %get3A_2833] {strides = array<i32>} : memref<4x104x16xf32, #tpu.memory_space<vmem>>, vector<16xf32>,
      %add3A_2835 = arith.addf %add3A_2826, %get3A_2834 : vector<16xf32>
      %mul3A_2836 = arith.mulf %get3A_2834, %get3A_2834 : vector<16xf32>
      %add3A_2837 = arith.addf %add3A_2828, %mul3A_2836 : vector<16xf32>
      %get3A_2838 = arith.constant 2 : i32
      %get3A_2839 = arith.constant 81 : i32
      %get3A_2840 = arith.index_cast %get3A_2838 : i32 to index
      %get3A_2841 = arith.index_cast %get3A_2839 : i32 to index
      %get3A_2842 = arith.constant 0 : index
      %get3A_2843 = tpu.vector_load %arg6[%get3A_2840, %get3A_2841, %get3A_2842] {strides = array<i32>} : memref<4x104x16xf32, #tpu.memory_space<vmem>>, vector<16xf32>,
      %add3A_2844 = arith.addf %add3A_2835, %get3A_2843 : vector<16xf32>
      %mul3A_2845 = arith.mulf %get3A_2843, %get3A_2843 : vector<16xf32>
      %add3A_2846 = arith.addf %add3A_2837, %mul3A_2845 : vector<16xf32>
      %get3A_2847 = arith.constant 2 : i32
      %get3A_2848 = arith.constant 82 : i32
      %get3A_2849 = arith.index_cast %get3A_2847 : i32 to index
      %get3A_2850 = arith.index_cast %get3A_2848 : i32 to index
      %get3A_2851 = arith.constant 0 : index
      %get3A_2852 = tpu.vector_load %arg6[%get3A_2849, %get3A_2850, %get3A_2851] {strides = array<i32>} : memref<4x104x16xf32, #tpu.memory_space<vmem>>, vector<16xf32>,
      %add3A_2853 = arith.addf %add3A_2844, %get3A_2852 : vector<16xf32>
      %mul3A_2854 = arith.mulf %get3A_2852, %get3A_2852 : vector<16xf32>
      %add3A_2855 = arith.addf %add3A_2846, %mul3A_2854 : vector<16xf32>
      %get3A_2856 = arith.constant 2 : i32
      %get3A_2857 = arith.constant 83 : i32
      %get3A_2858 = arith.index_cast %get3A_2856 : i32 to index
      %get3A_2859 = arith.index_cast %get3A_2857 : i32 to index
      %get3A_2860 = arith.constant 0 : index
      %get3A_2861 = tpu.vector_load %arg6[%get3A_2858, %get3A_2859, %get3A_2860] {strides = array<i32>} : memref<4x104x16xf32, #tpu.memory_space<vmem>>, vector<16xf32>,
      %add3A_2862 = arith.addf %add3A_2853, %get3A_2861 : vector<16xf32>
      %mul3A_2863 = arith.mulf %get3A_2861, %get3A_2861 : vector<16xf32>
      %add3A_2864 = arith.addf %add3A_2855, %mul3A_2863 : vector<16xf32>
      %get3A_2865 = arith.constant 2 : i32
      %get3A_2866 = arith.constant 84 : i32
      %get3A_2867 = arith.index_cast %get3A_2865 : i32 to index
      %get3A_2868 = arith.index_cast %get3A_2866 : i32 to index
      %get3A_2869 = arith.constant 0 : index
      %get3A_2870 = tpu.vector_load %arg6[%get3A_2867, %get3A_2868, %get3A_2869] {strides = array<i32>} : memref<4x104x16xf32, #tpu.memory_space<vmem>>, vector<16xf32>,
      %add3A_2871 = arith.addf %add3A_2862, %get3A_2870 : vector<16xf32>
      %mul3A_2872 = arith.mulf %get3A_2870, %get3A_2870 : vector<16xf32>
      %add3A_2873 = arith.addf %add3A_2864, %mul3A_2872 : vector<16xf32>
      %get3A_2874 = arith.constant 2 : i32
      %get3A_2875 = arith.constant 85 : i32
      %get3A_2876 = arith.index_cast %get3A_2874 : i32 to index
      %get3A_2877 = arith.index_cast %get3A_2875 : i32 to index
      %get3A_2878 = arith.constant 0 : index
      %get3A_2879 = tpu.vector_load %arg6[%get3A_2876, %get3A_2877, %get3A_2878] {strides = array<i32>} : memref<4x104x16xf32, #tpu.memory_space<vmem>>, vector<16xf32>,
      %add3A_2880 = arith.addf %add3A_2871, %get3A_2879 : vector<16xf32>
      %mul3A_2881 = arith.mulf %get3A_2879, %get3A_2879 : vector<16xf32>
      %add3A_2882 = arith.addf %add3A_2873, %mul3A_2881 : vector<16xf32>
      %get3A_2883 = arith.constant 2 : i32
      %get3A_2884 = arith.constant 86 : i32
      %get3A_2885 = arith.index_cast %get3A_2883 : i32 to index
      %get3A_2886 = arith.index_cast %get3A_2884 : i32 to index
      %get3A_2887 = arith.constant 0 : index
      %get3A_2888 = tpu.vector_load %arg6[%get3A_2885, %get3A_2886, %get3A_2887] {strides = array<i32>} : memref<4x104x16xf32, #tpu.memory_space<vmem>>, vector<16xf32>,
      %add3A_2889 = arith.addf %add3A_2880, %get3A_2888 : vector<16xf32>
      %mul3A_2890 = arith.mulf %get3A_2888, %get3A_2888 : vector<16xf32>
      %add3A_2891 = arith.addf %add3A_2882, %mul3A_2890 : vector<16xf32>
      %get3A_2892 = arith.constant 2 : i32
      %get3A_2893 = arith.constant 87 : i32
      %get3A_2894 = arith.index_cast %get3A_2892 : i32 to index
      %get3A_2895 = arith.index_cast %get3A_2893 : i32 to index
      %get3A_2896 = arith.constant 0 : index
      %get3A_2897 = tpu.vector_load %arg6[%get3A_2894, %get3A_2895, %get3A_2896] {strides = array<i32>} : memref<4x104x16xf32, #tpu.memory_space<vmem>>, vector<16xf32>,
      %add3A_2898 = arith.addf %add3A_2889, %get3A_2897 : vector<16xf32>
      %mul3A_2899 = arith.mulf %get3A_2897, %get3A_2897 : vector<16xf32>
      %add3A_2900 = arith.addf %add3A_2891, %mul3A_2899 : vector<16xf32>
      %get3A_2901 = arith.constant 2 : i32
      %get3A_2902 = arith.constant 88 : i32
      %get3A_2903 = arith.index_cast %get3A_2901 : i32 to index
      %get3A_2904 = arith.index_cast %get3A_2902 : i32 to index
      %get3A_2905 = arith.constant 0 : index
      %get3A_2906 = tpu.vector_load %arg6[%get3A_2903, %get3A_2904, %get3A_2905] {strides = array<i32>} : memref<4x104x16xf32, #tpu.memory_space<vmem>>, vector<16xf32>,
      %add3A_2907 = arith.addf %add3A_2898, %get3A_2906 : vector<16xf32>
      %mul3A_2908 = arith.mulf %get3A_2906, %get3A_2906 : vector<16xf32>
      %add3A_2909 = arith.addf %add3A_2900, %mul3A_2908 : vector<16xf32>
      %get3A_2910 = arith.constant 2 : i32
      %get3A_2911 = arith.constant 89 : i32
      %get3A_2912 = arith.index_cast %get3A_2910 : i32 to index
      %get3A_2913 = arith.index_cast %get3A_2911 : i32 to index
      %get3A_2914 = arith.constant 0 : index
      %get3A_2915 = tpu.vector_load %arg6[%get3A_2912, %get3A_2913, %get3A_2914] {strides = array<i32>} : memref<4x104x16xf32, #tpu.memory_space<vmem>>, vector<16xf32>,
      %add3A_2916 = arith.addf %add3A_2907, %get3A_2915 : vector<16xf32>
      %mul3A_2917 = arith.mulf %get3A_2915, %get3A_2915 : vector<16xf32>
      %add3A_2918 = arith.addf %add3A_2909, %mul3A_2917 : vector<16xf32>
      %get3A_2919 = arith.constant 2 : i32
      %get3A_2920 = arith.constant 90 : i32
      %get3A_2921 = arith.index_cast %get3A_2919 : i32 to index
      %get3A_2922 = arith.index_cast %get3A_2920 : i32 to index
      %get3A_2923 = arith.constant 0 : index
      %get3A_2924 = tpu.vector_load %arg6[%get3A_2921, %get3A_2922, %get3A_2923] {strides = array<i32>} : memref<4x104x16xf32, #tpu.memory_space<vmem>>, vector<16xf32>,
      %add3A_2925 = arith.addf %add3A_2916, %get3A_2924 : vector<16xf32>
      %mul3A_2926 = arith.mulf %get3A_2924, %get3A_2924 : vector<16xf32>
      %add3A_2927 = arith.addf %add3A_2918, %mul3A_2926 : vector<16xf32>
      %get3A_2928 = arith.constant 2 : i32
      %get3A_2929 = arith.constant 91 : i32
      %get3A_2930 = arith.index_cast %get3A_2928 : i32 to index
      %get3A_2931 = arith.index_cast %get3A_2929 : i32 to index
      %get3A_2932 = arith.constant 0 : index
      %get3A_2933 = tpu.vector_load %arg6[%get3A_2930, %get3A_2931, %get3A_2932] {strides = array<i32>} : memref<4x104x16xf32, #tpu.memory_space<vmem>>, vector<16xf32>,
      %add3A_2934 = arith.addf %add3A_2925, %get3A_2933 : vector<16xf32>
      %mul3A_2935 = arith.mulf %get3A_2933, %get3A_2933 : vector<16xf32>
      %add3A_2936 = arith.addf %add3A_2927, %mul3A_2935 : vector<16xf32>
      %get3A_2937 = arith.constant 2 : i32
      %get3A_2938 = arith.constant 92 : i32
      %get3A_2939 = arith.index_cast %get3A_2937 : i32 to index
      %get3A_2940 = arith.index_cast %get3A_2938 : i32 to index
      %get3A_2941 = arith.constant 0 : index
      %get3A_2942 = tpu.vector_load %arg6[%get3A_2939, %get3A_2940, %get3A_2941] {strides = array<i32>} : memref<4x104x16xf32, #tpu.memory_space<vmem>>, vector<16xf32>,
      %add3A_2943 = arith.addf %add3A_2934, %get3A_2942 : vector<16xf32>
      %mul3A_2944 = arith.mulf %get3A_2942, %get3A_2942 : vector<16xf32>
      %add3A_2945 = arith.addf %add3A_2936, %mul3A_2944 : vector<16xf32>
      %get3A_2946 = arith.constant 2 : i32
      %get3A_2947 = arith.constant 93 : i32
      %get3A_2948 = arith.index_cast %get3A_2946 : i32 to index
      %get3A_2949 = arith.index_cast %get3A_2947 : i32 to index
      %get3A_2950 = arith.constant 0 : index
      %get3A_2951 = tpu.vector_load %arg6[%get3A_2948, %get3A_2949, %get3A_2950] {strides = array<i32>} : memref<4x104x16xf32, #tpu.memory_space<vmem>>, vector<16xf32>,
      %add3A_2952 = arith.addf %add3A_2943, %get3A_2951 : vector<16xf32>
      %mul3A_2953 = arith.mulf %get3A_2951, %get3A_2951 : vector<16xf32>
      %add3A_2954 = arith.addf %add3A_2945, %mul3A_2953 : vector<16xf32>
      %get3A_2955 = arith.constant 2 : i32
      %get3A_2956 = arith.constant 94 : i32
      %get3A_2957 = arith.index_cast %get3A_2955 : i32 to index
      %get3A_2958 = arith.index_cast %get3A_2956 : i32 to index
      %get3A_2959 = arith.constant 0 : index
      %get3A_2960 = tpu.vector_load %arg6[%get3A_2957, %get3A_2958, %get3A_2959] {strides = array<i32>} : memref<4x104x16xf32, #tpu.memory_space<vmem>>, vector<16xf32>,
      %add3A_2961 = arith.addf %add3A_2952, %get3A_2960 : vector<16xf32>
      %mul3A_2962 = arith.mulf %get3A_2960, %get3A_2960 : vector<16xf32>
      %add3A_2963 = arith.addf %add3A_2954, %mul3A_2962 : vector<16xf32>
      %get3A_2964 = arith.constant 2 : i32
      %get3A_2965 = arith.constant 95 : i32
      %get3A_2966 = arith.index_cast %get3A_2964 : i32 to index
      %get3A_2967 = arith.index_cast %get3A_2965 : i32 to index
      %get3A_2968 = arith.constant 0 : index
      %get3A_2969 = tpu.vector_load %arg6[%get3A_2966, %get3A_2967, %get3A_2968] {strides = array<i32>} : memref<4x104x16xf32, #tpu.memory_space<vmem>>, vector<16xf32>,
      %add3A_2970 = arith.addf %add3A_2961, %get3A_2969 : vector<16xf32>
      %mul3A_2971 = arith.mulf %get3A_2969, %get3A_2969 : vector<16xf32>
      %add3A_2972 = arith.addf %add3A_2963, %mul3A_2971 : vector<16xf32>
      %get3A_2973 = arith.constant 2 : i32
      %get3A_2974 = arith.constant 96 : i32
      %get3A_2975 = arith.index_cast %get3A_2973 : i32 to index
      %get3A_2976 = arith.index_cast %get3A_2974 : i32 to index
      %get3A_2977 = arith.constant 0 : index
      %get3A_2978 = tpu.vector_load %arg6[%get3A_2975, %get3A_2976, %get3A_2977] {strides = array<i32>} : memref<4x104x16xf32, #tpu.memory_space<vmem>>, vector<16xf32>,
      %add3A_2979 = arith.addf %add3A_2970, %get3A_2978 : vector<16xf32>
      %mul3A_2980 = arith.mulf %get3A_2978, %get3A_2978 : vector<16xf32>
      %add3A_2981 = arith.addf %add3A_2972, %mul3A_2980 : vector<16xf32>
      %get3A_2982 = arith.constant 2 : i32
      %get3A_2983 = arith.constant 97 : i32
      %get3A_2984 = arith.index_cast %get3A_2982 : i32 to index
      %get3A_2985 = arith.index_cast %get3A_2983 : i32 to index
      %get3A_2986 = arith.constant 0 : index
      %get3A_2987 = tpu.vector_load %arg6[%get3A_2984, %get3A_2985, %get3A_2986] {strides = array<i32>} : memref<4x104x16xf32, #tpu.memory_space<vmem>>, vector<16xf32>,
      %add3A_2988 = arith.addf %add3A_2979, %get3A_2987 : vector<16xf32>
      %mul3A_2989 = arith.mulf %get3A_2987, %get3A_2987 : vector<16xf32>
      %add3A_2990 = arith.addf %add3A_2981, %mul3A_2989 : vector<16xf32>
      %get3A_2991 = arith.constant 2 : i32
      %get3A_2992 = arith.constant 98 : i32
      %get3A_2993 = arith.index_cast %get3A_2991 : i32 to index
      %get3A_2994 = arith.index_cast %get3A_2992 : i32 to index
      %get3A_2995 = arith.constant 0 : index
      %get3A_2996 = tpu.vector_load %arg6[%get3A_2993, %get3A_2994, %get3A_2995] {strides = array<i32>} : memref<4x104x16xf32, #tpu.memory_space<vmem>>, vector<16xf32>,
      %add3A_2997 = arith.addf %add3A_2988, %get3A_2996 : vector<16xf32>
      %mul3A_2998 = arith.mulf %get3A_2996, %get3A_2996 : vector<16xf32>
      %add3A_2999 = arith.addf %add3A_2990, %mul3A_2998 : vector<16xf32>
      %get3A_3000 = arith.constant 2 : i32
      %get3A_3001 = arith.constant 99 : i32
      %get3A_3002 = arith.index_cast %get3A_3000 : i32 to index
      %get3A_3003 = arith.index_cast %get3A_3001 : i32 to index
      %get3A_3004 = arith.constant 0 : index
      %get3A_3005 = tpu.vector_load %arg6[%get3A_3002, %get3A_3003, %get3A_3004] {strides = array<i32>} : memref<4x104x16xf32, #tpu.memory_space<vmem>>, vector<16xf32>,
      %add3A_3006 = arith.addf %add3A_2997, %get3A_3005 : vector<16xf32>
      %mul3A_3007 = arith.mulf %get3A_3005, %get3A_3005 : vector<16xf32>
      %add3A_3008 = arith.addf %add3A_2999, %mul3A_3007 : vector<16xf32>
      %get3A_3009 = arith.constant 2 : i32
      %get3A_3010 = arith.constant 100 : i32
      %get3A_3011 = arith.index_cast %get3A_3009 : i32 to index
      %get3A_3012 = arith.index_cast %get3A_3010 : i32 to index
      %get3A_3013 = arith.constant 0 : index
      %get3A_3014 = tpu.vector_load %arg6[%get3A_3011, %get3A_3012, %get3A_3013] {strides = array<i32>} : memref<4x104x16xf32, #tpu.memory_space<vmem>>, vector<16xf32>,
      %add3A_3015 = arith.addf %add3A_3006, %get3A_3014 : vector<16xf32>
      %mul3A_3016 = arith.mulf %get3A_3014, %get3A_3014 : vector<16xf32>
      %add3A_3017 = arith.addf %add3A_3008, %mul3A_3016 : vector<16xf32>
      %get3A_3018 = arith.constant 2 : i32
      %get3A_3019 = arith.constant 101 : i32
      %get3A_3020 = arith.index_cast %get3A_3018 : i32 to index
      %get3A_3021 = arith.index_cast %get3A_3019 : i32 to index
      %get3A_3022 = arith.constant 0 : index
      %get3A_3023 = tpu.vector_load %arg6[%get3A_3020, %get3A_3021, %get3A_3022] {strides = array<i32>} : memref<4x104x16xf32, #tpu.memory_space<vmem>>, vector<16xf32>,
      %add3A_3024 = arith.addf %add3A_3015, %get3A_3023 : vector<16xf32>
      %mul3A_3025 = arith.mulf %get3A_3023, %get3A_3023 : vector<16xf32>
      %add3A_3026 = arith.addf %add3A_3017, %mul3A_3025 : vector<16xf32>
      %get3A_3027 = arith.constant 2 : i32
      %get3A_3028 = arith.constant 102 : i32
      %get3A_3029 = arith.index_cast %get3A_3027 : i32 to index
      %get3A_3030 = arith.index_cast %get3A_3028 : i32 to index
      %get3A_3031 = arith.constant 0 : index
      %get3A_3032 = tpu.vector_load %arg6[%get3A_3029, %get3A_3030, %get3A_3031] {strides = array<i32>} : memref<4x104x16xf32, #tpu.memory_space<vmem>>, vector<16xf32>,
      %add3A_3033 = arith.addf %add3A_3024, %get3A_3032 : vector<16xf32>
      %mul3A_3034 = arith.mulf %get3A_3032, %get3A_3032 : vector<16xf32>
      %add3A_3035 = arith.addf %add3A_3026, %mul3A_3034 : vector<16xf32>
      %get3A_3036 = arith.constant 2 : i32
      %get3A_3037 = arith.constant 103 : i32
      %get3A_3038 = arith.index_cast %get3A_3036 : i32 to index
      %get3A_3039 = arith.index_cast %get3A_3037 : i32 to index
      %get3A_3040 = arith.constant 0 : index
      %get3A_3041 = tpu.vector_load %arg6[%get3A_3038, %get3A_3039, %get3A_3040] {strides = array<i32>} : memref<4x104x16xf32, #tpu.memory_space<vmem>>, vector<16xf32>,
      %add3A_3042 = arith.addf %add3A_3033, %get3A_3041 : vector<16xf32>
      %mul3A_3043 = arith.mulf %get3A_3041, %get3A_3041 : vector<16xf32>
      %add3A_3044 = arith.addf %add3A_3035, %mul3A_3043 : vector<16xf32>
      %mul3A_3045 = arith.mulf %add3A_3042, %add3A_3042 : vector<16xf32>
      %sub3A_3046 = arith.subf %mul3A_3045, %add3A_3044 : vector<16xf32>
      %mul3A_3047 = arith.constant 4 : i32
      %mul3A_3048 = arith.muli %add3A_2072, %mul3A_3047 : i32
      %add3A_3049 = arith.constant 3 : i32
      %add3A_3050 = arith.addi %mul3A_3048, %add3A_3049 : i32
      %mul3A_3051 = arith.constant 16 : i32
      %mul3A_3052 = arith.muli %add3A_3050, %mul3A_3051 : i32
      %swap3A_3053 = arith.index_cast %mul3A_3052 : i32 to index
      %swap3A_3054 = tpu.vector_load %arg7[%swap3A_3053] {strides = array<i32>} : memref<8192xf32, #tpu.memory_space<vmem>>, vector<16xf32>,
      tpu.vector_store %arg7[%swap3A_3053], %sub3A_3046 {strides = array<i32>} : memref<8192xf32, #tpu.memory_space<vmem>>, vector<16xf32>,
      %add3A_3055 = arith.constant 4 : i32
      %add3A_3056 = arith.addi %add3A_2072, %add3A_3055 : i32
      %lt3A_3057 = arith.constant 128 : i32
      %lt3A_3058 = arith.cmpi slt, %add3A_3056, %lt3A_3057 : i32
      %convert_element_type3A_3059 = arith.extui %lt3A_3058 : i1 to i32
      %cond3A_3060 = arith.constant 0 : i32
      %cond3A_3061 = arith.cmpi ne, %convert_element_type3A_3059, %cond3A_3060 : i32
      scf.if %cond3A_3061 {
        %dma_start3A_4055 = arith.constant 2 : i32
        %dma_start3A_4056 = arith.constant 2 : i32
        %dma_start3A_4057 = arith.constant 0 : i32
        %dma_start3A_4058 = arith.constant 0 : i32
        %dma_start3A_4059 = tpu.memref_slice %arg6[%dma_start3A_4055, %dma_start3A_4057, %dma_start3A_4058] : memref<4x104x16xf32, #tpu.memory_space<vmem>> -> memref<1x104x16xf32, #tpu.memory_space<vmem>>
        %dma_start3A_4060 = tpu.memref_squeeze %dma_start3A_4059 : memref<1x104x16xf32, #tpu.memory_space<vmem>> -> memref<104x16xf32, #tpu.memory_space<vmem>>
        %dma_start3A_4061 = arith.constant 0 : i32
        %dma_start3A_4062 = tpu.memref_slice %arg5[%add3A_3056, %dma_start3A_4061] : memref<128x104xi32, #tpu.memory_space<vmem>> -> memref<1x104xi32, #tpu.memory_space<vmem>>
        %dma_start3A_4063 = tpu.memref_squeeze %dma_start3A_4062 : memref<1x104xi32, #tpu.memory_space<vmem>> -> memref<104xi32, #tpu.memory_space<vmem>>
        %dma_start3A_4064 = arith.constant 0 : i32
        %dma_start3A_4065 = arith.constant 0 : i32
        %dma_start3A_4066 = tpu.memref_slice %arg3[%dma_start3A_4064, %dma_start3A_4065] : memref<2621440x16xf32, #tpu.memory_space<hbm>> -> memref<2621440x16xf32, #tpu.memory_space<hbm>>
        %dma_start3A_4067 = tpu.memref_slice %arg10[%dma_start3A_4056] : memref<4x!tpu.dma_semaphore, #tpu.memory_space<semaphore_mem>> -> memref<1x!tpu.dma_semaphore, #tpu.memory_space<semaphore_mem>>
        %dma_start3A_4068 = tpu.memref_squeeze %dma_start3A_4067 : memref<1x!tpu.dma_semaphore, #tpu.memory_space<semaphore_mem>> -> memref<!tpu.dma_semaphore, #tpu.memory_space<semaphore_mem>>
        tpu.enqueue_indirect_dma source(%dma_start3A_4066 : memref<2621440x16xf32, #tpu.memory_space<hbm>>) target(%dma_start3A_4060 : memref<104x16xf32, #tpu.memory_space<vmem>>) offsets(%dma_start3A_4063 : memref<104xi32, #tpu.memory_space<vmem>>) semaphore(%dma_start3A_4068 : memref<!tpu.dma_semaphore, #tpu.memory_space<semaphore_mem>>)
      } else {
      }
      %mul3A_3062 = arith.constant 4 : i32
      %mul3A_3063 = arith.muli %scan3A_88, %mul3A_3062 : i32
      %add3A_3064 = arith.constant 3 : i32
      %add3A_3065 = arith.addi %mul3A_3063, %add3A_3064 : i32
      %dma_wait3A_3066 = arith.constant 3 : i32
      %dma_wait3A_3067 = arith.constant 3 : i32
      %dma_wait3A_3068 = arith.constant 0 : i32
      %dma_wait3A_3069 = arith.constant 0 : i32
      %dma_wait3A_3070 = tpu.memref_slice %arg6[%dma_wait3A_3066, %dma_wait3A_3068, %dma_wait3A_3069] : memref<4x104x16xf32, #tpu.memory_space<vmem>> -> memref<1x104x16xf32, #tpu.memory_space<vmem>>
      %dma_wait3A_3071 = tpu.memref_squeeze %dma_wait3A_3070 : memref<1x104x16xf32, #tpu.memory_space<vmem>> -> memref<104x16xf32, #tpu.memory_space<vmem>>
      %dma_wait3A_3072 = arith.constant 0 : i32
      %dma_wait3A_3073 = tpu.memref_slice %arg5[%add3A_3065, %dma_wait3A_3072] : memref<128x104xi32, #tpu.memory_space<vmem>> -> memref<1x104xi32, #tpu.memory_space<vmem>>
      %dma_wait3A_3074 = tpu.memref_squeeze %dma_wait3A_3073 : memref<1x104xi32, #tpu.memory_space<vmem>> -> memref<104xi32, #tpu.memory_space<vmem>>
      %dma_wait3A_3075 = arith.constant 0 : i32
      %dma_wait3A_3076 = arith.constant 0 : i32
      %dma_wait3A_3077 = tpu.memref_slice %arg3[%dma_wait3A_3075, %dma_wait3A_3076] : memref<2621440x16xf32, #tpu.memory_space<hbm>> -> memref<2621440x16xf32, #tpu.memory_space<hbm>>
      %dma_wait3A_3078 = tpu.memref_slice %arg10[%dma_wait3A_3067] : memref<4x!tpu.dma_semaphore, #tpu.memory_space<semaphore_mem>> -> memref<1x!tpu.dma_semaphore, #tpu.memory_space<semaphore_mem>>
      %dma_wait3A_3079 = tpu.memref_squeeze %dma_wait3A_3078 : memref<1x!tpu.dma_semaphore, #tpu.memory_space<semaphore_mem>> -> memref<!tpu.dma_semaphore, #tpu.memory_space<semaphore_mem>>
      tpu.wait_indirect_dma semaphore(%dma_wait3A_3079 : memref<!tpu.dma_semaphore, #tpu.memory_space<semaphore_mem>>) src(%dma_wait3A_3077 : memref<2621440x16xf32, #tpu.memory_space<hbm>>) dst(%dma_wait3A_3071 : memref<104x16xf32, #tpu.memory_space<vmem>>)
      %get3A_3080 = arith.constant 3 : i32
      %get3A_3081 = arith.constant 0 : i32
      %get3A_3082 = arith.index_cast %get3A_3080 : i32 to index
      %get3A_3083 = arith.index_cast %get3A_3081 : i32 to index
      %get3A_3084 = arith.constant 0 : index
      %get3A_3085 = tpu.vector_load %arg6[%get3A_3082, %get3A_3083, %get3A_3084] {strides = array<i32>} : memref<4x104x16xf32, #tpu.memory_space<vmem>>, vector<16xf32>,
      %mul3A_3086 = arith.mulf %get3A_3085, %get3A_3085 : vector<16xf32>
      %get3A_3087 = arith.constant 3 : i32
      %get3A_3088 = arith.constant 1 : i32
      %get3A_3089 = arith.index_cast %get3A_3087 : i32 to index
      %get3A_3090 = arith.index_cast %get3A_3088 : i32 to index
      %get3A_3091 = arith.constant 0 : index
      %get3A_3092 = tpu.vector_load %arg6[%get3A_3089, %get3A_3090, %get3A_3091] {strides = array<i32>} : memref<4x104x16xf32, #tpu.memory_space<vmem>>, vector<16xf32>,
      %add3A_3093 = arith.addf %get3A_3085, %get3A_3092 : vector<16xf32>
      %mul3A_3094 = arith.mulf %get3A_3092, %get3A_3092 : vector<16xf32>
      %add3A_3095 = arith.addf %mul3A_3086, %mul3A_3094 : vector<16xf32>
      %get3A_3096 = arith.constant 3 : i32
      %get3A_3097 = arith.constant 2 : i32
      %get3A_3098 = arith.index_cast %get3A_3096 : i32 to index
      %get3A_3099 = arith.index_cast %get3A_3097 : i32 to index
      %get3A_3100 = arith.constant 0 : index
      %get3A_3101 = tpu.vector_load %arg6[%get3A_3098, %get3A_3099, %get3A_3100] {strides = array<i32>} : memref<4x104x16xf32, #tpu.memory_space<vmem>>, vector<16xf32>,
      %add3A_3102 = arith.addf %add3A_3093, %get3A_3101 : vector<16xf32>
      %mul3A_3103 = arith.mulf %get3A_3101, %get3A_3101 : vector<16xf32>
      %add3A_3104 = arith.addf %add3A_3095, %mul3A_3103 : vector<16xf32>
      %get3A_3105 = arith.constant 3 : i32
      %get3A_3106 = arith.constant 3 : i32
      %get3A_3107 = arith.index_cast %get3A_3105 : i32 to index
      %get3A_3108 = arith.index_cast %get3A_3106 : i32 to index
      %get3A_3109 = arith.constant 0 : index
      %get3A_3110 = tpu.vector_load %arg6[%get3A_3107, %get3A_3108, %get3A_3109] {strides = array<i32>} : memref<4x104x16xf32, #tpu.memory_space<vmem>>, vector<16xf32>,
      %add3A_3111 = arith.addf %add3A_3102, %get3A_3110 : vector<16xf32>
      %mul3A_3112 = arith.mulf %get3A_3110, %get3A_3110 : vector<16xf32>
      %add3A_3113 = arith.addf %add3A_3104, %mul3A_3112 : vector<16xf32>
      %get3A_3114 = arith.constant 3 : i32
      %get3A_3115 = arith.constant 4 : i32
      %get3A_3116 = arith.index_cast %get3A_3114 : i32 to index
      %get3A_3117 = arith.index_cast %get3A_3115 : i32 to index
      %get3A_3118 = arith.constant 0 : index
      %get3A_3119 = tpu.vector_load %arg6[%get3A_3116, %get3A_3117, %get3A_3118] {strides = array<i32>} : memref<4x104x16xf32, #tpu.memory_space<vmem>>, vector<16xf32>,
      %add3A_3120 = arith.addf %add3A_3111, %get3A_3119 : vector<16xf32>
      %mul3A_3121 = arith.mulf %get3A_3119, %get3A_3119 : vector<16xf32>
      %add3A_3122 = arith.addf %add3A_3113, %mul3A_3121 : vector<16xf32>
      %get3A_3123 = arith.constant 3 : i32
      %get3A_3124 = arith.constant 5 : i32
      %get3A_3125 = arith.index_cast %get3A_3123 : i32 to index
      %get3A_3126 = arith.index_cast %get3A_3124 : i32 to index
      %get3A_3127 = arith.constant 0 : index
      %get3A_3128 = tpu.vector_load %arg6[%get3A_3125, %get3A_3126, %get3A_3127] {strides = array<i32>} : memref<4x104x16xf32, #tpu.memory_space<vmem>>, vector<16xf32>,
      %add3A_3129 = arith.addf %add3A_3120, %get3A_3128 : vector<16xf32>
      %mul3A_3130 = arith.mulf %get3A_3128, %get3A_3128 : vector<16xf32>
      %add3A_3131 = arith.addf %add3A_3122, %mul3A_3130 : vector<16xf32>
      %get3A_3132 = arith.constant 3 : i32
      %get3A_3133 = arith.constant 6 : i32
      %get3A_3134 = arith.index_cast %get3A_3132 : i32 to index
      %get3A_3135 = arith.index_cast %get3A_3133 : i32 to index
      %get3A_3136 = arith.constant 0 : index
      %get3A_3137 = tpu.vector_load %arg6[%get3A_3134, %get3A_3135, %get3A_3136] {strides = array<i32>} : memref<4x104x16xf32, #tpu.memory_space<vmem>>, vector<16xf32>,
      %add3A_3138 = arith.addf %add3A_3129, %get3A_3137 : vector<16xf32>
      %mul3A_3139 = arith.mulf %get3A_3137, %get3A_3137 : vector<16xf32>
      %add3A_3140 = arith.addf %add3A_3131, %mul3A_3139 : vector<16xf32>
      %get3A_3141 = arith.constant 3 : i32
      %get3A_3142 = arith.constant 7 : i32
      %get3A_3143 = arith.index_cast %get3A_3141 : i32 to index
      %get3A_3144 = arith.index_cast %get3A_3142 : i32 to index
      %get3A_3145 = arith.constant 0 : index
      %get3A_3146 = tpu.vector_load %arg6[%get3A_3143, %get3A_3144, %get3A_3145] {strides = array<i32>} : memref<4x104x16xf32, #tpu.memory_space<vmem>>, vector<16xf32>,
      %add3A_3147 = arith.addf %add3A_3138, %get3A_3146 : vector<16xf32>
      %mul3A_3148 = arith.mulf %get3A_3146, %get3A_3146 : vector<16xf32>
      %add3A_3149 = arith.addf %add3A_3140, %mul3A_3148 : vector<16xf32>
      %get3A_3150 = arith.constant 3 : i32
      %get3A_3151 = arith.constant 8 : i32
      %get3A_3152 = arith.index_cast %get3A_3150 : i32 to index
      %get3A_3153 = arith.index_cast %get3A_3151 : i32 to index
      %get3A_3154 = arith.constant 0 : index
      %get3A_3155 = tpu.vector_load %arg6[%get3A_3152, %get3A_3153, %get3A_3154] {strides = array<i32>} : memref<4x104x16xf32, #tpu.memory_space<vmem>>, vector<16xf32>,
      %add3A_3156 = arith.addf %add3A_3147, %get3A_3155 : vector<16xf32>
      %mul3A_3157 = arith.mulf %get3A_3155, %get3A_3155 : vector<16xf32>
      %add3A_3158 = arith.addf %add3A_3149, %mul3A_3157 : vector<16xf32>
      %get3A_3159 = arith.constant 3 : i32
      %get3A_3160 = arith.constant 9 : i32
      %get3A_3161 = arith.index_cast %get3A_3159 : i32 to index
      %get3A_3162 = arith.index_cast %get3A_3160 : i32 to index
      %get3A_3163 = arith.constant 0 : index
      %get3A_3164 = tpu.vector_load %arg6[%get3A_3161, %get3A_3162, %get3A_3163] {strides = array<i32>} : memref<4x104x16xf32, #tpu.memory_space<vmem>>, vector<16xf32>,
      %add3A_3165 = arith.addf %add3A_3156, %get3A_3164 : vector<16xf32>
      %mul3A_3166 = arith.mulf %get3A_3164, %get3A_3164 : vector<16xf32>
      %add3A_3167 = arith.addf %add3A_3158, %mul3A_3166 : vector<16xf32>
      %get3A_3168 = arith.constant 3 : i32
      %get3A_3169 = arith.constant 10 : i32
      %get3A_3170 = arith.index_cast %get3A_3168 : i32 to index
      %get3A_3171 = arith.index_cast %get3A_3169 : i32 to index
      %get3A_3172 = arith.constant 0 : index
      %get3A_3173 = tpu.vector_load %arg6[%get3A_3170, %get3A_3171, %get3A_3172] {strides = array<i32>} : memref<4x104x16xf32, #tpu.memory_space<vmem>>, vector<16xf32>,
      %add3A_3174 = arith.addf %add3A_3165, %get3A_3173 : vector<16xf32>
      %mul3A_3175 = arith.mulf %get3A_3173, %get3A_3173 : vector<16xf32>
      %add3A_3176 = arith.addf %add3A_3167, %mul3A_3175 : vector<16xf32>
      %get3A_3177 = arith.constant 3 : i32
      %get3A_3178 = arith.constant 11 : i32
      %get3A_3179 = arith.index_cast %get3A_3177 : i32 to index
      %get3A_3180 = arith.index_cast %get3A_3178 : i32 to index
      %get3A_3181 = arith.constant 0 : index
      %get3A_3182 = tpu.vector_load %arg6[%get3A_3179, %get3A_3180, %get3A_3181] {strides = array<i32>} : memref<4x104x16xf32, #tpu.memory_space<vmem>>, vector<16xf32>,
      %add3A_3183 = arith.addf %add3A_3174, %get3A_3182 : vector<16xf32>
      %mul3A_3184 = arith.mulf %get3A_3182, %get3A_3182 : vector<16xf32>
      %add3A_3185 = arith.addf %add3A_3176, %mul3A_3184 : vector<16xf32>
      %get3A_3186 = arith.constant 3 : i32
      %get3A_3187 = arith.constant 12 : i32
      %get3A_3188 = arith.index_cast %get3A_3186 : i32 to index
      %get3A_3189 = arith.index_cast %get3A_3187 : i32 to index
      %get3A_3190 = arith.constant 0 : index
      %get3A_3191 = tpu.vector_load %arg6[%get3A_3188, %get3A_3189, %get3A_3190] {strides = array<i32>} : memref<4x104x16xf32, #tpu.memory_space<vmem>>, vector<16xf32>,
      %add3A_3192 = arith.addf %add3A_3183, %get3A_3191 : vector<16xf32>
      %mul3A_3193 = arith.mulf %get3A_3191, %get3A_3191 : vector<16xf32>
      %add3A_3194 = arith.addf %add3A_3185, %mul3A_3193 : vector<16xf32>
      %get3A_3195 = arith.constant 3 : i32
      %get3A_3196 = arith.constant 13 : i32
      %get3A_3197 = arith.index_cast %get3A_3195 : i32 to index
      %get3A_3198 = arith.index_cast %get3A_3196 : i32 to index
      %get3A_3199 = arith.constant 0 : index
      %get3A_3200 = tpu.vector_load %arg6[%get3A_3197, %get3A_3198, %get3A_3199] {strides = array<i32>} : memref<4x104x16xf32, #tpu.memory_space<vmem>>, vector<16xf32>,
      %add3A_3201 = arith.addf %add3A_3192, %get3A_3200 : vector<16xf32>
      %mul3A_3202 = arith.mulf %get3A_3200, %get3A_3200 : vector<16xf32>
      %add3A_3203 = arith.addf %add3A_3194, %mul3A_3202 : vector<16xf32>
      %get3A_3204 = arith.constant 3 : i32
      %get3A_3205 = arith.constant 14 : i32
      %get3A_3206 = arith.index_cast %get3A_3204 : i32 to index
      %get3A_3207 = arith.index_cast %get3A_3205 : i32 to index
      %get3A_3208 = arith.constant 0 : index
      %get3A_3209 = tpu.vector_load %arg6[%get3A_3206, %get3A_3207, %get3A_3208] {strides = array<i32>} : memref<4x104x16xf32, #tpu.memory_space<vmem>>, vector<16xf32>,
      %add3A_3210 = arith.addf %add3A_3201, %get3A_3209 : vector<16xf32>
      %mul3A_3211 = arith.mulf %get3A_3209, %get3A_3209 : vector<16xf32>
      %add3A_3212 = arith.addf %add3A_3203, %mul3A_3211 : vector<16xf32>
      %get3A_3213 = arith.constant 3 : i32
      %get3A_3214 = arith.constant 15 : i32
      %get3A_3215 = arith.index_cast %get3A_3213 : i32 to index
      %get3A_3216 = arith.index_cast %get3A_3214 : i32 to index
      %get3A_3217 = arith.constant 0 : index
      %get3A_3218 = tpu.vector_load %arg6[%get3A_3215, %get3A_3216, %get3A_3217] {strides = array<i32>} : memref<4x104x16xf32, #tpu.memory_space<vmem>>, vector<16xf32>,
      %add3A_3219 = arith.addf %add3A_3210, %get3A_3218 : vector<16xf32>
      %mul3A_3220 = arith.mulf %get3A_3218, %get3A_3218 : vector<16xf32>
      %add3A_3221 = arith.addf %add3A_3212, %mul3A_3220 : vector<16xf32>
      %get3A_3222 = arith.constant 3 : i32
      %get3A_3223 = arith.constant 16 : i32
      %get3A_3224 = arith.index_cast %get3A_3222 : i32 to index
      %get3A_3225 = arith.index_cast %get3A_3223 : i32 to index
      %get3A_3226 = arith.constant 0 : index
      %get3A_3227 = tpu.vector_load %arg6[%get3A_3224, %get3A_3225, %get3A_3226] {strides = array<i32>} : memref<4x104x16xf32, #tpu.memory_space<vmem>>, vector<16xf32>,
      %add3A_3228 = arith.addf %add3A_3219, %get3A_3227 : vector<16xf32>
      %mul3A_3229 = arith.mulf %get3A_3227, %get3A_3227 : vector<16xf32>
      %add3A_3230 = arith.addf %add3A_3221, %mul3A_3229 : vector<16xf32>
      %get3A_3231 = arith.constant 3 : i32
      %get3A_3232 = arith.constant 17 : i32
      %get3A_3233 = arith.index_cast %get3A_3231 : i32 to index
      %get3A_3234 = arith.index_cast %get3A_3232 : i32 to index
      %get3A_3235 = arith.constant 0 : index
      %get3A_3236 = tpu.vector_load %arg6[%get3A_3233, %get3A_3234, %get3A_3235] {strides = array<i32>} : memref<4x104x16xf32, #tpu.memory_space<vmem>>, vector<16xf32>,
      %add3A_3237 = arith.addf %add3A_3228, %get3A_3236 : vector<16xf32>
      %mul3A_3238 = arith.mulf %get3A_3236, %get3A_3236 : vector<16xf32>
      %add3A_3239 = arith.addf %add3A_3230, %mul3A_3238 : vector<16xf32>
      %get3A_3240 = arith.constant 3 : i32
      %get3A_3241 = arith.constant 18 : i32
      %get3A_3242 = arith.index_cast %get3A_3240 : i32 to index
      %get3A_3243 = arith.index_cast %get3A_3241 : i32 to index
      %get3A_3244 = arith.constant 0 : index
      %get3A_3245 = tpu.vector_load %arg6[%get3A_3242, %get3A_3243, %get3A_3244] {strides = array<i32>} : memref<4x104x16xf32, #tpu.memory_space<vmem>>, vector<16xf32>,
      %add3A_3246 = arith.addf %add3A_3237, %get3A_3245 : vector<16xf32>
      %mul3A_3247 = arith.mulf %get3A_3245, %get3A_3245 : vector<16xf32>
      %add3A_3248 = arith.addf %add3A_3239, %mul3A_3247 : vector<16xf32>
      %get3A_3249 = arith.constant 3 : i32
      %get3A_3250 = arith.constant 19 : i32
      %get3A_3251 = arith.index_cast %get3A_3249 : i32 to index
      %get3A_3252 = arith.index_cast %get3A_3250 : i32 to index
      %get3A_3253 = arith.constant 0 : index
      %get3A_3254 = tpu.vector_load %arg6[%get3A_3251, %get3A_3252, %get3A_3253] {strides = array<i32>} : memref<4x104x16xf32, #tpu.memory_space<vmem>>, vector<16xf32>,
      %add3A_3255 = arith.addf %add3A_3246, %get3A_3254 : vector<16xf32>
      %mul3A_3256 = arith.mulf %get3A_3254, %get3A_3254 : vector<16xf32>
      %add3A_3257 = arith.addf %add3A_3248, %mul3A_3256 : vector<16xf32>
      %get3A_3258 = arith.constant 3 : i32
      %get3A_3259 = arith.constant 20 : i32
      %get3A_3260 = arith.index_cast %get3A_3258 : i32 to index
      %get3A_3261 = arith.index_cast %get3A_3259 : i32 to index
      %get3A_3262 = arith.constant 0 : index
      %get3A_3263 = tpu.vector_load %arg6[%get3A_3260, %get3A_3261, %get3A_3262] {strides = array<i32>} : memref<4x104x16xf32, #tpu.memory_space<vmem>>, vector<16xf32>,
      %add3A_3264 = arith.addf %add3A_3255, %get3A_3263 : vector<16xf32>
      %mul3A_3265 = arith.mulf %get3A_3263, %get3A_3263 : vector<16xf32>
      %add3A_3266 = arith.addf %add3A_3257, %mul3A_3265 : vector<16xf32>
      %get3A_3267 = arith.constant 3 : i32
      %get3A_3268 = arith.constant 21 : i32
      %get3A_3269 = arith.index_cast %get3A_3267 : i32 to index
      %get3A_3270 = arith.index_cast %get3A_3268 : i32 to index
      %get3A_3271 = arith.constant 0 : index
      %get3A_3272 = tpu.vector_load %arg6[%get3A_3269, %get3A_3270, %get3A_3271] {strides = array<i32>} : memref<4x104x16xf32, #tpu.memory_space<vmem>>, vector<16xf32>,
      %add3A_3273 = arith.addf %add3A_3264, %get3A_3272 : vector<16xf32>
      %mul3A_3274 = arith.mulf %get3A_3272, %get3A_3272 : vector<16xf32>
      %add3A_3275 = arith.addf %add3A_3266, %mul3A_3274 : vector<16xf32>
      %get3A_3276 = arith.constant 3 : i32
      %get3A_3277 = arith.constant 22 : i32
      %get3A_3278 = arith.index_cast %get3A_3276 : i32 to index
      %get3A_3279 = arith.index_cast %get3A_3277 : i32 to index
      %get3A_3280 = arith.constant 0 : index
      %get3A_3281 = tpu.vector_load %arg6[%get3A_3278, %get3A_3279, %get3A_3280] {strides = array<i32>} : memref<4x104x16xf32, #tpu.memory_space<vmem>>, vector<16xf32>,
      %add3A_3282 = arith.addf %add3A_3273, %get3A_3281 : vector<16xf32>
      %mul3A_3283 = arith.mulf %get3A_3281, %get3A_3281 : vector<16xf32>
      %add3A_3284 = arith.addf %add3A_3275, %mul3A_3283 : vector<16xf32>
      %get3A_3285 = arith.constant 3 : i32
      %get3A_3286 = arith.constant 23 : i32
      %get3A_3287 = arith.index_cast %get3A_3285 : i32 to index
      %get3A_3288 = arith.index_cast %get3A_3286 : i32 to index
      %get3A_3289 = arith.constant 0 : index
      %get3A_3290 = tpu.vector_load %arg6[%get3A_3287, %get3A_3288, %get3A_3289] {strides = array<i32>} : memref<4x104x16xf32, #tpu.memory_space<vmem>>, vector<16xf32>,
      %add3A_3291 = arith.addf %add3A_3282, %get3A_3290 : vector<16xf32>
      %mul3A_3292 = arith.mulf %get3A_3290, %get3A_3290 : vector<16xf32>
      %add3A_3293 = arith.addf %add3A_3284, %mul3A_3292 : vector<16xf32>
      %get3A_3294 = arith.constant 3 : i32
      %get3A_3295 = arith.constant 24 : i32
      %get3A_3296 = arith.index_cast %get3A_3294 : i32 to index
      %get3A_3297 = arith.index_cast %get3A_3295 : i32 to index
      %get3A_3298 = arith.constant 0 : index
      %get3A_3299 = tpu.vector_load %arg6[%get3A_3296, %get3A_3297, %get3A_3298] {strides = array<i32>} : memref<4x104x16xf32, #tpu.memory_space<vmem>>, vector<16xf32>,
      %add3A_3300 = arith.addf %add3A_3291, %get3A_3299 : vector<16xf32>
      %mul3A_3301 = arith.mulf %get3A_3299, %get3A_3299 : vector<16xf32>
      %add3A_3302 = arith.addf %add3A_3293, %mul3A_3301 : vector<16xf32>
      %get3A_3303 = arith.constant 3 : i32
      %get3A_3304 = arith.constant 25 : i32
      %get3A_3305 = arith.index_cast %get3A_3303 : i32 to index
      %get3A_3306 = arith.index_cast %get3A_3304 : i32 to index
      %get3A_3307 = arith.constant 0 : index
      %get3A_3308 = tpu.vector_load %arg6[%get3A_3305, %get3A_3306, %get3A_3307] {strides = array<i32>} : memref<4x104x16xf32, #tpu.memory_space<vmem>>, vector<16xf32>,
      %add3A_3309 = arith.addf %add3A_3300, %get3A_3308 : vector<16xf32>
      %mul3A_3310 = arith.mulf %get3A_3308, %get3A_3308 : vector<16xf32>
      %add3A_3311 = arith.addf %add3A_3302, %mul3A_3310 : vector<16xf32>
      %mul3A_3312 = arith.mulf %add3A_3309, %add3A_3309 : vector<16xf32>
      %sub3A_3313 = arith.subf %mul3A_3312, %add3A_3311 : vector<16xf32>
      %mul3A_3314 = arith.constant 4 : i32
      %mul3A_3315 = arith.muli %add3A_3065, %mul3A_3314 : i32
      %add3A_3316 = arith.constant 0 : i32
      %add3A_3317 = arith.addi %mul3A_3315, %add3A_3316 : i32
      %mul3A_3318 = arith.constant 16 : i32
      %mul3A_3319 = arith.muli %add3A_3317, %mul3A_3318 : i32
      %swap3A_3320 = arith.index_cast %mul3A_3319 : i32 to index
      %swap3A_3321 = tpu.vector_load %arg7[%swap3A_3320] {strides = array<i32>} : memref<8192xf32, #tpu.memory_space<vmem>>, vector<16xf32>,
      tpu.vector_store %arg7[%swap3A_3320], %sub3A_3313 {strides = array<i32>} : memref<8192xf32, #tpu.memory_space<vmem>>, vector<16xf32>,
      %get3A_3322 = arith.constant 3 : i32
      %get3A_3323 = arith.constant 26 : i32
      %get3A_3324 = arith.index_cast %get3A_3322 : i32 to index
      %get3A_3325 = arith.index_cast %get3A_3323 : i32 to index
      %get3A_3326 = arith.constant 0 : index
      %get3A_3327 = tpu.vector_load %arg6[%get3A_3324, %get3A_3325, %get3A_3326] {strides = array<i32>} : memref<4x104x16xf32, #tpu.memory_space<vmem>>, vector<16xf32>,
      %mul3A_3328 = arith.mulf %get3A_3327, %get3A_3327 : vector<16xf32>
      %get3A_3329 = arith.constant 3 : i32
      %get3A_3330 = arith.constant 27 : i32
      %get3A_3331 = arith.index_cast %get3A_3329 : i32 to index
      %get3A_3332 = arith.index_cast %get3A_3330 : i32 to index
      %get3A_3333 = arith.constant 0 : index
      %get3A_3334 = tpu.vector_load %arg6[%get3A_3331, %get3A_3332, %get3A_3333] {strides = array<i32>} : memref<4x104x16xf32, #tpu.memory_space<vmem>>, vector<16xf32>,
      %add3A_3335 = arith.addf %get3A_3327, %get3A_3334 : vector<16xf32>
      %mul3A_3336 = arith.mulf %get3A_3334, %get3A_3334 : vector<16xf32>
      %add3A_3337 = arith.addf %mul3A_3328, %mul3A_3336 : vector<16xf32>
      %get3A_3338 = arith.constant 3 : i32
      %get3A_3339 = arith.constant 28 : i32
      %get3A_3340 = arith.index_cast %get3A_3338 : i32 to index
      %get3A_3341 = arith.index_cast %get3A_3339 : i32 to index
      %get3A_3342 = arith.constant 0 : index
      %get3A_3343 = tpu.vector_load %arg6[%get3A_3340, %get3A_3341, %get3A_3342] {strides = array<i32>} : memref<4x104x16xf32, #tpu.memory_space<vmem>>, vector<16xf32>,
      %add3A_3344 = arith.addf %add3A_3335, %get3A_3343 : vector<16xf32>
      %mul3A_3345 = arith.mulf %get3A_3343, %get3A_3343 : vector<16xf32>
      %add3A_3346 = arith.addf %add3A_3337, %mul3A_3345 : vector<16xf32>
      %get3A_3347 = arith.constant 3 : i32
      %get3A_3348 = arith.constant 29 : i32
      %get3A_3349 = arith.index_cast %get3A_3347 : i32 to index
      %get3A_3350 = arith.index_cast %get3A_3348 : i32 to index
      %get3A_3351 = arith.constant 0 : index
      %get3A_3352 = tpu.vector_load %arg6[%get3A_3349, %get3A_3350, %get3A_3351] {strides = array<i32>} : memref<4x104x16xf32, #tpu.memory_space<vmem>>, vector<16xf32>,
      %add3A_3353 = arith.addf %add3A_3344, %get3A_3352 : vector<16xf32>
      %mul3A_3354 = arith.mulf %get3A_3352, %get3A_3352 : vector<16xf32>
      %add3A_3355 = arith.addf %add3A_3346, %mul3A_3354 : vector<16xf32>
      %get3A_3356 = arith.constant 3 : i32
      %get3A_3357 = arith.constant 30 : i32
      %get3A_3358 = arith.index_cast %get3A_3356 : i32 to index
      %get3A_3359 = arith.index_cast %get3A_3357 : i32 to index
      %get3A_3360 = arith.constant 0 : index
      %get3A_3361 = tpu.vector_load %arg6[%get3A_3358, %get3A_3359, %get3A_3360] {strides = array<i32>} : memref<4x104x16xf32, #tpu.memory_space<vmem>>, vector<16xf32>,
      %add3A_3362 = arith.addf %add3A_3353, %get3A_3361 : vector<16xf32>
      %mul3A_3363 = arith.mulf %get3A_3361, %get3A_3361 : vector<16xf32>
      %add3A_3364 = arith.addf %add3A_3355, %mul3A_3363 : vector<16xf32>
      %get3A_3365 = arith.constant 3 : i32
      %get3A_3366 = arith.constant 31 : i32
      %get3A_3367 = arith.index_cast %get3A_3365 : i32 to index
      %get3A_3368 = arith.index_cast %get3A_3366 : i32 to index
      %get3A_3369 = arith.constant 0 : index
      %get3A_3370 = tpu.vector_load %arg6[%get3A_3367, %get3A_3368, %get3A_3369] {strides = array<i32>} : memref<4x104x16xf32, #tpu.memory_space<vmem>>, vector<16xf32>,
      %add3A_3371 = arith.addf %add3A_3362, %get3A_3370 : vector<16xf32>
      %mul3A_3372 = arith.mulf %get3A_3370, %get3A_3370 : vector<16xf32>
      %add3A_3373 = arith.addf %add3A_3364, %mul3A_3372 : vector<16xf32>
      %get3A_3374 = arith.constant 3 : i32
      %get3A_3375 = arith.constant 32 : i32
      %get3A_3376 = arith.index_cast %get3A_3374 : i32 to index
      %get3A_3377 = arith.index_cast %get3A_3375 : i32 to index
      %get3A_3378 = arith.constant 0 : index
      %get3A_3379 = tpu.vector_load %arg6[%get3A_3376, %get3A_3377, %get3A_3378] {strides = array<i32>} : memref<4x104x16xf32, #tpu.memory_space<vmem>>, vector<16xf32>,
      %add3A_3380 = arith.addf %add3A_3371, %get3A_3379 : vector<16xf32>
      %mul3A_3381 = arith.mulf %get3A_3379, %get3A_3379 : vector<16xf32>
      %add3A_3382 = arith.addf %add3A_3373, %mul3A_3381 : vector<16xf32>
      %get3A_3383 = arith.constant 3 : i32
      %get3A_3384 = arith.constant 33 : i32
      %get3A_3385 = arith.index_cast %get3A_3383 : i32 to index
      %get3A_3386 = arith.index_cast %get3A_3384 : i32 to index
      %get3A_3387 = arith.constant 0 : index
      %get3A_3388 = tpu.vector_load %arg6[%get3A_3385, %get3A_3386, %get3A_3387] {strides = array<i32>} : memref<4x104x16xf32, #tpu.memory_space<vmem>>, vector<16xf32>,
      %add3A_3389 = arith.addf %add3A_3380, %get3A_3388 : vector<16xf32>
      %mul3A_3390 = arith.mulf %get3A_3388, %get3A_3388 : vector<16xf32>
      %add3A_3391 = arith.addf %add3A_3382, %mul3A_3390 : vector<16xf32>
      %get3A_3392 = arith.constant 3 : i32
      %get3A_3393 = arith.constant 34 : i32
      %get3A_3394 = arith.index_cast %get3A_3392 : i32 to index
      %get3A_3395 = arith.index_cast %get3A_3393 : i32 to index
      %get3A_3396 = arith.constant 0 : index
      %get3A_3397 = tpu.vector_load %arg6[%get3A_3394, %get3A_3395, %get3A_3396] {strides = array<i32>} : memref<4x104x16xf32, #tpu.memory_space<vmem>>, vector<16xf32>,
      %add3A_3398 = arith.addf %add3A_3389, %get3A_3397 : vector<16xf32>
      %mul3A_3399 = arith.mulf %get3A_3397, %get3A_3397 : vector<16xf32>
      %add3A_3400 = arith.addf %add3A_3391, %mul3A_3399 : vector<16xf32>
      %get3A_3401 = arith.constant 3 : i32
      %get3A_3402 = arith.constant 35 : i32
      %get3A_3403 = arith.index_cast %get3A_3401 : i32 to index
      %get3A_3404 = arith.index_cast %get3A_3402 : i32 to index
      %get3A_3405 = arith.constant 0 : index
      %get3A_3406 = tpu.vector_load %arg6[%get3A_3403, %get3A_3404, %get3A_3405] {strides = array<i32>} : memref<4x104x16xf32, #tpu.memory_space<vmem>>, vector<16xf32>,
      %add3A_3407 = arith.addf %add3A_3398, %get3A_3406 : vector<16xf32>
      %mul3A_3408 = arith.mulf %get3A_3406, %get3A_3406 : vector<16xf32>
      %add3A_3409 = arith.addf %add3A_3400, %mul3A_3408 : vector<16xf32>
      %get3A_3410 = arith.constant 3 : i32
      %get3A_3411 = arith.constant 36 : i32
      %get3A_3412 = arith.index_cast %get3A_3410 : i32 to index
      %get3A_3413 = arith.index_cast %get3A_3411 : i32 to index
      %get3A_3414 = arith.constant 0 : index
      %get3A_3415 = tpu.vector_load %arg6[%get3A_3412, %get3A_3413, %get3A_3414] {strides = array<i32>} : memref<4x104x16xf32, #tpu.memory_space<vmem>>, vector<16xf32>,
      %add3A_3416 = arith.addf %add3A_3407, %get3A_3415 : vector<16xf32>
      %mul3A_3417 = arith.mulf %get3A_3415, %get3A_3415 : vector<16xf32>
      %add3A_3418 = arith.addf %add3A_3409, %mul3A_3417 : vector<16xf32>
      %get3A_3419 = arith.constant 3 : i32
      %get3A_3420 = arith.constant 37 : i32
      %get3A_3421 = arith.index_cast %get3A_3419 : i32 to index
      %get3A_3422 = arith.index_cast %get3A_3420 : i32 to index
      %get3A_3423 = arith.constant 0 : index
      %get3A_3424 = tpu.vector_load %arg6[%get3A_3421, %get3A_3422, %get3A_3423] {strides = array<i32>} : memref<4x104x16xf32, #tpu.memory_space<vmem>>, vector<16xf32>,
      %add3A_3425 = arith.addf %add3A_3416, %get3A_3424 : vector<16xf32>
      %mul3A_3426 = arith.mulf %get3A_3424, %get3A_3424 : vector<16xf32>
      %add3A_3427 = arith.addf %add3A_3418, %mul3A_3426 : vector<16xf32>
      %get3A_3428 = arith.constant 3 : i32
      %get3A_3429 = arith.constant 38 : i32
      %get3A_3430 = arith.index_cast %get3A_3428 : i32 to index
      %get3A_3431 = arith.index_cast %get3A_3429 : i32 to index
      %get3A_3432 = arith.constant 0 : index
      %get3A_3433 = tpu.vector_load %arg6[%get3A_3430, %get3A_3431, %get3A_3432] {strides = array<i32>} : memref<4x104x16xf32, #tpu.memory_space<vmem>>, vector<16xf32>,
      %add3A_3434 = arith.addf %add3A_3425, %get3A_3433 : vector<16xf32>
      %mul3A_3435 = arith.mulf %get3A_3433, %get3A_3433 : vector<16xf32>
      %add3A_3436 = arith.addf %add3A_3427, %mul3A_3435 : vector<16xf32>
      %get3A_3437 = arith.constant 3 : i32
      %get3A_3438 = arith.constant 39 : i32
      %get3A_3439 = arith.index_cast %get3A_3437 : i32 to index
      %get3A_3440 = arith.index_cast %get3A_3438 : i32 to index
      %get3A_3441 = arith.constant 0 : index
      %get3A_3442 = tpu.vector_load %arg6[%get3A_3439, %get3A_3440, %get3A_3441] {strides = array<i32>} : memref<4x104x16xf32, #tpu.memory_space<vmem>>, vector<16xf32>,
      %add3A_3443 = arith.addf %add3A_3434, %get3A_3442 : vector<16xf32>
      %mul3A_3444 = arith.mulf %get3A_3442, %get3A_3442 : vector<16xf32>
      %add3A_3445 = arith.addf %add3A_3436, %mul3A_3444 : vector<16xf32>
      %get3A_3446 = arith.constant 3 : i32
      %get3A_3447 = arith.constant 40 : i32
      %get3A_3448 = arith.index_cast %get3A_3446 : i32 to index
      %get3A_3449 = arith.index_cast %get3A_3447 : i32 to index
      %get3A_3450 = arith.constant 0 : index
      %get3A_3451 = tpu.vector_load %arg6[%get3A_3448, %get3A_3449, %get3A_3450] {strides = array<i32>} : memref<4x104x16xf32, #tpu.memory_space<vmem>>, vector<16xf32>,
      %add3A_3452 = arith.addf %add3A_3443, %get3A_3451 : vector<16xf32>
      %mul3A_3453 = arith.mulf %get3A_3451, %get3A_3451 : vector<16xf32>
      %add3A_3454 = arith.addf %add3A_3445, %mul3A_3453 : vector<16xf32>
      %get3A_3455 = arith.constant 3 : i32
      %get3A_3456 = arith.constant 41 : i32
      %get3A_3457 = arith.index_cast %get3A_3455 : i32 to index
      %get3A_3458 = arith.index_cast %get3A_3456 : i32 to index
      %get3A_3459 = arith.constant 0 : index
      %get3A_3460 = tpu.vector_load %arg6[%get3A_3457, %get3A_3458, %get3A_3459] {strides = array<i32>} : memref<4x104x16xf32, #tpu.memory_space<vmem>>, vector<16xf32>,
      %add3A_3461 = arith.addf %add3A_3452, %get3A_3460 : vector<16xf32>
      %mul3A_3462 = arith.mulf %get3A_3460, %get3A_3460 : vector<16xf32>
      %add3A_3463 = arith.addf %add3A_3454, %mul3A_3462 : vector<16xf32>
      %get3A_3464 = arith.constant 3 : i32
      %get3A_3465 = arith.constant 42 : i32
      %get3A_3466 = arith.index_cast %get3A_3464 : i32 to index
      %get3A_3467 = arith.index_cast %get3A_3465 : i32 to index
      %get3A_3468 = arith.constant 0 : index
      %get3A_3469 = tpu.vector_load %arg6[%get3A_3466, %get3A_3467, %get3A_3468] {strides = array<i32>} : memref<4x104x16xf32, #tpu.memory_space<vmem>>, vector<16xf32>,
      %add3A_3470 = arith.addf %add3A_3461, %get3A_3469 : vector<16xf32>
      %mul3A_3471 = arith.mulf %get3A_3469, %get3A_3469 : vector<16xf32>
      %add3A_3472 = arith.addf %add3A_3463, %mul3A_3471 : vector<16xf32>
      %get3A_3473 = arith.constant 3 : i32
      %get3A_3474 = arith.constant 43 : i32
      %get3A_3475 = arith.index_cast %get3A_3473 : i32 to index
      %get3A_3476 = arith.index_cast %get3A_3474 : i32 to index
      %get3A_3477 = arith.constant 0 : index
      %get3A_3478 = tpu.vector_load %arg6[%get3A_3475, %get3A_3476, %get3A_3477] {strides = array<i32>} : memref<4x104x16xf32, #tpu.memory_space<vmem>>, vector<16xf32>,
      %add3A_3479 = arith.addf %add3A_3470, %get3A_3478 : vector<16xf32>
      %mul3A_3480 = arith.mulf %get3A_3478, %get3A_3478 : vector<16xf32>
      %add3A_3481 = arith.addf %add3A_3472, %mul3A_3480 : vector<16xf32>
      %get3A_3482 = arith.constant 3 : i32
      %get3A_3483 = arith.constant 44 : i32
      %get3A_3484 = arith.index_cast %get3A_3482 : i32 to index
      %get3A_3485 = arith.index_cast %get3A_3483 : i32 to index
      %get3A_3486 = arith.constant 0 : index
      %get3A_3487 = tpu.vector_load %arg6[%get3A_3484, %get3A_3485, %get3A_3486] {strides = array<i32>} : memref<4x104x16xf32, #tpu.memory_space<vmem>>, vector<16xf32>,
      %add3A_3488 = arith.addf %add3A_3479, %get3A_3487 : vector<16xf32>
      %mul3A_3489 = arith.mulf %get3A_3487, %get3A_3487 : vector<16xf32>
      %add3A_3490 = arith.addf %add3A_3481, %mul3A_3489 : vector<16xf32>
      %get3A_3491 = arith.constant 3 : i32
      %get3A_3492 = arith.constant 45 : i32
      %get3A_3493 = arith.index_cast %get3A_3491 : i32 to index
      %get3A_3494 = arith.index_cast %get3A_3492 : i32 to index
      %get3A_3495 = arith.constant 0 : index
      %get3A_3496 = tpu.vector_load %arg6[%get3A_3493, %get3A_3494, %get3A_3495] {strides = array<i32>} : memref<4x104x16xf32, #tpu.memory_space<vmem>>, vector<16xf32>,
      %add3A_3497 = arith.addf %add3A_3488, %get3A_3496 : vector<16xf32>
      %mul3A_3498 = arith.mulf %get3A_3496, %get3A_3496 : vector<16xf32>
      %add3A_3499 = arith.addf %add3A_3490, %mul3A_3498 : vector<16xf32>
      %get3A_3500 = arith.constant 3 : i32
      %get3A_3501 = arith.constant 46 : i32
      %get3A_3502 = arith.index_cast %get3A_3500 : i32 to index
      %get3A_3503 = arith.index_cast %get3A_3501 : i32 to index
      %get3A_3504 = arith.constant 0 : index
      %get3A_3505 = tpu.vector_load %arg6[%get3A_3502, %get3A_3503, %get3A_3504] {strides = array<i32>} : memref<4x104x16xf32, #tpu.memory_space<vmem>>, vector<16xf32>,
      %add3A_3506 = arith.addf %add3A_3497, %get3A_3505 : vector<16xf32>
      %mul3A_3507 = arith.mulf %get3A_3505, %get3A_3505 : vector<16xf32>
      %add3A_3508 = arith.addf %add3A_3499, %mul3A_3507 : vector<16xf32>
      %get3A_3509 = arith.constant 3 : i32
      %get3A_3510 = arith.constant 47 : i32
      %get3A_3511 = arith.index_cast %get3A_3509 : i32 to index
      %get3A_3512 = arith.index_cast %get3A_3510 : i32 to index
      %get3A_3513 = arith.constant 0 : index
      %get3A_3514 = tpu.vector_load %arg6[%get3A_3511, %get3A_3512, %get3A_3513] {strides = array<i32>} : memref<4x104x16xf32, #tpu.memory_space<vmem>>, vector<16xf32>,
      %add3A_3515 = arith.addf %add3A_3506, %get3A_3514 : vector<16xf32>
      %mul3A_3516 = arith.mulf %get3A_3514, %get3A_3514 : vector<16xf32>
      %add3A_3517 = arith.addf %add3A_3508, %mul3A_3516 : vector<16xf32>
      %get3A_3518 = arith.constant 3 : i32
      %get3A_3519 = arith.constant 48 : i32
      %get3A_3520 = arith.index_cast %get3A_3518 : i32 to index
      %get3A_3521 = arith.index_cast %get3A_3519 : i32 to index
      %get3A_3522 = arith.constant 0 : index
      %get3A_3523 = tpu.vector_load %arg6[%get3A_3520, %get3A_3521, %get3A_3522] {strides = array<i32>} : memref<4x104x16xf32, #tpu.memory_space<vmem>>, vector<16xf32>,
      %add3A_3524 = arith.addf %add3A_3515, %get3A_3523 : vector<16xf32>
      %mul3A_3525 = arith.mulf %get3A_3523, %get3A_3523 : vector<16xf32>
      %add3A_3526 = arith.addf %add3A_3517, %mul3A_3525 : vector<16xf32>
      %get3A_3527 = arith.constant 3 : i32
      %get3A_3528 = arith.constant 49 : i32
      %get3A_3529 = arith.index_cast %get3A_3527 : i32 to index
      %get3A_3530 = arith.index_cast %get3A_3528 : i32 to index
      %get3A_3531 = arith.constant 0 : index
      %get3A_3532 = tpu.vector_load %arg6[%get3A_3529, %get3A_3530, %get3A_3531] {strides = array<i32>} : memref<4x104x16xf32, #tpu.memory_space<vmem>>, vector<16xf32>,
      %add3A_3533 = arith.addf %add3A_3524, %get3A_3532 : vector<16xf32>
      %mul3A_3534 = arith.mulf %get3A_3532, %get3A_3532 : vector<16xf32>
      %add3A_3535 = arith.addf %add3A_3526, %mul3A_3534 : vector<16xf32>
      %get3A_3536 = arith.constant 3 : i32
      %get3A_3537 = arith.constant 50 : i32
      %get3A_3538 = arith.index_cast %get3A_3536 : i32 to index
      %get3A_3539 = arith.index_cast %get3A_3537 : i32 to index
      %get3A_3540 = arith.constant 0 : index
      %get3A_3541 = tpu.vector_load %arg6[%get3A_3538, %get3A_3539, %get3A_3540] {strides = array<i32>} : memref<4x104x16xf32, #tpu.memory_space<vmem>>, vector<16xf32>,
      %add3A_3542 = arith.addf %add3A_3533, %get3A_3541 : vector<16xf32>
      %mul3A_3543 = arith.mulf %get3A_3541, %get3A_3541 : vector<16xf32>
      %add3A_3544 = arith.addf %add3A_3535, %mul3A_3543 : vector<16xf32>
      %get3A_3545 = arith.constant 3 : i32
      %get3A_3546 = arith.constant 51 : i32
      %get3A_3547 = arith.index_cast %get3A_3545 : i32 to index
      %get3A_3548 = arith.index_cast %get3A_3546 : i32 to index
      %get3A_3549 = arith.constant 0 : index
      %get3A_3550 = tpu.vector_load %arg6[%get3A_3547, %get3A_3548, %get3A_3549] {strides = array<i32>} : memref<4x104x16xf32, #tpu.memory_space<vmem>>, vector<16xf32>,
      %add3A_3551 = arith.addf %add3A_3542, %get3A_3550 : vector<16xf32>
      %mul3A_3552 = arith.mulf %get3A_3550, %get3A_3550 : vector<16xf32>
      %add3A_3553 = arith.addf %add3A_3544, %mul3A_3552 : vector<16xf32>
      %mul3A_3554 = arith.mulf %add3A_3551, %add3A_3551 : vector<16xf32>
      %sub3A_3555 = arith.subf %mul3A_3554, %add3A_3553 : vector<16xf32>
      %mul3A_3556 = arith.constant 4 : i32
      %mul3A_3557 = arith.muli %add3A_3065, %mul3A_3556 : i32
      %add3A_3558 = arith.constant 1 : i32
      %add3A_3559 = arith.addi %mul3A_3557, %add3A_3558 : i32
      %mul3A_3560 = arith.constant 16 : i32
      %mul3A_3561 = arith.muli %add3A_3559, %mul3A_3560 : i32
      %swap3A_3562 = arith.index_cast %mul3A_3561 : i32 to index
      %swap3A_3563 = tpu.vector_load %arg7[%swap3A_3562] {strides = array<i32>} : memref<8192xf32, #tpu.memory_space<vmem>>, vector<16xf32>,
      tpu.vector_store %arg7[%swap3A_3562], %sub3A_3555 {strides = array<i32>} : memref<8192xf32, #tpu.memory_space<vmem>>, vector<16xf32>,
      %get3A_3564 = arith.constant 3 : i32
      %get3A_3565 = arith.constant 52 : i32
      %get3A_3566 = arith.index_cast %get3A_3564 : i32 to index
      %get3A_3567 = arith.index_cast %get3A_3565 : i32 to index
      %get3A_3568 = arith.constant 0 : index
      %get3A_3569 = tpu.vector_load %arg6[%get3A_3566, %get3A_3567, %get3A_3568] {strides = array<i32>} : memref<4x104x16xf32, #tpu.memory_space<vmem>>, vector<16xf32>,
      %mul3A_3570 = arith.mulf %get3A_3569, %get3A_3569 : vector<16xf32>
      %get3A_3571 = arith.constant 3 : i32
      %get3A_3572 = arith.constant 53 : i32
      %get3A_3573 = arith.index_cast %get3A_3571 : i32 to index
      %get3A_3574 = arith.index_cast %get3A_3572 : i32 to index
      %get3A_3575 = arith.constant 0 : index
      %get3A_3576 = tpu.vector_load %arg6[%get3A_3573, %get3A_3574, %get3A_3575] {strides = array<i32>} : memref<4x104x16xf32, #tpu.memory_space<vmem>>, vector<16xf32>,
      %add3A_3577 = arith.addf %get3A_3569, %get3A_3576 : vector<16xf32>
      %mul3A_3578 = arith.mulf %get3A_3576, %get3A_3576 : vector<16xf32>
      %add3A_3579 = arith.addf %mul3A_3570, %mul3A_3578 : vector<16xf32>
      %get3A_3580 = arith.constant 3 : i32
      %get3A_3581 = arith.constant 54 : i32
      %get3A_3582 = arith.index_cast %get3A_3580 : i32 to index
      %get3A_3583 = arith.index_cast %get3A_3581 : i32 to index
      %get3A_3584 = arith.constant 0 : index
      %get3A_3585 = tpu.vector_load %arg6[%get3A_3582, %get3A_3583, %get3A_3584] {strides = array<i32>} : memref<4x104x16xf32, #tpu.memory_space<vmem>>, vector<16xf32>,
      %add3A_3586 = arith.addf %add3A_3577, %get3A_3585 : vector<16xf32>
      %mul3A_3587 = arith.mulf %get3A_3585, %get3A_3585 : vector<16xf32>
      %add3A_3588 = arith.addf %add3A_3579, %mul3A_3587 : vector<16xf32>
      %get3A_3589 = arith.constant 3 : i32
      %get3A_3590 = arith.constant 55 : i32
      %get3A_3591 = arith.index_cast %get3A_3589 : i32 to index
      %get3A_3592 = arith.index_cast %get3A_3590 : i32 to index
      %get3A_3593 = arith.constant 0 : index
      %get3A_3594 = tpu.vector_load %arg6[%get3A_3591, %get3A_3592, %get3A_3593] {strides = array<i32>} : memref<4x104x16xf32, #tpu.memory_space<vmem>>, vector<16xf32>,
      %add3A_3595 = arith.addf %add3A_3586, %get3A_3594 : vector<16xf32>
      %mul3A_3596 = arith.mulf %get3A_3594, %get3A_3594 : vector<16xf32>
      %add3A_3597 = arith.addf %add3A_3588, %mul3A_3596 : vector<16xf32>
      %get3A_3598 = arith.constant 3 : i32
      %get3A_3599 = arith.constant 56 : i32
      %get3A_3600 = arith.index_cast %get3A_3598 : i32 to index
      %get3A_3601 = arith.index_cast %get3A_3599 : i32 to index
      %get3A_3602 = arith.constant 0 : index
      %get3A_3603 = tpu.vector_load %arg6[%get3A_3600, %get3A_3601, %get3A_3602] {strides = array<i32>} : memref<4x104x16xf32, #tpu.memory_space<vmem>>, vector<16xf32>,
      %add3A_3604 = arith.addf %add3A_3595, %get3A_3603 : vector<16xf32>
      %mul3A_3605 = arith.mulf %get3A_3603, %get3A_3603 : vector<16xf32>
      %add3A_3606 = arith.addf %add3A_3597, %mul3A_3605 : vector<16xf32>
      %get3A_3607 = arith.constant 3 : i32
      %get3A_3608 = arith.constant 57 : i32
      %get3A_3609 = arith.index_cast %get3A_3607 : i32 to index
      %get3A_3610 = arith.index_cast %get3A_3608 : i32 to index
      %get3A_3611 = arith.constant 0 : index
      %get3A_3612 = tpu.vector_load %arg6[%get3A_3609, %get3A_3610, %get3A_3611] {strides = array<i32>} : memref<4x104x16xf32, #tpu.memory_space<vmem>>, vector<16xf32>,
      %add3A_3613 = arith.addf %add3A_3604, %get3A_3612 : vector<16xf32>
      %mul3A_3614 = arith.mulf %get3A_3612, %get3A_3612 : vector<16xf32>
      %add3A_3615 = arith.addf %add3A_3606, %mul3A_3614 : vector<16xf32>
      %get3A_3616 = arith.constant 3 : i32
      %get3A_3617 = arith.constant 58 : i32
      %get3A_3618 = arith.index_cast %get3A_3616 : i32 to index
      %get3A_3619 = arith.index_cast %get3A_3617 : i32 to index
      %get3A_3620 = arith.constant 0 : index
      %get3A_3621 = tpu.vector_load %arg6[%get3A_3618, %get3A_3619, %get3A_3620] {strides = array<i32>} : memref<4x104x16xf32, #tpu.memory_space<vmem>>, vector<16xf32>,
      %add3A_3622 = arith.addf %add3A_3613, %get3A_3621 : vector<16xf32>
      %mul3A_3623 = arith.mulf %get3A_3621, %get3A_3621 : vector<16xf32>
      %add3A_3624 = arith.addf %add3A_3615, %mul3A_3623 : vector<16xf32>
      %get3A_3625 = arith.constant 3 : i32
      %get3A_3626 = arith.constant 59 : i32
      %get3A_3627 = arith.index_cast %get3A_3625 : i32 to index
      %get3A_3628 = arith.index_cast %get3A_3626 : i32 to index
      %get3A_3629 = arith.constant 0 : index
      %get3A_3630 = tpu.vector_load %arg6[%get3A_3627, %get3A_3628, %get3A_3629] {strides = array<i32>} : memref<4x104x16xf32, #tpu.memory_space<vmem>>, vector<16xf32>,
      %add3A_3631 = arith.addf %add3A_3622, %get3A_3630 : vector<16xf32>
      %mul3A_3632 = arith.mulf %get3A_3630, %get3A_3630 : vector<16xf32>
      %add3A_3633 = arith.addf %add3A_3624, %mul3A_3632 : vector<16xf32>
      %get3A_3634 = arith.constant 3 : i32
      %get3A_3635 = arith.constant 60 : i32
      %get3A_3636 = arith.index_cast %get3A_3634 : i32 to index
      %get3A_3637 = arith.index_cast %get3A_3635 : i32 to index
      %get3A_3638 = arith.constant 0 : index
      %get3A_3639 = tpu.vector_load %arg6[%get3A_3636, %get3A_3637, %get3A_3638] {strides = array<i32>} : memref<4x104x16xf32, #tpu.memory_space<vmem>>, vector<16xf32>,
      %add3A_3640 = arith.addf %add3A_3631, %get3A_3639 : vector<16xf32>
      %mul3A_3641 = arith.mulf %get3A_3639, %get3A_3639 : vector<16xf32>
      %add3A_3642 = arith.addf %add3A_3633, %mul3A_3641 : vector<16xf32>
      %get3A_3643 = arith.constant 3 : i32
      %get3A_3644 = arith.constant 61 : i32
      %get3A_3645 = arith.index_cast %get3A_3643 : i32 to index
      %get3A_3646 = arith.index_cast %get3A_3644 : i32 to index
      %get3A_3647 = arith.constant 0 : index
      %get3A_3648 = tpu.vector_load %arg6[%get3A_3645, %get3A_3646, %get3A_3647] {strides = array<i32>} : memref<4x104x16xf32, #tpu.memory_space<vmem>>, vector<16xf32>,
      %add3A_3649 = arith.addf %add3A_3640, %get3A_3648 : vector<16xf32>
      %mul3A_3650 = arith.mulf %get3A_3648, %get3A_3648 : vector<16xf32>
      %add3A_3651 = arith.addf %add3A_3642, %mul3A_3650 : vector<16xf32>
      %get3A_3652 = arith.constant 3 : i32
      %get3A_3653 = arith.constant 62 : i32
      %get3A_3654 = arith.index_cast %get3A_3652 : i32 to index
      %get3A_3655 = arith.index_cast %get3A_3653 : i32 to index
      %get3A_3656 = arith.constant 0 : index
      %get3A_3657 = tpu.vector_load %arg6[%get3A_3654, %get3A_3655, %get3A_3656] {strides = array<i32>} : memref<4x104x16xf32, #tpu.memory_space<vmem>>, vector<16xf32>,
      %add3A_3658 = arith.addf %add3A_3649, %get3A_3657 : vector<16xf32>
      %mul3A_3659 = arith.mulf %get3A_3657, %get3A_3657 : vector<16xf32>
      %add3A_3660 = arith.addf %add3A_3651, %mul3A_3659 : vector<16xf32>
      %get3A_3661 = arith.constant 3 : i32
      %get3A_3662 = arith.constant 63 : i32
      %get3A_3663 = arith.index_cast %get3A_3661 : i32 to index
      %get3A_3664 = arith.index_cast %get3A_3662 : i32 to index
      %get3A_3665 = arith.constant 0 : index
      %get3A_3666 = tpu.vector_load %arg6[%get3A_3663, %get3A_3664, %get3A_3665] {strides = array<i32>} : memref<4x104x16xf32, #tpu.memory_space<vmem>>, vector<16xf32>,
      %add3A_3667 = arith.addf %add3A_3658, %get3A_3666 : vector<16xf32>
      %mul3A_3668 = arith.mulf %get3A_3666, %get3A_3666 : vector<16xf32>
      %add3A_3669 = arith.addf %add3A_3660, %mul3A_3668 : vector<16xf32>
      %get3A_3670 = arith.constant 3 : i32
      %get3A_3671 = arith.constant 64 : i32
      %get3A_3672 = arith.index_cast %get3A_3670 : i32 to index
      %get3A_3673 = arith.index_cast %get3A_3671 : i32 to index
      %get3A_3674 = arith.constant 0 : index
      %get3A_3675 = tpu.vector_load %arg6[%get3A_3672, %get3A_3673, %get3A_3674] {strides = array<i32>} : memref<4x104x16xf32, #tpu.memory_space<vmem>>, vector<16xf32>,
      %add3A_3676 = arith.addf %add3A_3667, %get3A_3675 : vector<16xf32>
      %mul3A_3677 = arith.mulf %get3A_3675, %get3A_3675 : vector<16xf32>
      %add3A_3678 = arith.addf %add3A_3669, %mul3A_3677 : vector<16xf32>
      %get3A_3679 = arith.constant 3 : i32
      %get3A_3680 = arith.constant 65 : i32
      %get3A_3681 = arith.index_cast %get3A_3679 : i32 to index
      %get3A_3682 = arith.index_cast %get3A_3680 : i32 to index
      %get3A_3683 = arith.constant 0 : index
      %get3A_3684 = tpu.vector_load %arg6[%get3A_3681, %get3A_3682, %get3A_3683] {strides = array<i32>} : memref<4x104x16xf32, #tpu.memory_space<vmem>>, vector<16xf32>,
      %add3A_3685 = arith.addf %add3A_3676, %get3A_3684 : vector<16xf32>
      %mul3A_3686 = arith.mulf %get3A_3684, %get3A_3684 : vector<16xf32>
      %add3A_3687 = arith.addf %add3A_3678, %mul3A_3686 : vector<16xf32>
      %get3A_3688 = arith.constant 3 : i32
      %get3A_3689 = arith.constant 66 : i32
      %get3A_3690 = arith.index_cast %get3A_3688 : i32 to index
      %get3A_3691 = arith.index_cast %get3A_3689 : i32 to index
      %get3A_3692 = arith.constant 0 : index
      %get3A_3693 = tpu.vector_load %arg6[%get3A_3690, %get3A_3691, %get3A_3692] {strides = array<i32>} : memref<4x104x16xf32, #tpu.memory_space<vmem>>, vector<16xf32>,
      %add3A_3694 = arith.addf %add3A_3685, %get3A_3693 : vector<16xf32>
      %mul3A_3695 = arith.mulf %get3A_3693, %get3A_3693 : vector<16xf32>
      %add3A_3696 = arith.addf %add3A_3687, %mul3A_3695 : vector<16xf32>
      %get3A_3697 = arith.constant 3 : i32
      %get3A_3698 = arith.constant 67 : i32
      %get3A_3699 = arith.index_cast %get3A_3697 : i32 to index
      %get3A_3700 = arith.index_cast %get3A_3698 : i32 to index
      %get3A_3701 = arith.constant 0 : index
      %get3A_3702 = tpu.vector_load %arg6[%get3A_3699, %get3A_3700, %get3A_3701] {strides = array<i32>} : memref<4x104x16xf32, #tpu.memory_space<vmem>>, vector<16xf32>,
      %add3A_3703 = arith.addf %add3A_3694, %get3A_3702 : vector<16xf32>
      %mul3A_3704 = arith.mulf %get3A_3702, %get3A_3702 : vector<16xf32>
      %add3A_3705 = arith.addf %add3A_3696, %mul3A_3704 : vector<16xf32>
      %get3A_3706 = arith.constant 3 : i32
      %get3A_3707 = arith.constant 68 : i32
      %get3A_3708 = arith.index_cast %get3A_3706 : i32 to index
      %get3A_3709 = arith.index_cast %get3A_3707 : i32 to index
      %get3A_3710 = arith.constant 0 : index
      %get3A_3711 = tpu.vector_load %arg6[%get3A_3708, %get3A_3709, %get3A_3710] {strides = array<i32>} : memref<4x104x16xf32, #tpu.memory_space<vmem>>, vector<16xf32>,
      %add3A_3712 = arith.addf %add3A_3703, %get3A_3711 : vector<16xf32>
      %mul3A_3713 = arith.mulf %get3A_3711, %get3A_3711 : vector<16xf32>
      %add3A_3714 = arith.addf %add3A_3705, %mul3A_3713 : vector<16xf32>
      %get3A_3715 = arith.constant 3 : i32
      %get3A_3716 = arith.constant 69 : i32
      %get3A_3717 = arith.index_cast %get3A_3715 : i32 to index
      %get3A_3718 = arith.index_cast %get3A_3716 : i32 to index
      %get3A_3719 = arith.constant 0 : index
      %get3A_3720 = tpu.vector_load %arg6[%get3A_3717, %get3A_3718, %get3A_3719] {strides = array<i32>} : memref<4x104x16xf32, #tpu.memory_space<vmem>>, vector<16xf32>,
      %add3A_3721 = arith.addf %add3A_3712, %get3A_3720 : vector<16xf32>
      %mul3A_3722 = arith.mulf %get3A_3720, %get3A_3720 : vector<16xf32>
      %add3A_3723 = arith.addf %add3A_3714, %mul3A_3722 : vector<16xf32>
      %get3A_3724 = arith.constant 3 : i32
      %get3A_3725 = arith.constant 70 : i32
      %get3A_3726 = arith.index_cast %get3A_3724 : i32 to index
      %get3A_3727 = arith.index_cast %get3A_3725 : i32 to index
      %get3A_3728 = arith.constant 0 : index
      %get3A_3729 = tpu.vector_load %arg6[%get3A_3726, %get3A_3727, %get3A_3728] {strides = array<i32>} : memref<4x104x16xf32, #tpu.memory_space<vmem>>, vector<16xf32>,
      %add3A_3730 = arith.addf %add3A_3721, %get3A_3729 : vector<16xf32>
      %mul3A_3731 = arith.mulf %get3A_3729, %get3A_3729 : vector<16xf32>
      %add3A_3732 = arith.addf %add3A_3723, %mul3A_3731 : vector<16xf32>
      %get3A_3733 = arith.constant 3 : i32
      %get3A_3734 = arith.constant 71 : i32
      %get3A_3735 = arith.index_cast %get3A_3733 : i32 to index
      %get3A_3736 = arith.index_cast %get3A_3734 : i32 to index
      %get3A_3737 = arith.constant 0 : index
      %get3A_3738 = tpu.vector_load %arg6[%get3A_3735, %get3A_3736, %get3A_3737] {strides = array<i32>} : memref<4x104x16xf32, #tpu.memory_space<vmem>>, vector<16xf32>,
      %add3A_3739 = arith.addf %add3A_3730, %get3A_3738 : vector<16xf32>
      %mul3A_3740 = arith.mulf %get3A_3738, %get3A_3738 : vector<16xf32>
      %add3A_3741 = arith.addf %add3A_3732, %mul3A_3740 : vector<16xf32>
      %get3A_3742 = arith.constant 3 : i32
      %get3A_3743 = arith.constant 72 : i32
      %get3A_3744 = arith.index_cast %get3A_3742 : i32 to index
      %get3A_3745 = arith.index_cast %get3A_3743 : i32 to index
      %get3A_3746 = arith.constant 0 : index
      %get3A_3747 = tpu.vector_load %arg6[%get3A_3744, %get3A_3745, %get3A_3746] {strides = array<i32>} : memref<4x104x16xf32, #tpu.memory_space<vmem>>, vector<16xf32>,
      %add3A_3748 = arith.addf %add3A_3739, %get3A_3747 : vector<16xf32>
      %mul3A_3749 = arith.mulf %get3A_3747, %get3A_3747 : vector<16xf32>
      %add3A_3750 = arith.addf %add3A_3741, %mul3A_3749 : vector<16xf32>
      %get3A_3751 = arith.constant 3 : i32
      %get3A_3752 = arith.constant 73 : i32
      %get3A_3753 = arith.index_cast %get3A_3751 : i32 to index
      %get3A_3754 = arith.index_cast %get3A_3752 : i32 to index
      %get3A_3755 = arith.constant 0 : index
      %get3A_3756 = tpu.vector_load %arg6[%get3A_3753, %get3A_3754, %get3A_3755] {strides = array<i32>} : memref<4x104x16xf32, #tpu.memory_space<vmem>>, vector<16xf32>,
      %add3A_3757 = arith.addf %add3A_3748, %get3A_3756 : vector<16xf32>
      %mul3A_3758 = arith.mulf %get3A_3756, %get3A_3756 : vector<16xf32>
      %add3A_3759 = arith.addf %add3A_3750, %mul3A_3758 : vector<16xf32>
      %get3A_3760 = arith.constant 3 : i32
      %get3A_3761 = arith.constant 74 : i32
      %get3A_3762 = arith.index_cast %get3A_3760 : i32 to index
      %get3A_3763 = arith.index_cast %get3A_3761 : i32 to index
      %get3A_3764 = arith.constant 0 : index
      %get3A_3765 = tpu.vector_load %arg6[%get3A_3762, %get3A_3763, %get3A_3764] {strides = array<i32>} : memref<4x104x16xf32, #tpu.memory_space<vmem>>, vector<16xf32>,
      %add3A_3766 = arith.addf %add3A_3757, %get3A_3765 : vector<16xf32>
      %mul3A_3767 = arith.mulf %get3A_3765, %get3A_3765 : vector<16xf32>
      %add3A_3768 = arith.addf %add3A_3759, %mul3A_3767 : vector<16xf32>
      %get3A_3769 = arith.constant 3 : i32
      %get3A_3770 = arith.constant 75 : i32
      %get3A_3771 = arith.index_cast %get3A_3769 : i32 to index
      %get3A_3772 = arith.index_cast %get3A_3770 : i32 to index
      %get3A_3773 = arith.constant 0 : index
      %get3A_3774 = tpu.vector_load %arg6[%get3A_3771, %get3A_3772, %get3A_3773] {strides = array<i32>} : memref<4x104x16xf32, #tpu.memory_space<vmem>>, vector<16xf32>,
      %add3A_3775 = arith.addf %add3A_3766, %get3A_3774 : vector<16xf32>
      %mul3A_3776 = arith.mulf %get3A_3774, %get3A_3774 : vector<16xf32>
      %add3A_3777 = arith.addf %add3A_3768, %mul3A_3776 : vector<16xf32>
      %get3A_3778 = arith.constant 3 : i32
      %get3A_3779 = arith.constant 76 : i32
      %get3A_3780 = arith.index_cast %get3A_3778 : i32 to index
      %get3A_3781 = arith.index_cast %get3A_3779 : i32 to index
      %get3A_3782 = arith.constant 0 : index
      %get3A_3783 = tpu.vector_load %arg6[%get3A_3780, %get3A_3781, %get3A_3782] {strides = array<i32>} : memref<4x104x16xf32, #tpu.memory_space<vmem>>, vector<16xf32>,
      %add3A_3784 = arith.addf %add3A_3775, %get3A_3783 : vector<16xf32>
      %mul3A_3785 = arith.mulf %get3A_3783, %get3A_3783 : vector<16xf32>
      %add3A_3786 = arith.addf %add3A_3777, %mul3A_3785 : vector<16xf32>
      %get3A_3787 = arith.constant 3 : i32
      %get3A_3788 = arith.constant 77 : i32
      %get3A_3789 = arith.index_cast %get3A_3787 : i32 to index
      %get3A_3790 = arith.index_cast %get3A_3788 : i32 to index
      %get3A_3791 = arith.constant 0 : index
      %get3A_3792 = tpu.vector_load %arg6[%get3A_3789, %get3A_3790, %get3A_3791] {strides = array<i32>} : memref<4x104x16xf32, #tpu.memory_space<vmem>>, vector<16xf32>,
      %add3A_3793 = arith.addf %add3A_3784, %get3A_3792 : vector<16xf32>
      %mul3A_3794 = arith.mulf %get3A_3792, %get3A_3792 : vector<16xf32>
      %add3A_3795 = arith.addf %add3A_3786, %mul3A_3794 : vector<16xf32>
      %mul3A_3796 = arith.mulf %add3A_3793, %add3A_3793 : vector<16xf32>
      %sub3A_3797 = arith.subf %mul3A_3796, %add3A_3795 : vector<16xf32>
      %mul3A_3798 = arith.constant 4 : i32
      %mul3A_3799 = arith.muli %add3A_3065, %mul3A_3798 : i32
      %add3A_3800 = arith.constant 2 : i32
      %add3A_3801 = arith.addi %mul3A_3799, %add3A_3800 : i32
      %mul3A_3802 = arith.constant 16 : i32
      %mul3A_3803 = arith.muli %add3A_3801, %mul3A_3802 : i32
      %swap3A_3804 = arith.index_cast %mul3A_3803 : i32 to index
      %swap3A_3805 = tpu.vector_load %arg7[%swap3A_3804] {strides = array<i32>} : memref<8192xf32, #tpu.memory_space<vmem>>, vector<16xf32>,
      tpu.vector_store %arg7[%swap3A_3804], %sub3A_3797 {strides = array<i32>} : memref<8192xf32, #tpu.memory_space<vmem>>, vector<16xf32>,
      %get3A_3806 = arith.constant 3 : i32
      %get3A_3807 = arith.constant 78 : i32
      %get3A_3808 = arith.index_cast %get3A_3806 : i32 to index
      %get3A_3809 = arith.index_cast %get3A_3807 : i32 to index
      %get3A_3810 = arith.constant 0 : index
      %get3A_3811 = tpu.vector_load %arg6[%get3A_3808, %get3A_3809, %get3A_3810] {strides = array<i32>} : memref<4x104x16xf32, #tpu.memory_space<vmem>>, vector<16xf32>,
      %mul3A_3812 = arith.mulf %get3A_3811, %get3A_3811 : vector<16xf32>
      %get3A_3813 = arith.constant 3 : i32
      %get3A_3814 = arith.constant 79 : i32
      %get3A_3815 = arith.index_cast %get3A_3813 : i32 to index
      %get3A_3816 = arith.index_cast %get3A_3814 : i32 to index
      %get3A_3817 = arith.constant 0 : index
      %get3A_3818 = tpu.vector_load %arg6[%get3A_3815, %get3A_3816, %get3A_3817] {strides = array<i32>} : memref<4x104x16xf32, #tpu.memory_space<vmem>>, vector<16xf32>,
      %add3A_3819 = arith.addf %get3A_3811, %get3A_3818 : vector<16xf32>
      %mul3A_3820 = arith.mulf %get3A_3818, %get3A_3818 : vector<16xf32>
      %add3A_3821 = arith.addf %mul3A_3812, %mul3A_3820 : vector<16xf32>
      %get3A_3822 = arith.constant 3 : i32
      %get3A_3823 = arith.constant 80 : i32
      %get3A_3824 = arith.index_cast %get3A_3822 : i32 to index
      %get3A_3825 = arith.index_cast %get3A_3823 : i32 to index
      %get3A_3826 = arith.constant 0 : index
      %get3A_3827 = tpu.vector_load %arg6[%get3A_3824, %get3A_3825, %get3A_3826] {strides = array<i32>} : memref<4x104x16xf32, #tpu.memory_space<vmem>>, vector<16xf32>,
      %add3A_3828 = arith.addf %add3A_3819, %get3A_3827 : vector<16xf32>
      %mul3A_3829 = arith.mulf %get3A_3827, %get3A_3827 : vector<16xf32>
      %add3A_3830 = arith.addf %add3A_3821, %mul3A_3829 : vector<16xf32>
      %get3A_3831 = arith.constant 3 : i32
      %get3A_3832 = arith.constant 81 : i32
      %get3A_3833 = arith.index_cast %get3A_3831 : i32 to index
      %get3A_3834 = arith.index_cast %get3A_3832 : i32 to index
      %get3A_3835 = arith.constant 0 : index
      %get3A_3836 = tpu.vector_load %arg6[%get3A_3833, %get3A_3834, %get3A_3835] {strides = array<i32>} : memref<4x104x16xf32, #tpu.memory_space<vmem>>, vector<16xf32>,
      %add3A_3837 = arith.addf %add3A_3828, %get3A_3836 : vector<16xf32>
      %mul3A_3838 = arith.mulf %get3A_3836, %get3A_3836 : vector<16xf32>
      %add3A_3839 = arith.addf %add3A_3830, %mul3A_3838 : vector<16xf32>
      %get3A_3840 = arith.constant 3 : i32
      %get3A_3841 = arith.constant 82 : i32
      %get3A_3842 = arith.index_cast %get3A_3840 : i32 to index
      %get3A_3843 = arith.index_cast %get3A_3841 : i32 to index
      %get3A_3844 = arith.constant 0 : index
      %get3A_3845 = tpu.vector_load %arg6[%get3A_3842, %get3A_3843, %get3A_3844] {strides = array<i32>} : memref<4x104x16xf32, #tpu.memory_space<vmem>>, vector<16xf32>,
      %add3A_3846 = arith.addf %add3A_3837, %get3A_3845 : vector<16xf32>
      %mul3A_3847 = arith.mulf %get3A_3845, %get3A_3845 : vector<16xf32>
      %add3A_3848 = arith.addf %add3A_3839, %mul3A_3847 : vector<16xf32>
      %get3A_3849 = arith.constant 3 : i32
      %get3A_3850 = arith.constant 83 : i32
      %get3A_3851 = arith.index_cast %get3A_3849 : i32 to index
      %get3A_3852 = arith.index_cast %get3A_3850 : i32 to index
      %get3A_3853 = arith.constant 0 : index
      %get3A_3854 = tpu.vector_load %arg6[%get3A_3851, %get3A_3852, %get3A_3853] {strides = array<i32>} : memref<4x104x16xf32, #tpu.memory_space<vmem>>, vector<16xf32>,
      %add3A_3855 = arith.addf %add3A_3846, %get3A_3854 : vector<16xf32>
      %mul3A_3856 = arith.mulf %get3A_3854, %get3A_3854 : vector<16xf32>
      %add3A_3857 = arith.addf %add3A_3848, %mul3A_3856 : vector<16xf32>
      %get3A_3858 = arith.constant 3 : i32
      %get3A_3859 = arith.constant 84 : i32
      %get3A_3860 = arith.index_cast %get3A_3858 : i32 to index
      %get3A_3861 = arith.index_cast %get3A_3859 : i32 to index
      %get3A_3862 = arith.constant 0 : index
      %get3A_3863 = tpu.vector_load %arg6[%get3A_3860, %get3A_3861, %get3A_3862] {strides = array<i32>} : memref<4x104x16xf32, #tpu.memory_space<vmem>>, vector<16xf32>,
      %add3A_3864 = arith.addf %add3A_3855, %get3A_3863 : vector<16xf32>
      %mul3A_3865 = arith.mulf %get3A_3863, %get3A_3863 : vector<16xf32>
      %add3A_3866 = arith.addf %add3A_3857, %mul3A_3865 : vector<16xf32>
      %get3A_3867 = arith.constant 3 : i32
      %get3A_3868 = arith.constant 85 : i32
      %get3A_3869 = arith.index_cast %get3A_3867 : i32 to index
      %get3A_3870 = arith.index_cast %get3A_3868 : i32 to index
      %get3A_3871 = arith.constant 0 : index
      %get3A_3872 = tpu.vector_load %arg6[%get3A_3869, %get3A_3870, %get3A_3871] {strides = array<i32>} : memref<4x104x16xf32, #tpu.memory_space<vmem>>, vector<16xf32>,
      %add3A_3873 = arith.addf %add3A_3864, %get3A_3872 : vector<16xf32>
      %mul3A_3874 = arith.mulf %get3A_3872, %get3A_3872 : vector<16xf32>
      %add3A_3875 = arith.addf %add3A_3866, %mul3A_3874 : vector<16xf32>
      %get3A_3876 = arith.constant 3 : i32
      %get3A_3877 = arith.constant 86 : i32
      %get3A_3878 = arith.index_cast %get3A_3876 : i32 to index
      %get3A_3879 = arith.index_cast %get3A_3877 : i32 to index
      %get3A_3880 = arith.constant 0 : index
      %get3A_3881 = tpu.vector_load %arg6[%get3A_3878, %get3A_3879, %get3A_3880] {strides = array<i32>} : memref<4x104x16xf32, #tpu.memory_space<vmem>>, vector<16xf32>,
      %add3A_3882 = arith.addf %add3A_3873, %get3A_3881 : vector<16xf32>
      %mul3A_3883 = arith.mulf %get3A_3881, %get3A_3881 : vector<16xf32>
      %add3A_3884 = arith.addf %add3A_3875, %mul3A_3883 : vector<16xf32>
      %get3A_3885 = arith.constant 3 : i32
      %get3A_3886 = arith.constant 87 : i32
      %get3A_3887 = arith.index_cast %get3A_3885 : i32 to index
      %get3A_3888 = arith.index_cast %get3A_3886 : i32 to index
      %get3A_3889 = arith.constant 0 : index
      %get3A_3890 = tpu.vector_load %arg6[%get3A_3887, %get3A_3888, %get3A_3889] {strides = array<i32>} : memref<4x104x16xf32, #tpu.memory_space<vmem>>, vector<16xf32>,
      %add3A_3891 = arith.addf %add3A_3882, %get3A_3890 : vector<16xf32>
      %mul3A_3892 = arith.mulf %get3A_3890, %get3A_3890 : vector<16xf32>
      %add3A_3893 = arith.addf %add3A_3884, %mul3A_3892 : vector<16xf32>
      %get3A_3894 = arith.constant 3 : i32
      %get3A_3895 = arith.constant 88 : i32
      %get3A_3896 = arith.index_cast %get3A_3894 : i32 to index
      %get3A_3897 = arith.index_cast %get3A_3895 : i32 to index
      %get3A_3898 = arith.constant 0 : index
      %get3A_3899 = tpu.vector_load %arg6[%get3A_3896, %get3A_3897, %get3A_3898] {strides = array<i32>} : memref<4x104x16xf32, #tpu.memory_space<vmem>>, vector<16xf32>,
      %add3A_3900 = arith.addf %add3A_3891, %get3A_3899 : vector<16xf32>
      %mul3A_3901 = arith.mulf %get3A_3899, %get3A_3899 : vector<16xf32>
      %add3A_3902 = arith.addf %add3A_3893, %mul3A_3901 : vector<16xf32>
      %get3A_3903 = arith.constant 3 : i32
      %get3A_3904 = arith.constant 89 : i32
      %get3A_3905 = arith.index_cast %get3A_3903 : i32 to index
      %get3A_3906 = arith.index_cast %get3A_3904 : i32 to index
      %get3A_3907 = arith.constant 0 : index
      %get3A_3908 = tpu.vector_load %arg6[%get3A_3905, %get3A_3906, %get3A_3907] {strides = array<i32>} : memref<4x104x16xf32, #tpu.memory_space<vmem>>, vector<16xf32>,
      %add3A_3909 = arith.addf %add3A_3900, %get3A_3908 : vector<16xf32>
      %mul3A_3910 = arith.mulf %get3A_3908, %get3A_3908 : vector<16xf32>
      %add3A_3911 = arith.addf %add3A_3902, %mul3A_3910 : vector<16xf32>
      %get3A_3912 = arith.constant 3 : i32
      %get3A_3913 = arith.constant 90 : i32
      %get3A_3914 = arith.index_cast %get3A_3912 : i32 to index
      %get3A_3915 = arith.index_cast %get3A_3913 : i32 to index
      %get3A_3916 = arith.constant 0 : index
      %get3A_3917 = tpu.vector_load %arg6[%get3A_3914, %get3A_3915, %get3A_3916] {strides = array<i32>} : memref<4x104x16xf32, #tpu.memory_space<vmem>>, vector<16xf32>,
      %add3A_3918 = arith.addf %add3A_3909, %get3A_3917 : vector<16xf32>
      %mul3A_3919 = arith.mulf %get3A_3917, %get3A_3917 : vector<16xf32>
      %add3A_3920 = arith.addf %add3A_3911, %mul3A_3919 : vector<16xf32>
      %get3A_3921 = arith.constant 3 : i32
      %get3A_3922 = arith.constant 91 : i32
      %get3A_3923 = arith.index_cast %get3A_3921 : i32 to index
      %get3A_3924 = arith.index_cast %get3A_3922 : i32 to index
      %get3A_3925 = arith.constant 0 : index
      %get3A_3926 = tpu.vector_load %arg6[%get3A_3923, %get3A_3924, %get3A_3925] {strides = array<i32>} : memref<4x104x16xf32, #tpu.memory_space<vmem>>, vector<16xf32>,
      %add3A_3927 = arith.addf %add3A_3918, %get3A_3926 : vector<16xf32>
      %mul3A_3928 = arith.mulf %get3A_3926, %get3A_3926 : vector<16xf32>
      %add3A_3929 = arith.addf %add3A_3920, %mul3A_3928 : vector<16xf32>
      %get3A_3930 = arith.constant 3 : i32
      %get3A_3931 = arith.constant 92 : i32
      %get3A_3932 = arith.index_cast %get3A_3930 : i32 to index
      %get3A_3933 = arith.index_cast %get3A_3931 : i32 to index
      %get3A_3934 = arith.constant 0 : index
      %get3A_3935 = tpu.vector_load %arg6[%get3A_3932, %get3A_3933, %get3A_3934] {strides = array<i32>} : memref<4x104x16xf32, #tpu.memory_space<vmem>>, vector<16xf32>,
      %add3A_3936 = arith.addf %add3A_3927, %get3A_3935 : vector<16xf32>
      %mul3A_3937 = arith.mulf %get3A_3935, %get3A_3935 : vector<16xf32>
      %add3A_3938 = arith.addf %add3A_3929, %mul3A_3937 : vector<16xf32>
      %get3A_3939 = arith.constant 3 : i32
      %get3A_3940 = arith.constant 93 : i32
      %get3A_3941 = arith.index_cast %get3A_3939 : i32 to index
      %get3A_3942 = arith.index_cast %get3A_3940 : i32 to index
      %get3A_3943 = arith.constant 0 : index
      %get3A_3944 = tpu.vector_load %arg6[%get3A_3941, %get3A_3942, %get3A_3943] {strides = array<i32>} : memref<4x104x16xf32, #tpu.memory_space<vmem>>, vector<16xf32>,
      %add3A_3945 = arith.addf %add3A_3936, %get3A_3944 : vector<16xf32>
      %mul3A_3946 = arith.mulf %get3A_3944, %get3A_3944 : vector<16xf32>
      %add3A_3947 = arith.addf %add3A_3938, %mul3A_3946 : vector<16xf32>
      %get3A_3948 = arith.constant 3 : i32
      %get3A_3949 = arith.constant 94 : i32
      %get3A_3950 = arith.index_cast %get3A_3948 : i32 to index
      %get3A_3951 = arith.index_cast %get3A_3949 : i32 to index
      %get3A_3952 = arith.constant 0 : index
      %get3A_3953 = tpu.vector_load %arg6[%get3A_3950, %get3A_3951, %get3A_3952] {strides = array<i32>} : memref<4x104x16xf32, #tpu.memory_space<vmem>>, vector<16xf32>,
      %add3A_3954 = arith.addf %add3A_3945, %get3A_3953 : vector<16xf32>
      %mul3A_3955 = arith.mulf %get3A_3953, %get3A_3953 : vector<16xf32>
      %add3A_3956 = arith.addf %add3A_3947, %mul3A_3955 : vector<16xf32>
      %get3A_3957 = arith.constant 3 : i32
      %get3A_3958 = arith.constant 95 : i32
      %get3A_3959 = arith.index_cast %get3A_3957 : i32 to index
      %get3A_3960 = arith.index_cast %get3A_3958 : i32 to index
      %get3A_3961 = arith.constant 0 : index
      %get3A_3962 = tpu.vector_load %arg6[%get3A_3959, %get3A_3960, %get3A_3961] {strides = array<i32>} : memref<4x104x16xf32, #tpu.memory_space<vmem>>, vector<16xf32>,
      %add3A_3963 = arith.addf %add3A_3954, %get3A_3962 : vector<16xf32>
      %mul3A_3964 = arith.mulf %get3A_3962, %get3A_3962 : vector<16xf32>
      %add3A_3965 = arith.addf %add3A_3956, %mul3A_3964 : vector<16xf32>
      %get3A_3966 = arith.constant 3 : i32
      %get3A_3967 = arith.constant 96 : i32
      %get3A_3968 = arith.index_cast %get3A_3966 : i32 to index
      %get3A_3969 = arith.index_cast %get3A_3967 : i32 to index
      %get3A_3970 = arith.constant 0 : index
      %get3A_3971 = tpu.vector_load %arg6[%get3A_3968, %get3A_3969, %get3A_3970] {strides = array<i32>} : memref<4x104x16xf32, #tpu.memory_space<vmem>>, vector<16xf32>,
      %add3A_3972 = arith.addf %add3A_3963, %get3A_3971 : vector<16xf32>
      %mul3A_3973 = arith.mulf %get3A_3971, %get3A_3971 : vector<16xf32>
      %add3A_3974 = arith.addf %add3A_3965, %mul3A_3973 : vector<16xf32>
      %get3A_3975 = arith.constant 3 : i32
      %get3A_3976 = arith.constant 97 : i32
      %get3A_3977 = arith.index_cast %get3A_3975 : i32 to index
      %get3A_3978 = arith.index_cast %get3A_3976 : i32 to index
      %get3A_3979 = arith.constant 0 : index
      %get3A_3980 = tpu.vector_load %arg6[%get3A_3977, %get3A_3978, %get3A_3979] {strides = array<i32>} : memref<4x104x16xf32, #tpu.memory_space<vmem>>, vector<16xf32>,
      %add3A_3981 = arith.addf %add3A_3972, %get3A_3980 : vector<16xf32>
      %mul3A_3982 = arith.mulf %get3A_3980, %get3A_3980 : vector<16xf32>
      %add3A_3983 = arith.addf %add3A_3974, %mul3A_3982 : vector<16xf32>
      %get3A_3984 = arith.constant 3 : i32
      %get3A_3985 = arith.constant 98 : i32
      %get3A_3986 = arith.index_cast %get3A_3984 : i32 to index
      %get3A_3987 = arith.index_cast %get3A_3985 : i32 to index
      %get3A_3988 = arith.constant 0 : index
      %get3A_3989 = tpu.vector_load %arg6[%get3A_3986, %get3A_3987, %get3A_3988] {strides = array<i32>} : memref<4x104x16xf32, #tpu.memory_space<vmem>>, vector<16xf32>,
      %add3A_3990 = arith.addf %add3A_3981, %get3A_3989 : vector<16xf32>
      %mul3A_3991 = arith.mulf %get3A_3989, %get3A_3989 : vector<16xf32>
      %add3A_3992 = arith.addf %add3A_3983, %mul3A_3991 : vector<16xf32>
      %get3A_3993 = arith.constant 3 : i32
      %get3A_3994 = arith.constant 99 : i32
      %get3A_3995 = arith.index_cast %get3A_3993 : i32 to index
      %get3A_3996 = arith.index_cast %get3A_3994 : i32 to index
      %get3A_3997 = arith.constant 0 : index
      %get3A_3998 = tpu.vector_load %arg6[%get3A_3995, %get3A_3996, %get3A_3997] {strides = array<i32>} : memref<4x104x16xf32, #tpu.memory_space<vmem>>, vector<16xf32>,
      %add3A_3999 = arith.addf %add3A_3990, %get3A_3998 : vector<16xf32>
      %mul3A_4000 = arith.mulf %get3A_3998, %get3A_3998 : vector<16xf32>
      %add3A_4001 = arith.addf %add3A_3992, %mul3A_4000 : vector<16xf32>
      %get3A_4002 = arith.constant 3 : i32
      %get3A_4003 = arith.constant 100 : i32
      %get3A_4004 = arith.index_cast %get3A_4002 : i32 to index
      %get3A_4005 = arith.index_cast %get3A_4003 : i32 to index
      %get3A_4006 = arith.constant 0 : index
      %get3A_4007 = tpu.vector_load %arg6[%get3A_4004, %get3A_4005, %get3A_4006] {strides = array<i32>} : memref<4x104x16xf32, #tpu.memory_space<vmem>>, vector<16xf32>,
      %add3A_4008 = arith.addf %add3A_3999, %get3A_4007 : vector<16xf32>
      %mul3A_4009 = arith.mulf %get3A_4007, %get3A_4007 : vector<16xf32>
      %add3A_4010 = arith.addf %add3A_4001, %mul3A_4009 : vector<16xf32>
      %get3A_4011 = arith.constant 3 : i32
      %get3A_4012 = arith.constant 101 : i32
      %get3A_4013 = arith.index_cast %get3A_4011 : i32 to index
      %get3A_4014 = arith.index_cast %get3A_4012 : i32 to index
      %get3A_4015 = arith.constant 0 : index
      %get3A_4016 = tpu.vector_load %arg6[%get3A_4013, %get3A_4014, %get3A_4015] {strides = array<i32>} : memref<4x104x16xf32, #tpu.memory_space<vmem>>, vector<16xf32>,
      %add3A_4017 = arith.addf %add3A_4008, %get3A_4016 : vector<16xf32>
      %mul3A_4018 = arith.mulf %get3A_4016, %get3A_4016 : vector<16xf32>
      %add3A_4019 = arith.addf %add3A_4010, %mul3A_4018 : vector<16xf32>
      %get3A_4020 = arith.constant 3 : i32
      %get3A_4021 = arith.constant 102 : i32
      %get3A_4022 = arith.index_cast %get3A_4020 : i32 to index
      %get3A_4023 = arith.index_cast %get3A_4021 : i32 to index
      %get3A_4024 = arith.constant 0 : index
      %get3A_4025 = tpu.vector_load %arg6[%get3A_4022, %get3A_4023, %get3A_4024] {strides = array<i32>} : memref<4x104x16xf32, #tpu.memory_space<vmem>>, vector<16xf32>,
      %add3A_4026 = arith.addf %add3A_4017, %get3A_4025 : vector<16xf32>
      %mul3A_4027 = arith.mulf %get3A_4025, %get3A_4025 : vector<16xf32>
      %add3A_4028 = arith.addf %add3A_4019, %mul3A_4027 : vector<16xf32>
      %get3A_4029 = arith.constant 3 : i32
      %get3A_4030 = arith.constant 103 : i32
      %get3A_4031 = arith.index_cast %get3A_4029 : i32 to index
      %get3A_4032 = arith.index_cast %get3A_4030 : i32 to index
      %get3A_4033 = arith.constant 0 : index
      %get3A_4034 = tpu.vector_load %arg6[%get3A_4031, %get3A_4032, %get3A_4033] {strides = array<i32>} : memref<4x104x16xf32, #tpu.memory_space<vmem>>, vector<16xf32>,
      %add3A_4035 = arith.addf %add3A_4026, %get3A_4034 : vector<16xf32>
      %mul3A_4036 = arith.mulf %get3A_4034, %get3A_4034 : vector<16xf32>
      %add3A_4037 = arith.addf %add3A_4028, %mul3A_4036 : vector<16xf32>
      %mul3A_4038 = arith.mulf %add3A_4035, %add3A_4035 : vector<16xf32>
      %sub3A_4039 = arith.subf %mul3A_4038, %add3A_4037 : vector<16xf32>
      %mul3A_4040 = arith.constant 4 : i32
      %mul3A_4041 = arith.muli %add3A_3065, %mul3A_4040 : i32
      %add3A_4042 = arith.constant 3 : i32
      %add3A_4043 = arith.addi %mul3A_4041, %add3A_4042 : i32
      %mul3A_4044 = arith.constant 16 : i32
      %mul3A_4045 = arith.muli %add3A_4043, %mul3A_4044 : i32
      %swap3A_4046 = arith.index_cast %mul3A_4045 : i32 to index
      %swap3A_4047 = tpu.vector_load %arg7[%swap3A_4046] {strides = array<i32>} : memref<8192xf32, #tpu.memory_space<vmem>>, vector<16xf32>,
      tpu.vector_store %arg7[%swap3A_4046], %sub3A_4039 {strides = array<i32>} : memref<8192xf32, #tpu.memory_space<vmem>>, vector<16xf32>,
      %add3A_4048 = arith.constant 4 : i32
      %add3A_4049 = arith.addi %add3A_3065, %add3A_4048 : i32
      %lt3A_4050 = arith.constant 128 : i32
      %lt3A_4051 = arith.cmpi slt, %add3A_4049, %lt3A_4050 : i32
      %convert_element_type3A_4052 = arith.extui %lt3A_4051 : i1 to i32
      %cond3A_4053 = arith.constant 0 : i32
      %cond3A_4054 = arith.cmpi ne, %convert_element_type3A_4052, %cond3A_4053 : i32
      scf.if %cond3A_4054 {
        %dma_start3A_4055 = arith.constant 3 : i32
        %dma_start3A_4056 = arith.constant 3 : i32
        %dma_start3A_4057 = arith.constant 0 : i32
        %dma_start3A_4058 = arith.constant 0 : i32
        %dma_start3A_4059 = tpu.memref_slice %arg6[%dma_start3A_4055, %dma_start3A_4057, %dma_start3A_4058] : memref<4x104x16xf32, #tpu.memory_space<vmem>> -> memref<1x104x16xf32, #tpu.memory_space<vmem>>
        %dma_start3A_4060 = tpu.memref_squeeze %dma_start3A_4059 : memref<1x104x16xf32, #tpu.memory_space<vmem>> -> memref<104x16xf32, #tpu.memory_space<vmem>>
        %dma_start3A_4061 = arith.constant 0 : i32
        %dma_start3A_4062 = tpu.memref_slice %arg5[%add3A_4049, %dma_start3A_4061] : memref<128x104xi32, #tpu.memory_space<vmem>> -> memref<1x104xi32, #tpu.memory_space<vmem>>
        %dma_start3A_4063 = tpu.memref_squeeze %dma_start3A_4062 : memref<1x104xi32, #tpu.memory_space<vmem>> -> memref<104xi32, #tpu.memory_space<vmem>>
        %dma_start3A_4064 = arith.constant 0 : i32
        %dma_start3A_4065 = arith.constant 0 : i32
        %dma_start3A_4066 = tpu.memref_slice %arg3[%dma_start3A_4064, %dma_start3A_4065] : memref<2621440x16xf32, #tpu.memory_space<hbm>> -> memref<2621440x16xf32, #tpu.memory_space<hbm>>
        %dma_start3A_4067 = tpu.memref_slice %arg10[%dma_start3A_4056] : memref<4x!tpu.dma_semaphore, #tpu.memory_space<semaphore_mem>> -> memref<1x!tpu.dma_semaphore, #tpu.memory_space<semaphore_mem>>
        %dma_start3A_4068 = tpu.memref_squeeze %dma_start3A_4067 : memref<1x!tpu.dma_semaphore, #tpu.memory_space<semaphore_mem>> -> memref<!tpu.dma_semaphore, #tpu.memory_space<semaphore_mem>>
        tpu.enqueue_indirect_dma source(%dma_start3A_4066 : memref<2621440x16xf32, #tpu.memory_space<hbm>>) target(%dma_start3A_4060 : memref<104x16xf32, #tpu.memory_space<vmem>>) offsets(%dma_start3A_4063 : memref<104xi32, #tpu.memory_space<vmem>>) semaphore(%dma_start3A_4068 : memref<!tpu.dma_semaphore, #tpu.memory_space<semaphore_mem>>)
      } else {
      }
    }
    %scan3A_79 = arith.constant 32 : i32
    %iota3A = tpu.iota {dimensions = array<i32: 0>} : vector<16xi32>
    %scan3A_80 = arith.constant 0 : i32
    %scan3A_81 = arith.constant 0 : i32
    %scan3A_82 = arith.constant 32 : i32
    %scan3A_83 = arith.addi %scan3A_81, %scan3A_82 : i32
    %scan3A_84 = arith.constant 1 : i32
    scf.for %scan3A_88 = %scan3A_81 to %scan3A_83 step %scan3A_84  : i32 {
      %mul3A_89 = arith.constant 16 : i32
      %mul3A_90 = arith.muli %scan3A_88, %mul3A_89 : i32
      %add3A_91 = vector.broadcast %mul3A_90 : i32 to vector<16xi32>
      %add3A_92 = arith.addi %add3A_91, %iota3A : vector<16xi32>
      %mul3A_93 = arith.constant 16 : i32
      %mul3A_94 = vector.broadcast %mul3A_93 : i32 to vector<16xi32>
      %mul3A_95 = arith.muli %add3A_92, %mul3A_94 : vector<16xi32>
      %broadcast_in_dim3A = arith.constant 0.000000e+00 : f32
      %broadcast_in_dim3A_96 = vector.broadcast %broadcast_in_dim3A : f32 to vector<16xf32>
      %add3A_97 = arith.constant 0 : i32
      %add3A_98 = vector.broadcast %add3A_97 : i32 to vector<16xi32>
      %add3A_99 = arith.addi %mul3A_95, %add3A_98 : vector<16xi32>
      %gather3A = tpu.vector_load_idx %arg7[%add3A_99] : memref<8192xf32, #tpu.memory_space<vmem>>[vector<16xi32>], vector<16xf32>,
      %add3A_100 = arith.addf %broadcast_in_dim3A_96, %gather3A : vector<16xf32>
      %add3A_101 = arith.constant 1 : i32
      %add3A_102 = vector.broadcast %add3A_101 : i32 to vector<16xi32>
      %add3A_103 = arith.addi %mul3A_95, %add3A_102 : vector<16xi32>
      %gather3A_104 = tpu.vector_load_idx %arg7[%add3A_103] : memref<8192xf32, #tpu.memory_space<vmem>>[vector<16xi32>], vector<16xf32>,
      %add3A_105 = arith.addf %add3A_100, %gather3A_104 : vector<16xf32>
      %add3A_106 = arith.constant 2 : i32
      %add3A_107 = vector.broadcast %add3A_106 : i32 to vector<16xi32>
      %add3A_108 = arith.addi %mul3A_95, %add3A_107 : vector<16xi32>
      %gather3A_109 = tpu.vector_load_idx %arg7[%add3A_108] : memref<8192xf32, #tpu.memory_space<vmem>>[vector<16xi32>], vector<16xf32>,
      %add3A_110 = arith.addf %add3A_105, %gather3A_109 : vector<16xf32>
      %add3A_111 = arith.constant 3 : i32
      %add3A_112 = vector.broadcast %add3A_111 : i32 to vector<16xi32>
      %add3A_113 = arith.addi %mul3A_95, %add3A_112 : vector<16xi32>
      %gather3A_114 = tpu.vector_load_idx %arg7[%add3A_113] : memref<8192xf32, #tpu.memory_space<vmem>>[vector<16xi32>], vector<16xf32>,
      %add3A_115 = arith.addf %add3A_110, %gather3A_114 : vector<16xf32>
      %add3A_116 = arith.constant 4 : i32
      %add3A_117 = vector.broadcast %add3A_116 : i32 to vector<16xi32>
      %add3A_118 = arith.addi %mul3A_95, %add3A_117 : vector<16xi32>
      %gather3A_119 = tpu.vector_load_idx %arg7[%add3A_118] : memref<8192xf32, #tpu.memory_space<vmem>>[vector<16xi32>], vector<16xf32>,
      %add3A_120 = arith.addf %add3A_115, %gather3A_119 : vector<16xf32>
      %add3A_121 = arith.constant 5 : i32
      %add3A_122 = vector.broadcast %add3A_121 : i32 to vector<16xi32>
      %add3A_123 = arith.addi %mul3A_95, %add3A_122 : vector<16xi32>
      %gather3A_124 = tpu.vector_load_idx %arg7[%add3A_123] : memref<8192xf32, #tpu.memory_space<vmem>>[vector<16xi32>], vector<16xf32>,
      %add3A_125 = arith.addf %add3A_120, %gather3A_124 : vector<16xf32>
      %add3A_126 = arith.constant 6 : i32
      %add3A_127 = vector.broadcast %add3A_126 : i32 to vector<16xi32>
      %add3A_128 = arith.addi %mul3A_95, %add3A_127 : vector<16xi32>
      %gather3A_129 = tpu.vector_load_idx %arg7[%add3A_128] : memref<8192xf32, #tpu.memory_space<vmem>>[vector<16xi32>], vector<16xf32>,
      %add3A_130 = arith.addf %add3A_125, %gather3A_129 : vector<16xf32>
      %add3A_131 = arith.constant 7 : i32
      %add3A_132 = vector.broadcast %add3A_131 : i32 to vector<16xi32>
      %add3A_133 = arith.addi %mul3A_95, %add3A_132 : vector<16xi32>
      %gather3A_134 = tpu.vector_load_idx %arg7[%add3A_133] : memref<8192xf32, #tpu.memory_space<vmem>>[vector<16xi32>], vector<16xf32>,
      %add3A_135 = arith.addf %add3A_130, %gather3A_134 : vector<16xf32>
      %add3A_136 = arith.constant 8 : i32
      %add3A_137 = vector.broadcast %add3A_136 : i32 to vector<16xi32>
      %add3A_138 = arith.addi %mul3A_95, %add3A_137 : vector<16xi32>
      %gather3A_139 = tpu.vector_load_idx %arg7[%add3A_138] : memref<8192xf32, #tpu.memory_space<vmem>>[vector<16xi32>], vector<16xf32>,
      %add3A_140 = arith.addf %add3A_135, %gather3A_139 : vector<16xf32>
      %add3A_141 = arith.constant 9 : i32
      %add3A_142 = vector.broadcast %add3A_141 : i32 to vector<16xi32>
      %add3A_143 = arith.addi %mul3A_95, %add3A_142 : vector<16xi32>
      %gather3A_144 = tpu.vector_load_idx %arg7[%add3A_143] : memref<8192xf32, #tpu.memory_space<vmem>>[vector<16xi32>], vector<16xf32>,
      %add3A_145 = arith.addf %add3A_140, %gather3A_144 : vector<16xf32>
      %add3A_146 = arith.constant 10 : i32
      %add3A_147 = vector.broadcast %add3A_146 : i32 to vector<16xi32>
      %add3A_148 = arith.addi %mul3A_95, %add3A_147 : vector<16xi32>
      %gather3A_149 = tpu.vector_load_idx %arg7[%add3A_148] : memref<8192xf32, #tpu.memory_space<vmem>>[vector<16xi32>], vector<16xf32>,
      %add3A_150 = arith.addf %add3A_145, %gather3A_149 : vector<16xf32>
      %add3A_151 = arith.constant 11 : i32
      %add3A_152 = vector.broadcast %add3A_151 : i32 to vector<16xi32>
      %add3A_153 = arith.addi %mul3A_95, %add3A_152 : vector<16xi32>
      %gather3A_154 = tpu.vector_load_idx %arg7[%add3A_153] : memref<8192xf32, #tpu.memory_space<vmem>>[vector<16xi32>], vector<16xf32>,
      %add3A_155 = arith.addf %add3A_150, %gather3A_154 : vector<16xf32>
      %add3A_156 = arith.constant 12 : i32
      %add3A_157 = vector.broadcast %add3A_156 : i32 to vector<16xi32>
      %add3A_158 = arith.addi %mul3A_95, %add3A_157 : vector<16xi32>
      %gather3A_159 = tpu.vector_load_idx %arg7[%add3A_158] : memref<8192xf32, #tpu.memory_space<vmem>>[vector<16xi32>], vector<16xf32>,
      %add3A_160 = arith.addf %add3A_155, %gather3A_159 : vector<16xf32>
      %add3A_161 = arith.constant 13 : i32
      %add3A_162 = vector.broadcast %add3A_161 : i32 to vector<16xi32>
      %add3A_163 = arith.addi %mul3A_95, %add3A_162 : vector<16xi32>
      %gather3A_164 = tpu.vector_load_idx %arg7[%add3A_163] : memref<8192xf32, #tpu.memory_space<vmem>>[vector<16xi32>], vector<16xf32>,
      %add3A_165 = arith.addf %add3A_160, %gather3A_164 : vector<16xf32>
      %add3A_166 = arith.constant 14 : i32
      %add3A_167 = vector.broadcast %add3A_166 : i32 to vector<16xi32>
      %add3A_168 = arith.addi %mul3A_95, %add3A_167 : vector<16xi32>
      %gather3A_169 = tpu.vector_load_idx %arg7[%add3A_168] : memref<8192xf32, #tpu.memory_space<vmem>>[vector<16xi32>], vector<16xf32>,
      %add3A_170 = arith.addf %add3A_165, %gather3A_169 : vector<16xf32>
      %add3A_171 = arith.constant 15 : i32
      %add3A_172 = vector.broadcast %add3A_171 : i32 to vector<16xi32>
      %add3A_173 = arith.addi %mul3A_95, %add3A_172 : vector<16xi32>
      %gather3A_174 = tpu.vector_load_idx %arg7[%add3A_173] : memref<8192xf32, #tpu.memory_space<vmem>>[vector<16xi32>], vector<16xf32>,
      %add3A_175 = arith.addf %add3A_170, %gather3A_174 : vector<16xf32>
      %mul3A_176 = arith.constant 5.000000e-01 : f32
      %mul3A_177 = vector.broadcast %mul3A_176 : f32 to vector<16xf32>
      %mul3A_178 = arith.mulf %mul3A_177, %add3A_175 : vector<16xf32>
      %mul3A_179 = arith.constant 16 : i32
      %mul3A_180 = arith.muli %scan3A_88, %mul3A_179 : i32
      %swap3A = arith.index_cast %mul3A_180 : i32 to index
      %swap3A_181 = tpu.vector_load %arg8[%swap3A] {strides = array<i32>} : memref<512xf32, #tpu.memory_space<vmem>>, vector<16xf32>,
      tpu.vector_store %arg8[%swap3A], %mul3A_178 {strides = array<i32>} : memref<512xf32, #tpu.memory_space<vmem>>, vector<16xf32>,
    }
    %scan3A_85 = arith.constant 32 : i32
    %mul3A_86 = arith.constant 512 : i32
    %mul3A_87 = arith.muli %add3A, %mul3A_86 : i32
    "tpu.region"() ({
      %run_scoped3A = tpu.sem_alloc : memref<!tpu.dma_semaphore, #tpu.memory_space<semaphore_mem>>
      %dma_start3A_88 = tpu.memref_slice %arg4[%mul3A_87] : memref<16384xf32, #tpu.memory_space<hbm>> -> memref<512xf32, #tpu.memory_space<hbm>>
      %dma_start3A_89 = tpu.memref_slice %arg4[%mul3A_87] : memref<16384xf32, #tpu.memory_space<hbm>> -> memref<512xf32, #tpu.memory_space<hbm>>
      tpu.enqueue_dma source(%arg8 : memref<512xf32, #tpu.memory_space<vmem>>) target(%dma_start3A_89 : memref<512xf32, #tpu.memory_space<hbm>>) target_semaphore(%run_scoped3A : memref<!tpu.dma_semaphore, #tpu.memory_space<semaphore_mem>>)
      %dma_wait3A_90 = tpu.memref_slice %arg4[%mul3A_87] : memref<16384xf32, #tpu.memory_space<hbm>> -> memref<512xf32, #tpu.memory_space<hbm>>
      %dma_wait3A_91 = tpu.memref_slice %arg4[%mul3A_87] : memref<16384xf32, #tpu.memory_space<hbm>> -> memref<512xf32, #tpu.memory_space<hbm>>
      tpu.wait_dma2 semaphore(%run_scoped3A : memref<!tpu.dma_semaphore, #tpu.memory_space<semaphore_mem>>) src(%arg8 : memref<512xf32, #tpu.memory_space<vmem>>) dst(%dma_wait3A_91 : memref<512xf32, #tpu.memory_space<hbm>>)
      tpu.yield
    }) : () -> ()
    return
  }
}

module attributes {stable_mosaic.version = 14 : i64} {
  func.func @_tr_body(%arg0: i32, %arg1: memref<16x131072xf32, #tpu.memory_space<vmem>>, %arg2: memref<16384x128xf32, #tpu.memory_space<vmem>>) attributes {dimension_semantics = [#tpu.dimension_semantics<arbitrary>], iteration_bounds = array<i64: 20>, scalar_prefetch = 0 : i64, scratch_operands = 0 : i64, tpu.core_type = #tpu.core_type<tc>, window_params = [{transform_indices = @transform_0, window_bounds = array<i64: 16, 131072>}, {transform_indices = @transform_1, window_bounds = array<i64: 16384, 128>}]} {
    %get3A = arith.constant 0 : index
    %get3A_0 = arith.constant 0 : index
    %get3A_1 = vector.load %arg1[%get3A, %get3A_0] : memref<16x131072xf32, #tpu.memory_space<vmem>>, vector<16x131072xf32>
    %slice3A = vector.extract_strided_slice %get3A_1 {offsets = [0, 0], sizes = [16, 16384], strides = [1, 1]} : vector<16x131072xf32> to vector<16x16384xf32>
    %slice3A_2 = vector.extract_strided_slice %get3A_1 {offsets = [0, 16384], sizes = [16, 16384], strides = [1, 1]} : vector<16x131072xf32> to vector<16x16384xf32>
    %slice3A_3 = vector.extract_strided_slice %get3A_1 {offsets = [0, 32768], sizes = [16, 16384], strides = [1, 1]} : vector<16x131072xf32> to vector<16x16384xf32>
    %slice3A_4 = vector.extract_strided_slice %get3A_1 {offsets = [0, 49152], sizes = [16, 16384], strides = [1, 1]} : vector<16x131072xf32> to vector<16x16384xf32>
    %slice3A_5 = vector.extract_strided_slice %get3A_1 {offsets = [0, 65536], sizes = [16, 16384], strides = [1, 1]} : vector<16x131072xf32> to vector<16x16384xf32>
    %slice3A_6 = vector.extract_strided_slice %get3A_1 {offsets = [0, 81920], sizes = [16, 16384], strides = [1, 1]} : vector<16x131072xf32> to vector<16x16384xf32>
    %slice3A_7 = vector.extract_strided_slice %get3A_1 {offsets = [0, 98304], sizes = [16, 16384], strides = [1, 1]} : vector<16x131072xf32> to vector<16x16384xf32>
    %slice3A_8 = vector.extract_strided_slice %get3A_1 {offsets = [0, 114688], sizes = [16, 16384], strides = [1, 1]} : vector<16x131072xf32> to vector<16x16384xf32>
    %concatenate3A = tpu.concatenate %slice3A, %slice3A_2, %slice3A_3, %slice3A_4, %slice3A_5, %slice3A_6, %slice3A_7, %slice3A_8 in 0 : vector<16x16384xf32>, vector<16x16384xf32>, vector<16x16384xf32>, vector<16x16384xf32>, vector<16x16384xf32>, vector<16x16384xf32>, vector<16x16384xf32>, vector<16x16384xf32> -> vector<128x16384xf32>
    %transpose3A = tpu.transpose %concatenate3A, [1, 0] : vector<128x16384xf32> -> vector<16384x128xf32>
    %swap3A = arith.constant 0 : index
    %swap3A_9 = arith.constant 0 : index
    %swap3A_10 = vector.load %arg2[%swap3A, %swap3A_9] : memref<16384x128xf32, #tpu.memory_space<vmem>>, vector<16384x128xf32>
    tpu.vector_store %arg2[%swap3A, %swap3A_9], %transpose3A {strides = array<i32>} : memref<16384x128xf32, #tpu.memory_space<vmem>>, vector<16384x128xf32>,
    return
  }
  func.func @transform_0(%arg0: i32) -> (i32, i32) {
    %c0_i32 = arith.constant 0 : i32
    %c0_i32_0 = arith.constant 0 : i32
    return %c0_i32, %arg0 : i32, i32
  }
  func.func @transform_1(%arg0: i32) -> (i32, i32) {
    %c0_i32 = arith.constant 0 : i32
    %c0_i32_0 = arith.constant 0 : i32
    return %arg0, %c0_i32 : i32, i32
  }
}

module attributes {stable_mosaic.version = 14 : i64} {
  func.func @_mlp_body(%arg0: i32, %arg1: memref<2048x1xf32, #tpu.memory_space<vmem>>, %arg2: memref<2048x1xf32, #tpu.memory_space<vmem>>, %arg3: memref<16x64xf32, #tpu.memory_space<vmem>>, %arg4: memref<1x64xf32, #tpu.memory_space<vmem>>, %arg5: memref<64x32xf32, #tpu.memory_space<vmem>>, %arg6: memref<1x32xf32, #tpu.memory_space<vmem>>, %arg7: memref<32x1xf32, #tpu.memory_space<vmem>>, %arg8: memref<1x1xf32, #tpu.memory_space<vmem>>, %arg9: memref<2048x1xf32, #tpu.memory_space<vmem>>) attributes {dimension_semantics = [#tpu.dimension_semantics<arbitrary>], iteration_bounds = array<i64: 8>, scalar_prefetch = 0 : i64, scratch_operands = 0 : i64, tpu.core_type = #tpu.core_type<tc>, window_params = [{transform_indices = @transform_0, window_bounds = array<i64: 2048, 1>}, {transform_indices = @transform_1, window_bounds = array<i64: 2048, 1>}, {pipeline_mode = #tpu.pipeline_mode<synchronous>, transform_indices = @transform_2, window_bounds = array<i64: 16, 64>}, {pipeline_mode = #tpu.pipeline_mode<synchronous>, transform_indices = @transform_3, window_bounds = array<i64: 1, 64>}, {pipeline_mode = #tpu.pipeline_mode<synchronous>, transform_indices = @transform_4, window_bounds = array<i64: 64, 32>}, {pipeline_mode = #tpu.pipeline_mode<synchronous>, transform_indices = @transform_5, window_bounds = array<i64: 1, 32>}, {pipeline_mode = #tpu.pipeline_mode<synchronous>, transform_indices = @transform_6, window_bounds = array<i64: 32, 1>}, {pipeline_mode = #tpu.pipeline_mode<synchronous>, transform_indices = @transform_7, window_bounds = array<i64: 1, 1>}, {transform_indices = @transform_8, window_bounds = array<i64: 2048, 1>}]} {
    %get3A = arith.constant 0 : index
    %get3A_0 = arith.constant 0 : index
    %get3A_1 = vector.load %arg3[%get3A, %get3A_0] : memref<16x64xf32, #tpu.memory_space<vmem>>, vector<16x64xf32>
    %reduce_sum3A = arith.constant dense<0.000000e+00> : vector<64xf32>
    %reduce_sum3A_2 = vector.multi_reduction <add>, %get3A_1, %reduce_sum3A [0] : vector<16x64xf32> to vector<64xf32>
    %broadcast_in_dim3A = vector.shape_cast %reduce_sum3A_2 : vector<64xf32> to vector<1x64xf32>
    %get3A_3 = arith.constant 0 : index
    %get3A_4 = arith.constant 0 : index
    %get3A_5 = vector.load %arg1[%get3A_3, %get3A_4] : memref<2048x1xf32, #tpu.memory_space<vmem>>, vector<2048x1xf32>
    %mul3A = vector.broadcast %get3A_5 : vector<2048x1xf32> to vector<2048x64xf32>
    %mul3A_6 = vector.broadcast %broadcast_in_dim3A : vector<1x64xf32> to vector<2048x64xf32>
    %mul3A_7 = arith.mulf %mul3A, %mul3A_6 : vector<2048x64xf32>
    %get3A_8 = arith.constant 0 : index
    %get3A_9 = arith.constant 0 : index
    %get3A_10 = vector.load %arg4[%get3A_8, %get3A_9] : memref<1x64xf32, #tpu.memory_space<vmem>>, vector<1x64xf32>
    %add3A = vector.broadcast %get3A_10 : vector<1x64xf32> to vector<2048x64xf32>
    %add3A_11 = arith.addf %mul3A_7, %add3A : vector<2048x64xf32>
    %max3A = arith.constant 0.000000e+00 : f32
    %max3A_12 = vector.broadcast %max3A : f32 to vector<2048x64xf32>
    %max3A_13 = arith.maximumf %add3A_11, %max3A_12 : vector<2048x64xf32>
    %get3A_14 = arith.constant 0 : index
    %get3A_15 = arith.constant 0 : index
    %get3A_16 = vector.load %arg5[%get3A_14, %get3A_15] : memref<64x32xf32, #tpu.memory_space<vmem>>, vector<64x32xf32>
    %dot_general3A = arith.constant dense<0.000000e+00> : vector<2048x32xf32>
    %dot_general3A_17 = tpu.matmul %max3A_13, %get3A_16, %dot_general3A {dimension_numbers = #tpu.dot_dimension_numbers<[1], [0], [0], [1], [0, 0, 1, 1], [], []>, transpose_lhs_hint = false} : vector<2048x64xf32>, vector<64x32xf32>, vector<2048x32xf32> -> vector<2048x32xf32>
    %get3A_18 = arith.constant 0 : index
    %get3A_19 = arith.constant 0 : index
    %get3A_20 = vector.load %arg6[%get3A_18, %get3A_19] : memref<1x32xf32, #tpu.memory_space<vmem>>, vector<1x32xf32>
    %add3A_21 = vector.broadcast %get3A_20 : vector<1x32xf32> to vector<2048x32xf32>
    %add3A_22 = arith.addf %dot_general3A_17, %add3A_21 : vector<2048x32xf32>
    %max3A_23 = arith.constant 0.000000e+00 : f32
    %max3A_24 = vector.broadcast %max3A_23 : f32 to vector<2048x32xf32>
    %max3A_25 = arith.maximumf %add3A_22, %max3A_24 : vector<2048x32xf32>
    %get3A_26 = arith.constant 0 : index
    %get3A_27 = arith.constant 0 : index
    %get3A_28 = vector.load %arg7[%get3A_26, %get3A_27] : memref<32x1xf32, #tpu.memory_space<vmem>>, vector<32x1xf32>
    %dot_general3A_29 = arith.constant dense<0.000000e+00> : vector<2048x1xf32>
    %dot_general3A_30 = tpu.matmul %max3A_25, %get3A_28, %dot_general3A_29 {dimension_numbers = #tpu.dot_dimension_numbers<[1], [0], [0], [1], [0, 0, 1, 1], [], []>, transpose_lhs_hint = false} : vector<2048x32xf32>, vector<32x1xf32>, vector<2048x1xf32> -> vector<2048x1xf32>
    %get3A_31 = arith.constant 0 : index
    %get3A_32 = arith.constant 0 : index
    %get3A_33 = vector.load %arg2[%get3A_31, %get3A_32] : memref<2048x1xf32, #tpu.memory_space<vmem>>, vector<2048x1xf32>
    %add3A_34 = arith.addf %dot_general3A_30, %get3A_33 : vector<2048x1xf32>
    %get3A_35 = arith.constant 0 : index
    %get3A_36 = arith.constant 0 : index
    %get3A_37 = vector.load %arg8[%get3A_35, %get3A_36] : memref<1x1xf32, #tpu.memory_space<vmem>>, vector<1x1xf32>
    %add3A_38 = vector.broadcast %get3A_37 : vector<1x1xf32> to vector<2048x1xf32>
    %add3A_39 = arith.addf %add3A_34, %add3A_38 : vector<2048x1xf32>
    %swap3A = arith.constant 0 : index
    %swap3A_40 = arith.constant 0 : index
    %swap3A_41 = vector.load %arg9[%swap3A, %swap3A_40] : memref<2048x1xf32, #tpu.memory_space<vmem>>, vector<2048x1xf32>
    tpu.vector_store %arg9[%swap3A, %swap3A_40], %add3A_39 {strides = array<i32>} : memref<2048x1xf32, #tpu.memory_space<vmem>>, vector<2048x1xf32>,
    return
  }
  func.func @transform_0(%arg0: i32) -> (i32, i32) {
    %c0_i32 = arith.constant 0 : i32
    %c0_i32_0 = arith.constant 0 : i32
    return %arg0, %c0_i32 : i32, i32
  }
  func.func @transform_1(%arg0: i32) -> (i32, i32) {
    %c0_i32 = arith.constant 0 : i32
    %c0_i32_0 = arith.constant 0 : i32
    return %arg0, %c0_i32 : i32, i32
  }
  func.func @transform_2(%arg0: i32) -> (i32, i32) {
    %c0_i32 = arith.constant 0 : i32
    %c0_i32_0 = arith.constant 0 : i32
    %c0_i32_1 = arith.constant 0 : i32
    return %c0_i32, %c0_i32_0 : i32, i32
  }
  func.func @transform_3(%arg0: i32) -> (i32, i32) {
    %c0_i32 = arith.constant 0 : i32
    %c0_i32_0 = arith.constant 0 : i32
    %c0_i32_1 = arith.constant 0 : i32
    return %c0_i32, %c0_i32_0 : i32, i32
  }
  func.func @transform_4(%arg0: i32) -> (i32, i32) {
    %c0_i32 = arith.constant 0 : i32
    %c0_i32_0 = arith.constant 0 : i32
    %c0_i32_1 = arith.constant 0 : i32
    return %c0_i32, %c0_i32_0 : i32, i32
  }
  func.func @transform_5(%arg0: i32) -> (i32, i32) {
    %c0_i32 = arith.constant 0 : i32
    %c0_i32_0 = arith.constant 0 : i32
    %c0_i32_1 = arith.constant 0 : i32
    return %c0_i32, %c0_i32_0 : i32, i32
  }
  func.func @transform_6(%arg0: i32) -> (i32, i32) {
    %c0_i32 = arith.constant 0 : i32
    %c0_i32_0 = arith.constant 0 : i32
    %c0_i32_1 = arith.constant 0 : i32
    return %c0_i32, %c0_i32_0 : i32, i32
  }
  func.func @transform_7(%arg0: i32) -> (i32, i32) {
    %c0_i32 = arith.constant 0 : i32
    %c0_i32_0 = arith.constant 0 : i32
    %c0_i32_1 = arith.constant 0 : i32
    return %c0_i32, %c0_i32_0 : i32, i32
  }
  func.func @transform_8(%arg0: i32) -> (i32, i32) {
    %c0_i32 = arith.constant 0 : i32
    %c0_i32_0 = arith.constant 0 : i32
    return %arg0, %c0_i32 : i32, i32
  }
}

</mosaic_0001>

<sc_bundles>
// kernel: kernel.6.cloned.1.call-start
scs
__scs_entry_jumppad:
0x0: {  	(pc) =	sbr.rel $0x88, $3  }
0x1: {  	(tag) =	ssettag $0x0;
	lr =	simm.s32 $0x1  }
0x2: {  	[smem:$0x3F97] =	sst lr;
	_ =	strace $0xD0000000  }
0x3: {  	_ = 	snop  }
0x4: {  	_ = 	snop  }
0x5: {  	_ = 	snop  }
0x6: {  	_ = 	snop  }
0x7: {  	_ = 	snop  }
__scs_overlays_trampoline_lowered:
0x8: {  	[smem:$0x3FA6] =	sst s0  }
0x9: {  	[smem:$0x3FA7] =	sst s1  }
0xa: {  	[smem:$0x3FA8] =	sst s2  }
0xb: {  	[smem:$0x3FA9] =	sst s3  }
0xc: {  	[smem:$0x3FAA] =	sst s4  }
0xd: {  	[smem:$0x3FAB] =	sst s5  }
0xe: {  	[smem:$0x3FAC] =	sst s6  }
0xf: {  	[smem:$0x3FAD] =	sst s7  }
0x10: {  	[smem:$0x3FAE] =	sst s8  }
0x11: {  	[smem:$0x3FAF] =	sst s9;
	s0 =	simm.s32 @!p0 $0x0  }
0x12: {  	s1 =	sld [smem:$0x3F95];
	s0 =	simm.s32 @p0 $0x1  }
0x13: {  	[smem:$0x3FB0] =	sst s0;
	s0 =	simm.s32 @!p1 $0x0  }
0x14: {  	s2 =	sld [smem:$0x3F94];
	s0 =	simm.s32 @p1 $0x1  }
0x15: {  	[smem:$0x3FB1] =	sst s0;
	s0 =	simm.s32 @!p2 $0x0  }
0x16: {  	s3 =	sld [smem:$0x3FDB];
	s0 =	simm.s32 @p2 $0x1  }
0x17: {  	s4 =	simm.s32 $0x1BF5;
	[smem:$0x3FB3] =	sst s0  }
0x18: {  	s0 =	sld [smem:$0x3F96];
	_ =	swait.ge [sflag:s4], $0x0  }
0x19: {  	s7 =	sld [smem:$0x3F97]  }
0x1a: {  	s8 =	sadd.s32 $0xFFFFE003, lr  }
0x1b: {  	s9 =	sadd.s32 $0xFFFFFEF7, lr;
	s5 =	simm.s32 $0xFFFFFFFF;
	p2 =	slt.u32 s8, $0xFFFFF086  }
0x1c: {  	p1 =	slt.u32 s9, $0xF7A;
	s5 =	simm.s32 @!p2 $0x0  }
0x1d: {  	s5 =	simm.s32 @p1 $0x1;
	p0 =	seq.s32 s7, s2  }
0x1e: {  	s7 =	smul.u32 @!p0 $0xF7A, s2;
	p2 =	seq.s32 @!p0 s5, $0x0  }
0x1f: {  	s9 =	smul.u32 $0xF7A, s1;
	s8 =	simm.s32 @!p0 $0x1BF5;
	p2 =	por !p2, p0  }
0x20: {  	[sflag:s8] =	ssyncset.s32 @!p0 $0xFFFFF086;
	s6 =	sadd.s32 @!p0 s3, s7;
	s7 =	simm.s32 @!p0 $0x108  }
0x21: {  	s3 =	sadd.s32 s3, s9;
	s6 =	sadd.s32 @!p0 $0x88, s6;
	s7 =	simm.s32 @p2 $0x1082  }
0x22: {  	[simem:s7], [sflag:s8] =	dma.local @!p0 [hbm:s6], $0xF7A  }
0x23: {  	s9 =	sor.u32 $0xD0000000, s2;
	s6 =	simm.s32 $0x108;
	_ =	swait.ge @!p0 [sflag:s8], $0x0  }
0x24: {  	s3 =	sadd.s32 $0x88, s3;
	s6 =	simm.s32 @!p1 $0x1082;
	[sflag:s4] =	ssyncset.s32 $0xFFFFF086  }
0x25: {  	[simem:s6], [sflag:s4] =	dma.local [hbm:s3], $0xF7A  }
0x26: {  	[smem:$0x3F97] =	sst s1;
	(tag) =	ssettag s2;
	_ =	strace s9  }
0x27: {  	s1 =	sld [smem:$0x3FA7]  }
0x28: {  	s2 =	sld [smem:$0x3FA8]  }
0x29: {  	s4 =	sld [smem:$0x3FAA]  }
0x2a: {  	p0 =	seq.s32 s5, $0x0;
	s5 =	sld [smem:$0x3FAB]  }
0x2b: {  	s6 =	sld [smem:$0x3FAC]  }
0x2c: {  	s7 =	sld [smem:$0x3FAD]  }
0x2d: {  	s3 =	simm.s32 $0x108;
	s8 =	sld [smem:$0x3FAE]  }
0x2e: {  	s3 =	simm.s32 @!p0 $0x1082;
	s9 =	sld [smem:$0x3FAF]  }
0x2f: {  	lr =	sadd.s32 s0, s3;
	s0 =	sld [smem:$0x3FA6]  }
0x30: {  	s3 =	sld [smem:$0x3FA9]  }
0x31: {  	[smem:$0x3FB2] =	sst s10  }
0x32: {  	s10 =	sld [smem:$0x3FB0];
	_ =	sdelay $0x3  }
0x33: {  	p0 =	seq.s32 s10, $0x1;
	s10 =	sld [smem:$0x3FB2];
	_ =	sdelay $0x3  }
0x34: {  	[smem:$0x3FB2] =	sst s10  }
0x35: {  	s10 =	sld [smem:$0x3FB1];
	_ =	sdelay $0x3  }
0x36: {  	p1 =	seq.s32 s10, $0x1;
	s10 =	sld [smem:$0x3FB2];
	_ =	sdelay $0x3  }
0x37: {  	[smem:$0x3FB2] =	sst s10  }
0x38: {  	s10 =	sld [smem:$0x3FB3]  }
0x39: {  	_ = 	snop;
	(pc) =	sbr.ind lr, $3  }
0x3a: {  	_ = 	snop  }
0x3b: {  	_ = 	snop  }
0x3c: {  	p2 =	seq.s32 s10, $0x1;
	s10 =	sld [smem:$0x3FB2]  }
0x3d: {  	_ =	shalt  }
0x3e: {  	_ =	shalt  }
0x3f: {  	_ =	shalt  }
0x40: {  	_ =	shalt  }
0x41: {  	_ =	shalt  }
0x42: {  	_ =	shalt  }
0x43: {  	_ =	shalt  }
0x44: {  	_ =	shalt  }
0x45: {  	_ =	shalt  }
0x46: {  	_ =	shalt  }
0x47: {  	_ =	shalt  }
0x48: {  	_ =	shalt  }
0x49: {  	_ =	shalt  }
0x4a: {  	_ =	shalt  }
0x4b: {  	_ =	shalt  }
0x4c: {  	_ =	shalt  }
0x4d: {  	_ =	shalt  }
0x4e: {  	_ =	shalt  }
0x4f: {  	_ =	shalt  }
0x50: {  	_ =	shalt  }
0x51: {  	_ =	shalt  }
0x52: {  	_ =	shalt  }
0x53: {  	_ =	shalt  }
0x54: {  	_ =	shalt  }
0x55: {  	_ =	shalt  }
0x56: {  	_ =	shalt  }
0x57: {  	_ =	shalt  }
0x58: {  	_ =	shalt  }
0x59: {  	_ =	shalt  }
0x5a: {  	_ =	shalt  }
0x5b: {  	_ =	shalt  }
0x5c: {  	_ =	shalt  }
0x5d: {  	_ =	shalt  }
0x5e: {  	_ =	shalt  }
0x5f: {  	_ =	shalt  }
0x60: {  	_ =	shalt  }
0x61: {  	_ =	shalt  }
0x62: {  	_ =	shalt  }
0x63: {  	_ =	shalt  }
0x64: {  	_ =	shalt  }
0x65: {  	_ =	shalt  }
0x66: {  	_ =	shalt  }
0x67: {  	_ =	shalt  }
0x68: {  	_ =	shalt  }
0x69: {  	_ =	shalt  }
0x6a: {  	_ =	shalt  }
0x6b: {  	_ =	shalt  }
0x6c: {  	_ =	shalt  }
0x6d: {  	_ =	shalt  }
0x6e: {  	_ =	shalt  }
0x6f: {  	_ =	shalt  }
0x70: {  	_ =	shalt  }
0x71: {  	_ =	shalt  }
0x72: {  	_ =	shalt  }
0x73: {  	_ =	shalt  }
0x74: {  	_ =	shalt  }
0x75: {  	_ =	shalt  }
0x76: {  	_ =	shalt  }
0x77: {  	_ =	shalt  }
0x78: {  	_ =	shalt  }
0x79: {  	_ =	shalt  }
0x7a: {  	_ =	shalt  }
0x7b: {  	_ =	shalt  }
0x7c: {  	_ =	shalt  }
0x7d: {  	_ =	shalt  }
0x7e: {  	_ =	shalt  }
0x7f: {  	_ =	shalt  }
0x80: {  	_ =	shalt  }
0x81: {  	_ =	shalt  }
0x82: {  	_ =	shalt  }
0x83: {  	_ =	shalt  }
0x84: {  	_ =	shalt  }
0x85: {  	_ =	shalt  }
0x86: {  	_ =	shalt  }
0x87: {  	_ =	shalt  }
.Lfunc_end0:
.L_simem_size_0:
called_computation_lowered:
.L_overlay_start_0:
0x88: {  	s2 =	sld [smem:$0x3FD9]  }
0x89: {  	s3 =	sld [smem:$0x3FFE];
	_ =	sdelay $0x1  }
0x8a: {  	s1 =	srdreg.scid  }
0x8b: {  	s0 =	sand.u32 $0x1, s1  }
0x8c: {  	s17 =	sshll.u32 s0, $0xA;
	s2 =	sadd.s32 s3, s2  }
0x8d: {  	s2 =	sadd.s32 s2, s17  }
0x8e: {  	[smem:$0x3FBE] =	sst s2  }
0x8f: {  	_ = 	snop  }
0x90: {  	s18 =	sld [smem:$0x3FD0];
	(tm) =	ssettm $0x1  }
0x91: {  	s19 =	sld [smem:$0x3FFB];
	_ =	sdelay $0x3  }
0x92: {  	_ =	strace s19  }
0x93: {  	s2 =	sld [smem:$0x3FFC];
	_ =	sdelay $0x3  }
0x94: {  	_ =	strace s2  }
0x95: {  	s2 =	sld [smem:$0x3FFD];
	_ =	sdelay $0x3  }
0x96: {  	_ =	strace s2  }
0x97: {  	_ =	strace $0x8FFFFFFF  }
0x98: {  	s20 =	sld [smem:$0x3FDB];
	_ =	sdelay $0x1  }
0x99: {  	s4 =	simm.s32 $_scs_section_size  }
0x9a: {  	s5 =	simm.s32 $_size__tile_overlayer_lowered;
	s6 =	simm.s32 $_tile_overlayer_lowered  }
0x9b: {  	s7 =	simm.s32 $0x1BFF;
	s21 =	sshll.u32 s6, $0x1;
	s4 =	sadd.s32 s4, s20  }
0x9c: {  	s22 =	simm.s32 $0x0;
	s5 =	sshll.u32 s5, $0x1;
	s6 =	sadd.s32 s21, s4  }
0x9d: {  	[timem:s22], [sflag:s7] =	dma.local [hbm:s6], s5  }
0x9e: {  	_ =	swait.ge [sflag:s7], s5  }
0x9f: {  	s5 =	ssub.s32 $0x0, s5;
	[sflag:s7] =	ssyncset.done $0x0  }
0xa0: {  	[sflag:s7] =	ssyncadd.s32 s5;
	_ =	sdelay $0x1  }
0xa1: {  	s23 =	simm.s32 $0x1B8B  }
0xa2: {  	_ =	swait.ge [sflag:s23], $0x1  }
0xa3: {  	[sflag:s23] =	ssyncset.done $0x0  }
0xa4: {  	[sflag:s23] =	ssyncadd.s32 $0xFFFFFFFF  }
0xa5: {  	s5 =	sld [smem:$0x0]  }
0xa6: {  	s6 =	sand.u32 $0xFFFFFFFE, s1  }
0xa7: {  	p0 =	sne.s32 s1, s6  }
0xa8: {  	s6 =	sshll.u32 @p0 s6, $0xE  }
0xa9: {  	s6 =	sadd.s32 @p0 $0x11B8D, s6;
	s7 =	sshll.u32 @p0 s5, $0x11  }
0xaa: {  	s6 =	sor.u32 @p0 s7, s6  }
0xab: {  	[sflag:s6] =	ssyncadd.remote.s32 @p0 $0x1;
	_ =	sdelay $0x1  }
0xac: {  	s6 =	simm.s32 @p0 $0x1B8D  }
0xad: {  	_ =	swait.eq @p0 [sflag:s6], $0x1  }
0xae: {  	[sflag:s6] =	ssyncadd.s32 @p0 $0xFFFFFFFF  }
0xaf: {  	s7 =	sshll.u32 @!p0 s1, $0xE  }
0xb0: {  	s7 =	sor.u32 @!p0 $0x4000, s7;
	s6 =	simm.s32 @!p0 $0x1B8D  }
0xb1: {  	s5 =	sshll.u32 @!p0 s5, $0x11;
	s7 =	sadd.s32 @!p0 $0x11B8D, s7;
	_ =	swait.eq @!p0 [sflag:s6], $0x1  }
0xb2: {  	s5 =	sor.u32 @!p0 s5, s7;
	[sflag:s6] =	ssyncadd.s32 @!p0 $0xFFFFFFFF  }
0xb3: {  	s25 =	simm.s32 $0x1B8E;
	s24 =	sld [smem:$0x3FFE];
	[sflag:s5] =	ssyncadd.remote.s32 @!p0 $0x1  }
0xb4: {  	s26 =	simm.s32 $execute0_lowered;
	[smem:$0x3FD2] =	sst s25  }
0xb5: {  	s6 =	sshll.u32 s26, $0x1;
	_ =	strace $0x80000049;
	[dreg:$0x1] =	wrdreg $0xFFFFFFFF  }
0xb6: {  	s28 =	simm.s32 $_size_execute0_lowered;
	s4 =	sadd.s32 s4, s6;
	[dreg:$0x0] =	wrdreg $0x0  }
0xb7: {  	s6 =	sshll.u32 s28, $0x1;
	[dreg:$0x2] =	wrdreg s4  }
0xb8: {  	[dreg:$0x3] =	wrdreg s6  }
0xb9: {  	[dreg:$0x4] =	wrdreg $0xC0  }
0xba: {  	_ =	task [dreg:s22], $0x5FFFF  }
0xbb: {  	[dreg:$0x1] =	wrdreg $0xFFFFFFFF  }
0xbc: {  	[dreg:$0x0] =	wrdreg $0x60  }
0xbd: {  	[dreg:$0x2] =	wrdreg s24  }
0xbe: {  	[dreg:$0x3] =	wrdreg s18  }
0xbf: {  	[dreg:$0x4] =	wrdreg $0x9  }
0xc0: {  	_ =	task.clear_ibuf [dreg:s22], $0x5FFFF;
	_ =	strace $0x90000049  }
0xc1: {  	s29 =	simm.s32 $0x9;
	_ =	strace $0x8000004B  }
0xc2: {  	_ =	swait.ge [sflag:s29], $0x1  }
0xc3: {  	[sflag:s29] =	ssyncadd.s32 $0xFFFFFFFF  }
0xc4: {  	_ =	strace $0x9000004B  }
0xc5: {  	_ =	sfence  }
0xc6: {  	s30 =	sld [smem:$0x0];
	_ =	sdelay $0x2  }
0xc7: {  	s31 =	sshll.u32 s1, $0xD;
	s1 =	sshrl.u32 s1, $0x2  }
0xc8: {  	s4 =	sand.u32 $0x4000, s31;
	s1 =	sadd.s32 s1, s30  }
0xc9: {  	s0 =	sor.u32 s4, s0;
	s1 =	sshll.u32 s1, $0x11  }
0xca: {  	s0 =	sor.u32 s1, s0  }
0xcb: {  	s0 =	sadd.s32 $0x8F2B, s0  }
0xcc: {  	[sflag:s0] =	ssyncadd.remote.s32 $0x1  }
0xcd: {  	_ =	sfence.sel $0xFFFF  }
0xce: {  	[dreg:$0x0] =	wrdreg $0xFFFFFFFF;
	(pc) =	sbr.abs _section_cstart, $3  }
0xcf: {  	[dreg:$0x1] =	wrdreg $0xFFFFFFFF  }
0xd0: {  	_ =	task.clear_ibuf [dreg:s22], $0x2FFFF;
	_ =	strace $0x9FFFFFFF  }
0xd1: {  	(tm) =	ssettm $0x7FFFFFFF  }
tec
execute0_lowered:
.L_overlay_start_1:
0x0: {  	(tag) =	ssettag $0x1  }
0x1: {  	v0 =	vlaneseq.u32;
	v5 =	vimm.s32 $0x60402;
	v7 =	vimm.s32 $0x1070503  }
0x2: {  	s1 =	srdreg.scid;
	v9 =	vimm.s32 $0x2000604;
	v11 =	vimm.s32 $0x3010705;
	v13 =	vimm.s32 $0x4020006  }
0x3: {  	s0 =	stileid.u32;
	s3 =	rddreg [dreg:$0x0];
	v15 =	vimm.s32 $0x5030107;
	v1 =	vand.u32 $0x3, v0;
	v0 =	vmul.u32 $0x1A, v0  }
0x4: {  	s5 =	rddreg [dreg:$0x1];
	s2 =	simm.s32 $0x0;
	s9 =	simm.s32 $0x3400;
	v5 =	vunpack.c.0.s8.s32 v5;
	v7 =	vunpack.c.0.s8.s32 v7;
	v9 =	vunpack.c.0.s8.s32 v9  }
0x5: {  	s10 =	simm.s32 $0x3468;
	s11 =	simm.s32 $0xD0;
	s12 =	simm.s32 $0x34D0;
	v11 =	vunpack.c.0.s8.s32 v11;
	v13 =	vunpack.c.0.s8.s32 v13;
	v15 =	vunpack.c.0.s8.s32 v15  }
0x6: {  	s13 =	simm.s32 $0x138;
	s14 =	simm.s32 $0x3538;
	s15 =	simm.s32 $0x2;
	v1 =	vmul.u32 $0x2, v1;
	v2 =	vor.u32 $0x1, v0;
	v4 =	vadd.s32 $0x2, v0  }
0x7: {  	s16 =	simm.s32 $0x3;
	s17 =	simm.s32 $0x4;
	s18 =	simm.s32 $0x5;
	v6 =	vadd.s32 $0x3, v0;
	v8 =	vadd.s32 $0x4, v0;
	v10 =	vadd.s32 $0x5, v0  }
0x8: {  	s19 =	simm.s32 $0x6800;
	s20 =	simm.s32 $0x6;
	s21 =	simm.s32 $0x0;
	v12 =	vadd.s32 $0x6, v0;
	v14 =	vadd.s32 $0x7, v0;
	v16 =	vadd.s32 $0x8, v0  }
0x9: {  	s4 =	sand.u32 $0x1, s1;
	s31 =	sshll.u32 s0, $0x1;
	s1 =	rddreg [dreg:$0x2];
	v17 =	vadd.s32 $0x9, v0;
	v18 =	vadd.s32 $0xA, v0;
	v19 =	vadd.s32 $0xB, v0  }
0xa: {  	[smem:$0x7FF] =	sst s2;
	s6 =	sor.u32 s4, s31;
	s4 =	ssub.s32 $0x2, s4;
	v20 =	vadd.s32 $0xC, v0;
	v21 =	vadd.s32 $0xD, v0;
	v22 =	vadd.s32 $0xE, v0  }
0xb: {  	s7 =	smul.u32 $0x680, s6;
	s8 =	sshrl.u32 s4, $0x1;
	s6 =	sshll.u32 s6, $0x6;
	v23 =	vadd.s32 $0xF, v0;
	v24 =	vadd.s32 $0x10, v0;
	v25 =	vadd.s32 $0x11, v0  }
0xc: {  	_ =	strace $0x8000004A;
	v26 =	vadd.s32 $0x12, v0;
	v27 =	vadd.s32 $0x13, v0;
	v28 =	vadd.s32 $0x14, v0;
	s8 =	ssub.s32 s4, s8;
	s5 =	sadd.s32 s5, s6  }
0xd: {  	v29 =	vadd.s32 $0x15, v0;
	v30 =	vadd.s32 $0x16, v0;
	v31 =	vadd.s32 $0x17, v0;
	s7 =	sadd.s32 s7, s3;
	s3 =	sadd.s32 $0x51F000, s3;
	s6 =	smax.u32 s8, $0x1  }
0xe: {  	v32 =	vadd.s32 $0x18, v0;
	v33 =	vadd.s32 $0x19, v0;
	v3 =	vor.u32 $0x1, v1;
	s8 =	simm.s32 $0x68;
	s4 =	sadd.s32 $0x1800, s7;
	s7 =	simm.s32 $0x1  }
.LBB2_1:
0xf: {  	[tilespmem:s2], [sflag:$0x1] =	stream.linear.gather [hbm4b:s4+s2], $0x3400, $0x38;
	[tilespmem:$0x6A00] =	vst v63  }
0x10: {  	_ =	swait.ge [sflag:s7], $0x3400  }
0x11: {  	[sflag:s7] =	ssyncset.done $0x0  }
0x12: {  	[sflag:s7] =	ssyncadd.s32 $0xFFFFCC00  }
0x13: {  	[tilespmem:s9], [sflag:$0x2] =	stream.indirect.gather [hbm4b:s3+s8], $0x1, s2, s8, $0xb8;
	[tilespmem:$0x6A00] =	vst v63  }
0x14: {  	_ = 	snop  }
0x15: {  	[tilespmem:s10], [sflag:$0x3] =	stream.indirect.gather [hbm4b:s3+s8], $0x1, s8, s8, $0xb8;
	[tilespmem:$0x6A00] =	vst v63  }
0x16: {  	_ = 	snop  }
0x17: {  	[tilespmem:s12], [sflag:$0x4] =	stream.indirect.gather [hbm4b:s3+s8], $0x1, s11, s8, $0xb8;
	[tilespmem:$0x6A00] =	vst v63  }
0x18: {  	_ = 	snop  }
0x19: {  	[tilespmem:s14], [sflag:$0x5] =	stream.indirect.gather [hbm4b:s3+s8], $0x1, s13, s8, $0xb8;
	[tilespmem:$0x6A00] =	vst v63  }
0x1a: {  	_ =	swait.ge [sflag:s15], $0x68  }
0x1b: {  	[sflag:s15] =	ssyncset.done $0x0  }
0x1c: {  	s22 =	simm.s32 $0x35A0;
	s23 =	simm.s32 $0x1A0;
	[sflag:s15] =	ssyncadd.s32 $0xFFFFFF98  }
0x1d: {  	[tilespmem:s22], [sflag:$0x2] =	stream.indirect.gather [hbm4b:s3+s8], $0x1, s23, s8, $0xb8;
	[tilespmem:$0x6A00] =	vst v63  }
0x1e: {  	_ =	swait.ge [sflag:s16], $0x68  }
0x1f: {  	[sflag:s16] =	ssyncset.done $0x0  }
0x20: {  	s28 =	simm.s32 $0x3608;
	s29 =	simm.s32 $0x208;
	[sflag:s16] =	ssyncadd.s32 $0xFFFFFF98  }
0x21: {  	[tilespmem:s28], [sflag:$0x3] =	stream.indirect.gather [hbm4b:s3+s8], $0x1, s29, s8, $0xb8;
	[tilespmem:$0x6A00] =	vst v63  }
0x22: {  	_ =	swait.ge [sflag:s17], $0x68  }
0x23: {  	[sflag:s17] =	ssyncset.done $0x0  }
0x24: {  	s30 =	simm.s32 $0x270;
	s31 =	simm.s32 $0x3670;
	[sflag:s17] =	ssyncadd.s32 $0xFFFFFF98  }
0x25: {  	[tilespmem:s31], [sflag:$0x4] =	stream.indirect.gather [hbm4b:s3+s8], $0x1, s30, s8, $0xb8;
	[tilespmem:$0x6A00] =	vst v63  }
0x26: {  	_ =	swait.ge [sflag:s18], $0x68  }
0x27: {  	s24 =	simm.s32 $0x2D8;
	[sflag:s18] =	ssyncset.done $0x0  }
0x28: {  	s22 =	simm.s32 $0x680;
	s23 =	simm.s32 $0x36D8;
	[sflag:s18] =	ssyncadd.s32 $0xFFFFFF98  }
.LBB2_2:
0x29: {  	[tilespmem:s23], [sflag:$0x5] =	stream.indirect.gather [hbm4b:s3+s8], $0x1, s24, s8, $0xb8;
	[tilespmem:$0x6A00] =	vst v63  }
0x2a: {  	s23 =	smov.u32 s22  }
0x2b: {  	p0 =	sne.s32 s22, $0xC300;
	s22 =	sadd.s32 $0x680, s22;
	_ =	swait.ge [sflag:s15], $0x68  }
0x2c: {  	s24 =	sshra.s32 s23, $0x2;
	[sflag:s15] =	ssyncset.done $0x0  }
0x2d: {  	s23 =	sadd.s32 $0x35A0, s24;
	s25 =	sadd.s32 $0x1A0, s24;
	[sflag:s15] =	ssyncadd.s32 $0xFFFFFF98  }
0x2e: {  	[tilespmem:s23], [sflag:$0x2] =	stream.indirect.gather [hbm4b:s3+s8], $0x1, s25, s8, $0xb8;
	[tilespmem:$0x6A00] =	vst v63  }
0x2f: {  	_ =	swait.ge [sflag:s16], $0x68  }
0x30: {  	[sflag:s16] =	ssyncset.done $0x0  }
0x31: {  	s23 =	sadd.s32 $0x3608, s24;
	s25 =	sadd.s32 $0x208, s24;
	[sflag:s16] =	ssyncadd.s32 $0xFFFFFF98  }
0x32: {  	[tilespmem:s23], [sflag:$0x3] =	stream.indirect.gather [hbm4b:s3+s8], $0x1, s25, s8, $0xb8;
	[tilespmem:$0x6A00] =	vst v63  }
0x33: {  	_ =	swait.ge [sflag:s17], $0x68  }
0x34: {  	s23 =	sadd.s32 $0x270, s24;
	[sflag:s17] =	ssyncset.done $0x0  }
.Ltmp0:
0x35: {  	s25 =	sadd.s32 $0x3670, s24;
	[sflag:s17] =	ssyncadd.s32 $0xFFFFFF98;
	(pc) =	sbr.rel @p0 .LBB2_2-.Ltmp0, $4  }
0x36: {  	[tilespmem:s25], [sflag:$0x4] =	stream.indirect.gather [hbm4b:s3+s8], $0x1, s23, s8, $0xb8;
	[tilespmem:$0x6A00] =	vst v63  }
0x37: {  	_ =	swait.ge [sflag:s18], $0x68  }
0x38: {  	[sflag:s18] =	ssyncset.done $0x0  }
0x39: {  	s23 =	sadd.s32 $0x36D8, s24;
	s24 =	sadd.s32 $0x2D8, s24;
	[sflag:s18] =	ssyncadd.s32 $0xFFFFFF98  }
0x3a: {  	[tilespmem:s23], [sflag:$0x5] =	stream.indirect.gather [hbm4b:s3+s8], $0x1, s24, s8, $0xb8;
	[tilespmem:$0x6A00] =	vst v63  }
0x3b: {  	s22 =	simm.s32 $0x0  }
0x3c: {  	_ =	swait.ge [sflag:s15], $0x68;
	v34 =	vmov s22  }
0x3d: {  	[sflag:s15] =	ssyncset.done $0x0;
	v34 =	vmul.u32 $0x1A, v34  }
0x3e: {  	[sflag:s15] =	ssyncadd.s32 $0xFFFFFF98  }
0x3f: {  	_ =	swait.ge [sflag:s16], $0x68;
	v34 =	vbroadcast v34, $0x0  }
0x40: {  	[sflag:s16] =	ssyncset.done $0x0  }
0x41: {  	[sflag:s16] =	ssyncadd.s32 $0xFFFFFF98;
	v35 =	vadd.s32 v0, v34  }
0x42: {  	_ =	swait.ge [sflag:s17], $0x68;
	v35 =	vand.u32 $0xFFFFFFF8, v35  }
0x43: {  	v36 =	vadd.s32 v2, v34;
	[sflag:s17] =	ssyncset.done $0x0;
	v35 =	vor.u32 v1, v35  }
0x44: {  	v36 =	vand.u32 $0xFFFFFFF8, v36;
	[sflag:s17] =	ssyncadd.s32 $0xFFFFFF98  }
0x45: {  	v37 =	vadd.s32 v4, v34;
	v36 =	vor.u32 v3, v36;
	_ =	swait.ge [sflag:s18], $0x68  }
0x46: {  	v37 =	vand.u32 $0xFFFFFFF8, v37;
	[sflag:s18] =	ssyncset.done $0x0  }
0x47: {  	v38 =	vadd.s32 v6, v34;
	v37 =	vor.u32 v5, v37;
	[sflag:s18] =	ssyncadd.s32 $0xFFFFFF98  }
0x48: {  	v38 =	vand.u32 $0xFFFFFFF8, v38;
	v35 =	vld.idx.msk [tilespmem:v35+s9+$0x0], $0xffff  }
0x49: {  	v39 =	vadd.s32 v8, v34;
	v38 =	vor.u32 v7, v38  }
0x4a: {  	v39 =	vand.u32 $0xFFFFFFF8, v39;
	v36 =	vld.idx.msk [tilespmem:v36+s9+$0x0], $0xffff  }
0x4b: {  	v40 =	vadd.s32 v10, v34;
	v39 =	vor.u32 v9, v39  }
0x4c: {  	v40 =	vand.u32 $0xFFFFFFF8, v40;
	v37 =	vld.idx.msk [tilespmem:v37+s9+$0x0], $0xffff  }
0x4d: {  	v41 =	vadd.s32 v12, v34;
	v40 =	vor.u32 v11, v40;
	v35 =	vadd.f32 $0.0e+00, v35  }
0x4e: {  	v41 =	vand.u32 $0xFFFFFFF8, v41;
	v38 =	vld.idx.msk [tilespmem:v38+s9+$0x0], $0xffff  }
0x4f: {  	v42 =	vadd.s32 v14, v34;
	v41 =	vor.u32 v13, v41;
	v35 =	vadd.f32 v36, v35  }
0x50: {  	v47 =	vand.u32 $0xFFFFFFF8, v42;
	v46 =	vld.idx.msk [tilespmem:v39+s9+$0x0], $0xffff  }
0x51: {  	v48 =	vadd.s32 v16, v34;
	v39 =	vor.u32 v15, v47;
	v35 =	vadd.f32 v37, v35  }
0x52: {  	v50 =	vand.u32 $0xFFFFFFF8, v48;
	v49 =	vld.idx.msk [tilespmem:v40+s9+$0x0], $0xffff  }
0x53: {  	v51 =	vadd.s32 v17, v34;
	v40 =	vor.u32 v1, v50;
	v35 =	vadd.f32 v38, v35  }
0x54: {  	v53 =	vand.u32 $0xFFFFFFF8, v51;
	v52 =	vld.idx.msk [tilespmem:v41+s9+$0x0], $0xffff  }
0x55: {  	v54 =	vadd.s32 v18, v34;
	v41 =	vor.u32 v3, v53;
	v35 =	vadd.f32 v46, v35  }
0x56: {  	v56 =	vand.u32 $0xFFFFFFF8, v54;
	v55 =	vld.idx.msk [tilespmem:v39+s9+$0x0], $0xffff  }
0x57: {  	v57 =	vadd.s32 v19, v34;
	v39 =	vor.u32 v5, v56;
	v35 =	vadd.f32 v49, v35  }
0x58: {  	v59 =	vand.u32 $0xFFFFFFF8, v57;
	v58 =	vld.idx.msk [tilespmem:v40+s9+$0x0], $0xffff  }
0x59: {  	v60 =	vadd.s32 v20, v34;
	v40 =	vor.u32 v7, v59;
	v35 =	vadd.f32 v52, v35  }
0x5a: {  	v62 =	vand.u32 $0xFFFFFFF8, v60;
	v61 =	vld.idx.msk [tilespmem:v41+s9+$0x0], $0xffff  }
0x5b: {  	v63 =	vadd.s32 v21, v34;
	v41 =	vor.u32 v9, v62;
	v35 =	vadd.f32 v55, v35  }
0x5c: {  	v45 =	vld.idx.msk [tilespmem:v39+s9+$0x0], $0xffff;
	v46 =	vand.u32 $0xFFFFFFF8, v63  }
0x5d: {  	v47 =	vadd.s32 v22, v34;
	v39 =	vor.u32 v11, v46;
	v35 =	vadd.f32 v58, v35  }
0x5e: {  	v48 =	vld.idx.msk [tilespmem:v40+s9+$0x0], $0xffff;
	v49 =	vand.u32 $0xFFFFFFF8, v47  }
0x5f: {  	v50 =	vadd.s32 v23, v34;
	v40 =	vor.u32 v13, v49;
	v35 =	vadd.f32 v61, v35  }
0x60: {  	v51 =	vld.idx.msk [tilespmem:v41+s9+$0x0], $0xffff;
	v52 =	vand.u32 $0xFFFFFFF8, v50  }
0x61: {  	v53 =	vadd.s32 v24, v34;
	v41 =	vor.u32 v15, v52;
	v35 =	vadd.f32 v45, v35  }
0x62: {  	v54 =	vld.idx.msk [tilespmem:v39+s9+$0x0], $0xffff;
	v55 =	vand.u32 $0xFFFFFFF8, v53  }
0x63: {  	v56 =	vadd.s32 v25, v34;
	v39 =	vor.u32 v1, v55;
	v35 =	vadd.f32 v48, v35  }
0x64: {  	v57 =	vld.idx.msk [tilespmem:v40+s9+$0x0], $0xffff;
	v58 =	vand.u32 $0xFFFFFFF8, v56  }
0x65: {  	v59 =	vadd.s32 v26, v34;
	v40 =	vor.u32 v3, v58;
	v35 =	vadd.f32 v51, v35  }
0x66: {  	v60 =	vld.idx.msk [tilespmem:v41+s9+$0x0], $0xffff;
	v61 =	vand.u32 $0xFFFFFFF8, v59  }
0x67: {  	v62 =	vadd.s32 v27, v34;
	v41 =	vor.u32 v5, v61;
	v35 =	vadd.f32 v54, v35  }
0x68: {  	v44 =	vand.u32 $0xFFFFFFF8, v62;
	v63 =	vld.idx.msk [tilespmem:v39+s9+$0x0], $0xffff  }
0x69: {  	v39 =	vor.u32 v7, v44;
	v45 =	vadd.s32 v28, v34;
	v35 =	vadd.f32 v57, v35  }
0x6a: {  	v47 =	vand.u32 $0xFFFFFFF8, v45;
	v46 =	vld.idx.msk [tilespmem:v40+s9+$0x0], $0xffff  }
0x6b: {  	v40 =	vor.u32 v9, v47;
	v48 =	vadd.s32 v29, v34;
	v35 =	vadd.f32 v60, v35  }
0x6c: {  	v50 =	vand.u32 $0xFFFFFFF8, v48;
	v49 =	vld.idx.msk [tilespmem:v41+s9+$0x0], $0xffff  }
0x6d: {  	v41 =	vor.u32 v11, v50;
	v51 =	vadd.s32 v30, v34;
	v35 =	vadd.f32 v63, v35  }
0x6e: {  	v52 =	vld.idx.msk [tilespmem:v39+s9+$0x0], $0xffff;
	v53 =	vand.u32 $0xFFFFFFF8, v51  }
0x6f: {  	v39 =	vor.u32 v13, v53;
	v54 =	vadd.s32 v31, v34;
	v35 =	vadd.f32 v46, v35  }
0x70: {  	v55 =	vld.idx.msk [tilespmem:v40+s9+$0x0], $0xffff;
	v56 =	vand.u32 $0xFFFFFFF8, v54  }
0x71: {  	v40 =	vor.u32 v15, v56;
	v57 =	vadd.s32 v32, v34;
	v35 =	vadd.f32 v49, v35  }
0x72: {  	v58 =	vld.idx.msk [tilespmem:v41+s9+$0x0], $0xffff;
	v59 =	vand.u32 $0xFFFFFFF8, v57  }
0x73: {  	v34 =	vadd.s32 v33, v34;
	v41 =	vor.u32 v1, v59;
	v35 =	vadd.f32 v52, v35  }
0x74: {  	v34 =	vand.u32 $0xFFFFFFF8, v34;
	v60 =	vld.idx.msk [tilespmem:v39+s9+$0x0], $0xffff  }
0x75: {  	s30 =	simm.s32 $0x10;
	v34 =	vor.u32 v3, v34;
	v35 =	vadd.f32 v55, v35  }
0x76: {  	v62 =	vmov s30;
	v61 =	vld.idx.msk [tilespmem:v40+s9+$0x0], $0xffff  }
0x77: {  	v39 =	vmul.u32 $0x1A, v62;
	v35 =	vadd.f32 v58, v35  }
0x78: {  	v63 =	vld.idx.msk [tilespmem:v41+s9+$0x0], $0xffff  }
0x79: {  	v39 =	vbroadcast v39, $0x0;
	v35 =	vadd.f32 v60, v35  }
0x7a: {  	v34 =	vld.idx.msk [tilespmem:v34+s9+$0x0], $0xffff  }
0x7b: {  	v42 =	vadd.s32 v0, v39;
	v35 =	vadd.f32 v61, v35  }
0x7c: {  	v36 =	vand.u32 $0xFFFFFFF8, v42  }
0x7d: {  	v43 =	vadd.s32 v2, v39;
	v36 =	vor.u32 v1, v36;
	v35 =	vadd.f32 v63, v35  }
0x7e: {  	v37 =	vand.u32 $0xFFFFFFF8, v43  }
0x7f: {  	v44 =	vadd.s32 v4, v39;
	v37 =	vor.u32 v3, v37;
	v34 =	vadd.f32 v34, v35  }
0x80: {  	s22 =	simm.s32 $0x6800;
	v45 =	vand.u32 $0xFFFFFFF8, v44  }
0x81: {  	v46 =	vadd.s32 v6, v39;
	v35 =	vor.u32 v5, v45;
	[tilespmem:s22+$0x0] =	vst v34  }
0x82: {  	v47 =	vand.u32 $0xFFFFFFF8, v46;
	v34 =	vld.idx.msk [tilespmem:v36+s9+$0x0], $0xffff  }
0x83: {  	v48 =	vadd.s32 v8, v39;
	v36 =	vor.u32 v7, v47  }
0x84: {  	v38 =	vand.u32 $0xFFFFFFF8, v48;
	v37 =	vld.idx.msk [tilespmem:v37+s9+$0x0], $0xffff  }
0x85: {  	v49 =	vadd.s32 v10, v39;
	v38 =	vor.u32 v9, v38  }
0x86: {  	v40 =	vand.u32 $0xFFFFFFF8, v49;
	v35 =	vld.idx.msk [tilespmem:v35+s9+$0x0], $0xffff  }
0x87: {  	v50 =	vadd.s32 v12, v39;
	v40 =	vor.u32 v11, v40;
	v34 =	vadd.f32 $0.0e+00, v34  }
0x88: {  	v41 =	vand.u32 $0xFFFFFFF8, v50;
	v36 =	vld.idx.msk [tilespmem:v36+s9+$0x0], $0xffff  }
0x89: {  	v51 =	vadd.s32 v14, v39;
	v41 =	vor.u32 v13, v41;
	v34 =	vadd.f32 v37, v34  }
0x8a: {  	v53 =	vand.u32 $0xFFFFFFF8, v51;
	v52 =	vld.idx.msk [tilespmem:v38+s9+$0x0], $0xffff  }
0x8b: {  	v54 =	vadd.s32 v16, v39;
	v38 =	vor.u32 v15, v53;
	v34 =	vadd.f32 v35, v34  }
0x8c: {  	v56 =	vand.u32 $0xFFFFFFF8, v54;
	v55 =	vld.idx.msk [tilespmem:v40+s9+$0x0], $0xffff  }
0x8d: {  	v57 =	vadd.s32 v17, v39;
	v40 =	vor.u32 v1, v56;
	v34 =	vadd.f32 v36, v34  }
0x8e: {  	v59 =	vand.u32 $0xFFFFFFF8, v57;
	v58 =	vld.idx.msk [tilespmem:v41+s9+$0x0], $0xffff  }
0x8f: {  	v60 =	vadd.s32 v18, v39;
	v41 =	vor.u32 v3, v59;
	v34 =	vadd.f32 v52, v34  }
0x90: {  	v62 =	vand.u32 $0xFFFFFFF8, v60;
	v61 =	vld.idx.msk [tilespmem:v38+s9+$0x0], $0xffff  }
0x91: {  	v63 =	vadd.s32 v19, v39;
	v38 =	vor.u32 v5, v62;
	v34 =	vadd.f32 v55, v34  }
0x92: {  	v46 =	vand.u32 $0xFFFFFFF8, v63;
	v45 =	vld.idx.msk [tilespmem:v40+s9+$0x0], $0xffff  }
0x93: {  	v47 =	vadd.s32 v20, v39;
	v40 =	vor.u32 v7, v46;
	v34 =	vadd.f32 v58, v34  }
0x94: {  	v49 =	vand.u32 $0xFFFFFFF8, v47;
	v48 =	vld.idx.msk [tilespmem:v41+s9+$0x0], $0xffff  }
0x95: {  	v50 =	vadd.s32 v21, v39;
	v41 =	vor.u32 v9, v49;
	v34 =	vadd.f32 v61, v34  }
0x96: {  	v51 =	vld.idx.msk [tilespmem:v38+s9+$0x0], $0xffff;
	v52 =	vand.u32 $0xFFFFFFF8, v50  }
0x97: {  	v53 =	vadd.s32 v22, v39;
	v38 =	vor.u32 v11, v52;
	v34 =	vadd.f32 v45, v34  }
0x98: {  	v54 =	vld.idx.msk [tilespmem:v40+s9+$0x0], $0xffff;
	v55 =	vand.u32 $0xFFFFFFF8, v53  }
0x99: {  	v56 =	vadd.s32 v23, v39;
	v40 =	vor.u32 v13, v55;
	v34 =	vadd.f32 v48, v34  }
0x9a: {  	v57 =	vld.idx.msk [tilespmem:v41+s9+$0x0], $0xffff;
	v58 =	vand.u32 $0xFFFFFFF8, v56  }
0x9b: {  	v59 =	vadd.s32 v24, v39;
	v41 =	vor.u32 v15, v58;
	v34 =	vadd.f32 v51, v34  }
0x9c: {  	v60 =	vld.idx.msk [tilespmem:v38+s9+$0x0], $0xffff;
	v61 =	vand.u32 $0xFFFFFFF8, v59  }
0x9d: {  	v62 =	vadd.s32 v25, v39;
	v38 =	vor.u32 v1, v61;
	v34 =	vadd.f32 v54, v34  }
0x9e: {  	v63 =	vld.idx.msk [tilespmem:v40+s9+$0x0], $0xffff;
	v45 =	vand.u32 $0xFFFFFFF8, v62  }
0x9f: {  	v46 =	vadd.s32 v26, v39;
	v40 =	vor.u32 v3, v45;
	v34 =	vadd.f32 v57, v34  }
0xa0: {  	v47 =	vld.idx.msk [tilespmem:v41+s9+$0x0], $0xffff;
	v48 =	vand.u32 $0xFFFFFFF8, v46  }
0xa1: {  	v49 =	vadd.s32 v27, v39;
	v41 =	vor.u32 v5, v48;
	v34 =	vadd.f32 v60, v34  }
0xa2: {  	v50 =	vld.idx.msk [tilespmem:v38+s9+$0x0], $0xffff;
	v51 =	vand.u32 $0xFFFFFFF8, v49  }
0xa3: {  	v52 =	vadd.s32 v28, v39;
	v38 =	vor.u32 v7, v51;
	v34 =	vadd.f32 v63, v34  }
0xa4: {  	v53 =	vld.idx.msk [tilespmem:v40+s9+$0x0], $0xffff;
	v54 =	vand.u32 $0xFFFFFFF8, v52  }
0xa5: {  	v55 =	vadd.s32 v29, v39;
	v40 =	vor.u32 v9, v54;
	v34 =	vadd.f32 v47, v34  }
0xa6: {  	v36 =	vand.u32 $0xFFFFFFF8, v55;
	v41 =	vld.idx.msk [tilespmem:v41+s9+$0x0], $0xffff  }
0xa7: {  	v56 =	vadd.s32 v30, v39;
	v36 =	vor.u32 v11, v36;
	v34 =	vadd.f32 v50, v34  }
0xa8: {  	v58 =	vand.u32 $0xFFFFFFF8, v56;
	v57 =	vld.idx.msk [tilespmem:v38+s9+$0x0], $0xffff  }
0xa9: {  	v59 =	vadd.s32 v31, v39;
	v38 =	vor.u32 v13, v58;
	v34 =	vadd.f32 v53, v34  }
0xaa: {  	v61 =	vadd.s32 v32, v39;
	v60 =	vand.u32 $0xFFFFFFF8, v59;
	v40 =	vld.idx.msk [tilespmem:v40+s9+$0x0], $0xffff  }
0xab: {  	v62 =	vand.u32 $0xFFFFFFF8, v61;
	v42 =	vor.u32 v15, v60;
	v34 =	vadd.f32 v41, v34  }
0xac: {  	v39 =	vadd.s32 v33, v39;
	v37 =	vor.u32 v1, v62;
	v35 =	vld.idx.msk [tilespmem:v36+s9+$0x0], $0xffff  }
0xad: {  	v63 =	vand.u32 $0xFFFFFFF8, v39;
	v34 =	vadd.f32 v57, v34  }
0xae: {  	v39 =	vor.u32 v3, v63;
	v36 =	vld.idx.msk [tilespmem:v38+s9+$0x0], $0xffff  }
0xaf: {  	s31 =	simm.s32 $0x20;
	v34 =	vadd.f32 v40, v34  }
0xb0: {  	s23 =	simm.s32 $0x30;
	v38 =	vld.idx.msk [tilespmem:v42+s9+$0x0], $0xffff;
	v40 =	vmov s31  }
.LBB2_4:
0xb1: {  	p0 =	sne.s32 s23, $0x1F0;
	v40 =	vmul.u32 $0x1A, v40;
	v35 =	vadd.f32 v35, v34;
	v37 =	vld.idx.msk [tilespmem:v37+s9+$0x0], $0xffff;
	_ =	sdelay $0x1  }
0xb2: {  	v34 =	vbroadcast v40, $0x0;
	v35 =	vadd.f32 v36, v35;
	v36 =	vld.idx.msk [tilespmem:v39+s9+$0x0], $0xffff;
	_ =	sdelay $0x1  }
0xb3: {  	v39 =	vadd.s32 v0, v34;
	v35 =	vadd.f32 v38, v35  }
0xb4: {  	v38 =	vand.u32 $0xFFFFFFF8, v39  }
0xb5: {  	v39 =	vadd.s32 v2, v34;
	v38 =	vor.u32 v1, v38;
	v35 =	vadd.f32 v37, v35  }
0xb6: {  	v37 =	vand.u32 $0xFFFFFFF8, v39  }
0xb7: {  	v39 =	vadd.s32 v4, v34;
	v37 =	vor.u32 v3, v37;
	v35 =	vadd.f32 v36, v35  }
0xb8: {  	s22 =	sadd.s32 $0x10, s22;
	v36 =	vand.u32 $0xFFFFFFF8, v39  }
0xb9: {  	v39 =	vadd.s32 v6, v34;
	v36 =	vor.u32 v5, v36;
	[tilespmem:s22+$0x0] =	vst v35  }
0xba: {  	v35 =	vld.idx.msk [tilespmem:v38+s9+$0x0], $0xffff;
	v38 =	vand.u32 $0xFFFFFFF8, v39  }
0xbb: {  	v39 =	vadd.s32 v8, v34;
	v38 =	vor.u32 v7, v38  }
0xbc: {  	v39 =	vand.u32 $0xFFFFFFF8, v39;
	v37 =	vld.idx.msk [tilespmem:v37+s9+$0x0], $0xffff  }
0xbd: {  	v40 =	vadd.s32 v10, v34;
	v39 =	vor.u32 v9, v39  }
0xbe: {  	v40 =	vand.u32 $0xFFFFFFF8, v40;
	v36 =	vld.idx.msk [tilespmem:v36+s9+$0x0], $0xffff  }
0xbf: {  	v41 =	vadd.s32 v12, v34;
	v40 =	vor.u32 v11, v40  }
0xc0: {  	v41 =	vand.u32 $0xFFFFFFF8, v41;
	v35 =	vadd.f32 $0.0e+00, v35;
	v38 =	vld.idx.msk [tilespmem:v38+s9+$0x0], $0xffff  }
0xc1: {  	v42 =	vadd.s32 v14, v34;
	v41 =	vor.u32 v13, v41  }
0xc2: {  	v35 =	vadd.f32 v37, v35;
	v37 =	vld.idx.msk [tilespmem:v39+s9+$0x0], $0xffff;
	v39 =	vand.u32 $0xFFFFFFF8, v42  }
0xc3: {  	v42 =	vadd.s32 v16, v34;
	v39 =	vor.u32 v15, v39  }
0xc4: {  	v35 =	vadd.f32 v36, v35;
	v36 =	vld.idx.msk [tilespmem:v40+s9+$0x0], $0xffff;
	v40 =	vand.u32 $0xFFFFFFF8, v42  }
0xc5: {  	v42 =	vadd.s32 v17, v34;
	v40 =	vor.u32 v1, v40  }
0xc6: {  	v35 =	vadd.f32 v38, v35;
	v38 =	vld.idx.msk [tilespmem:v41+s9+$0x0], $0xffff;
	v41 =	vand.u32 $0xFFFFFFF8, v42  }
0xc7: {  	v42 =	vadd.s32 v18, v34;
	v41 =	vor.u32 v3, v41  }
0xc8: {  	v35 =	vadd.f32 v37, v35;
	v37 =	vld.idx.msk [tilespmem:v39+s9+$0x0], $0xffff;
	v39 =	vand.u32 $0xFFFFFFF8, v42  }
0xc9: {  	v42 =	vadd.s32 v19, v34;
	v39 =	vor.u32 v5, v39  }
0xca: {  	v35 =	vadd.f32 v36, v35;
	v36 =	vld.idx.msk [tilespmem:v40+s9+$0x0], $0xffff;
	v40 =	vand.u32 $0xFFFFFFF8, v42  }
0xcb: {  	v42 =	vadd.s32 v20, v34;
	v40 =	vor.u32 v7, v40  }
0xcc: {  	v35 =	vadd.f32 v38, v35;
	v38 =	vld.idx.msk [tilespmem:v41+s9+$0x0], $0xffff;
	v41 =	vand.u32 $0xFFFFFFF8, v42  }
0xcd: {  	v42 =	vadd.s32 v21, v34;
	v41 =	vor.u32 v9, v41  }
0xce: {  	v35 =	vadd.f32 v37, v35;
	v37 =	vld.idx.msk [tilespmem:v39+s9+$0x0], $0xffff;
	v39 =	vand.u32 $0xFFFFFFF8, v42  }
0xcf: {  	v42 =	vadd.s32 v22, v34;
	v39 =	vor.u32 v11, v39  }
0xd0: {  	v35 =	vadd.f32 v36, v35;
	v36 =	vld.idx.msk [tilespmem:v40+s9+$0x0], $0xffff;
	v40 =	vand.u32 $0xFFFFFFF8, v42  }
0xd1: {  	v42 =	vadd.s32 v23, v34;
	v40 =	vor.u32 v13, v40  }
0xd2: {  	v35 =	vadd.f32 v38, v35;
	v38 =	vld.idx.msk [tilespmem:v41+s9+$0x0], $0xffff;
	v41 =	vand.u32 $0xFFFFFFF8, v42  }
0xd3: {  	v42 =	vadd.s32 v24, v34;
	v41 =	vor.u32 v15, v41  }
0xd4: {  	v35 =	vadd.f32 v37, v35;
	v37 =	vld.idx.msk [tilespmem:v39+s9+$0x0], $0xffff;
	v39 =	vand.u32 $0xFFFFFFF8, v42  }
0xd5: {  	v42 =	vadd.s32 v25, v34;
	v39 =	vor.u32 v1, v39  }
0xd6: {  	v35 =	vadd.f32 v36, v35;
	v36 =	vld.idx.msk [tilespmem:v40+s9+$0x0], $0xffff;
	v40 =	vand.u32 $0xFFFFFFF8, v42  }
0xd7: {  	v42 =	vadd.s32 v26, v34;
	v40 =	vor.u32 v3, v40  }
0xd8: {  	v35 =	vadd.f32 v38, v35;
	v38 =	vld.idx.msk [tilespmem:v41+s9+$0x0], $0xffff;
	v41 =	vand.u32 $0xFFFFFFF8, v42  }
0xd9: {  	v42 =	vadd.s32 v27, v34;
	v41 =	vor.u32 v5, v41  }
0xda: {  	v35 =	vadd.f32 v37, v35;
	v37 =	vld.idx.msk [tilespmem:v39+s9+$0x0], $0xffff;
	v39 =	vand.u32 $0xFFFFFFF8, v42  }
0xdb: {  	v42 =	vadd.s32 v28, v34;
	v39 =	vor.u32 v7, v39  }
0xdc: {  	v35 =	vadd.f32 v36, v35;
	v36 =	vld.idx.msk [tilespmem:v40+s9+$0x0], $0xffff;
	v40 =	vand.u32 $0xFFFFFFF8, v42  }
0xdd: {  	v42 =	vadd.s32 v29, v34;
	v40 =	vor.u32 v9, v40  }
0xde: {  	v35 =	vadd.f32 v38, v35;
	v38 =	vld.idx.msk [tilespmem:v41+s9+$0x0], $0xffff;
	v41 =	vand.u32 $0xFFFFFFF8, v42  }
0xdf: {  	v42 =	vadd.s32 v30, v34;
	v41 =	vor.u32 v11, v41  }
0xe0: {  	v35 =	vadd.f32 v37, v35;
	v37 =	vand.u32 $0xFFFFFFF8, v42;
	v39 =	vld.idx.msk [tilespmem:v39+s9+$0x0], $0xffff  }
0xe1: {  	v42 =	vor.u32 v13, v37;
	v37 =	vadd.s32 v31, v34  }
0xe2: {  	v35 =	vadd.f32 v36, v35;
	v36 =	vand.u32 $0xFFFFFFF8, v37;
	v40 =	vld.idx.msk [tilespmem:v40+s9+$0x0], $0xffff  }
0xe3: {  	v43 =	vor.u32 v15, v36;
	v36 =	vadd.s32 v32, v34  }
0xe4: {  	v38 =	vadd.f32 v38, v35;
	v36 =	vand.u32 $0xFFFFFFF8, v36;
	v35 =	vld.idx.msk [tilespmem:v41+s9+$0x0], $0xffff  }
.Ltmp1:
0xe5: {  	v34 =	vadd.s32 v33, v34;
	v37 =	vor.u32 v1, v36;
	(pc) =	sbr.rel @p0 .LBB2_4-.Ltmp1, $4  }
0xe6: {  	v34 =	vand.u32 $0xFFFFFFF8, v34;
	v38 =	vadd.f32 v39, v38;
	v36 =	vld.idx.msk [tilespmem:v42+s9+$0x0], $0xffff  }
0xe7: {  	v39 =	vor.u32 v3, v34  }
0xe8: {  	v34 =	vadd.f32 v40, v38;
	v38 =	vld.idx.msk [tilespmem:v43+s9+$0x0], $0xffff  }
0xe9: {  	v40 =	vmov s23;
	s23 =	sadd.s32 $0x10, s23  }
0xea: {  	_ =	sdelay $0x2  }
0xeb: {  	v40 =	vmul.u32 $0x1A, v40;
	v34 =	vadd.f32 v35, v34  }
0xec: {  	v57 =	vld.idx.msk [tilespmem:v37+s9+$0x0], $0xffff  }
0xed: {  	v37 =	vbroadcast v40, $0x0;
	v34 =	vadd.f32 v36, v34  }
0xee: {  	v58 =	vld.idx.msk [tilespmem:v39+s9+$0x0], $0xffff  }
0xef: {  	v59 =	vadd.s32 v0, v37;
	v34 =	vadd.f32 v38, v34  }
0xf0: {  	v60 =	vand.u32 $0xFFFFFFF8, v59  }
0xf1: {  	v61 =	vadd.s32 v2, v37;
	v38 =	vor.u32 v1, v60;
	v34 =	vadd.f32 v57, v34  }
0xf2: {  	v62 =	vand.u32 $0xFFFFFFF8, v61  }
0xf3: {  	v63 =	vadd.s32 v4, v37;
	v35 =	vor.u32 v3, v62;
	v34 =	vadd.f32 v58, v34  }
0xf4: {  	s22 =	sadd.s32 $0x10, s22;
	v42 =	vand.u32 $0xFFFFFFF8, v63  }
0xf5: {  	v43 =	vadd.s32 v6, v37;
	v36 =	vor.u32 v5, v42;
	[tilespmem:s22+$0x0] =	vst v34  }
0xf6: {  	v44 =	vand.u32 $0xFFFFFFF8, v43;
	v34 =	vld.idx.msk [tilespmem:v38+s9+$0x0], $0xffff  }
0xf7: {  	v45 =	vadd.s32 v8, v37;
	v38 =	vor.u32 v7, v44  }
0xf8: {  	v39 =	vand.u32 $0xFFFFFFF8, v45;
	v35 =	vld.idx.msk [tilespmem:v35+s9+$0x0], $0xffff  }
0xf9: {  	v40 =	vadd.s32 v10, v37;
	v39 =	vor.u32 v9, v39  }
0xfa: {  	v40 =	vand.u32 $0xFFFFFFF8, v40;
	v36 =	vld.idx.msk [tilespmem:v36+s9+$0x0], $0xffff  }
0xfb: {  	v41 =	vadd.s32 v12, v37;
	v40 =	vor.u32 v11, v40;
	v34 =	vadd.f32 $0.0e+00, v34  }
0xfc: {  	v41 =	vand.u32 $0xFFFFFFF8, v41;
	v38 =	vld.idx.msk [tilespmem:v38+s9+$0x0], $0xffff  }
0xfd: {  	v41 =	vor.u32 v13, v41;
	v42 =	vadd.s32 v14, v37;
	v34 =	vadd.f32 v35, v34  }
0xfe: {  	v47 =	vand.u32 $0xFFFFFFF8, v42;
	v46 =	vld.idx.msk [tilespmem:v39+s9+$0x0], $0xffff  }
0xff: {  	v48 =	vadd.s32 v16, v37;
	v39 =	vor.u32 v15, v47;
	v34 =	vadd.f32 v36, v34  }
0x100: {  	v50 =	vand.u32 $0xFFFFFFF8, v48;
	v49 =	vld.idx.msk [tilespmem:v40+s9+$0x0], $0xffff  }
0x101: {  	v51 =	vadd.s32 v17, v37;
	v40 =	vor.u32 v1, v50;
	v34 =	vadd.f32 v38, v34  }
0x102: {  	v53 =	vand.u32 $0xFFFFFFF8, v51;
	v52 =	vld.idx.msk [tilespmem:v41+s9+$0x0], $0xffff  }
0x103: {  	v54 =	vadd.s32 v18, v37;
	v41 =	vor.u32 v3, v53;
	v34 =	vadd.f32 v46, v34  }
0x104: {  	v56 =	vand.u32 $0xFFFFFFF8, v54;
	v55 =	vld.idx.msk [tilespmem:v39+s9+$0x0], $0xffff  }
0x105: {  	v57 =	vadd.s32 v19, v37;
	v39 =	vor.u32 v5, v56;
	v34 =	vadd.f32 v49, v34  }
0x106: {  	v59 =	vand.u32 $0xFFFFFFF8, v57;
	v58 =	vld.idx.msk [tilespmem:v40+s9+$0x0], $0xffff  }
0x107: {  	v60 =	vadd.s32 v20, v37;
	v40 =	vor.u32 v7, v59;
	v34 =	vadd.f32 v52, v34  }
0x108: {  	v62 =	vand.u32 $0xFFFFFFF8, v60;
	v61 =	vld.idx.msk [tilespmem:v41+s9+$0x0], $0xffff  }
0x109: {  	v63 =	vadd.s32 v21, v37;
	v41 =	vor.u32 v9, v62;
	v34 =	vadd.f32 v55, v34  }
0x10a: {  	v45 =	vld.idx.msk [tilespmem:v39+s9+$0x0], $0xffff;
	v46 =	vand.u32 $0xFFFFFFF8, v63  }
0x10b: {  	v47 =	vadd.s32 v22, v37;
	v39 =	vor.u32 v11, v46;
	v34 =	vadd.f32 v58, v34  }
0x10c: {  	v48 =	vld.idx.msk [tilespmem:v40+s9+$0x0], $0xffff;
	v49 =	vand.u32 $0xFFFFFFF8, v47  }
0x10d: {  	v50 =	vadd.s32 v23, v37;
	v40 =	vor.u32 v13, v49;
	v34 =	vadd.f32 v61, v34  }
0x10e: {  	v51 =	vld.idx.msk [tilespmem:v41+s9+$0x0], $0xffff;
	v52 =	vand.u32 $0xFFFFFFF8, v50  }
0x10f: {  	v53 =	vadd.s32 v24, v37;
	v41 =	vor.u32 v15, v52;
	v34 =	vadd.f32 v45, v34  }
0x110: {  	v54 =	vld.idx.msk [tilespmem:v39+s9+$0x0], $0xffff;
	v55 =	vand.u32 $0xFFFFFFF8, v53  }
0x111: {  	v56 =	vadd.s32 v25, v37;
	v39 =	vor.u32 v1, v55;
	v34 =	vadd.f32 v48, v34  }
0x112: {  	v57 =	vld.idx.msk [tilespmem:v40+s9+$0x0], $0xffff;
	v58 =	vand.u32 $0xFFFFFFF8, v56  }
0x113: {  	v59 =	vadd.s32 v26, v37;
	v40 =	vor.u32 v3, v58;
	v34 =	vadd.f32 v51, v34  }
0x114: {  	v60 =	vld.idx.msk [tilespmem:v41+s9+$0x0], $0xffff;
	v61 =	vand.u32 $0xFFFFFFF8, v59  }
0x115: {  	v62 =	vadd.s32 v27, v37;
	v41 =	vor.u32 v5, v61;
	v34 =	vadd.f32 v54, v34  }
0x116: {  	v44 =	vand.u32 $0xFFFFFFF8, v62;
	v63 =	vld.idx.msk [tilespmem:v39+s9+$0x0], $0xffff  }
0x117: {  	v39 =	vor.u32 v7, v44;
	v45 =	vadd.s32 v28, v37;
	v34 =	vadd.f32 v57, v34  }
0x118: {  	v47 =	vand.u32 $0xFFFFFFF8, v45;
	v46 =	vld.idx.msk [tilespmem:v40+s9+$0x0], $0xffff  }
0x119: {  	v40 =	vor.u32 v9, v47;
	v48 =	vadd.s32 v29, v37;
	v34 =	vadd.f32 v60, v34  }
0x11a: {  	v50 =	vand.u32 $0xFFFFFFF8, v48;
	v49 =	vld.idx.msk [tilespmem:v41+s9+$0x0], $0xffff  }
0x11b: {  	v41 =	vor.u32 v11, v50;
	v51 =	vadd.s32 v30, v37;
	v34 =	vadd.f32 v63, v34  }
0x11c: {  	v52 =	vld.idx.msk [tilespmem:v39+s9+$0x0], $0xffff;
	v53 =	vand.u32 $0xFFFFFFF8, v51  }
0x11d: {  	v39 =	vor.u32 v13, v53;
	v54 =	vadd.s32 v31, v37;
	v34 =	vadd.f32 v46, v34  }
0x11e: {  	v55 =	vld.idx.msk [tilespmem:v40+s9+$0x0], $0xffff;
	v56 =	vand.u32 $0xFFFFFFF8, v54  }
0x11f: {  	v40 =	vor.u32 v15, v56;
	v57 =	vadd.s32 v32, v37;
	v34 =	vadd.f32 v49, v34  }
0x120: {  	v58 =	vld.idx.msk [tilespmem:v41+s9+$0x0], $0xffff;
	v59 =	vand.u32 $0xFFFFFFF8, v57  }
0x121: {  	v37 =	vadd.s32 v33, v37;
	v41 =	vor.u32 v1, v59;
	v34 =	vadd.f32 v52, v34  }
0x122: {  	v37 =	vand.u32 $0xFFFFFFF8, v37;
	v60 =	vld.idx.msk [tilespmem:v39+s9+$0x0], $0xffff  }
0x123: {  	v37 =	vor.u32 v3, v37;
	v34 =	vadd.f32 v55, v34  }
0x124: {  	v61 =	vld.idx.msk [tilespmem:v40+s9+$0x0], $0xffff  }
0x125: {  	v34 =	vadd.f32 v58, v34  }
0x126: {  	v62 =	vld.idx.msk [tilespmem:v41+s9+$0x0], $0xffff  }
0x127: {  	v34 =	vadd.f32 v60, v34  }
0x128: {  	v63 =	vld.idx.msk [tilespmem:v37+s9+$0x0], $0xffff  }
0x129: {  	v34 =	vadd.f32 v61, v34;
	_ =	sdelay $0x1  }
0x12a: {  	v34 =	vadd.f32 v62, v34;
	_ =	sdelay $0x1  }
0x12b: {  	s21 =	sadd.s32 $0x1, s21;
	v34 =	vadd.f32 v63, v34  }
0x12c: {  	p0 =	sne.s32 s21, s6;
	s22 =	sadd.s32 $0x10, s22  }
.Ltmp2:
0x12d: {  	[tilespmem:s22+$0x0] =	vst v34;
	(pc) =	sbr.rel @p0 .LBB2_1-.Ltmp2, $4  }
0x12e: {  	[hbm4b:s5+s2] =	stream.linear.scatter [tilespmem:s19], [sflag:$0x6], $0x200, $0x38;
	[tilespmem:$0x6A00] =	vst v63  }
0x12f: {  	_ =	swait.ge [sflag:s20], $0x200  }
0x130: {  	[sflag:s20] =	ssyncset.done $0x0  }
0x131: {  	[sflag:s20] =	ssyncadd.s32 $0xFFFFFE00  }
0x132: {  	_ =	sfence.sel $0x180000  }
0x133: {  	[bflag:$0x0] =	sbarrier.arrive $0xFFFF  }
0x134: {  	p0 =	sne.s32 s0, $0x0;
	_ =	strace $0x9000004A  }
0x135: {  	s0 =	sadd.s32 @!p0 $0x100000, s1;
	[bflag:$0x2] =	sbarrier.arrive $0xFFFF  }
0x136: {  	[sflag:s0] =	ssyncadd.tile.s32 @!p0 $0x1;
	_ =	shalt  }
.Lfunc_end2:
_tile_overlayer_lowered:
.L_overlay_start_2:
0x137: {  	(tag) =	ssettag $0x2  }
0x138: {  	s0 =	rddreg [dreg:$0x0];
	s2 =	stileid.u32  }
0x139: {  	s1 =	rddreg [dreg:$0x1];
	p0 =	sne.s32 s2, $0x0  }
0x13a: {  	s3 =	rddreg [dreg:$0x2];
	[bflag:$0x3] =	sbarrier.arrive $0xFFFF;
	s2 =	simm.s32 @!p0 $0x1C06  }
0x13b: {  	[timem:s3], [sflag:s2] =	dma.local @!p0 [hbm:s0], s1  }
0x13c: {  	s0 =	simm.s32 @!p0 $0x6  }
0x13d: {  	_ =	swait.ge @!p0 [sflag:s0], s1  }
0x13e: {  	s1 =	ssub.s32 @!p0 $0x0, s1;
	[sflag:s0] =	ssyncset.done @!p0 $0x0  }
0x13f: {  	[sflag:s0] =	ssyncadd.s32 @!p0 s1  }
0x140: {  	[bflag:$0x3] =	sbarrier.arrive $0xFFFF  }
0x141: {  	_ =	shalt  }

// kernel: kernel.9.cloned.1.call-start
scs
__scs_entry_jumppad:
0x0: {  	(pc) =	sbr.rel $0x88, $3  }
0x1: {  	(tag) =	ssettag $0x0;
	lr =	simm.s32 $0x1  }
0x2: {  	[smem:$0x3F97] =	sst lr;
	_ =	strace $0xD0000000  }
0x3: {  	_ = 	snop  }
0x4: {  	_ = 	snop  }
0x5: {  	_ = 	snop  }
0x6: {  	_ = 	snop  }
0x7: {  	_ = 	snop  }
__scs_overlays_trampoline_lowered:
0x8: {  	[smem:$0x3FA6] =	sst s0  }
0x9: {  	[smem:$0x3FA7] =	sst s1  }
0xa: {  	[smem:$0x3FA8] =	sst s2  }
0xb: {  	[smem:$0x3FA9] =	sst s3  }
0xc: {  	[smem:$0x3FAA] =	sst s4  }
0xd: {  	[smem:$0x3FAB] =	sst s5  }
0xe: {  	[smem:$0x3FAC] =	sst s6  }
0xf: {  	[smem:$0x3FAD] =	sst s7  }
0x10: {  	[smem:$0x3FAE] =	sst s8  }
0x11: {  	[smem:$0x3FAF] =	sst s9;
	s0 =	simm.s32 @!p0 $0x0  }
0x12: {  	s1 =	sld [smem:$0x3F95];
	s0 =	simm.s32 @p0 $0x1  }
0x13: {  	[smem:$0x3FB0] =	sst s0;
	s0 =	simm.s32 @!p1 $0x0  }
0x14: {  	s2 =	sld [smem:$0x3F94];
	s0 =	simm.s32 @p1 $0x1  }
0x15: {  	[smem:$0x3FB1] =	sst s0;
	s0 =	simm.s32 @!p2 $0x0  }
0x16: {  	s3 =	sld [smem:$0x3FDB];
	s0 =	simm.s32 @p2 $0x1  }
0x17: {  	s4 =	simm.s32 $0x1BF5;
	[smem:$0x3FB3] =	sst s0  }
0x18: {  	s0 =	sld [smem:$0x3F96];
	_ =	swait.ge [sflag:s4], $0x0  }
0x19: {  	s7 =	sld [smem:$0x3F97]  }
0x1a: {  	s8 =	sadd.s32 $0xFFFFE003, lr  }
0x1b: {  	s9 =	sadd.s32 $0xFFFFFEF7, lr;
	s5 =	simm.s32 $0xFFFFFFFF;
	p2 =	slt.u32 s8, $0xFFFFF086  }
0x1c: {  	p1 =	slt.u32 s9, $0xF7A;
	s5 =	simm.s32 @!p2 $0x0  }
0x1d: {  	s5 =	simm.s32 @p1 $0x1;
	p0 =	seq.s32 s7, s2  }
0x1e: {  	s7 =	smul.u32 @!p0 $0xF7A, s2;
	p2 =	seq.s32 @!p0 s5, $0x0  }
0x1f: {  	s9 =	smul.u32 $0xF7A, s1;
	s8 =	simm.s32 @!p0 $0x1BF5;
	p2 =	por !p2, p0  }
0x20: {  	[sflag:s8] =	ssyncset.s32 @!p0 $0xFFFFF086;
	s6 =	sadd.s32 @!p0 s3, s7;
	s7 =	simm.s32 @!p0 $0x108  }
0x21: {  	s3 =	sadd.s32 s3, s9;
	s6 =	sadd.s32 @!p0 $0x88, s6;
	s7 =	simm.s32 @p2 $0x1082  }
0x22: {  	[simem:s7], [sflag:s8] =	dma.local @!p0 [hbm:s6], $0xF7A  }
0x23: {  	s9 =	sor.u32 $0xD0000000, s2;
	s6 =	simm.s32 $0x108;
	_ =	swait.ge @!p0 [sflag:s8], $0x0  }
0x24: {  	s3 =	sadd.s32 $0x88, s3;
	s6 =	simm.s32 @!p1 $0x1082;
	[sflag:s4] =	ssyncset.s32 $0xFFFFF086  }
0x25: {  	[simem:s6], [sflag:s4] =	dma.local [hbm:s3], $0xF7A  }
0x26: {  	[smem:$0x3F97] =	sst s1;
	(tag) =	ssettag s2;
	_ =	strace s9  }
0x27: {  	s1 =	sld [smem:$0x3FA7]  }
0x28: {  	s2 =	sld [smem:$0x3FA8]  }
0x29: {  	s4 =	sld [smem:$0x3FAA]  }
0x2a: {  	p0 =	seq.s32 s5, $0x0;
	s5 =	sld [smem:$0x3FAB]  }
0x2b: {  	s6 =	sld [smem:$0x3FAC]  }
0x2c: {  	s7 =	sld [smem:$0x3FAD]  }
0x2d: {  	s3 =	simm.s32 $0x108;
	s8 =	sld [smem:$0x3FAE]  }
0x2e: {  	s3 =	simm.s32 @!p0 $0x1082;
	s9 =	sld [smem:$0x3FAF]  }
0x2f: {  	lr =	sadd.s32 s0, s3;
	s0 =	sld [smem:$0x3FA6]  }
0x30: {  	s3 =	sld [smem:$0x3FA9]  }
0x31: {  	[smem:$0x3FB2] =	sst s10  }
0x32: {  	s10 =	sld [smem:$0x3FB0];
	_ =	sdelay $0x3  }
0x33: {  	p0 =	seq.s32 s10, $0x1;
	s10 =	sld [smem:$0x3FB2];
	_ =	sdelay $0x3  }
0x34: {  	[smem:$0x3FB2] =	sst s10  }
0x35: {  	s10 =	sld [smem:$0x3FB1];
	_ =	sdelay $0x3  }
0x36: {  	p1 =	seq.s32 s10, $0x1;
	s10 =	sld [smem:$0x3FB2];
	_ =	sdelay $0x3  }
0x37: {  	[smem:$0x3FB2] =	sst s10  }
0x38: {  	s10 =	sld [smem:$0x3FB3]  }
0x39: {  	_ = 	snop;
	(pc) =	sbr.ind lr, $3  }
0x3a: {  	_ = 	snop  }
0x3b: {  	_ = 	snop  }
0x3c: {  	p2 =	seq.s32 s10, $0x1;
	s10 =	sld [smem:$0x3FB2]  }
0x3d: {  	_ =	shalt  }
0x3e: {  	_ =	shalt  }
0x3f: {  	_ =	shalt  }
0x40: {  	_ =	shalt  }
0x41: {  	_ =	shalt  }
0x42: {  	_ =	shalt  }
0x43: {  	_ =	shalt  }
0x44: {  	_ =	shalt  }
0x45: {  	_ =	shalt  }
0x46: {  	_ =	shalt  }
0x47: {  	_ =	shalt  }
0x48: {  	_ =	shalt  }
0x49: {  	_ =	shalt  }
0x4a: {  	_ =	shalt  }
0x4b: {  	_ =	shalt  }
0x4c: {  	_ =	shalt  }
0x4d: {  	_ =	shalt  }
0x4e: {  	_ =	shalt  }
0x4f: {  	_ =	shalt  }
0x50: {  	_ =	shalt  }
0x51: {  	_ =	shalt  }
0x52: {  	_ =	shalt  }
0x53: {  	_ =	shalt  }
0x54: {  	_ =	shalt  }
0x55: {  	_ =	shalt  }
0x56: {  	_ =	shalt  }
0x57: {  	_ =	shalt  }
0x58: {  	_ =	shalt  }
0x59: {  	_ =	shalt  }
0x5a: {  	_ =	shalt  }
0x5b: {  	_ =	shalt  }
0x5c: {  	_ =	shalt  }
0x5d: {  	_ =	shalt  }
0x5e: {  	_ =	shalt  }
0x5f: {  	_ =	shalt  }
0x60: {  	_ =	shalt  }
0x61: {  	_ =	shalt  }
0x62: {  	_ =	shalt  }
0x63: {  	_ =	shalt  }
0x64: {  	_ =	shalt  }
0x65: {  	_ =	shalt  }
0x66: {  	_ =	shalt  }
0x67: {  	_ =	shalt  }
0x68: {  	_ =	shalt  }
0x69: {  	_ =	shalt  }
0x6a: {  	_ =	shalt  }
0x6b: {  	_ =	shalt  }
0x6c: {  	_ =	shalt  }
0x6d: {  	_ =	shalt  }
0x6e: {  	_ =	shalt  }
0x6f: {  	_ =	shalt  }
0x70: {  	_ =	shalt  }
0x71: {  	_ =	shalt  }
0x72: {  	_ =	shalt  }
0x73: {  	_ =	shalt  }
0x74: {  	_ =	shalt  }
0x75: {  	_ =	shalt  }
0x76: {  	_ =	shalt  }
0x77: {  	_ =	shalt  }
0x78: {  	_ =	shalt  }
0x79: {  	_ =	shalt  }
0x7a: {  	_ =	shalt  }
0x7b: {  	_ =	shalt  }
0x7c: {  	_ =	shalt  }
0x7d: {  	_ =	shalt  }
0x7e: {  	_ =	shalt  }
0x7f: {  	_ =	shalt  }
0x80: {  	_ =	shalt  }
0x81: {  	_ =	shalt  }
0x82: {  	_ =	shalt  }
0x83: {  	_ =	shalt  }
0x84: {  	_ =	shalt  }
0x85: {  	_ =	shalt  }
0x86: {  	_ =	shalt  }
0x87: {  	_ =	shalt  }
.Lfunc_end0:
.L_simem_size_0:
called_computation.1_lowered:
.L_overlay_start_0:
0x88: {  	s2 =	sld [smem:$0x3FD9]  }
0x89: {  	s3 =	sld [smem:$0x3FFE];
	_ =	sdelay $0x1  }
0x8a: {  	s1 =	srdreg.scid  }
0x8b: {  	s0 =	sand.u32 $0x1, s1  }
0x8c: {  	s16 =	sshll.u32 s0, $0xA;
	s2 =	sadd.s32 s3, s2  }
0x8d: {  	s2 =	sadd.s32 s2, s16  }
0x8e: {  	[smem:$0x3FBE] =	sst s2  }
0x8f: {  	_ = 	snop  }
0x90: {  	(tm) =	ssettm $0x1  }
0x91: {  	s17 =	sld [smem:$0x3FFB];
	_ =	sdelay $0x3  }
0x92: {  	_ =	strace s17  }
0x93: {  	s2 =	sld [smem:$0x3FFC];
	_ =	sdelay $0x3  }
0x94: {  	_ =	strace s2  }
0x95: {  	s2 =	sld [smem:$0x3FFD];
	_ =	sdelay $0x3  }
0x96: {  	_ =	strace s2  }
0x97: {  	_ =	strace $0x8FFFFFFF  }
0x98: {  	s18 =	sld [smem:$0x3FDB];
	_ =	sdelay $0x1  }
0x99: {  	s19 =	simm.s32 $_scs_section_size  }
0x9a: {  	s4 =	simm.s32 $_size__tile_overlayer_lowered;
	s5 =	simm.s32 $_tile_overlayer_lowered  }
0x9b: {  	s22 =	simm.s32 $0x1BFF;
	s21 =	sshll.u32 s5, $0x1;
	s2 =	sadd.s32 s19, s18  }
0x9c: {  	s6 =	simm.s32 $0x0;
	s20 =	sshll.u32 s4, $0x1;
	s4 =	sadd.s32 s21, s2  }
0x9d: {  	[timem:s6], [sflag:s22] =	dma.local [hbm:s4], s20  }
0x9e: {  	_ =	swait.ge [sflag:s22], s20  }
0x9f: {  	s3 =	ssub.s32 $0x0, s20;
	[sflag:s22] =	ssyncset.done $0x0  }
0xa0: {  	[sflag:s22] =	ssyncadd.s32 s3;
	_ =	sdelay $0x1  }
0xa1: {  	s23 =	simm.s32 $0x1B8B  }
0xa2: {  	_ =	swait.ge [sflag:s23], $0x1  }
0xa3: {  	[sflag:s23] =	ssyncset.done $0x0  }
0xa4: {  	s25 =	simm.s32 $0x1B8E;
	s24 =	sld [smem:$0x3FFE];
	[sflag:s23] =	ssyncadd.s32 $0xFFFFFFFF  }
0xa5: {  	s26 =	simm.s32 $execute0_lowered;
	[smem:$0x3FD2] =	sst s25  }
0xa6: {  	s4 =	sshll.u32 s26, $0x1;
	_ =	strace $0x80000046;
	[dreg:$0x1] =	wrdreg $0xFFFFFFFF  }
0xa7: {  	s28 =	simm.s32 $_size_execute0_lowered;
	s2 =	sadd.s32 s2, s4;
	[dreg:$0x0] =	wrdreg $0x0  }
0xa8: {  	s4 =	sshll.u32 s28, $0x1;
	[dreg:$0x2] =	wrdreg s2  }
0xa9: {  	[dreg:$0x3] =	wrdreg s4  }
0xaa: {  	[dreg:$0x4] =	wrdreg $0xC0  }
0xab: {  	_ =	task [dreg:s6], $0x5FFFF  }
0xac: {  	[dreg:$0x1] =	wrdreg $0xFFFFFFFF  }
0xad: {  	[dreg:$0x0] =	wrdreg $0x60  }
0xae: {  	[dreg:$0x2] =	wrdreg s24  }
0xaf: {  	[dreg:$0x3] =	wrdreg $0xA  }
0xb0: {  	_ =	task.clear_ibuf [dreg:s6], $0x4FFFF;
	_ =	strace $0x90000046  }
0xb1: {  	s29 =	simm.s32 $0xA;
	_ =	strace $0x80000048  }
0xb2: {  	_ =	swait.ge [sflag:s29], $0x1  }
0xb3: {  	[sflag:s29] =	ssyncadd.s32 $0xFFFFFFFF  }
0xb4: {  	_ =	strace $0x90000048  }
0xb5: {  	_ =	sfence  }
0xb6: {  	s30 =	sld [smem:$0x0];
	_ =	sdelay $0x2  }
0xb7: {  	s31 =	sshll.u32 s1, $0xD;
	s1 =	sshrl.u32 s1, $0x2  }
0xb8: {  	s3 =	sand.u32 $0x4000, s31;
	s1 =	sadd.s32 s1, s30  }
0xb9: {  	s0 =	sor.u32 s3, s0;
	s1 =	sshll.u32 s1, $0x11  }
0xba: {  	s0 =	sor.u32 s1, s0  }
0xbb: {  	s0 =	sadd.s32 $0x8F2B, s0  }
0xbc: {  	[sflag:s0] =	ssyncadd.remote.s32 $0x1  }
0xbd: {  	_ =	sfence.sel $0xFFFF  }
0xbe: {  	[dreg:$0x0] =	wrdreg $0xFFFFFFFF;
	(pc) =	sbr.abs _section_cstart, $3  }
0xbf: {  	[dreg:$0x1] =	wrdreg $0xFFFFFFFF  }
0xc0: {  	_ =	task.clear_ibuf [dreg:s6], $0x2FFFF;
	_ =	strace $0x9FFFFFFF  }
0xc1: {  	(tm) =	ssettm $0x7FFFFFFF  }
tec
execute0_lowered:
.L_overlay_start_1:
0x0: {  	(tag) =	ssettag $0x1  }
0x1: {  	s1 =	srdreg.scid  }
0x2: {  	s0 =	stileid.u32;
	s4 =	rddreg [dreg:$0x0];
	s2 =	simm.s32 $0x0  }
0x3: {  	s9 =	simm.s32 $0x3400;
	s10 =	simm.s32 $0x3A80;
	s11 =	simm.s32 $0xD0  }
0x4: {  	s12 =	simm.s32 $0x4100;
	s13 =	simm.s32 $0x138;
	s14 =	simm.s32 $0x4780  }
0x5: {  	s15 =	simm.s32 $0x2;
	s16 =	simm.s32 $0x3;
	s17 =	simm.s32 $0x4  }
0x6: {  	s18 =	simm.s32 $0x5;
	s19 =	simm.s32 $0x4E00;
	s20 =	simm.s32 $0x6E00  }
0x7: {  	s21 =	simm.s32 $0x6;
	s3 =	sand.u32 $0x1, s1;
	s1 =	rddreg [dreg:$0x1]  }
0x8: {  	s22 =	simm.s32 $0x0;
	s31 =	sshll.u32 s0, $0x1;
	[smem:$0x7FF] =	sst s2  }
0x9: {  	s5 =	sor.u32 s3, s31;
	_ =	strace $0x80000047;
	s7 =	ssub.s32 $0x2, s3  }
0xa: {  	s6 =	smul.u32 $0x680, s5;
	s5 =	sshll.u32 s5, $0x6;
	s8 =	sshrl.u32 s7, $0x1  }
0xb: {  	s3 =	sadd.s32 $0x1E800, s4;
	s5 =	sadd.s32 s5, s4;
	s7 =	ssub.s32 s7, s8  }
0xc: {  	v0 =	vlaneseq.u32;
	s8 =	simm.s32 $0x68;
	s6 =	sadd.s32 s6, s4;
	s5 =	sadd.s32 $0x51E800, s5  }
0xd: {  	v0 =	vmul.u32 $0x10, v0;
	s4 =	sadd.s32 $0x11800, s6;
	s6 =	smax.u32 s7, $0x1;
	s7 =	simm.s32 $0x1  }
.LBB2_1:
0xe: {  	[tilespmem:s2], [sflag:$0x1] =	stream.linear.gather [hbm4b:s4+s2], $0x3400, $0x38;
	[tilespmem:$0x7000] =	vst v63  }
0xf: {  	_ =	swait.ge [sflag:s7], $0x3400  }
0x10: {  	[sflag:s7] =	ssyncset.done $0x0  }
0x11: {  	[sflag:s7] =	ssyncadd.s32 $0xFFFFCC00  }
0x12: {  	[tilespmem:s9], [sflag:$0x2] =	stream.indirect.gather [hbm4b:s3+s8], $0x10, s2, s8, $0xb8;
	[tilespmem:$0x7000] =	vst v63  }
0x13: {  	_ = 	snop  }
0x14: {  	[tilespmem:s10], [sflag:$0x3] =	stream.indirect.gather [hbm4b:s3+s8], $0x10, s8, s8, $0xb8;
	[tilespmem:$0x7000] =	vst v63  }
0x15: {  	_ = 	snop  }
0x16: {  	[tilespmem:s12], [sflag:$0x4] =	stream.indirect.gather [hbm4b:s3+s8], $0x10, s11, s8, $0xb8;
	[tilespmem:$0x7000] =	vst v63  }
0x17: {  	s23 =	simm.s32 $0xFFFF3680;
	s24 =	simm.s32 $0x4E80  }
0x18: {  	[tilespmem:s14], [sflag:$0x5] =	stream.indirect.gather [hbm4b:s3+s8], $0x10, s13, s8, $0xb8;
	[tilespmem:$0x7000] =	vst v63  }
.LBB2_2:
0x19: {  	_ =	swait.ge [sflag:s15], $0x680  }
0x1a: {  	[sflag:s15] =	ssyncset.done $0x0  }
0x1b: {  	[sflag:s15] =	ssyncadd.s32 $0xFFFFF980  }
0x1c: {  	v1 =	vld [tilespmem:$0x3400]  }
0x1d: {  	v2 =	vld [tilespmem:$0x3410];
	_ =	sdelay $0x1  }
0x1e: {  	v3 =	vld [tilespmem:$0x3420];
	_ =	sdelay $0x1  }
0x1f: {  	v4 =	vld [tilespmem:$0x3430]  }
0x20: {  	v5 =	vmul.f32 v1, v1;
	v1 =	vadd.f32 v2, v1;
	v2 =	vmul.f32 v2, v2  }
0x21: {  	v6 =	vld [tilespmem:$0x3440]  }
0x22: {  	v2 =	vadd.f32 v2, v5;
	v1 =	vadd.f32 v3, v1;
	v3 =	vmul.f32 v3, v3  }
0x23: {  	v13 =	vld [tilespmem:$0x3450]  }
0x24: {  	v2 =	vadd.f32 v3, v2;
	v1 =	vadd.f32 v4, v1;
	v3 =	vmul.f32 v4, v4  }
0x25: {  	v14 =	vld [tilespmem:$0x3460]  }
0x26: {  	v2 =	vadd.f32 v3, v2;
	v1 =	vadd.f32 v6, v1;
	v3 =	vmul.f32 v6, v6  }
0x27: {  	v15 =	vld [tilespmem:$0x3470]  }
0x28: {  	v2 =	vadd.f32 v3, v2;
	v1 =	vadd.f32 v13, v1;
	v3 =	vmul.f32 v13, v13  }
0x29: {  	v16 =	vld [tilespmem:$0x3480]  }
0x2a: {  	v2 =	vadd.f32 v3, v2;
	v1 =	vadd.f32 v14, v1;
	v3 =	vmul.f32 v14, v14  }
0x2b: {  	v17 =	vld [tilespmem:$0x3490]  }
0x2c: {  	v2 =	vadd.f32 v3, v2;
	v1 =	vadd.f32 v15, v1;
	v3 =	vmul.f32 v15, v15  }
0x2d: {  	v18 =	vld [tilespmem:$0x34A0]  }
0x2e: {  	v2 =	vadd.f32 v3, v2;
	v1 =	vadd.f32 v16, v1;
	v3 =	vmul.f32 v16, v16  }
0x2f: {  	v19 =	vld [tilespmem:$0x34B0]  }
0x30: {  	v2 =	vadd.f32 v3, v2;
	v1 =	vadd.f32 v17, v1;
	v3 =	vmul.f32 v17, v17  }
0x31: {  	v20 =	vld [tilespmem:$0x34C0]  }
0x32: {  	v2 =	vadd.f32 v3, v2;
	v1 =	vadd.f32 v18, v1;
	v3 =	vmul.f32 v18, v18  }
0x33: {  	v21 =	vld [tilespmem:$0x34D0]  }
0x34: {  	v2 =	vadd.f32 v3, v2;
	v1 =	vadd.f32 v19, v1;
	v3 =	vmul.f32 v19, v19  }
0x35: {  	v22 =	vld [tilespmem:$0x34E0]  }
0x36: {  	v2 =	vadd.f32 v3, v2;
	v1 =	vadd.f32 v20, v1;
	v3 =	vmul.f32 v20, v20  }
0x37: {  	v23 =	vld [tilespmem:$0x34F0]  }
0x38: {  	v2 =	vadd.f32 v3, v2;
	v1 =	vadd.f32 v21, v1;
	v3 =	vmul.f32 v21, v21  }
0x39: {  	v24 =	vld [tilespmem:$0x3500]  }
0x3a: {  	v2 =	vadd.f32 v3, v2;
	v1 =	vadd.f32 v22, v1;
	v3 =	vmul.f32 v22, v22  }
0x3b: {  	v25 =	vld [tilespmem:$0x3510]  }
0x3c: {  	v2 =	vadd.f32 v3, v2;
	v1 =	vadd.f32 v23, v1;
	v3 =	vmul.f32 v23, v23  }
0x3d: {  	v26 =	vld [tilespmem:$0x3520]  }
0x3e: {  	v2 =	vadd.f32 v3, v2;
	v1 =	vadd.f32 v24, v1;
	v3 =	vmul.f32 v24, v24  }
0x3f: {  	v27 =	vld [tilespmem:$0x3530]  }
0x40: {  	v2 =	vadd.f32 v3, v2;
	v1 =	vadd.f32 v25, v1;
	v3 =	vmul.f32 v25, v25  }
0x41: {  	v28 =	vld [tilespmem:$0x3540]  }
0x42: {  	v2 =	vadd.f32 v3, v2;
	v1 =	vadd.f32 v26, v1;
	v3 =	vmul.f32 v26, v26  }
0x43: {  	v29 =	vld [tilespmem:$0x3550]  }
0x44: {  	v2 =	vadd.f32 v3, v2;
	v1 =	vadd.f32 v27, v1;
	v3 =	vmul.f32 v27, v27  }
0x45: {  	v30 =	vld [tilespmem:$0x3560]  }
0x46: {  	v2 =	vadd.f32 v3, v2;
	v1 =	vadd.f32 v28, v1;
	v3 =	vmul.f32 v28, v28  }
0x47: {  	v31 =	vld [tilespmem:$0x3570]  }
0x48: {  	v2 =	vadd.f32 v3, v2;
	v1 =	vadd.f32 v29, v1;
	v3 =	vmul.f32 v29, v29  }
0x49: {  	v32 =	vld [tilespmem:$0x3580]  }
0x4a: {  	v2 =	vadd.f32 v3, v2;
	v1 =	vadd.f32 v30, v1;
	v3 =	vmul.f32 v30, v30  }
0x4b: {  	v33 =	vld [tilespmem:$0x3590]  }
0x4c: {  	v2 =	vadd.f32 v3, v2;
	v1 =	vadd.f32 v31, v1;
	v3 =	vmul.f32 v31, v31;
	_ =	sdelay $0x1  }
0x4d: {  	v2 =	vadd.f32 v3, v2;
	v1 =	vadd.f32 v32, v1;
	v3 =	vmul.f32 v32, v32;
	_ =	sdelay $0x1  }
0x4e: {  	v2 =	vadd.f32 v3, v2;
	v1 =	vadd.f32 v33, v1;
	v3 =	vmul.f32 v33, v33;
	_ =	sdelay $0x1  }
0x4f: {  	v2 =	vadd.f32 v3, v2;
	v1 =	vmul.f32 v1, v1;
	_ =	sdelay $0x1  }
0x50: {  	v1 =	vsub.f32 v1, v2;
	_ =	sdelay $0x1  }
0x51: {  	[tilespmem:s24+$0xFFFFFF80] =	vst v1  }
0x52: {  	v1 =	vld [tilespmem:$0x35A0]  }
0x53: {  	v2 =	vld [tilespmem:$0x35B0];
	_ =	sdelay $0x1  }
0x54: {  	v3 =	vld [tilespmem:$0x35C0];
	_ =	sdelay $0x1  }
0x55: {  	v34 =	vld [tilespmem:$0x35D0]  }
0x56: {  	v35 =	vmul.f32 v1, v1;
	v1 =	vadd.f32 v2, v1;
	v2 =	vmul.f32 v2, v2  }
0x57: {  	v36 =	vld [tilespmem:$0x35E0]  }
0x58: {  	v2 =	vadd.f32 v2, v35;
	v1 =	vadd.f32 v3, v1;
	v3 =	vmul.f32 v3, v3  }
0x59: {  	v37 =	vld [tilespmem:$0x35F0]  }
0x5a: {  	v2 =	vadd.f32 v3, v2;
	v1 =	vadd.f32 v34, v1;
	v3 =	vmul.f32 v34, v34  }
0x5b: {  	v38 =	vld [tilespmem:$0x3600]  }
0x5c: {  	v2 =	vadd.f32 v3, v2;
	v1 =	vadd.f32 v36, v1;
	v3 =	vmul.f32 v36, v36  }
0x5d: {  	v39 =	vld [tilespmem:$0x3610]  }
0x5e: {  	v2 =	vadd.f32 v3, v2;
	v1 =	vadd.f32 v37, v1;
	v3 =	vmul.f32 v37, v37  }
0x5f: {  	v40 =	vld [tilespmem:$0x3620]  }
0x60: {  	v2 =	vadd.f32 v3, v2;
	v1 =	vadd.f32 v38, v1;
	v3 =	vmul.f32 v38, v38  }
0x61: {  	v41 =	vld [tilespmem:$0x3630]  }
0x62: {  	v2 =	vadd.f32 v3, v2;
	v1 =	vadd.f32 v39, v1;
	v3 =	vmul.f32 v39, v39  }
0x63: {  	v42 =	vld [tilespmem:$0x3640]  }
0x64: {  	v2 =	vadd.f32 v3, v2;
	v1 =	vadd.f32 v40, v1;
	v3 =	vmul.f32 v40, v40  }
0x65: {  	v43 =	vld [tilespmem:$0x3650]  }
0x66: {  	v2 =	vadd.f32 v3, v2;
	v1 =	vadd.f32 v41, v1;
	v3 =	vmul.f32 v41, v41  }
0x67: {  	v44 =	vld [tilespmem:$0x3660]  }
0x68: {  	v2 =	vadd.f32 v3, v2;
	v1 =	vadd.f32 v42, v1;
	v3 =	vmul.f32 v42, v42  }
0x69: {  	v45 =	vld [tilespmem:$0x3670]  }
0x6a: {  	v2 =	vadd.f32 v3, v2;
	v1 =	vadd.f32 v43, v1;
	v3 =	vmul.f32 v43, v43  }
0x6b: {  	v46 =	vld [tilespmem:$0x3680]  }
0x6c: {  	v2 =	vadd.f32 v3, v2;
	v1 =	vadd.f32 v44, v1;
	v3 =	vmul.f32 v44, v44  }
0x6d: {  	v47 =	vld [tilespmem:$0x3690]  }
0x6e: {  	v2 =	vadd.f32 v3, v2;
	v1 =	vadd.f32 v45, v1;
	v3 =	vmul.f32 v45, v45  }
0x6f: {  	v48 =	vld [tilespmem:$0x36A0]  }
0x70: {  	v2 =	vadd.f32 v3, v2;
	v1 =	vadd.f32 v46, v1;
	v3 =	vmul.f32 v46, v46  }
0x71: {  	v49 =	vld [tilespmem:$0x36B0]  }
0x72: {  	v2 =	vadd.f32 v3, v2;
	v1 =	vadd.f32 v47, v1;
	v3 =	vmul.f32 v47, v47  }
0x73: {  	v50 =	vld [tilespmem:$0x36C0]  }
0x74: {  	v2 =	vadd.f32 v3, v2;
	v1 =	vadd.f32 v48, v1;
	v3 =	vmul.f32 v48, v48  }
0x75: {  	v51 =	vld [tilespmem:$0x36D0]  }
0x76: {  	v2 =	vadd.f32 v3, v2;
	v1 =	vadd.f32 v49, v1;
	v3 =	vmul.f32 v49, v49  }
0x77: {  	v52 =	vld [tilespmem:$0x36E0]  }
0x78: {  	v2 =	vadd.f32 v3, v2;
	v1 =	vadd.f32 v50, v1;
	v3 =	vmul.f32 v50, v50  }
0x79: {  	v53 =	vld [tilespmem:$0x36F0]  }
0x7a: {  	v2 =	vadd.f32 v3, v2;
	v1 =	vadd.f32 v51, v1;
	v3 =	vmul.f32 v51, v51  }
0x7b: {  	v54 =	vld [tilespmem:$0x3700]  }
0x7c: {  	v2 =	vadd.f32 v3, v2;
	v1 =	vadd.f32 v52, v1;
	v3 =	vmul.f32 v52, v52  }
0x7d: {  	v55 =	vld [tilespmem:$0x3710]  }
0x7e: {  	v2 =	vadd.f32 v3, v2;
	v1 =	vadd.f32 v53, v1;
	v3 =	vmul.f32 v53, v53  }
0x7f: {  	v56 =	vld [tilespmem:$0x3720]  }
0x80: {  	v2 =	vadd.f32 v3, v2;
	v1 =	vadd.f32 v54, v1;
	v3 =	vmul.f32 v54, v54  }
0x81: {  	v57 =	vld [tilespmem:$0x3730]  }
0x82: {  	v2 =	vadd.f32 v3, v2;
	v1 =	vadd.f32 v55, v1;
	v3 =	vmul.f32 v55, v55;
	_ =	sdelay $0x1  }
0x83: {  	v2 =	vadd.f32 v3, v2;
	v1 =	vadd.f32 v56, v1;
	v3 =	vmul.f32 v56, v56;
	_ =	sdelay $0x1  }
0x84: {  	v2 =	vadd.f32 v3, v2;
	v1 =	vadd.f32 v57, v1;
	v3 =	vmul.f32 v57, v57;
	_ =	sdelay $0x1  }
0x85: {  	v2 =	vadd.f32 v3, v2;
	v1 =	vmul.f32 v1, v1;
	_ =	sdelay $0x1  }
0x86: {  	v1 =	vsub.f32 v1, v2;
	_ =	sdelay $0x1  }
0x87: {  	[tilespmem:s24+$0xFFFFFF90] =	vst v1  }
0x88: {  	v1 =	vld [tilespmem:$0x3740]  }
0x89: {  	v2 =	vld [tilespmem:$0x3750];
	_ =	sdelay $0x1  }
0x8a: {  	v3 =	vld [tilespmem:$0x3760];
	_ =	sdelay $0x1  }
0x8b: {  	v58 =	vld [tilespmem:$0x3770]  }
0x8c: {  	v59 =	vmul.f32 v1, v1;
	v1 =	vadd.f32 v2, v1;
	v2 =	vmul.f32 v2, v2  }
0x8d: {  	v60 =	vld [tilespmem:$0x3780]  }
0x8e: {  	v2 =	vadd.f32 v2, v59;
	v1 =	vadd.f32 v3, v1;
	v3 =	vmul.f32 v3, v3  }
0x8f: {  	v61 =	vld [tilespmem:$0x3790]  }
0x90: {  	v2 =	vadd.f32 v3, v2;
	v1 =	vadd.f32 v58, v1;
	v3 =	vmul.f32 v58, v58  }
0x91: {  	v62 =	vld [tilespmem:$0x37A0]  }
0x92: {  	v2 =	vadd.f32 v3, v2;
	v1 =	vadd.f32 v60, v1;
	v3 =	vmul.f32 v60, v60  }
0x93: {  	v63 =	vld [tilespmem:$0x37B0]  }
0x94: {  	v2 =	vadd.f32 v3, v2;
	v1 =	vadd.f32 v61, v1;
	v3 =	vmul.f32 v61, v61  }
0x95: {  	v9 =	vld [tilespmem:$0x37C0]  }
0x96: {  	v2 =	vadd.f32 v3, v2;
	v1 =	vadd.f32 v62, v1;
	v3 =	vmul.f32 v62, v62  }
0x97: {  	v10 =	vld [tilespmem:$0x37D0]  }
0x98: {  	v2 =	vadd.f32 v3, v2;
	v1 =	vadd.f32 v63, v1;
	v3 =	vmul.f32 v63, v63  }
0x99: {  	v11 =	vld [tilespmem:$0x37E0]  }
0x9a: {  	v2 =	vadd.f32 v3, v2;
	v1 =	vadd.f32 v9, v1;
	v3 =	vmul.f32 v9, v9  }
0x9b: {  	v12 =	vld [tilespmem:$0x37F0]  }
0x9c: {  	v2 =	vadd.f32 v3, v2;
	v1 =	vadd.f32 v10, v1;
	v3 =	vmul.f32 v10, v10  }
0x9d: {  	v13 =	vld [tilespmem:$0x3800]  }
0x9e: {  	v2 =	vadd.f32 v3, v2;
	v1 =	vadd.f32 v11, v1;
	v3 =	vmul.f32 v11, v11  }
0x9f: {  	v14 =	vld [tilespmem:$0x3810]  }
0xa0: {  	v2 =	vadd.f32 v3, v2;
	v1 =	vadd.f32 v12, v1;
	v3 =	vmul.f32 v12, v12  }
0xa1: {  	v15 =	vld [tilespmem:$0x3820]  }
0xa2: {  	v2 =	vadd.f32 v3, v2;
	v1 =	vadd.f32 v13, v1;
	v3 =	vmul.f32 v13, v13  }
0xa3: {  	v16 =	vld [tilespmem:$0x3830]  }
0xa4: {  	v2 =	vadd.f32 v3, v2;
	v1 =	vadd.f32 v14, v1;
	v3 =	vmul.f32 v14, v14  }
0xa5: {  	v17 =	vld [tilespmem:$0x3840]  }
0xa6: {  	v2 =	vadd.f32 v3, v2;
	v1 =	vadd.f32 v15, v1;
	v3 =	vmul.f32 v15, v15  }
0xa7: {  	v18 =	vld [tilespmem:$0x3850]  }
0xa8: {  	v2 =	vadd.f32 v3, v2;
	v1 =	vadd.f32 v16, v1;
	v3 =	vmul.f32 v16, v16  }
0xa9: {  	v19 =	vld [tilespmem:$0x3860]  }
0xaa: {  	v2 =	vadd.f32 v3, v2;
	v1 =	vadd.f32 v17, v1;
	v3 =	vmul.f32 v17, v17  }
0xab: {  	v20 =	vld [tilespmem:$0x3870]  }
0xac: {  	v2 =	vadd.f32 v3, v2;
	v1 =	vadd.f32 v18, v1;
	v3 =	vmul.f32 v18, v18  }
0xad: {  	v21 =	vld [tilespmem:$0x3880]  }
0xae: {  	v2 =	vadd.f32 v3, v2;
	v1 =	vadd.f32 v19, v1;
	v3 =	vmul.f32 v19, v19  }
0xaf: {  	v22 =	vld [tilespmem:$0x3890]  }
0xb0: {  	v2 =	vadd.f32 v3, v2;
	v1 =	vadd.f32 v20, v1;
	v3 =	vmul.f32 v20, v20  }
0xb1: {  	v23 =	vld [tilespmem:$0x38A0]  }
0xb2: {  	v2 =	vadd.f32 v3, v2;
	v1 =	vadd.f32 v21, v1;
	v3 =	vmul.f32 v21, v21  }
0xb3: {  	v24 =	vld [tilespmem:$0x38B0]  }
0xb4: {  	v2 =	vadd.f32 v3, v2;
	v1 =	vadd.f32 v22, v1;
	v3 =	vmul.f32 v22, v22  }
0xb5: {  	v25 =	vld [tilespmem:$0x38C0]  }
0xb6: {  	v2 =	vadd.f32 v3, v2;
	v1 =	vadd.f32 v23, v1;
	v3 =	vmul.f32 v23, v23  }
0xb7: {  	v26 =	vld [tilespmem:$0x38D0]  }
0xb8: {  	v2 =	vadd.f32 v3, v2;
	v1 =	vadd.f32 v24, v1;
	v3 =	vmul.f32 v24, v24;
	_ =	sdelay $0x1  }
0xb9: {  	v2 =	vadd.f32 v3, v2;
	v1 =	vadd.f32 v25, v1;
	v3 =	vmul.f32 v25, v25;
	_ =	sdelay $0x1  }
0xba: {  	v2 =	vadd.f32 v3, v2;
	v1 =	vadd.f32 v26, v1;
	v3 =	vmul.f32 v26, v26;
	_ =	sdelay $0x1  }
0xbb: {  	v2 =	vadd.f32 v3, v2;
	v1 =	vmul.f32 v1, v1;
	_ =	sdelay $0x1  }
0xbc: {  	v1 =	vsub.f32 v1, v2;
	_ =	sdelay $0x1  }
0xbd: {  	[tilespmem:s24+$0xFFFFFFA0] =	vst v1  }
0xbe: {  	v1 =	vld [tilespmem:$0x38E0]  }
0xbf: {  	v2 =	vld [tilespmem:$0x38F0];
	_ =	sdelay $0x1  }
0xc0: {  	v3 =	vld [tilespmem:$0x3900];
	_ =	sdelay $0x1  }
0xc1: {  	v27 =	vld [tilespmem:$0x3910]  }
0xc2: {  	v28 =	vmul.f32 v1, v1;
	v1 =	vadd.f32 v2, v1;
	v2 =	vmul.f32 v2, v2  }
0xc3: {  	v29 =	vld [tilespmem:$0x3920]  }
0xc4: {  	v2 =	vadd.f32 v2, v28;
	v1 =	vadd.f32 v3, v1;
	v3 =	vmul.f32 v3, v3  }
0xc5: {  	v30 =	vld [tilespmem:$0x3930]  }
0xc6: {  	v2 =	vadd.f32 v3, v2;
	v1 =	vadd.f32 v27, v1;
	v3 =	vmul.f32 v27, v27  }
0xc7: {  	v31 =	vld [tilespmem:$0x3940]  }
0xc8: {  	v2 =	vadd.f32 v3, v2;
	v1 =	vadd.f32 v29, v1;
	v3 =	vmul.f32 v29, v29  }
0xc9: {  	v32 =	vld [tilespmem:$0x3950]  }
0xca: {  	v2 =	vadd.f32 v3, v2;
	v1 =	vadd.f32 v30, v1;
	v3 =	vmul.f32 v30, v30  }
0xcb: {  	v33 =	vld [tilespmem:$0x3960]  }
0xcc: {  	v2 =	vadd.f32 v3, v2;
	v1 =	vadd.f32 v31, v1;
	v3 =	vmul.f32 v31, v31  }
0xcd: {  	v34 =	vld [tilespmem:$0x3970]  }
0xce: {  	v2 =	vadd.f32 v3, v2;
	v1 =	vadd.f32 v32, v1;
	v3 =	vmul.f32 v32, v32  }
0xcf: {  	v35 =	vld [tilespmem:$0x3980]  }
0xd0: {  	v2 =	vadd.f32 v3, v2;
	v1 =	vadd.f32 v33, v1;
	v3 =	vmul.f32 v33, v33  }
0xd1: {  	v36 =	vld [tilespmem:$0x3990]  }
0xd2: {  	v2 =	vadd.f32 v3, v2;
	v1 =	vadd.f32 v34, v1;
	v3 =	vmul.f32 v34, v34  }
0xd3: {  	v37 =	vld [tilespmem:$0x39A0]  }
0xd4: {  	v2 =	vadd.f32 v3, v2;
	v1 =	vadd.f32 v35, v1;
	v3 =	vmul.f32 v35, v35  }
0xd5: {  	v38 =	vld [tilespmem:$0x39B0]  }
0xd6: {  	v2 =	vadd.f32 v3, v2;
	v1 =	vadd.f32 v36, v1;
	v3 =	vmul.f32 v36, v36  }
0xd7: {  	v39 =	vld [tilespmem:$0x39C0]  }
0xd8: {  	v2 =	vadd.f32 v3, v2;
	v1 =	vadd.f32 v37, v1;
	v3 =	vmul.f32 v37, v37  }
0xd9: {  	v40 =	vld [tilespmem:$0x39D0]  }
0xda: {  	v2 =	vadd.f32 v3, v2;
	v1 =	vadd.f32 v38, v1;
	v3 =	vmul.f32 v38, v38  }
0xdb: {  	v41 =	vld [tilespmem:$0x39E0]  }
0xdc: {  	v2 =	vadd.f32 v3, v2;
	v1 =	vadd.f32 v39, v1;
	v3 =	vmul.f32 v39, v39  }
0xdd: {  	v42 =	vld [tilespmem:$0x39F0]  }
0xde: {  	v2 =	vadd.f32 v3, v2;
	v1 =	vadd.f32 v40, v1;
	v3 =	vmul.f32 v40, v40  }
0xdf: {  	v43 =	vld [tilespmem:$0x3A00]  }
0xe0: {  	v2 =	vadd.f32 v3, v2;
	v1 =	vadd.f32 v41, v1;
	v3 =	vmul.f32 v41, v41  }
0xe1: {  	v44 =	vld [tilespmem:$0x3A10]  }
0xe2: {  	v2 =	vadd.f32 v3, v2;
	v1 =	vadd.f32 v42, v1;
	v3 =	vmul.f32 v42, v42  }
0xe3: {  	v45 =	vld [tilespmem:$0x3A20]  }
0xe4: {  	v2 =	vadd.f32 v3, v2;
	v1 =	vadd.f32 v43, v1;
	v3 =	vmul.f32 v43, v43  }
0xe5: {  	v46 =	vld [tilespmem:$0x3A30]  }
0xe6: {  	v2 =	vadd.f32 v3, v2;
	v1 =	vadd.f32 v44, v1;
	v3 =	vmul.f32 v44, v44  }
0xe7: {  	v47 =	vld [tilespmem:$0x3A40]  }
0xe8: {  	v2 =	vadd.f32 v3, v2;
	v1 =	vadd.f32 v45, v1;
	v3 =	vmul.f32 v45, v45  }
0xe9: {  	v48 =	vld [tilespmem:$0x3A50]  }
0xea: {  	v2 =	vadd.f32 v3, v2;
	v1 =	vadd.f32 v46, v1;
	v3 =	vmul.f32 v46, v46  }
0xeb: {  	v49 =	vld [tilespmem:$0x3A60]  }
0xec: {  	v2 =	vadd.f32 v3, v2;
	v1 =	vadd.f32 v47, v1;
	v3 =	vmul.f32 v47, v47  }
0xed: {  	v50 =	vld [tilespmem:$0x3A70]  }
0xee: {  	v2 =	vadd.f32 v3, v2;
	v1 =	vadd.f32 v48, v1;
	v3 =	vmul.f32 v48, v48;
	_ =	sdelay $0x1  }
0xef: {  	v2 =	vadd.f32 v3, v2;
	v1 =	vadd.f32 v49, v1;
	v3 =	vmul.f32 v49, v49;
	_ =	sdelay $0x1  }
0xf0: {  	v2 =	vadd.f32 v3, v2;
	v1 =	vadd.f32 v50, v1;
	v3 =	vmul.f32 v50, v50;
	_ =	sdelay $0x1  }
0xf1: {  	v2 =	vadd.f32 v3, v2;
	v1 =	vmul.f32 v1, v1;
	_ =	sdelay $0x1  }
0xf2: {  	p0 =	seq.s32 s23, $0x0;
	v1 =	vsub.f32 v1, v2  }
0xf3: {  	s25 =	sshra.s32 @!p0 s23, $0x2  }
0xf4: {  	s26 =	simm.s32 @!p0 $0x68;
	s29 =	simm.s32 @!p0 $0x3400;
	s28 =	sadd.s32 @!p0 $0x3400, s25;
	[tilespmem:s24+$0xFFFFFFB0] =	vst v1  }
0xf5: {  	[tilespmem:s29], [sflag:$0x2] =	stream.indirect.gather @!p0 [hbm4b:s3+s26], $0x10, s28, s26, $0xb8;
	[tilespmem:$0x7000] =	vst v63  }
0xf6: {  	_ =	swait.ge [sflag:s16], $0x680  }
0xf7: {  	[sflag:s16] =	ssyncset.done $0x0  }
0xf8: {  	[sflag:s16] =	ssyncadd.s32 $0xFFFFF980  }
0xf9: {  	v1 =	vld [tilespmem:$0x3A80]  }
0xfa: {  	v2 =	vld [tilespmem:$0x3A90];
	_ =	sdelay $0x1  }
0xfb: {  	v3 =	vld [tilespmem:$0x3AA0];
	_ =	sdelay $0x1  }
0xfc: {  	v51 =	vld [tilespmem:$0x3AB0]  }
0xfd: {  	v52 =	vmul.f32 v1, v1;
	v1 =	vadd.f32 v2, v1;
	v2 =	vmul.f32 v2, v2  }
0xfe: {  	v53 =	vld [tilespmem:$0x3AC0]  }
0xff: {  	v2 =	vadd.f32 v2, v52;
	v1 =	vadd.f32 v3, v1;
	v3 =	vmul.f32 v3, v3  }
0x100: {  	v54 =	vld [tilespmem:$0x3AD0]  }
0x101: {  	v2 =	vadd.f32 v3, v2;
	v1 =	vadd.f32 v51, v1;
	v3 =	vmul.f32 v51, v51  }
0x102: {  	v55 =	vld [tilespmem:$0x3AE0]  }
0x103: {  	v2 =	vadd.f32 v3, v2;
	v1 =	vadd.f32 v53, v1;
	v3 =	vmul.f32 v53, v53  }
0x104: {  	v56 =	vld [tilespmem:$0x3AF0]  }
0x105: {  	v2 =	vadd.f32 v3, v2;
	v1 =	vadd.f32 v54, v1;
	v3 =	vmul.f32 v54, v54  }
0x106: {  	v57 =	vld [tilespmem:$0x3B00]  }
0x107: {  	v2 =	vadd.f32 v3, v2;
	v1 =	vadd.f32 v55, v1;
	v3 =	vmul.f32 v55, v55  }
0x108: {  	v58 =	vld [tilespmem:$0x3B10]  }
0x109: {  	v2 =	vadd.f32 v3, v2;
	v1 =	vadd.f32 v56, v1;
	v3 =	vmul.f32 v56, v56  }
0x10a: {  	v59 =	vld [tilespmem:$0x3B20]  }
0x10b: {  	v2 =	vadd.f32 v3, v2;
	v1 =	vadd.f32 v57, v1;
	v3 =	vmul.f32 v57, v57  }
0x10c: {  	v60 =	vld [tilespmem:$0x3B30]  }
0x10d: {  	v2 =	vadd.f32 v3, v2;
	v1 =	vadd.f32 v58, v1;
	v3 =	vmul.f32 v58, v58  }
0x10e: {  	v61 =	vld [tilespmem:$0x3B40]  }
0x10f: {  	v2 =	vadd.f32 v3, v2;
	v1 =	vadd.f32 v59, v1;
	v3 =	vmul.f32 v59, v59  }
0x110: {  	v62 =	vld [tilespmem:$0x3B50]  }
0x111: {  	v2 =	vadd.f32 v3, v2;
	v1 =	vadd.f32 v60, v1;
	v3 =	vmul.f32 v60, v60  }
0x112: {  	v63 =	vld [tilespmem:$0x3B60]  }
0x113: {  	v2 =	vadd.f32 v3, v2;
	v1 =	vadd.f32 v61, v1;
	v3 =	vmul.f32 v61, v61  }
0x114: {  	v9 =	vld [tilespmem:$0x3B70]  }
0x115: {  	v2 =	vadd.f32 v3, v2;
	v1 =	vadd.f32 v62, v1;
	v3 =	vmul.f32 v62, v62  }
0x116: {  	v10 =	vld [tilespmem:$0x3B80]  }
0x117: {  	v2 =	vadd.f32 v3, v2;
	v1 =	vadd.f32 v63, v1;
	v3 =	vmul.f32 v63, v63  }
0x118: {  	v11 =	vld [tilespmem:$0x3B90]  }
0x119: {  	v2 =	vadd.f32 v3, v2;
	v1 =	vadd.f32 v9, v1;
	v3 =	vmul.f32 v9, v9  }
0x11a: {  	v12 =	vld [tilespmem:$0x3BA0]  }
0x11b: {  	v2 =	vadd.f32 v3, v2;
	v1 =	vadd.f32 v10, v1;
	v3 =	vmul.f32 v10, v10  }
0x11c: {  	v13 =	vld [tilespmem:$0x3BB0]  }
0x11d: {  	v2 =	vadd.f32 v3, v2;
	v1 =	vadd.f32 v11, v1;
	v3 =	vmul.f32 v11, v11  }
0x11e: {  	v14 =	vld [tilespmem:$0x3BC0]  }
0x11f: {  	v2 =	vadd.f32 v3, v2;
	v1 =	vadd.f32 v12, v1;
	v3 =	vmul.f32 v12, v12  }
0x120: {  	v15 =	vld [tilespmem:$0x3BD0]  }
0x121: {  	v2 =	vadd.f32 v3, v2;
	v1 =	vadd.f32 v13, v1;
	v3 =	vmul.f32 v13, v13  }
0x122: {  	v16 =	vld [tilespmem:$0x3BE0]  }
0x123: {  	v2 =	vadd.f32 v3, v2;
	v1 =	vadd.f32 v14, v1;
	v3 =	vmul.f32 v14, v14  }
0x124: {  	v17 =	vld [tilespmem:$0x3BF0]  }
0x125: {  	v2 =	vadd.f32 v3, v2;
	v1 =	vadd.f32 v15, v1;
	v3 =	vmul.f32 v15, v15  }
0x126: {  	v18 =	vld [tilespmem:$0x3C00]  }
0x127: {  	v2 =	vadd.f32 v3, v2;
	v1 =	vadd.f32 v16, v1;
	v3 =	vmul.f32 v16, v16  }
0x128: {  	v19 =	vld [tilespmem:$0x3C10]  }
0x129: {  	v2 =	vadd.f32 v3, v2;
	v1 =	vadd.f32 v17, v1;
	v3 =	vmul.f32 v17, v17;
	_ =	sdelay $0x1  }
0x12a: {  	v2 =	vadd.f32 v3, v2;
	v1 =	vadd.f32 v18, v1;
	v3 =	vmul.f32 v18, v18;
	_ =	sdelay $0x1  }
0x12b: {  	v2 =	vadd.f32 v3, v2;
	v1 =	vadd.f32 v19, v1;
	v3 =	vmul.f32 v19, v19;
	_ =	sdelay $0x1  }
0x12c: {  	v2 =	vadd.f32 v3, v2;
	v1 =	vmul.f32 v1, v1;
	_ =	sdelay $0x1  }
0x12d: {  	v1 =	vsub.f32 v1, v2;
	_ =	sdelay $0x1  }
0x12e: {  	[tilespmem:s24+$0xFFFFFFC0] =	vst v1  }
0x12f: {  	v1 =	vld [tilespmem:$0x3C20]  }
0x130: {  	v2 =	vld [tilespmem:$0x3C30];
	_ =	sdelay $0x1  }
0x131: {  	v3 =	vld [tilespmem:$0x3C40];
	_ =	sdelay $0x1  }
0x132: {  	v20 =	vld [tilespmem:$0x3C50]  }
0x133: {  	v21 =	vmul.f32 v1, v1;
	v1 =	vadd.f32 v2, v1;
	v2 =	vmul.f32 v2, v2  }
0x134: {  	v22 =	vld [tilespmem:$0x3C60]  }
0x135: {  	v2 =	vadd.f32 v2, v21;
	v1 =	vadd.f32 v3, v1;
	v3 =	vmul.f32 v3, v3  }
0x136: {  	v23 =	vld [tilespmem:$0x3C70]  }
0x137: {  	v2 =	vadd.f32 v3, v2;
	v1 =	vadd.f32 v20, v1;
	v3 =	vmul.f32 v20, v20  }
0x138: {  	v24 =	vld [tilespmem:$0x3C80]  }
0x139: {  	v2 =	vadd.f32 v3, v2;
	v1 =	vadd.f32 v22, v1;
	v3 =	vmul.f32 v22, v22  }
0x13a: {  	v25 =	vld [tilespmem:$0x3C90]  }
0x13b: {  	v2 =	vadd.f32 v3, v2;
	v1 =	vadd.f32 v23, v1;
	v3 =	vmul.f32 v23, v23  }
0x13c: {  	v26 =	vld [tilespmem:$0x3CA0]  }
0x13d: {  	v2 =	vadd.f32 v3, v2;
	v1 =	vadd.f32 v24, v1;
	v3 =	vmul.f32 v24, v24  }
0x13e: {  	v27 =	vld [tilespmem:$0x3CB0]  }
0x13f: {  	v2 =	vadd.f32 v3, v2;
	v1 =	vadd.f32 v25, v1;
	v3 =	vmul.f32 v25, v25  }
0x140: {  	v28 =	vld [tilespmem:$0x3CC0]  }
0x141: {  	v2 =	vadd.f32 v3, v2;
	v1 =	vadd.f32 v26, v1;
	v3 =	vmul.f32 v26, v26  }
0x142: {  	v29 =	vld [tilespmem:$0x3CD0]  }
0x143: {  	v2 =	vadd.f32 v3, v2;
	v1 =	vadd.f32 v27, v1;
	v3 =	vmul.f32 v27, v27  }
0x144: {  	v30 =	vld [tilespmem:$0x3CE0]  }
0x145: {  	v2 =	vadd.f32 v3, v2;
	v1 =	vadd.f32 v28, v1;
	v3 =	vmul.f32 v28, v28  }
0x146: {  	v31 =	vld [tilespmem:$0x3CF0]  }
0x147: {  	v2 =	vadd.f32 v3, v2;
	v1 =	vadd.f32 v29, v1;
	v3 =	vmul.f32 v29, v29  }
0x148: {  	v32 =	vld [tilespmem:$0x3D00]  }
0x149: {  	v2 =	vadd.f32 v3, v2;
	v1 =	vadd.f32 v30, v1;
	v3 =	vmul.f32 v30, v30  }
0x14a: {  	v33 =	vld [tilespmem:$0x3D10]  }
0x14b: {  	v2 =	vadd.f32 v3, v2;
	v1 =	vadd.f32 v31, v1;
	v3 =	vmul.f32 v31, v31  }
0x14c: {  	v34 =	vld [tilespmem:$0x3D20]  }
0x14d: {  	v2 =	vadd.f32 v3, v2;
	v1 =	vadd.f32 v32, v1;
	v3 =	vmul.f32 v32, v32  }
0x14e: {  	v35 =	vld [tilespmem:$0x3D30]  }
0x14f: {  	v2 =	vadd.f32 v3, v2;
	v1 =	vadd.f32 v33, v1;
	v3 =	vmul.f32 v33, v33  }
0x150: {  	v36 =	vld [tilespmem:$0x3D40]  }
0x151: {  	v2 =	vadd.f32 v3, v2;
	v1 =	vadd.f32 v34, v1;
	v3 =	vmul.f32 v34, v34  }
0x152: {  	v37 =	vld [tilespmem:$0x3D50]  }
0x153: {  	v2 =	vadd.f32 v3, v2;
	v1 =	vadd.f32 v35, v1;
	v3 =	vmul.f32 v35, v35  }
0x154: {  	v38 =	vld [tilespmem:$0x3D60]  }
0x155: {  	v2 =	vadd.f32 v3, v2;
	v1 =	vadd.f32 v36, v1;
	v3 =	vmul.f32 v36, v36  }
0x156: {  	v39 =	vld [tilespmem:$0x3D70]  }
0x157: {  	v2 =	vadd.f32 v3, v2;
	v1 =	vadd.f32 v37, v1;
	v3 =	vmul.f32 v37, v37  }
0x158: {  	v40 =	vld [tilespmem:$0x3D80]  }
0x159: {  	v2 =	vadd.f32 v3, v2;
	v1 =	vadd.f32 v38, v1;
	v3 =	vmul.f32 v38, v38  }
0x15a: {  	v41 =	vld [tilespmem:$0x3D90]  }
0x15b: {  	v2 =	vadd.f32 v3, v2;
	v1 =	vadd.f32 v39, v1;
	v3 =	vmul.f32 v39, v39  }
0x15c: {  	v42 =	vld [tilespmem:$0x3DA0]  }
0x15d: {  	v2 =	vadd.f32 v3, v2;
	v1 =	vadd.f32 v40, v1;
	v3 =	vmul.f32 v40, v40  }
0x15e: {  	v43 =	vld [tilespmem:$0x3DB0]  }
0x15f: {  	v2 =	vadd.f32 v3, v2;
	v1 =	vadd.f32 v41, v1;
	v3 =	vmul.f32 v41, v41;
	_ =	sdelay $0x1  }
0x160: {  	v2 =	vadd.f32 v3, v2;
	v1 =	vadd.f32 v42, v1;
	v3 =	vmul.f32 v42, v42;
	_ =	sdelay $0x1  }
0x161: {  	v2 =	vadd.f32 v3, v2;
	v1 =	vadd.f32 v43, v1;
	v3 =	vmul.f32 v43, v43;
	_ =	sdelay $0x1  }
0x162: {  	v2 =	vadd.f32 v3, v2;
	v1 =	vmul.f32 v1, v1;
	_ =	sdelay $0x1  }
0x163: {  	v1 =	vsub.f32 v1, v2;
	_ =	sdelay $0x1  }
0x164: {  	[tilespmem:s24+$0xFFFFFFD0] =	vst v1  }
0x165: {  	v1 =	vld [tilespmem:$0x3DC0]  }
0x166: {  	v2 =	vld [tilespmem:$0x3DD0];
	_ =	sdelay $0x1  }
0x167: {  	v3 =	vld [tilespmem:$0x3DE0];
	_ =	sdelay $0x1  }
0x168: {  	v44 =	vld [tilespmem:$0x3DF0]  }
0x169: {  	v45 =	vmul.f32 v1, v1;
	v1 =	vadd.f32 v2, v1;
	v2 =	vmul.f32 v2, v2  }
0x16a: {  	v46 =	vld [tilespmem:$0x3E00]  }
0x16b: {  	v2 =	vadd.f32 v2, v45;
	v1 =	vadd.f32 v3, v1;
	v3 =	vmul.f32 v3, v3  }
0x16c: {  	v47 =	vld [tilespmem:$0x3E10]  }
0x16d: {  	v2 =	vadd.f32 v3, v2;
	v1 =	vadd.f32 v44, v1;
	v3 =	vmul.f32 v44, v44  }
0x16e: {  	v48 =	vld [tilespmem:$0x3E20]  }
0x16f: {  	v2 =	vadd.f32 v3, v2;
	v1 =	vadd.f32 v46, v1;
	v3 =	vmul.f32 v46, v46  }
0x170: {  	v49 =	vld [tilespmem:$0x3E30]  }
0x171: {  	v2 =	vadd.f32 v3, v2;
	v1 =	vadd.f32 v47, v1;
	v3 =	vmul.f32 v47, v47  }
0x172: {  	v50 =	vld [tilespmem:$0x3E40]  }
0x173: {  	v2 =	vadd.f32 v3, v2;
	v1 =	vadd.f32 v48, v1;
	v3 =	vmul.f32 v48, v48  }
0x174: {  	v51 =	vld [tilespmem:$0x3E50]  }
0x175: {  	v2 =	vadd.f32 v3, v2;
	v1 =	vadd.f32 v49, v1;
	v3 =	vmul.f32 v49, v49  }
0x176: {  	v52 =	vld [tilespmem:$0x3E60]  }
0x177: {  	v2 =	vadd.f32 v3, v2;
	v1 =	vadd.f32 v50, v1;
	v3 =	vmul.f32 v50, v50  }
0x178: {  	v53 =	vld [tilespmem:$0x3E70]  }
0x179: {  	v2 =	vadd.f32 v3, v2;
	v1 =	vadd.f32 v51, v1;
	v3 =	vmul.f32 v51, v51  }
0x17a: {  	v54 =	vld [tilespmem:$0x3E80]  }
0x17b: {  	v2 =	vadd.f32 v3, v2;
	v1 =	vadd.f32 v52, v1;
	v3 =	vmul.f32 v52, v52  }
0x17c: {  	v55 =	vld [tilespmem:$0x3E90]  }
0x17d: {  	v2 =	vadd.f32 v3, v2;
	v1 =	vadd.f32 v53, v1;
	v3 =	vmul.f32 v53, v53  }
0x17e: {  	v56 =	vld [tilespmem:$0x3EA0]  }
0x17f: {  	v2 =	vadd.f32 v3, v2;
	v1 =	vadd.f32 v54, v1;
	v3 =	vmul.f32 v54, v54  }
0x180: {  	v57 =	vld [tilespmem:$0x3EB0]  }
0x181: {  	v2 =	vadd.f32 v3, v2;
	v1 =	vadd.f32 v55, v1;
	v3 =	vmul.f32 v55, v55  }
0x182: {  	v58 =	vld [tilespmem:$0x3EC0]  }
0x183: {  	v2 =	vadd.f32 v3, v2;
	v1 =	vadd.f32 v56, v1;
	v3 =	vmul.f32 v56, v56  }
0x184: {  	v59 =	vld [tilespmem:$0x3ED0]  }
0x185: {  	v2 =	vadd.f32 v3, v2;
	v1 =	vadd.f32 v57, v1;
	v3 =	vmul.f32 v57, v57  }
0x186: {  	v60 =	vld [tilespmem:$0x3EE0]  }
0x187: {  	v2 =	vadd.f32 v3, v2;
	v1 =	vadd.f32 v58, v1;
	v3 =	vmul.f32 v58, v58  }
0x188: {  	v61 =	vld [tilespmem:$0x3EF0]  }
0x189: {  	v2 =	vadd.f32 v3, v2;
	v1 =	vadd.f32 v59, v1;
	v3 =	vmul.f32 v59, v59  }
0x18a: {  	v62 =	vld [tilespmem:$0x3F00]  }
0x18b: {  	v2 =	vadd.f32 v3, v2;
	v1 =	vadd.f32 v60, v1;
	v3 =	vmul.f32 v60, v60  }
0x18c: {  	v63 =	vld [tilespmem:$0x3F10]  }
0x18d: {  	v2 =	vadd.f32 v3, v2;
	v1 =	vadd.f32 v61, v1;
	v3 =	vmul.f32 v61, v61  }
0x18e: {  	v9 =	vld [tilespmem:$0x3F20]  }
0x18f: {  	v2 =	vadd.f32 v3, v2;
	v1 =	vadd.f32 v62, v1;
	v3 =	vmul.f32 v62, v62  }
0x190: {  	v10 =	vld [tilespmem:$0x3F30]  }
0x191: {  	v2 =	vadd.f32 v3, v2;
	v1 =	vadd.f32 v63, v1;
	v3 =	vmul.f32 v63, v63  }
0x192: {  	v11 =	vld [tilespmem:$0x3F40]  }
0x193: {  	v2 =	vadd.f32 v3, v2;
	v1 =	vadd.f32 v9, v1;
	v3 =	vmul.f32 v9, v9  }
0x194: {  	v12 =	vld [tilespmem:$0x3F50]  }
0x195: {  	v2 =	vadd.f32 v3, v2;
	v1 =	vadd.f32 v10, v1;
	v3 =	vmul.f32 v10, v10;
	_ =	sdelay $0x1  }
0x196: {  	v2 =	vadd.f32 v3, v2;
	v1 =	vadd.f32 v11, v1;
	v3 =	vmul.f32 v11, v11;
	_ =	sdelay $0x1  }
0x197: {  	v2 =	vadd.f32 v3, v2;
	v1 =	vadd.f32 v12, v1;
	v3 =	vmul.f32 v12, v12;
	_ =	sdelay $0x1  }
0x198: {  	v2 =	vadd.f32 v3, v2;
	v1 =	vmul.f32 v1, v1;
	_ =	sdelay $0x1  }
0x199: {  	v1 =	vsub.f32 v1, v2;
	_ =	sdelay $0x1  }
0x19a: {  	[tilespmem:s24+$0xFFFFFFE0] =	vst v1  }
0x19b: {  	v1 =	vld [tilespmem:$0x3F60]  }
0x19c: {  	v2 =	vld [tilespmem:$0x3F70];
	_ =	sdelay $0x1  }
0x19d: {  	v3 =	vld [tilespmem:$0x3F80];
	_ =	sdelay $0x1  }
0x19e: {  	v13 =	vld [tilespmem:$0x3F90]  }
0x19f: {  	v14 =	vmul.f32 v1, v1;
	v1 =	vadd.f32 v2, v1;
	v2 =	vmul.f32 v2, v2  }
0x1a0: {  	v15 =	vld [tilespmem:$0x3FA0]  }
0x1a1: {  	v2 =	vadd.f32 v2, v14;
	v1 =	vadd.f32 v3, v1;
	v3 =	vmul.f32 v3, v3  }
0x1a2: {  	v16 =	vld [tilespmem:$0x3FB0]  }
0x1a3: {  	v2 =	vadd.f32 v3, v2;
	v1 =	vadd.f32 v13, v1;
	v3 =	vmul.f32 v13, v13  }
0x1a4: {  	v17 =	vld [tilespmem:$0x3FC0]  }
0x1a5: {  	v2 =	vadd.f32 v3, v2;
	v1 =	vadd.f32 v15, v1;
	v3 =	vmul.f32 v15, v15  }
0x1a6: {  	v18 =	vld [tilespmem:$0x3FD0]  }
0x1a7: {  	v2 =	vadd.f32 v3, v2;
	v1 =	vadd.f32 v16, v1;
	v3 =	vmul.f32 v16, v16  }
0x1a8: {  	v19 =	vld [tilespmem:$0x3FE0]  }
0x1a9: {  	v2 =	vadd.f32 v3, v2;
	v1 =	vadd.f32 v17, v1;
	v3 =	vmul.f32 v17, v17  }
0x1aa: {  	v20 =	vld [tilespmem:$0x3FF0]  }
0x1ab: {  	v2 =	vadd.f32 v3, v2;
	v1 =	vadd.f32 v18, v1;
	v3 =	vmul.f32 v18, v18  }
0x1ac: {  	v21 =	vld [tilespmem:$0x4000]  }
0x1ad: {  	v2 =	vadd.f32 v3, v2;
	v1 =	vadd.f32 v19, v1;
	v3 =	vmul.f32 v19, v19  }
0x1ae: {  	v22 =	vld [tilespmem:$0x4010]  }
0x1af: {  	v2 =	vadd.f32 v3, v2;
	v1 =	vadd.f32 v20, v1;
	v3 =	vmul.f32 v20, v20  }
0x1b0: {  	v23 =	vld [tilespmem:$0x4020]  }
0x1b1: {  	v2 =	vadd.f32 v3, v2;
	v1 =	vadd.f32 v21, v1;
	v3 =	vmul.f32 v21, v21  }
0x1b2: {  	v24 =	vld [tilespmem:$0x4030]  }
0x1b3: {  	v2 =	vadd.f32 v3, v2;
	v1 =	vadd.f32 v22, v1;
	v3 =	vmul.f32 v22, v22  }
0x1b4: {  	v25 =	vld [tilespmem:$0x4040]  }
0x1b5: {  	v2 =	vadd.f32 v3, v2;
	v1 =	vadd.f32 v23, v1;
	v3 =	vmul.f32 v23, v23  }
0x1b6: {  	v26 =	vld [tilespmem:$0x4050]  }
0x1b7: {  	v2 =	vadd.f32 v3, v2;
	v1 =	vadd.f32 v24, v1;
	v3 =	vmul.f32 v24, v24  }
0x1b8: {  	v27 =	vld [tilespmem:$0x4060]  }
0x1b9: {  	v2 =	vadd.f32 v3, v2;
	v1 =	vadd.f32 v25, v1;
	v3 =	vmul.f32 v25, v25  }
0x1ba: {  	v28 =	vld [tilespmem:$0x4070]  }
0x1bb: {  	v2 =	vadd.f32 v3, v2;
	v1 =	vadd.f32 v26, v1;
	v3 =	vmul.f32 v26, v26  }
0x1bc: {  	v29 =	vld [tilespmem:$0x4080]  }
0x1bd: {  	v2 =	vadd.f32 v3, v2;
	v1 =	vadd.f32 v27, v1;
	v3 =	vmul.f32 v27, v27  }
0x1be: {  	v30 =	vld [tilespmem:$0x4090]  }
0x1bf: {  	v2 =	vadd.f32 v3, v2;
	v1 =	vadd.f32 v28, v1;
	v3 =	vmul.f32 v28, v28  }
0x1c0: {  	v31 =	vld [tilespmem:$0x40A0]  }
0x1c1: {  	v2 =	vadd.f32 v3, v2;
	v1 =	vadd.f32 v29, v1;
	v3 =	vmul.f32 v29, v29  }
0x1c2: {  	v32 =	vld [tilespmem:$0x40B0]  }
0x1c3: {  	v2 =	vadd.f32 v3, v2;
	v1 =	vadd.f32 v30, v1;
	v3 =	vmul.f32 v30, v30  }
0x1c4: {  	v33 =	vld [tilespmem:$0x40C0]  }
0x1c5: {  	v2 =	vadd.f32 v3, v2;
	v1 =	vadd.f32 v31, v1;
	v3 =	vmul.f32 v31, v31  }
0x1c6: {  	v34 =	vld [tilespmem:$0x40D0]  }
0x1c7: {  	v2 =	vadd.f32 v3, v2;
	v1 =	vadd.f32 v32, v1;
	v3 =	vmul.f32 v32, v32  }
0x1c8: {  	v35 =	vld [tilespmem:$0x40E0]  }
0x1c9: {  	v2 =	vadd.f32 v3, v2;
	v1 =	vadd.f32 v33, v1;
	v3 =	vmul.f32 v33, v33  }
0x1ca: {  	v36 =	vld [tilespmem:$0x40F0]  }
0x1cb: {  	v2 =	vadd.f32 v3, v2;
	v1 =	vadd.f32 v34, v1;
	v3 =	vmul.f32 v34, v34;
	_ =	sdelay $0x1  }
0x1cc: {  	v2 =	vadd.f32 v3, v2;
	v1 =	vadd.f32 v35, v1;
	v3 =	vmul.f32 v35, v35;
	_ =	sdelay $0x1  }
0x1cd: {  	v2 =	vadd.f32 v3, v2;
	v1 =	vadd.f32 v36, v1;
	v3 =	vmul.f32 v36, v36;
	_ =	sdelay $0x1  }
0x1ce: {  	v2 =	vadd.f32 v3, v2;
	v1 =	vmul.f32 v1, v1;
	_ =	sdelay $0x1  }
0x1cf: {  	v1 =	vsub.f32 v1, v2;
	_ =	sdelay $0x1  }
0x1d0: {  	s28 =	sadd.s32 @!p0 $0x3468, s25;
	s29 =	simm.s32 @!p0 $0x3A80;
	[tilespmem:s24+$0xFFFFFFF0] =	vst v1  }
0x1d1: {  	[tilespmem:s29], [sflag:$0x3] =	stream.indirect.gather @!p0 [hbm4b:s3+s26], $0x10, s28, s26, $0xb8;
	[tilespmem:$0x7000] =	vst v63  }
0x1d2: {  	_ =	swait.ge [sflag:s17], $0x680  }
0x1d3: {  	[sflag:s17] =	ssyncset.done $0x0  }
0x1d4: {  	[sflag:s17] =	ssyncadd.s32 $0xFFFFF980  }
0x1d5: {  	v1 =	vld [tilespmem:$0x4100]  }
0x1d6: {  	v2 =	vld [tilespmem:$0x4110];
	_ =	sdelay $0x1  }
0x1d7: {  	v3 =	vld [tilespmem:$0x4120];
	_ =	sdelay $0x1  }
0x1d8: {  	v37 =	vld [tilespmem:$0x4130]  }
0x1d9: {  	v38 =	vmul.f32 v1, v1;
	v1 =	vadd.f32 v2, v1;
	v2 =	vmul.f32 v2, v2  }
0x1da: {  	v39 =	vld [tilespmem:$0x4140]  }
0x1db: {  	v2 =	vadd.f32 v2, v38;
	v1 =	vadd.f32 v3, v1;
	v3 =	vmul.f32 v3, v3  }
0x1dc: {  	v40 =	vld [tilespmem:$0x4150]  }
0x1dd: {  	v2 =	vadd.f32 v3, v2;
	v1 =	vadd.f32 v37, v1;
	v3 =	vmul.f32 v37, v37  }
0x1de: {  	v41 =	vld [tilespmem:$0x4160]  }
0x1df: {  	v2 =	vadd.f32 v3, v2;
	v1 =	vadd.f32 v39, v1;
	v3 =	vmul.f32 v39, v39  }
0x1e0: {  	v42 =	vld [tilespmem:$0x4170]  }
0x1e1: {  	v2 =	vadd.f32 v3, v2;
	v1 =	vadd.f32 v40, v1;
	v3 =	vmul.f32 v40, v40  }
0x1e2: {  	v43 =	vld [tilespmem:$0x4180]  }
0x1e3: {  	v2 =	vadd.f32 v3, v2;
	v1 =	vadd.f32 v41, v1;
	v3 =	vmul.f32 v41, v41  }
0x1e4: {  	v44 =	vld [tilespmem:$0x4190]  }
0x1e5: {  	v2 =	vadd.f32 v3, v2;
	v1 =	vadd.f32 v42, v1;
	v3 =	vmul.f32 v42, v42  }
0x1e6: {  	v45 =	vld [tilespmem:$0x41A0]  }
0x1e7: {  	v2 =	vadd.f32 v3, v2;
	v1 =	vadd.f32 v43, v1;
	v3 =	vmul.f32 v43, v43  }
0x1e8: {  	v46 =	vld [tilespmem:$0x41B0]  }
0x1e9: {  	v2 =	vadd.f32 v3, v2;
	v1 =	vadd.f32 v44, v1;
	v3 =	vmul.f32 v44, v44  }
0x1ea: {  	v47 =	vld [tilespmem:$0x41C0]  }
0x1eb: {  	v2 =	vadd.f32 v3, v2;
	v1 =	vadd.f32 v45, v1;
	v3 =	vmul.f32 v45, v45  }
0x1ec: {  	v48 =	vld [tilespmem:$0x41D0]  }
0x1ed: {  	v2 =	vadd.f32 v3, v2;
	v1 =	vadd.f32 v46, v1;
	v3 =	vmul.f32 v46, v46  }
0x1ee: {  	v49 =	vld [tilespmem:$0x41E0]  }
0x1ef: {  	v2 =	vadd.f32 v3, v2;
	v1 =	vadd.f32 v47, v1;
	v3 =	vmul.f32 v47, v47  }
0x1f0: {  	v50 =	vld [tilespmem:$0x41F0]  }
0x1f1: {  	v2 =	vadd.f32 v3, v2;
	v1 =	vadd.f32 v48, v1;
	v3 =	vmul.f32 v48, v48  }
0x1f2: {  	v51 =	vld [tilespmem:$0x4200]  }
0x1f3: {  	v2 =	vadd.f32 v3, v2;
	v1 =	vadd.f32 v49, v1;
	v3 =	vmul.f32 v49, v49  }
0x1f4: {  	v52 =	vld [tilespmem:$0x4210]  }
0x1f5: {  	v2 =	vadd.f32 v3, v2;
	v1 =	vadd.f32 v50, v1;
	v3 =	vmul.f32 v50, v50  }
0x1f6: {  	v53 =	vld [tilespmem:$0x4220]  }
0x1f7: {  	v2 =	vadd.f32 v3, v2;
	v1 =	vadd.f32 v51, v1;
	v3 =	vmul.f32 v51, v51  }
0x1f8: {  	v54 =	vld [tilespmem:$0x4230]  }
0x1f9: {  	v2 =	vadd.f32 v3, v2;
	v1 =	vadd.f32 v52, v1;
	v3 =	vmul.f32 v52, v52  }
0x1fa: {  	v55 =	vld [tilespmem:$0x4240]  }
0x1fb: {  	v2 =	vadd.f32 v3, v2;
	v1 =	vadd.f32 v53, v1;
	v3 =	vmul.f32 v53, v53  }
0x1fc: {  	v56 =	vld [tilespmem:$0x4250]  }
0x1fd: {  	v2 =	vadd.f32 v3, v2;
	v1 =	vadd.f32 v54, v1;
	v3 =	vmul.f32 v54, v54  }
0x1fe: {  	v57 =	vld [tilespmem:$0x4260]  }
0x1ff: {  	v2 =	vadd.f32 v3, v2;
	v1 =	vadd.f32 v55, v1;
	v3 =	vmul.f32 v55, v55  }
0x200: {  	v58 =	vld [tilespmem:$0x4270]  }
0x201: {  	v2 =	vadd.f32 v3, v2;
	v1 =	vadd.f32 v56, v1;
	v3 =	vmul.f32 v56, v56  }
0x202: {  	v59 =	vld [tilespmem:$0x4280]  }
0x203: {  	v2 =	vadd.f32 v3, v2;
	v1 =	vadd.f32 v57, v1;
	v3 =	vmul.f32 v57, v57  }
0x204: {  	v60 =	vld [tilespmem:$0x4290]  }
0x205: {  	v2 =	vadd.f32 v3, v2;
	v1 =	vadd.f32 v58, v1;
	v3 =	vmul.f32 v58, v58;
	_ =	sdelay $0x1  }
0x206: {  	v2 =	vadd.f32 v3, v2;
	v1 =	vadd.f32 v59, v1;
	v3 =	vmul.f32 v59, v59;
	_ =	sdelay $0x1  }
0x207: {  	v2 =	vadd.f32 v3, v2;
	v1 =	vadd.f32 v60, v1;
	v3 =	vmul.f32 v60, v60;
	_ =	sdelay $0x1  }
0x208: {  	v2 =	vadd.f32 v3, v2;
	v1 =	vmul.f32 v1, v1;
	_ =	sdelay $0x1  }
0x209: {  	v1 =	vsub.f32 v1, v2;
	_ =	sdelay $0x1  }
0x20a: {  	[tilespmem:s24+$0x0] =	vst v1  }
0x20b: {  	v1 =	vld [tilespmem:$0x42A0]  }
0x20c: {  	v2 =	vld [tilespmem:$0x42B0];
	_ =	sdelay $0x1  }
0x20d: {  	v3 =	vld [tilespmem:$0x42C0];
	_ =	sdelay $0x1  }
0x20e: {  	v61 =	vld [tilespmem:$0x42D0]  }
0x20f: {  	v62 =	vmul.f32 v1, v1;
	v1 =	vadd.f32 v2, v1;
	v2 =	vmul.f32 v2, v2  }
0x210: {  	v63 =	vld [tilespmem:$0x42E0]  }
0x211: {  	v2 =	vadd.f32 v2, v62;
	v1 =	vadd.f32 v3, v1;
	v3 =	vmul.f32 v3, v3  }
0x212: {  	v9 =	vld [tilespmem:$0x42F0]  }
0x213: {  	v2 =	vadd.f32 v3, v2;
	v1 =	vadd.f32 v61, v1;
	v3 =	vmul.f32 v61, v61  }
0x214: {  	v10 =	vld [tilespmem:$0x4300]  }
0x215: {  	v2 =	vadd.f32 v3, v2;
	v1 =	vadd.f32 v63, v1;
	v3 =	vmul.f32 v63, v63  }
0x216: {  	v11 =	vld [tilespmem:$0x4310]  }
0x217: {  	v2 =	vadd.f32 v3, v2;
	v1 =	vadd.f32 v9, v1;
	v3 =	vmul.f32 v9, v9  }
0x218: {  	v12 =	vld [tilespmem:$0x4320]  }
0x219: {  	v2 =	vadd.f32 v3, v2;
	v1 =	vadd.f32 v10, v1;
	v3 =	vmul.f32 v10, v10  }
0x21a: {  	v13 =	vld [tilespmem:$0x4330]  }
0x21b: {  	v2 =	vadd.f32 v3, v2;
	v1 =	vadd.f32 v11, v1;
	v3 =	vmul.f32 v11, v11  }
0x21c: {  	v14 =	vld [tilespmem:$0x4340]  }
0x21d: {  	v2 =	vadd.f32 v3, v2;
	v1 =	vadd.f32 v12, v1;
	v3 =	vmul.f32 v12, v12  }
0x21e: {  	v15 =	vld [tilespmem:$0x4350]  }
0x21f: {  	v2 =	vadd.f32 v3, v2;
	v1 =	vadd.f32 v13, v1;
	v3 =	vmul.f32 v13, v13  }
0x220: {  	v16 =	vld [tilespmem:$0x4360]  }
0x221: {  	v2 =	vadd.f32 v3, v2;
	v1 =	vadd.f32 v14, v1;
	v3 =	vmul.f32 v14, v14  }
0x222: {  	v17 =	vld [tilespmem:$0x4370]  }
0x223: {  	v2 =	vadd.f32 v3, v2;
	v1 =	vadd.f32 v15, v1;
	v3 =	vmul.f32 v15, v15  }
0x224: {  	v18 =	vld [tilespmem:$0x4380]  }
0x225: {  	v2 =	vadd.f32 v3, v2;
	v1 =	vadd.f32 v16, v1;
	v3 =	vmul.f32 v16, v16  }
0x226: {  	v19 =	vld [tilespmem:$0x4390]  }
0x227: {  	v2 =	vadd.f32 v3, v2;
	v1 =	vadd.f32 v17, v1;
	v3 =	vmul.f32 v17, v17  }
0x228: {  	v20 =	vld [tilespmem:$0x43A0]  }
0x229: {  	v2 =	vadd.f32 v3, v2;
	v1 =	vadd.f32 v18, v1;
	v3 =	vmul.f32 v18, v18  }
0x22a: {  	v21 =	vld [tilespmem:$0x43B0]  }
0x22b: {  	v2 =	vadd.f32 v3, v2;
	v1 =	vadd.f32 v19, v1;
	v3 =	vmul.f32 v19, v19  }
0x22c: {  	v22 =	vld [tilespmem:$0x43C0]  }
0x22d: {  	v2 =	vadd.f32 v3, v2;
	v1 =	vadd.f32 v20, v1;
	v3 =	vmul.f32 v20, v20  }
0x22e: {  	v23 =	vld [tilespmem:$0x43D0]  }
0x22f: {  	v2 =	vadd.f32 v3, v2;
	v1 =	vadd.f32 v21, v1;
	v3 =	vmul.f32 v21, v21  }
0x230: {  	v24 =	vld [tilespmem:$0x43E0]  }
0x231: {  	v2 =	vadd.f32 v3, v2;
	v1 =	vadd.f32 v22, v1;
	v3 =	vmul.f32 v22, v22  }
0x232: {  	v25 =	vld [tilespmem:$0x43F0]  }
0x233: {  	v2 =	vadd.f32 v3, v2;
	v1 =	vadd.f32 v23, v1;
	v3 =	vmul.f32 v23, v23  }
0x234: {  	v26 =	vld [tilespmem:$0x4400]  }
0x235: {  	v2 =	vadd.f32 v3, v2;
	v1 =	vadd.f32 v24, v1;
	v3 =	vmul.f32 v24, v24  }
0x236: {  	v27 =	vld [tilespmem:$0x4410]  }
0x237: {  	v2 =	vadd.f32 v3, v2;
	v1 =	vadd.f32 v25, v1;
	v3 =	vmul.f32 v25, v25  }
0x238: {  	v28 =	vld [tilespmem:$0x4420]  }
0x239: {  	v2 =	vadd.f32 v3, v2;
	v1 =	vadd.f32 v26, v1;
	v3 =	vmul.f32 v26, v26  }
0x23a: {  	v29 =	vld [tilespmem:$0x4430]  }
0x23b: {  	v2 =	vadd.f32 v3, v2;
	v1 =	vadd.f32 v27, v1;
	v3 =	vmul.f32 v27, v27;
	_ =	sdelay $0x1  }
0x23c: {  	v2 =	vadd.f32 v3, v2;
	v1 =	vadd.f32 v28, v1;
	v3 =	vmul.f32 v28, v28;
	_ =	sdelay $0x1  }
0x23d: {  	v2 =	vadd.f32 v3, v2;
	v1 =	vadd.f32 v29, v1;
	v3 =	vmul.f32 v29, v29;
	_ =	sdelay $0x1  }
0x23e: {  	v2 =	vadd.f32 v3, v2;
	v1 =	vmul.f32 v1, v1;
	_ =	sdelay $0x1  }
0x23f: {  	v1 =	vsub.f32 v1, v2;
	_ =	sdelay $0x1  }
0x240: {  	[tilespmem:s24+$0x10] =	vst v1  }
0x241: {  	v1 =	vld [tilespmem:$0x4440]  }
0x242: {  	v2 =	vld [tilespmem:$0x4450];
	_ =	sdelay $0x1  }
0x243: {  	v3 =	vld [tilespmem:$0x4460];
	_ =	sdelay $0x1  }
0x244: {  	v30 =	vld [tilespmem:$0x4470]  }
0x245: {  	v31 =	vmul.f32 v1, v1;
	v1 =	vadd.f32 v2, v1;
	v2 =	vmul.f32 v2, v2  }
0x246: {  	v32 =	vld [tilespmem:$0x4480]  }
0x247: {  	v2 =	vadd.f32 v2, v31;
	v1 =	vadd.f32 v3, v1;
	v3 =	vmul.f32 v3, v3  }
0x248: {  	v33 =	vld [tilespmem:$0x4490]  }
0x249: {  	v2 =	vadd.f32 v3, v2;
	v1 =	vadd.f32 v30, v1;
	v3 =	vmul.f32 v30, v30  }
0x24a: {  	v34 =	vld [tilespmem:$0x44A0]  }
0x24b: {  	v2 =	vadd.f32 v3, v2;
	v1 =	vadd.f32 v32, v1;
	v3 =	vmul.f32 v32, v32  }
0x24c: {  	v35 =	vld [tilespmem:$0x44B0]  }
0x24d: {  	v2 =	vadd.f32 v3, v2;
	v1 =	vadd.f32 v33, v1;
	v3 =	vmul.f32 v33, v33  }
0x24e: {  	v36 =	vld [tilespmem:$0x44C0]  }
0x24f: {  	v2 =	vadd.f32 v3, v2;
	v1 =	vadd.f32 v34, v1;
	v3 =	vmul.f32 v34, v34  }
0x250: {  	v37 =	vld [tilespmem:$0x44D0]  }
0x251: {  	v2 =	vadd.f32 v3, v2;
	v1 =	vadd.f32 v35, v1;
	v3 =	vmul.f32 v35, v35  }
0x252: {  	v38 =	vld [tilespmem:$0x44E0]  }
0x253: {  	v2 =	vadd.f32 v3, v2;
	v1 =	vadd.f32 v36, v1;
	v3 =	vmul.f32 v36, v36  }
0x254: {  	v39 =	vld [tilespmem:$0x44F0]  }
0x255: {  	v2 =	vadd.f32 v3, v2;
	v1 =	vadd.f32 v37, v1;
	v3 =	vmul.f32 v37, v37  }
0x256: {  	v40 =	vld [tilespmem:$0x4500]  }
0x257: {  	v2 =	vadd.f32 v3, v2;
	v1 =	vadd.f32 v38, v1;
	v3 =	vmul.f32 v38, v38  }
0x258: {  	v41 =	vld [tilespmem:$0x4510]  }
0x259: {  	v2 =	vadd.f32 v3, v2;
	v1 =	vadd.f32 v39, v1;
	v3 =	vmul.f32 v39, v39  }
0x25a: {  	v42 =	vld [tilespmem:$0x4520]  }
0x25b: {  	v2 =	vadd.f32 v3, v2;
	v1 =	vadd.f32 v40, v1;
	v3 =	vmul.f32 v40, v40  }
0x25c: {  	v43 =	vld [tilespmem:$0x4530]  }
0x25d: {  	v2 =	vadd.f32 v3, v2;
	v1 =	vadd.f32 v41, v1;
	v3 =	vmul.f32 v41, v41  }
0x25e: {  	v44 =	vld [tilespmem:$0x4540]  }
0x25f: {  	v2 =	vadd.f32 v3, v2;
	v1 =	vadd.f32 v42, v1;
	v3 =	vmul.f32 v42, v42  }
0x260: {  	v45 =	vld [tilespmem:$0x4550]  }
0x261: {  	v2 =	vadd.f32 v3, v2;
	v1 =	vadd.f32 v43, v1;
	v3 =	vmul.f32 v43, v43  }
0x262: {  	v46 =	vld [tilespmem:$0x4560]  }
0x263: {  	v2 =	vadd.f32 v3, v2;
	v1 =	vadd.f32 v44, v1;
	v3 =	vmul.f32 v44, v44  }
0x264: {  	v47 =	vld [tilespmem:$0x4570]  }
0x265: {  	v2 =	vadd.f32 v3, v2;
	v1 =	vadd.f32 v45, v1;
	v3 =	vmul.f32 v45, v45  }
0x266: {  	v48 =	vld [tilespmem:$0x4580]  }
0x267: {  	v2 =	vadd.f32 v3, v2;
	v1 =	vadd.f32 v46, v1;
	v3 =	vmul.f32 v46, v46  }
0x268: {  	v49 =	vld [tilespmem:$0x4590]  }
0x269: {  	v2 =	vadd.f32 v3, v2;
	v1 =	vadd.f32 v47, v1;
	v3 =	vmul.f32 v47, v47  }
0x26a: {  	v50 =	vld [tilespmem:$0x45A0]  }
0x26b: {  	v2 =	vadd.f32 v3, v2;
	v1 =	vadd.f32 v48, v1;
	v3 =	vmul.f32 v48, v48  }
0x26c: {  	v51 =	vld [tilespmem:$0x45B0]  }
0x26d: {  	v2 =	vadd.f32 v3, v2;
	v1 =	vadd.f32 v49, v1;
	v3 =	vmul.f32 v49, v49  }
0x26e: {  	v52 =	vld [tilespmem:$0x45C0]  }
0x26f: {  	v2 =	vadd.f32 v3, v2;
	v1 =	vadd.f32 v50, v1;
	v3 =	vmul.f32 v50, v50  }
0x270: {  	v53 =	vld [tilespmem:$0x45D0]  }
0x271: {  	v2 =	vadd.f32 v3, v2;
	v1 =	vadd.f32 v51, v1;
	v3 =	vmul.f32 v51, v51;
	_ =	sdelay $0x1  }
0x272: {  	v2 =	vadd.f32 v3, v2;
	v1 =	vadd.f32 v52, v1;
	v3 =	vmul.f32 v52, v52;
	_ =	sdelay $0x1  }
0x273: {  	v2 =	vadd.f32 v3, v2;
	v1 =	vadd.f32 v53, v1;
	v3 =	vmul.f32 v53, v53;
	_ =	sdelay $0x1  }
0x274: {  	v2 =	vadd.f32 v3, v2;
	v1 =	vmul.f32 v1, v1;
	_ =	sdelay $0x1  }
0x275: {  	v1 =	vsub.f32 v1, v2;
	_ =	sdelay $0x1  }
0x276: {  	[tilespmem:s24+$0x20] =	vst v1  }
0x277: {  	v1 =	vld [tilespmem:$0x45E0]  }
0x278: {  	v2 =	vld [tilespmem:$0x45F0];
	_ =	sdelay $0x1  }
0x279: {  	v3 =	vld [tilespmem:$0x4600];
	_ =	sdelay $0x1  }
0x27a: {  	v54 =	vld [tilespmem:$0x4610]  }
0x27b: {  	v55 =	vmul.f32 v1, v1;
	v1 =	vadd.f32 v2, v1;
	v2 =	vmul.f32 v2, v2  }
0x27c: {  	v56 =	vld [tilespmem:$0x4620]  }
0x27d: {  	v2 =	vadd.f32 v2, v55;
	v1 =	vadd.f32 v3, v1;
	v3 =	vmul.f32 v3, v3  }
0x27e: {  	v57 =	vld [tilespmem:$0x4630]  }
0x27f: {  	v2 =	vadd.f32 v3, v2;
	v1 =	vadd.f32 v54, v1;
	v3 =	vmul.f32 v54, v54  }
0x280: {  	v58 =	vld [tilespmem:$0x4640]  }
0x281: {  	v2 =	vadd.f32 v3, v2;
	v1 =	vadd.f32 v56, v1;
	v3 =	vmul.f32 v56, v56  }
0x282: {  	v59 =	vld [tilespmem:$0x4650]  }
0x283: {  	v2 =	vadd.f32 v3, v2;
	v1 =	vadd.f32 v57, v1;
	v3 =	vmul.f32 v57, v57  }
0x284: {  	v60 =	vld [tilespmem:$0x4660]  }
0x285: {  	v2 =	vadd.f32 v3, v2;
	v1 =	vadd.f32 v58, v1;
	v3 =	vmul.f32 v58, v58  }
0x286: {  	v61 =	vld [tilespmem:$0x4670]  }
0x287: {  	v2 =	vadd.f32 v3, v2;
	v1 =	vadd.f32 v59, v1;
	v3 =	vmul.f32 v59, v59  }
0x288: {  	v62 =	vld [tilespmem:$0x4680]  }
0x289: {  	v2 =	vadd.f32 v3, v2;
	v1 =	vadd.f32 v60, v1;
	v3 =	vmul.f32 v60, v60  }
0x28a: {  	v63 =	vld [tilespmem:$0x4690]  }
0x28b: {  	v2 =	vadd.f32 v3, v2;
	v1 =	vadd.f32 v61, v1;
	v3 =	vmul.f32 v61, v61  }
0x28c: {  	v9 =	vld [tilespmem:$0x46A0]  }
0x28d: {  	v2 =	vadd.f32 v3, v2;
	v1 =	vadd.f32 v62, v1;
	v3 =	vmul.f32 v62, v62  }
0x28e: {  	v10 =	vld [tilespmem:$0x46B0]  }
0x28f: {  	v2 =	vadd.f32 v3, v2;
	v1 =	vadd.f32 v63, v1;
	v3 =	vmul.f32 v63, v63  }
0x290: {  	v11 =	vld [tilespmem:$0x46C0]  }
0x291: {  	v2 =	vadd.f32 v3, v2;
	v1 =	vadd.f32 v9, v1;
	v3 =	vmul.f32 v9, v9  }
0x292: {  	v12 =	vld [tilespmem:$0x46D0]  }
0x293: {  	v2 =	vadd.f32 v3, v2;
	v1 =	vadd.f32 v10, v1;
	v3 =	vmul.f32 v10, v10  }
0x294: {  	v13 =	vld [tilespmem:$0x46E0]  }
0x295: {  	v2 =	vadd.f32 v3, v2;
	v1 =	vadd.f32 v11, v1;
	v3 =	vmul.f32 v11, v11  }
0x296: {  	v14 =	vld [tilespmem:$0x46F0]  }
0x297: {  	v2 =	vadd.f32 v3, v2;
	v1 =	vadd.f32 v12, v1;
	v3 =	vmul.f32 v12, v12  }
0x298: {  	v15 =	vld [tilespmem:$0x4700]  }
0x299: {  	v2 =	vadd.f32 v3, v2;
	v1 =	vadd.f32 v13, v1;
	v3 =	vmul.f32 v13, v13  }
0x29a: {  	v16 =	vld [tilespmem:$0x4710]  }
0x29b: {  	v2 =	vadd.f32 v3, v2;
	v1 =	vadd.f32 v14, v1;
	v3 =	vmul.f32 v14, v14  }
0x29c: {  	v17 =	vld [tilespmem:$0x4720]  }
0x29d: {  	v2 =	vadd.f32 v3, v2;
	v1 =	vadd.f32 v15, v1;
	v3 =	vmul.f32 v15, v15  }
0x29e: {  	v18 =	vld [tilespmem:$0x4730]  }
0x29f: {  	v2 =	vadd.f32 v3, v2;
	v1 =	vadd.f32 v16, v1;
	v3 =	vmul.f32 v16, v16  }
0x2a0: {  	v19 =	vld [tilespmem:$0x4740]  }
0x2a1: {  	v2 =	vadd.f32 v3, v2;
	v1 =	vadd.f32 v17, v1;
	v3 =	vmul.f32 v17, v17  }
0x2a2: {  	v20 =	vld [tilespmem:$0x4750]  }
0x2a3: {  	v2 =	vadd.f32 v3, v2;
	v1 =	vadd.f32 v18, v1;
	v3 =	vmul.f32 v18, v18  }
0x2a4: {  	v21 =	vld [tilespmem:$0x4760]  }
0x2a5: {  	v2 =	vadd.f32 v3, v2;
	v1 =	vadd.f32 v19, v1;
	v3 =	vmul.f32 v19, v19  }
0x2a6: {  	v22 =	vld [tilespmem:$0x4770]  }
0x2a7: {  	v2 =	vadd.f32 v3, v2;
	v1 =	vadd.f32 v20, v1;
	v3 =	vmul.f32 v20, v20;
	_ =	sdelay $0x1  }
0x2a8: {  	v2 =	vadd.f32 v3, v2;
	v1 =	vadd.f32 v21, v1;
	v3 =	vmul.f32 v21, v21;
	_ =	sdelay $0x1  }
0x2a9: {  	v2 =	vadd.f32 v3, v2;
	v1 =	vadd.f32 v22, v1;
	v3 =	vmul.f32 v22, v22;
	_ =	sdelay $0x1  }
0x2aa: {  	v2 =	vadd.f32 v3, v2;
	v1 =	vmul.f32 v1, v1;
	_ =	sdelay $0x1  }
0x2ab: {  	v1 =	vsub.f32 v1, v2;
	_ =	sdelay $0x1  }
0x2ac: {  	s25 =	sadd.s32 @!p0 $0x34D0, s25;
	s28 =	simm.s32 @!p0 $0x4100;
	[tilespmem:s24+$0x30] =	vst v1  }
0x2ad: {  	[tilespmem:s28], [sflag:$0x4] =	stream.indirect.gather @!p0 [hbm4b:s3+s26], $0x10, s25, s26, $0xb8;
	[tilespmem:$0x7000] =	vst v63  }
0x2ae: {  	_ =	swait.ge [sflag:s18], $0x680  }
0x2af: {  	[sflag:s18] =	ssyncset.done $0x0  }
0x2b0: {  	[sflag:s18] =	ssyncadd.s32 $0xFFFFF980  }
0x2b1: {  	v1 =	vld [tilespmem:$0x4780]  }
0x2b2: {  	v2 =	vld [tilespmem:$0x4790];
	_ =	sdelay $0x1  }
0x2b3: {  	v3 =	vld [tilespmem:$0x47A0];
	_ =	sdelay $0x1  }
0x2b4: {  	v23 =	vld [tilespmem:$0x47B0]  }
0x2b5: {  	v24 =	vmul.f32 v1, v1;
	v1 =	vadd.f32 v2, v1;
	v2 =	vmul.f32 v2, v2  }
0x2b6: {  	v25 =	vld [tilespmem:$0x47C0]  }
0x2b7: {  	v2 =	vadd.f32 v2, v24;
	v1 =	vadd.f32 v3, v1;
	v3 =	vmul.f32 v3, v3  }
0x2b8: {  	v26 =	vld [tilespmem:$0x47D0]  }
0x2b9: {  	v2 =	vadd.f32 v3, v2;
	v1 =	vadd.f32 v23, v1;
	v3 =	vmul.f32 v23, v23  }
0x2ba: {  	v27 =	vld [tilespmem:$0x47E0]  }
0x2bb: {  	v2 =	vadd.f32 v3, v2;
	v1 =	vadd.f32 v25, v1;
	v3 =	vmul.f32 v25, v25  }
0x2bc: {  	v28 =	vld [tilespmem:$0x47F0]  }
0x2bd: {  	v2 =	vadd.f32 v3, v2;
	v1 =	vadd.f32 v26, v1;
	v3 =	vmul.f32 v26, v26  }
0x2be: {  	v29 =	vld [tilespmem:$0x4800]  }
0x2bf: {  	v2 =	vadd.f32 v3, v2;
	v1 =	vadd.f32 v27, v1;
	v3 =	vmul.f32 v27, v27  }
0x2c0: {  	v30 =	vld [tilespmem:$0x4810]  }
0x2c1: {  	v2 =	vadd.f32 v3, v2;
	v1 =	vadd.f32 v28, v1;
	v3 =	vmul.f32 v28, v28  }
0x2c2: {  	v31 =	vld [tilespmem:$0x4820]  }
0x2c3: {  	v2 =	vadd.f32 v3, v2;
	v1 =	vadd.f32 v29, v1;
	v3 =	vmul.f32 v29, v29  }
0x2c4: {  	v32 =	vld [tilespmem:$0x4830]  }
0x2c5: {  	v2 =	vadd.f32 v3, v2;
	v1 =	vadd.f32 v30, v1;
	v3 =	vmul.f32 v30, v30  }
0x2c6: {  	v33 =	vld [tilespmem:$0x4840]  }
0x2c7: {  	v2 =	vadd.f32 v3, v2;
	v1 =	vadd.f32 v31, v1;
	v3 =	vmul.f32 v31, v31  }
0x2c8: {  	v34 =	vld [tilespmem:$0x4850]  }
0x2c9: {  	v2 =	vadd.f32 v3, v2;
	v1 =	vadd.f32 v32, v1;
	v3 =	vmul.f32 v32, v32  }
0x2ca: {  	v35 =	vld [tilespmem:$0x4860]  }
0x2cb: {  	v2 =	vadd.f32 v3, v2;
	v1 =	vadd.f32 v33, v1;
	v3 =	vmul.f32 v33, v33  }
0x2cc: {  	v36 =	vld [tilespmem:$0x4870]  }
0x2cd: {  	v2 =	vadd.f32 v3, v2;
	v1 =	vadd.f32 v34, v1;
	v3 =	vmul.f32 v34, v34  }
0x2ce: {  	v37 =	vld [tilespmem:$0x4880]  }
0x2cf: {  	v2 =	vadd.f32 v3, v2;
	v1 =	vadd.f32 v35, v1;
	v3 =	vmul.f32 v35, v35  }
0x2d0: {  	v38 =	vld [tilespmem:$0x4890]  }
0x2d1: {  	v2 =	vadd.f32 v3, v2;
	v1 =	vadd.f32 v36, v1;
	v3 =	vmul.f32 v36, v36  }
0x2d2: {  	v39 =	vld [tilespmem:$0x48A0]  }
0x2d3: {  	v2 =	vadd.f32 v3, v2;
	v1 =	vadd.f32 v37, v1;
	v3 =	vmul.f32 v37, v37  }
0x2d4: {  	v40 =	vld [tilespmem:$0x48B0]  }
0x2d5: {  	v2 =	vadd.f32 v3, v2;
	v1 =	vadd.f32 v38, v1;
	v3 =	vmul.f32 v38, v38  }
0x2d6: {  	v41 =	vld [tilespmem:$0x48C0]  }
0x2d7: {  	v2 =	vadd.f32 v3, v2;
	v1 =	vadd.f32 v39, v1;
	v3 =	vmul.f32 v39, v39  }
0x2d8: {  	v42 =	vld [tilespmem:$0x48D0]  }
0x2d9: {  	v2 =	vadd.f32 v3, v2;
	v1 =	vadd.f32 v40, v1;
	v3 =	vmul.f32 v40, v40  }
0x2da: {  	v43 =	vld [tilespmem:$0x48E0]  }
0x2db: {  	v2 =	vadd.f32 v3, v2;
	v1 =	vadd.f32 v41, v1;
	v3 =	vmul.f32 v41, v41  }
0x2dc: {  	v44 =	vld [tilespmem:$0x48F0]  }
0x2dd: {  	v2 =	vadd.f32 v3, v2;
	v1 =	vadd.f32 v42, v1;
	v3 =	vmul.f32 v42, v42  }
0x2de: {  	v45 =	vld [tilespmem:$0x4900]  }
0x2df: {  	v2 =	vadd.f32 v3, v2;
	v1 =	vadd.f32 v43, v1;
	v3 =	vmul.f32 v43, v43  }
0x2e0: {  	v46 =	vld [tilespmem:$0x4910]  }
0x2e1: {  	v2 =	vadd.f32 v3, v2;
	v1 =	vadd.f32 v44, v1;
	v3 =	vmul.f32 v44, v44;
	_ =	sdelay $0x1  }
0x2e2: {  	v2 =	vadd.f32 v3, v2;
	v1 =	vadd.f32 v45, v1;
	v3 =	vmul.f32 v45, v45;
	_ =	sdelay $0x1  }
0x2e3: {  	v2 =	vadd.f32 v3, v2;
	v1 =	vadd.f32 v46, v1;
	v3 =	vmul.f32 v46, v46;
	_ =	sdelay $0x1  }
0x2e4: {  	v2 =	vadd.f32 v3, v2;
	v1 =	vmul.f32 v1, v1;
	_ =	sdelay $0x1  }
0x2e5: {  	v1 =	vsub.f32 v1, v2;
	_ =	sdelay $0x1  }
0x2e6: {  	[tilespmem:s24+$0x40] =	vst v1  }
0x2e7: {  	v1 =	vld [tilespmem:$0x4920]  }
0x2e8: {  	v2 =	vld [tilespmem:$0x4930];
	_ =	sdelay $0x1  }
0x2e9: {  	v3 =	vld [tilespmem:$0x4940];
	_ =	sdelay $0x1  }
0x2ea: {  	v47 =	vld [tilespmem:$0x4950]  }
0x2eb: {  	v48 =	vmul.f32 v1, v1;
	v1 =	vadd.f32 v2, v1;
	v2 =	vmul.f32 v2, v2  }
0x2ec: {  	v49 =	vld [tilespmem:$0x4960]  }
0x2ed: {  	v2 =	vadd.f32 v2, v48;
	v1 =	vadd.f32 v3, v1;
	v3 =	vmul.f32 v3, v3  }
0x2ee: {  	v50 =	vld [tilespmem:$0x4970]  }
0x2ef: {  	v2 =	vadd.f32 v3, v2;
	v1 =	vadd.f32 v47, v1;
	v3 =	vmul.f32 v47, v47  }
0x2f0: {  	v51 =	vld [tilespmem:$0x4980]  }
0x2f1: {  	v2 =	vadd.f32 v3, v2;
	v1 =	vadd.f32 v49, v1;
	v3 =	vmul.f32 v49, v49  }
0x2f2: {  	v52 =	vld [tilespmem:$0x4990]  }
0x2f3: {  	v2 =	vadd.f32 v3, v2;
	v1 =	vadd.f32 v50, v1;
	v3 =	vmul.f32 v50, v50  }
0x2f4: {  	v53 =	vld [tilespmem:$0x49A0]  }
0x2f5: {  	v2 =	vadd.f32 v3, v2;
	v1 =	vadd.f32 v51, v1;
	v3 =	vmul.f32 v51, v51  }
0x2f6: {  	v54 =	vld [tilespmem:$0x49B0]  }
0x2f7: {  	v2 =	vadd.f32 v3, v2;
	v1 =	vadd.f32 v52, v1;
	v3 =	vmul.f32 v52, v52  }
0x2f8: {  	v55 =	vld [tilespmem:$0x49C0]  }
0x2f9: {  	v2 =	vadd.f32 v3, v2;
	v1 =	vadd.f32 v53, v1;
	v3 =	vmul.f32 v53, v53  }
0x2fa: {  	v56 =	vld [tilespmem:$0x49D0]  }
0x2fb: {  	v2 =	vadd.f32 v3, v2;
	v1 =	vadd.f32 v54, v1;
	v3 =	vmul.f32 v54, v54  }
0x2fc: {  	v57 =	vld [tilespmem:$0x49E0]  }
0x2fd: {  	v2 =	vadd.f32 v3, v2;
	v1 =	vadd.f32 v55, v1;
	v3 =	vmul.f32 v55, v55  }
0x2fe: {  	v58 =	vld [tilespmem:$0x49F0]  }
0x2ff: {  	v2 =	vadd.f32 v3, v2;
	v1 =	vadd.f32 v56, v1;
	v3 =	vmul.f32 v56, v56  }
0x300: {  	v59 =	vld [tilespmem:$0x4A00]  }
0x301: {  	v2 =	vadd.f32 v3, v2;
	v1 =	vadd.f32 v57, v1;
	v3 =	vmul.f32 v57, v57  }
0x302: {  	v60 =	vld [tilespmem:$0x4A10]  }
0x303: {  	v2 =	vadd.f32 v3, v2;
	v1 =	vadd.f32 v58, v1;
	v3 =	vmul.f32 v58, v58  }
0x304: {  	v61 =	vld [tilespmem:$0x4A20]  }
0x305: {  	v2 =	vadd.f32 v3, v2;
	v1 =	vadd.f32 v59, v1;
	v3 =	vmul.f32 v59, v59  }
0x306: {  	v62 =	vld [tilespmem:$0x4A30]  }
0x307: {  	v2 =	vadd.f32 v3, v2;
	v1 =	vadd.f32 v60, v1;
	v3 =	vmul.f32 v60, v60  }
0x308: {  	v63 =	vld [tilespmem:$0x4A40]  }
0x309: {  	v2 =	vadd.f32 v3, v2;
	v1 =	vadd.f32 v61, v1;
	v3 =	vmul.f32 v61, v61  }
0x30a: {  	v9 =	vld [tilespmem:$0x4A50]  }
0x30b: {  	v2 =	vadd.f32 v3, v2;
	v1 =	vadd.f32 v62, v1;
	v3 =	vmul.f32 v62, v62  }
0x30c: {  	v10 =	vld [tilespmem:$0x4A60]  }
0x30d: {  	v2 =	vadd.f32 v3, v2;
	v1 =	vadd.f32 v63, v1;
	v3 =	vmul.f32 v63, v63  }
0x30e: {  	v11 =	vld [tilespmem:$0x4A70]  }
0x30f: {  	v2 =	vadd.f32 v3, v2;
	v1 =	vadd.f32 v9, v1;
	v3 =	vmul.f32 v9, v9  }
0x310: {  	v12 =	vld [tilespmem:$0x4A80]  }
0x311: {  	v2 =	vadd.f32 v3, v2;
	v1 =	vadd.f32 v10, v1;
	v3 =	vmul.f32 v10, v10  }
0x312: {  	v13 =	vld [tilespmem:$0x4A90]  }
0x313: {  	v2 =	vadd.f32 v3, v2;
	v1 =	vadd.f32 v11, v1;
	v3 =	vmul.f32 v11, v11  }
0x314: {  	v14 =	vld [tilespmem:$0x4AA0]  }
0x315: {  	v2 =	vadd.f32 v3, v2;
	v1 =	vadd.f32 v12, v1;
	v3 =	vmul.f32 v12, v12  }
0x316: {  	v15 =	vld [tilespmem:$0x4AB0]  }
0x317: {  	v2 =	vadd.f32 v3, v2;
	v1 =	vadd.f32 v13, v1;
	v3 =	vmul.f32 v13, v13;
	_ =	sdelay $0x1  }
0x318: {  	v2 =	vadd.f32 v3, v2;
	v1 =	vadd.f32 v14, v1;
	v3 =	vmul.f32 v14, v14;
	_ =	sdelay $0x1  }
0x319: {  	v2 =	vadd.f32 v3, v2;
	v1 =	vadd.f32 v15, v1;
	v3 =	vmul.f32 v15, v15;
	_ =	sdelay $0x1  }
0x31a: {  	v2 =	vadd.f32 v3, v2;
	v1 =	vmul.f32 v1, v1;
	_ =	sdelay $0x1  }
0x31b: {  	v1 =	vsub.f32 v1, v2;
	_ =	sdelay $0x1  }
0x31c: {  	[tilespmem:s24+$0x50] =	vst v1  }
0x31d: {  	v1 =	vld [tilespmem:$0x4AC0]  }
0x31e: {  	v2 =	vld [tilespmem:$0x4AD0];
	_ =	sdelay $0x1  }
0x31f: {  	v3 =	vld [tilespmem:$0x4AE0];
	_ =	sdelay $0x1  }
0x320: {  	v16 =	vld [tilespmem:$0x4AF0]  }
0x321: {  	v17 =	vmul.f32 v1, v1;
	v1 =	vadd.f32 v2, v1;
	v2 =	vmul.f32 v2, v2  }
0x322: {  	v18 =	vld [tilespmem:$0x4B00]  }
0x323: {  	v2 =	vadd.f32 v2, v17;
	v1 =	vadd.f32 v3, v1;
	v3 =	vmul.f32 v3, v3  }
0x324: {  	v19 =	vld [tilespmem:$0x4B10]  }
0x325: {  	v2 =	vadd.f32 v3, v2;
	v1 =	vadd.f32 v16, v1;
	v3 =	vmul.f32 v16, v16  }
0x326: {  	v20 =	vld [tilespmem:$0x4B20]  }
0x327: {  	v2 =	vadd.f32 v3, v2;
	v1 =	vadd.f32 v18, v1;
	v3 =	vmul.f32 v18, v18  }
0x328: {  	v21 =	vld [tilespmem:$0x4B30]  }
0x329: {  	v2 =	vadd.f32 v3, v2;
	v1 =	vadd.f32 v19, v1;
	v3 =	vmul.f32 v19, v19  }
0x32a: {  	v22 =	vld [tilespmem:$0x4B40]  }
0x32b: {  	v2 =	vadd.f32 v3, v2;
	v1 =	vadd.f32 v20, v1;
	v3 =	vmul.f32 v20, v20  }
0x32c: {  	v23 =	vld [tilespmem:$0x4B50]  }
0x32d: {  	v2 =	vadd.f32 v3, v2;
	v1 =	vadd.f32 v21, v1;
	v3 =	vmul.f32 v21, v21  }
0x32e: {  	v24 =	vld [tilespmem:$0x4B60]  }
0x32f: {  	v2 =	vadd.f32 v3, v2;
	v1 =	vadd.f32 v22, v1;
	v3 =	vmul.f32 v22, v22  }
0x330: {  	v25 =	vld [tilespmem:$0x4B70]  }
0x331: {  	v2 =	vadd.f32 v3, v2;
	v1 =	vadd.f32 v23, v1;
	v3 =	vmul.f32 v23, v23  }
0x332: {  	v26 =	vld [tilespmem:$0x4B80]  }
0x333: {  	v2 =	vadd.f32 v3, v2;
	v1 =	vadd.f32 v24, v1;
	v3 =	vmul.f32 v24, v24  }
0x334: {  	v27 =	vld [tilespmem:$0x4B90]  }
0x335: {  	v2 =	vadd.f32 v3, v2;
	v1 =	vadd.f32 v25, v1;
	v3 =	vmul.f32 v25, v25  }
0x336: {  	v28 =	vld [tilespmem:$0x4BA0]  }
0x337: {  	v2 =	vadd.f32 v3, v2;
	v1 =	vadd.f32 v26, v1;
	v3 =	vmul.f32 v26, v26  }
0x338: {  	v29 =	vld [tilespmem:$0x4BB0]  }
0x339: {  	v2 =	vadd.f32 v3, v2;
	v1 =	vadd.f32 v27, v1;
	v3 =	vmul.f32 v27, v27  }
0x33a: {  	v30 =	vld [tilespmem:$0x4BC0]  }
0x33b: {  	v2 =	vadd.f32 v3, v2;
	v1 =	vadd.f32 v28, v1;
	v3 =	vmul.f32 v28, v28  }
0x33c: {  	v31 =	vld [tilespmem:$0x4BD0]  }
0x33d: {  	v2 =	vadd.f32 v3, v2;
	v1 =	vadd.f32 v29, v1;
	v3 =	vmul.f32 v29, v29  }
0x33e: {  	v32 =	vld [tilespmem:$0x4BE0]  }
0x33f: {  	v2 =	vadd.f32 v3, v2;
	v1 =	vadd.f32 v30, v1;
	v3 =	vmul.f32 v30, v30  }
0x340: {  	v33 =	vld [tilespmem:$0x4BF0]  }
0x341: {  	v2 =	vadd.f32 v3, v2;
	v1 =	vadd.f32 v31, v1;
	v3 =	vmul.f32 v31, v31  }
0x342: {  	v34 =	vld [tilespmem:$0x4C00]  }
0x343: {  	v2 =	vadd.f32 v3, v2;
	v1 =	vadd.f32 v32, v1;
	v3 =	vmul.f32 v32, v32  }
0x344: {  	v35 =	vld [tilespmem:$0x4C10]  }
0x345: {  	v2 =	vadd.f32 v3, v2;
	v1 =	vadd.f32 v33, v1;
	v3 =	vmul.f32 v33, v33  }
0x346: {  	v36 =	vld [tilespmem:$0x4C20]  }
0x347: {  	v2 =	vadd.f32 v3, v2;
	v1 =	vadd.f32 v34, v1;
	v3 =	vmul.f32 v34, v34  }
0x348: {  	v37 =	vld [tilespmem:$0x4C30]  }
0x349: {  	v2 =	vadd.f32 v3, v2;
	v1 =	vadd.f32 v35, v1;
	v3 =	vmul.f32 v35, v35  }
0x34a: {  	v38 =	vld [tilespmem:$0x4C40]  }
0x34b: {  	v2 =	vadd.f32 v3, v2;
	v1 =	vadd.f32 v36, v1;
	v3 =	vmul.f32 v36, v36  }
0x34c: {  	v39 =	vld [tilespmem:$0x4C50]  }
0x34d: {  	v2 =	vadd.f32 v3, v2;
	v1 =	vadd.f32 v37, v1;
	v3 =	vmul.f32 v37, v37;
	_ =	sdelay $0x1  }
0x34e: {  	v2 =	vadd.f32 v3, v2;
	v1 =	vadd.f32 v38, v1;
	v3 =	vmul.f32 v38, v38;
	_ =	sdelay $0x1  }
0x34f: {  	v2 =	vadd.f32 v3, v2;
	v1 =	vadd.f32 v39, v1;
	v3 =	vmul.f32 v39, v39;
	_ =	sdelay $0x1  }
0x350: {  	v2 =	vadd.f32 v3, v2;
	v1 =	vmul.f32 v1, v1;
	_ =	sdelay $0x1  }
0x351: {  	v1 =	vsub.f32 v1, v2;
	_ =	sdelay $0x1  }
0x352: {  	[tilespmem:s24+$0x60] =	vst v1  }
0x353: {  	v1 =	vld [tilespmem:$0x4C60]  }
0x354: {  	v2 =	vld [tilespmem:$0x4C70];
	_ =	sdelay $0x1  }
0x355: {  	v3 =	vld [tilespmem:$0x4C80];
	_ =	sdelay $0x1  }
0x356: {  	v40 =	vld [tilespmem:$0x4C90]  }
0x357: {  	v41 =	vmul.f32 v1, v1;
	v1 =	vadd.f32 v2, v1;
	v2 =	vmul.f32 v2, v2  }
0x358: {  	v42 =	vld [tilespmem:$0x4CA0]  }
0x359: {  	v2 =	vadd.f32 v2, v41;
	v1 =	vadd.f32 v3, v1;
	v3 =	vmul.f32 v3, v3  }
0x35a: {  	v43 =	vld [tilespmem:$0x4CB0]  }
0x35b: {  	v2 =	vadd.f32 v3, v2;
	v1 =	vadd.f32 v40, v1;
	v3 =	vmul.f32 v40, v40  }
0x35c: {  	v44 =	vld [tilespmem:$0x4CC0]  }
0x35d: {  	v2 =	vadd.f32 v3, v2;
	v1 =	vadd.f32 v42, v1;
	v3 =	vmul.f32 v42, v42  }
0x35e: {  	v45 =	vld [tilespmem:$0x4CD0]  }
0x35f: {  	v2 =	vadd.f32 v3, v2;
	v1 =	vadd.f32 v43, v1;
	v3 =	vmul.f32 v43, v43  }
0x360: {  	v46 =	vld [tilespmem:$0x4CE0]  }
0x361: {  	v2 =	vadd.f32 v3, v2;
	v1 =	vadd.f32 v44, v1;
	v3 =	vmul.f32 v44, v44  }
0x362: {  	v47 =	vld [tilespmem:$0x4CF0]  }
0x363: {  	v2 =	vadd.f32 v3, v2;
	v1 =	vadd.f32 v45, v1;
	v3 =	vmul.f32 v45, v45  }
0x364: {  	v48 =	vld [tilespmem:$0x4D00]  }
0x365: {  	v2 =	vadd.f32 v3, v2;
	v1 =	vadd.f32 v46, v1;
	v3 =	vmul.f32 v46, v46  }
0x366: {  	v49 =	vld [tilespmem:$0x4D10]  }
0x367: {  	v2 =	vadd.f32 v3, v2;
	v1 =	vadd.f32 v47, v1;
	v3 =	vmul.f32 v47, v47  }
0x368: {  	v50 =	vld [tilespmem:$0x4D20]  }
0x369: {  	v2 =	vadd.f32 v3, v2;
	v1 =	vadd.f32 v48, v1;
	v3 =	vmul.f32 v48, v48  }
0x36a: {  	v51 =	vld [tilespmem:$0x4D30]  }
0x36b: {  	v2 =	vadd.f32 v3, v2;
	v1 =	vadd.f32 v49, v1;
	v3 =	vmul.f32 v49, v49  }
0x36c: {  	v52 =	vld [tilespmem:$0x4D40]  }
0x36d: {  	v2 =	vadd.f32 v3, v2;
	v1 =	vadd.f32 v50, v1;
	v3 =	vmul.f32 v50, v50  }
0x36e: {  	v53 =	vld [tilespmem:$0x4D50]  }
0x36f: {  	v2 =	vadd.f32 v3, v2;
	v1 =	vadd.f32 v51, v1;
	v3 =	vmul.f32 v51, v51  }
0x370: {  	v54 =	vld [tilespmem:$0x4D60]  }
0x371: {  	v2 =	vadd.f32 v3, v2;
	v1 =	vadd.f32 v52, v1;
	v3 =	vmul.f32 v52, v52  }
0x372: {  	v55 =	vld [tilespmem:$0x4D70]  }
0x373: {  	v2 =	vadd.f32 v3, v2;
	v1 =	vadd.f32 v53, v1;
	v3 =	vmul.f32 v53, v53  }
0x374: {  	v56 =	vld [tilespmem:$0x4D80]  }
0x375: {  	v2 =	vadd.f32 v3, v2;
	v1 =	vadd.f32 v54, v1;
	v3 =	vmul.f32 v54, v54  }
0x376: {  	v57 =	vld [tilespmem:$0x4D90]  }
0x377: {  	v2 =	vadd.f32 v3, v2;
	v1 =	vadd.f32 v55, v1;
	v3 =	vmul.f32 v55, v55  }
0x378: {  	v58 =	vld [tilespmem:$0x4DA0]  }
0x379: {  	v2 =	vadd.f32 v3, v2;
	v1 =	vadd.f32 v56, v1;
	v3 =	vmul.f32 v56, v56  }
0x37a: {  	v59 =	vld [tilespmem:$0x4DB0]  }
0x37b: {  	v2 =	vadd.f32 v3, v2;
	v1 =	vadd.f32 v57, v1;
	v3 =	vmul.f32 v57, v57  }
0x37c: {  	v60 =	vld [tilespmem:$0x4DC0]  }
0x37d: {  	v2 =	vadd.f32 v3, v2;
	v1 =	vadd.f32 v58, v1;
	v3 =	vmul.f32 v58, v58  }
0x37e: {  	v61 =	vld [tilespmem:$0x4DD0]  }
0x37f: {  	v2 =	vadd.f32 v3, v2;
	v1 =	vadd.f32 v59, v1;
	v3 =	vmul.f32 v59, v59  }
0x380: {  	v62 =	vld [tilespmem:$0x4DE0]  }
0x381: {  	v2 =	vadd.f32 v3, v2;
	v1 =	vadd.f32 v60, v1;
	v3 =	vmul.f32 v60, v60  }
0x382: {  	v63 =	vld [tilespmem:$0x4DF0]  }
0x383: {  	v2 =	vadd.f32 v3, v2;
	v1 =	vadd.f32 v61, v1;
	v3 =	vmul.f32 v61, v61;
	_ =	sdelay $0x1  }
0x384: {  	v2 =	vadd.f32 v3, v2;
	v1 =	vadd.f32 v62, v1;
	v3 =	vmul.f32 v62, v62;
	_ =	sdelay $0x1  }
0x385: {  	v2 =	vadd.f32 v3, v2;
	v1 =	vadd.f32 v63, v1;
	v3 =	vmul.f32 v63, v63;
	_ =	sdelay $0x1  }
.Ltmp0:
0x386: {  	v2 =	vadd.f32 v3, v2;
	v1 =	vmul.f32 v1, v1;
	(pc) =	sbr.rel @p0 .LBB2_3-.Ltmp0, $3  }
0x387: {  	_ = 	snop  }
0x388: {  	v1 =	vsub.f32 v1, v2;
	_ =	sdelay $0x1  }
0x389: {  	[tilespmem:s24+$0x70] =	vst v1  }
.Ltmp1:
0x38a: {  	(pc) =	sbr.rel .LBB2_2-.Ltmp1, $4  }
0x38b: {  	_ = 	snop  }
0x38c: {  	s25 =	sshra.s32 s23, $0x2  }
0x38d: {  	s23 =	sadd.s32 $0x680, s23;
	s24 =	sadd.s32 $0x100, s24;
	s25 =	sadd.s32 $0x3538, s25  }
0x38e: {  	[tilespmem:s14], [sflag:$0x5] =	stream.indirect.gather [hbm4b:s3+s8], $0x10, s25, s8, $0xb8;
	[tilespmem:$0x7000] =	vst v63  }
.LBB2_3:
0x38f: {  	s24 =	simm.s32 $0x0  }
0x390: {  	v1 =	vmov s24  }
0x391: {  	v1 =	vshll.u32 v1, $0x4  }
0x392: {  	v1 =	vor.u32 v0, v1;
	_ =	sdelay $0x1  }
0x393: {  	v2 =	vor.u32 $0x1, v1;
	_ =	sdelay $0x1  }
0x394: {  	v3 =	vor.u32 $0x2, v1  }
0x395: {  	v4 =	vld.idx.msk [tilespmem:v1+s19+$0x0], $0xffff  }
0x396: {  	v5 =	vor.u32 $0x3, v1  }
0x397: {  	v2 =	vld.idx.msk [tilespmem:v2+s19+$0x0], $0xffff  }
0x398: {  	v6 =	vor.u32 $0x4, v1  }
0x399: {  	v3 =	vld.idx.msk [tilespmem:v3+s19+$0x0], $0xffff  }
0x39a: {  	v7 =	vor.u32 $0x5, v1;
	v4 =	vadd.f32 $0.0e+00, v4  }
0x39b: {  	v5 =	vld.idx.msk [tilespmem:v5+s19+$0x0], $0xffff  }
0x39c: {  	v8 =	vor.u32 $0x6, v1;
	v2 =	vadd.f32 v2, v4  }
0x39d: {  	v4 =	vld.idx.msk [tilespmem:v6+s19+$0x0], $0xffff  }
0x39e: {  	v45 =	vor.u32 $0x7, v1;
	v2 =	vadd.f32 v3, v2  }
0x39f: {  	v3 =	vld.idx.msk [tilespmem:v7+s19+$0x0], $0xffff  }
0x3a0: {  	v46 =	vor.u32 $0x8, v1;
	v2 =	vadd.f32 v5, v2  }
0x3a1: {  	v5 =	vld.idx.msk [tilespmem:v8+s19+$0x0], $0xffff  }
0x3a2: {  	v47 =	vor.u32 $0x9, v1;
	v2 =	vadd.f32 v4, v2  }
0x3a3: {  	v4 =	vld.idx.msk [tilespmem:v45+s19+$0x0], $0xffff  }
0x3a4: {  	v48 =	vor.u32 $0xA, v1;
	v2 =	vadd.f32 v3, v2  }
0x3a5: {  	v3 =	vld.idx.msk [tilespmem:v46+s19+$0x0], $0xffff  }
0x3a6: {  	v49 =	vor.u32 $0xB, v1;
	v2 =	vadd.f32 v5, v2  }
0x3a7: {  	v5 =	vld.idx.msk [tilespmem:v47+s19+$0x0], $0xffff  }
0x3a8: {  	v50 =	vor.u32 $0xC, v1;
	v2 =	vadd.f32 v4, v2  }
0x3a9: {  	v4 =	vld.idx.msk [tilespmem:v48+s19+$0x0], $0xffff  }
0x3aa: {  	v51 =	vor.u32 $0xD, v1;
	v2 =	vadd.f32 v3, v2  }
0x3ab: {  	v3 =	vld.idx.msk [tilespmem:v49+s19+$0x0], $0xffff  }
0x3ac: {  	v52 =	vor.u32 $0xE, v1;
	v2 =	vadd.f32 v5, v2  }
0x3ad: {  	v5 =	vld.idx.msk [tilespmem:v50+s19+$0x0], $0xffff  }
0x3ae: {  	v1 =	vor.u32 $0xF, v1;
	v2 =	vadd.f32 v4, v2  }
0x3af: {  	v4 =	vld.idx.msk [tilespmem:v51+s19+$0x0], $0xffff  }
0x3b0: {  	v2 =	vadd.f32 v3, v2  }
0x3b1: {  	v3 =	vld.idx.msk [tilespmem:v52+s19+$0x0], $0xffff  }
0x3b2: {  	v2 =	vadd.f32 v5, v2  }
0x3b3: {  	v1 =	vld.idx.msk [tilespmem:v1+s19+$0x0], $0xffff  }
0x3b4: {  	v2 =	vadd.f32 v4, v2  }
0x3b5: {  	s30 =	simm.s32 $0x10  }
0x3b6: {  	v4 =	vmov s30;
	v2 =	vadd.f32 v3, v2  }
0x3b7: {  	v3 =	vshll.u32 v4, $0x4  }
0x3b8: {  	v3 =	vor.u32 v0, v3;
	v1 =	vadd.f32 v1, v2;
	_ =	sdelay $0x1  }
0x3b9: {  	v2 =	vor.u32 $0x1, v3;
	v1 =	vmul.f32 $5.000000000e-01, v1  }
0x3ba: {  	s23 =	simm.s32 $0x6E00  }
0x3bb: {  	v4 =	vor.u32 $0x2, v3;
	[tilespmem:s23+$0x0] =	vst v1  }
0x3bc: {  	v1 =	vld.idx.msk [tilespmem:v3+s19+$0x0], $0xffff  }
0x3bd: {  	v5 =	vor.u32 $0x3, v3  }
0x3be: {  	v2 =	vld.idx.msk [tilespmem:v2+s19+$0x0], $0xffff  }
0x3bf: {  	v53 =	vor.u32 $0x4, v3  }
0x3c0: {  	v4 =	vld.idx.msk [tilespmem:v4+s19+$0x0], $0xffff  }
0x3c1: {  	v54 =	vor.u32 $0x5, v3;
	v1 =	vadd.f32 $0.0e+00, v1  }
0x3c2: {  	v5 =	vld.idx.msk [tilespmem:v5+s19+$0x0], $0xffff  }
0x3c3: {  	v55 =	vor.u32 $0x6, v3;
	v1 =	vadd.f32 v2, v1  }
0x3c4: {  	v2 =	vld.idx.msk [tilespmem:v53+s19+$0x0], $0xffff  }
0x3c5: {  	v56 =	vor.u32 $0x7, v3;
	v1 =	vadd.f32 v4, v1  }
0x3c6: {  	v4 =	vld.idx.msk [tilespmem:v54+s19+$0x0], $0xffff  }
0x3c7: {  	v57 =	vor.u32 $0x8, v3;
	v1 =	vadd.f32 v5, v1  }
0x3c8: {  	v5 =	vld.idx.msk [tilespmem:v55+s19+$0x0], $0xffff  }
0x3c9: {  	v58 =	vor.u32 $0x9, v3;
	v1 =	vadd.f32 v2, v1  }
0x3ca: {  	v2 =	vld.idx.msk [tilespmem:v56+s19+$0x0], $0xffff  }
0x3cb: {  	v59 =	vor.u32 $0xA, v3;
	v1 =	vadd.f32 v4, v1  }
0x3cc: {  	v4 =	vld.idx.msk [tilespmem:v57+s19+$0x0], $0xffff  }
0x3cd: {  	v60 =	vor.u32 $0xB, v3;
	v1 =	vadd.f32 v5, v1  }
0x3ce: {  	v5 =	vld.idx.msk [tilespmem:v58+s19+$0x0], $0xffff  }
0x3cf: {  	v61 =	vor.u32 $0xC, v3;
	v1 =	vadd.f32 v2, v1  }
0x3d0: {  	v2 =	vld.idx.msk [tilespmem:v59+s19+$0x0], $0xffff  }
0x3d1: {  	v62 =	vor.u32 $0xD, v3;
	v1 =	vadd.f32 v4, v1  }
0x3d2: {  	v4 =	vld.idx.msk [tilespmem:v60+s19+$0x0], $0xffff  }
0x3d3: {  	v1 =	vadd.f32 v5, v1  }
0x3d4: {  	v63 =	vor.u32 $0xE, v3;
	v5 =	vld.idx.msk [tilespmem:v61+s19+$0x0], $0xffff  }
0x3d5: {  	v1 =	vadd.f32 v2, v1  }
0x3d6: {  	v3 =	vor.u32 $0xF, v3;
	v2 =	vld.idx.msk [tilespmem:v62+s19+$0x0], $0xffff  }
0x3d7: {  	v1 =	vadd.f32 v4, v1;
	_ =	sdelay $0x1  }
0x3d8: {  	v4 =	vld.idx.msk [tilespmem:v63+s19+$0x0], $0xffff;
	v1 =	vadd.f32 v5, v1;
	_ =	sdelay $0x1  }
0x3d9: {  	v2 =	vadd.f32 v2, v1;
	v1 =	vld.idx.msk [tilespmem:v3+s19+$0x0], $0xffff;
	_ =	sdelay $0x1  }
0x3da: {  	s31 =	simm.s32 $0x20  }
0x3db: {  	s24 =	simm.s32 $0x30;
	v3 =	vmov s31;
	v2 =	vadd.f32 v4, v2  }
.LBB2_4:
0x3dc: {  	p0 =	sne.s32 s24, $0x1F0;
	v3 =	vshll.u32 v3, $0x4  }
0x3dd: {  	v3 =	vor.u32 v0, v3;
	v1 =	vadd.f32 v1, v2;
	_ =	sdelay $0x1  }
0x3de: {  	v2 =	vor.u32 $0x1, v3;
	v1 =	vmul.f32 $5.000000000e-01, v1  }
0x3df: {  	s23 =	sadd.s32 $0x10, s23  }
0x3e0: {  	v4 =	vor.u32 $0x2, v3;
	[tilespmem:s23+$0x0] =	vst v1  }
0x3e1: {  	v1 =	vld.idx.msk [tilespmem:v3+s19+$0x0], $0xffff  }
0x3e2: {  	v5 =	vor.u32 $0x3, v3  }
0x3e3: {  	v2 =	vld.idx.msk [tilespmem:v2+s19+$0x0], $0xffff  }
0x3e4: {  	v6 =	vor.u32 $0x4, v3  }
0x3e5: {  	v4 =	vld.idx.msk [tilespmem:v4+s19+$0x0], $0xffff  }
0x3e6: {  	v7 =	vor.u32 $0x5, v3  }
0x3e7: {  	v1 =	vadd.f32 $0.0e+00, v1;
	v5 =	vld.idx.msk [tilespmem:v5+s19+$0x0], $0xffff  }
0x3e8: {  	v8 =	vor.u32 $0x6, v3  }
0x3e9: {  	v1 =	vadd.f32 v2, v1;
	v2 =	vld.idx.msk [tilespmem:v6+s19+$0x0], $0xffff  }
0x3ea: {  	v6 =	vor.u32 $0x7, v3  }
0x3eb: {  	v1 =	vadd.f32 v4, v1;
	v4 =	vld.idx.msk [tilespmem:v7+s19+$0x0], $0xffff  }
0x3ec: {  	v7 =	vor.u32 $0x8, v3  }
0x3ed: {  	v1 =	vadd.f32 v5, v1;
	v5 =	vld.idx.msk [tilespmem:v8+s19+$0x0], $0xffff  }
0x3ee: {  	v8 =	vor.u32 $0x9, v3  }
0x3ef: {  	v1 =	vadd.f32 v2, v1;
	v2 =	vld.idx.msk [tilespmem:v6+s19+$0x0], $0xffff  }
0x3f0: {  	v6 =	vor.u32 $0xA, v3  }
0x3f1: {  	v1 =	vadd.f32 v4, v1;
	v4 =	vld.idx.msk [tilespmem:v7+s19+$0x0], $0xffff  }
0x3f2: {  	v7 =	vor.u32 $0xB, v3  }
0x3f3: {  	v1 =	vadd.f32 v5, v1;
	v5 =	vld.idx.msk [tilespmem:v8+s19+$0x0], $0xffff  }
0x3f4: {  	v8 =	vor.u32 $0xC, v3  }
0x3f5: {  	v1 =	vadd.f32 v2, v1;
	v2 =	vld.idx.msk [tilespmem:v6+s19+$0x0], $0xffff  }
0x3f6: {  	v6 =	vor.u32 $0xD, v3  }
0x3f7: {  	v1 =	vadd.f32 v4, v1;
	v4 =	vld.idx.msk [tilespmem:v7+s19+$0x0], $0xffff  }
0x3f8: {  	v7 =	vor.u32 $0xE, v3  }
0x3f9: {  	v1 =	vadd.f32 v5, v1;
	v5 =	vld.idx.msk [tilespmem:v8+s19+$0x0], $0xffff  }
0x3fa: {  	v3 =	vor.u32 $0xF, v3  }
0x3fb: {  	v1 =	vadd.f32 v2, v1;
	v2 =	vld.idx.msk [tilespmem:v6+s19+$0x0], $0xffff;
	_ =	sdelay $0x1  }
0x3fc: {  	v1 =	vadd.f32 v4, v1;
	v4 =	vld.idx.msk [tilespmem:v7+s19+$0x0], $0xffff;
	_ =	sdelay $0x1  }
.Ltmp2:
0x3fd: {  	v5 =	vadd.f32 v5, v1;
	v1 =	vld.idx.msk [tilespmem:v3+s19+$0x0], $0xffff;
	(pc) =	sbr.rel @p0 .LBB2_4-.Ltmp2, $3  }
0x3fe: {  	_ = 	snop  }
0x3ff: {  	v2 =	vadd.f32 v2, v5;
	_ =	sdelay $0x1  }
0x400: {  	v3 =	vmov s24;
	s24 =	sadd.s32 $0x10, s24;
	v2 =	vadd.f32 v4, v2  }
0x401: {  	v3 =	vshll.u32 v3, $0x4  }
0x402: {  	v3 =	vor.u32 v0, v3;
	v1 =	vadd.f32 v1, v2;
	_ =	sdelay $0x1  }
0x403: {  	v2 =	vor.u32 $0x1, v3;
	v1 =	vmul.f32 $5.000000000e-01, v1  }
0x404: {  	s23 =	sadd.s32 $0x10, s23  }
0x405: {  	v4 =	vor.u32 $0x2, v3;
	[tilespmem:s23+$0x0] =	vst v1  }
0x406: {  	v1 =	vld.idx.msk [tilespmem:v3+s19+$0x0], $0xffff  }
0x407: {  	v5 =	vor.u32 $0x3, v3  }
0x408: {  	v2 =	vld.idx.msk [tilespmem:v2+s19+$0x0], $0xffff  }
0x409: {  	v6 =	vor.u32 $0x4, v3  }
0x40a: {  	v4 =	vld.idx.msk [tilespmem:v4+s19+$0x0], $0xffff  }
0x40b: {  	v7 =	vor.u32 $0x5, v3;
	v1 =	vadd.f32 $0.0e+00, v1  }
0x40c: {  	v5 =	vld.idx.msk [tilespmem:v5+s19+$0x0], $0xffff  }
0x40d: {  	v8 =	vor.u32 $0x6, v3;
	v1 =	vadd.f32 v2, v1  }
0x40e: {  	v2 =	vld.idx.msk [tilespmem:v6+s19+$0x0], $0xffff  }
0x40f: {  	v49 =	vor.u32 $0x7, v3;
	v1 =	vadd.f32 v4, v1  }
0x410: {  	v50 =	vld.idx.msk [tilespmem:v7+s19+$0x0], $0xffff  }
0x411: {  	v51 =	vor.u32 $0x8, v3;
	v1 =	vadd.f32 v5, v1  }
0x412: {  	v52 =	vld.idx.msk [tilespmem:v8+s19+$0x0], $0xffff  }
0x413: {  	v53 =	vor.u32 $0x9, v3;
	v1 =	vadd.f32 v2, v1  }
0x414: {  	v2 =	vld.idx.msk [tilespmem:v49+s19+$0x0], $0xffff  }
0x415: {  	v54 =	vor.u32 $0xA, v3;
	v1 =	vadd.f32 v50, v1  }
0x416: {  	v55 =	vld.idx.msk [tilespmem:v51+s19+$0x0], $0xffff  }
0x417: {  	v56 =	vor.u32 $0xB, v3;
	v1 =	vadd.f32 v52, v1  }
0x418: {  	v57 =	vld.idx.msk [tilespmem:v53+s19+$0x0], $0xffff  }
0x419: {  	v58 =	vor.u32 $0xC, v3;
	v1 =	vadd.f32 v2, v1  }
0x41a: {  	v2 =	vld.idx.msk [tilespmem:v54+s19+$0x0], $0xffff  }
0x41b: {  	v59 =	vor.u32 $0xD, v3;
	v1 =	vadd.f32 v55, v1  }
0x41c: {  	v60 =	vld.idx.msk [tilespmem:v56+s19+$0x0], $0xffff  }
0x41d: {  	v61 =	vor.u32 $0xE, v3;
	v1 =	vadd.f32 v57, v1  }
0x41e: {  	v62 =	vld.idx.msk [tilespmem:v58+s19+$0x0], $0xffff  }
0x41f: {  	v3 =	vor.u32 $0xF, v3;
	v1 =	vadd.f32 v2, v1  }
0x420: {  	v2 =	vld.idx.msk [tilespmem:v59+s19+$0x0], $0xffff  }
0x421: {  	v1 =	vadd.f32 v60, v1  }
0x422: {  	v63 =	vld.idx.msk [tilespmem:v61+s19+$0x0], $0xffff  }
0x423: {  	v1 =	vadd.f32 v62, v1  }
0x424: {  	v3 =	vld.idx.msk [tilespmem:v3+s19+$0x0], $0xffff  }
0x425: {  	v1 =	vadd.f32 v2, v1;
	_ =	sdelay $0x1  }
0x426: {  	v1 =	vadd.f32 v63, v1;
	_ =	sdelay $0x1  }
0x427: {  	v1 =	vadd.f32 v3, v1;
	_ =	sdelay $0x1  }
0x428: {  	s22 =	sadd.s32 $0x1, s22;
	v1 =	vmul.f32 $5.000000000e-01, v1  }
0x429: {  	p0 =	sne.s32 s22, s6;
	s23 =	sadd.s32 $0x10, s23  }
.Ltmp3:
0x42a: {  	[tilespmem:s23+$0x0] =	vst v1;
	(pc) =	sbr.rel @p0 .LBB2_1-.Ltmp3, $4  }
0x42b: {  	[hbm4b:s5+s2] =	stream.linear.scatter [tilespmem:s20], [sflag:$0x6], $0x200, $0x38;
	[tilespmem:$0x7000] =	vst v63  }
0x42c: {  	_ =	swait.ge [sflag:s21], $0x200  }
0x42d: {  	[sflag:s21] =	ssyncset.done $0x0  }
0x42e: {  	[sflag:s21] =	ssyncadd.s32 $0xFFFFFE00  }
0x42f: {  	_ =	sfence.sel $0x180000  }
0x430: {  	[bflag:$0x0] =	sbarrier.arrive $0xFFFF  }
0x431: {  	p0 =	sne.s32 s0, $0x0;
	_ =	strace $0x90000047  }
0x432: {  	s0 =	sadd.s32 @!p0 $0x100000, s1;
	[bflag:$0x2] =	sbarrier.arrive $0xFFFF  }
0x433: {  	[sflag:s0] =	ssyncadd.tile.s32 @!p0 $0x1;
	_ =	shalt  }
.Lfunc_end2:
_tile_overlayer_lowered:
.L_overlay_start_2:
0x434: {  	(tag) =	ssettag $0x2  }
0x435: {  	s0 =	rddreg [dreg:$0x0];
	s2 =	stileid.u32  }
0x436: {  	s1 =	rddreg [dreg:$0x1];
	p0 =	sne.s32 s2, $0x0  }
0x437: {  	s3 =	rddreg [dreg:$0x2];
	[bflag:$0x3] =	sbarrier.arrive $0xFFFF;
	s2 =	simm.s32 @!p0 $0x1C06  }
0x438: {  	[timem:s3], [sflag:s2] =	dma.local @!p0 [hbm:s0], s1  }
0x439: {  	s0 =	simm.s32 @!p0 $0x6  }
0x43a: {  	_ =	swait.ge @!p0 [sflag:s0], s1  }
0x43b: {  	s1 =	ssub.s32 @!p0 $0x0, s1;
	[sflag:s0] =	ssyncset.done @!p0 $0x0  }
0x43c: {  	[sflag:s0] =	ssyncadd.s32 @!p0 s1  }
0x43d: {  	[bflag:$0x3] =	sbarrier.arrive $0xFFFF  }
0x43e: {  	_ =	shalt  }

</sc_bundles>
